<compile_context>
chip_gen: v7x
topology: tpu7x:2x2x1
jax: 0.10.2.dev20260603
libtpu: 0.0.44.dev20260713+nightly
codegen_flags: <defaults>
</compile_context>

<pallas_src>
import functools

import jax
import jax.numpy as jnp
from jax import lax
from jax.experimental import pallas as pl
from jax.experimental.pallas import tpu as pltpu
from jax.experimental.pallas import tpu_sc as plsc

_F32 = jnp.float32
_SELU_SCALE = 1.0507009873554805
_SELU_ALPHA = 1.6732632423543772


def _selu(x):
    neg = _SELU_ALPHA * (jnp.exp(x) - 1.0)
    return jnp.where(x > 0, _SELU_SCALE * x, _SELU_SCALE * neg)


def _pad2(w, r, c):
    w = jnp.asarray(w, _F32)
    return jnp.zeros((r, c), _F32).at[: w.shape[0], : w.shape[1]].set(w)


def _row(b, c):
    b = jnp.asarray(b, _F32).reshape(1, -1)
    return _pad2(b, 1, c)


def _bdg(w, gi, go):
    return jnp.kron(jnp.eye(8, dtype=_F32), _pad2(w, gi, go))


def _tileg(b, g):
    return jnp.tile(_row(b, g), (1, 8))


def kernel(nodes, edges, senders, receivers, params):
    N, E = nodes.shape[0], edges.shape[0]
    NBK = 2048
    npad = -(-N // NBK) * NBK
    epad = -(-E // 65536) * 65536
    eh = epad // 2
    e8h = eh // 8

    senders = jnp.asarray(senders, jnp.int32)
    receivers = jnp.asarray(receivers, jnp.int32)
    pad_e = epad - E

    nblk = epad // 1024

    def _perm(x):
        return x.reshape(nblk, 8, 128).transpose(0, 2, 1).reshape(epad)

    pad_gather = jnp.arange(pad_e, dtype=jnp.int32) % N
    pad_scatter = N + (jnp.arange(pad_e, dtype=jnp.int32) % 8)
    ri_g = _perm(jnp.concatenate([receivers, pad_gather]))
    si_g = _perm(jnp.concatenate([senders, pad_gather]))
    ri_sc = _perm(jnp.concatenate([receivers, pad_scatter])).reshape(
        epad // 128, 128)

    nodes_p8 = _pad2(nodes, npad, 8)
    edt = jnp.pad(edges.astype(_F32).T, ((0, 0), (0, pad_e)))
    ecols = [[edt[j, h * eh:(h + 1) * eh].reshape(eh // 128, 128)
              for j in range(3)] for h in range(2)]

    pn, ue, pe, un, pr = (params["permutate_nodes"], params["update_edges"],
                          params["permutate_edges"], params["update_nodes"],
                          params["predict"])
    w1r = _pad2(pn[0][0][:3], 8, 16)
    w1s = _pad2(pn[0][0][3:], 8, 16)
    b1t = _tileg(pn[0][1], 16)
    w2bd, b2t = _bdg(pn[1][0], 16, 32), _tileg(pn[1][1], 32)
    w3bd, b3t = _bdg(pn[2][0], 32, 16), _tileg(pn[2][1], 16)
    uw1e = _bdg(ue[0][0][:3], 16, 32)
    qmats = [jnp.kron(jnp.eye(8, dtype=_F32), _row(ue[0][0][j], 32))
             for j in range(3)]
    uw1n = _bdg(ue[0][0][3:], 16, 32)
    ub1t = _tileg(ue[0][1], 32)
    uw2bd, ub2t = _bdg(ue[1][0], 32, 32), _tileg(ue[1][1], 32)
    uw3bd, ub3t = _bdg(ue[2][0], 32, 16), _tileg(ue[2][1], 16)
    pw1, pb1 = _pad2(pe[0][0], 8, 16), _row(pe[0][1], 16)
    pw2, pb2 = _pad2(pe[1][0], 16, 32), _row(pe[1][1], 32)
    pw3, pb3 = _pad2(pe[2][0], 32, 16), _row(pe[2][1], 16)
    nw1n = _pad2(un[0][0][:3], 8, 32)
    nw1e = _pad2(un[0][0][3:], 16, 32)
    nb1 = _row(un[0][1], 32)
    nw2, nb2 = _pad2(un[1][0], 32, 16), _row(un[1][1], 16)
    nw3, nb3 = _pad2(un[2][0], 16, 8), _row(un[2][1], 8)
    qw1, qb1 = _pad2(pr[0][0], 24, 16), _row(pr[0][1], 16)
    qw2, qb2 = _pad2(pr[1][0], 16, 16), _row(pr[1][1], 16)
    qw3, qb3 = _pad2(pr[2][0], 16, 16), _row(pr[2][1], 16)

    def _tables_k(x_ref, wr_ref, ws_ref, tr_ref, ts_ref):
        x = x_ref[...]
        tr_ref[...] = jnp.dot(x, wr_ref[...], preferred_element_type=_F32)
        ts_ref[...] = jnp.dot(x, ws_ref[...], preferred_element_type=_F32)

    tr, ts = pl.pallas_call(
        _tables_k,
        grid=(npad // NBK,),
        in_specs=[
            pl.BlockSpec((NBK, 8), lambda i: (i, 0)),
            pl.BlockSpec((8, 16), lambda i: (0, 0)),
            pl.BlockSpec((8, 16), lambda i: (0, 0)),
        ],
        out_specs=[pl.BlockSpec((NBK, 16), lambda i: (i, 0))] * 2,
        out_shape=[jax.ShapeDtypeStruct((npad, 16), _F32)] * 2,
    )(nodes_p8, w1r, w1s)

    chg = 1024
    per_tile = eh // 16
    nch = per_tile // chg
    mesh = plsc.VectorSubcoreMesh(core_axis_name="c", subcore_axis_name="s")

    @functools.partial(
        pl.kernel,
        out_type=(jax.ShapeDtypeStruct((eh, 16), _F32),
                  jax.ShapeDtypeStruct((eh, 16), _F32)),
        mesh=mesh,
        scratch_types=[
            pltpu.VMEM((chg,), jnp.int32),
            pltpu.VMEM((chg,), jnp.int32),
            pltpu.VMEM((chg, 16), _F32),
            pltpu.VMEM((chg, 16), _F32),
            pltpu.SemaphoreType.DMA,
            pltpu.SemaphoreType.DMA,
            pltpu.SemaphoreType.DMA,
            pltpu.SemaphoreType.DMA,
            pltpu.SemaphoreType.DMA,
        ],
        compiler_params=pltpu.CompilerParams(use_tc_tiling_on_sc=False),
    )
    def _gather_k(tr_hbm, ts_hbm, ri_hbm, si_hbm, outr, outs, idx0, idx1,
                  rows0, rows1, semi0, semi1, semg, sems0, sems1):
        c = lax.axis_index("c")
        s = lax.axis_index("s")

        def run(tab, idxs, out):
            def sl(i):
                return pl.ds(s * per_tile + i * chg, chg)

            pltpu.async_copy(idxs.at[sl(0)], idx0, semi0)

            def body(i):
                pltpu.make_async_copy(idxs.at[sl(i)], idx0, semi0).wait()

                @pl.when(i + 1 < nch)
                def _():
                    pltpu.async_copy(idxs.at[sl(i + 1)], idx1, semi1)

                @pl.when(i > 0)
                def _():
                    pltpu.make_async_copy(rows0, out.at[sl(i)], sems0).wait()

                pltpu.async_copy(tab.at[idx0], rows0, semg).wait()
                pltpu.async_copy(rows0, out.at[sl(i)], sems0)
                pltpu.make_async_copy(idxs.at[sl(i + 1)], idx1, semi1).wait()

                @pl.when(i + 2 < nch)
                def _():
                    pltpu.async_copy(idxs.at[sl(i + 2)], idx0, semi0)

                @pl.when(i > 0)
                def _():
                    pltpu.make_async_copy(rows1, out.at[sl(i + 1)], sems1).wait()

                pltpu.async_copy(tab.at[idx1], rows1, semg).wait()
                pltpu.async_copy(rows1, out.at[sl(i + 1)], sems1)

            pl.loop(0, nch, step=2)(body)
            pltpu.make_async_copy(rows0, out.at[sl(0)], sems0).wait()
            pltpu.make_async_copy(rows1, out.at[sl(0)], sems1).wait()

        @pl.when(c == 0)
        def _():
            run(tr_hbm, ri_hbm, outr)

        @pl.when(c == 1)
        def _():
            run(ts_hbm, si_hbm, outs)

    BR = 128

    def _edge_k(trg_r, tsg_r, e0_r, e1_r, e2_r, q0_r, q1_r, q2_r, b1_r, w2_r,
                b2_r, w3_r, b3_r, w1n_r, w1e_r, ub1_r, uw2_r, ub2_r, uw3_r,
                ub3_r, out_r):
        h = _selu(trg_r[...] + tsg_r[...] + b1_r[...])
        h = _selu(jnp.dot(h, w2_r[...], preferred_element_type=_F32) + b2_r[...])
        hn = jnp.dot(h, w3_r[...], preferred_element_type=_F32) + b3_r[...]
        c = jnp.dot(hn, w1n_r[...], preferred_element_type=_F32) + ub1_r[...]
        dn = (((0,), (0,)), ((), ()))
        edc = (lax.dot_general(e0_r[...], q0_r[...], dn, preferred_element_type=_F32)
               + lax.dot_general(e1_r[...], q1_r[...], dn, preferred_element_type=_F32)
               + lax.dot_general(e2_r[...], q2_r[...], dn, preferred_element_type=_F32))
        t = _selu(edc + c)
        t = _selu(jnp.dot(t, uw2_r[...], preferred_element_type=_F32) + ub2_r[...])
        he = jnp.dot(t, uw3_r[...], preferred_element_type=_F32) + ub3_r[...]
        for _ in range(2):
            t = _selu(jnp.dot(he, w1e_r[...], preferred_element_type=_F32) + c)
            t = _selu(jnp.dot(t, uw2_r[...], preferred_element_type=_F32) + ub2_r[...])
            he = jnp.dot(t, uw3_r[...], preferred_element_type=_F32) + ub3_r[...]
        out_r[...] = he

    _w = lambda shape: pl.BlockSpec(shape, lambda i: (0, 0))

    def _edge_call(trg, tsg, ec):
        return pl.pallas_call(
            _edge_k,
            grid=(e8h // BR,),
            in_specs=[
                pl.BlockSpec((BR, 128), lambda i: (i, 0)),
                pl.BlockSpec((BR, 128), lambda i: (i, 0)),
                pl.BlockSpec((8, 128), lambda i: (i, 0)),
                pl.BlockSpec((8, 128), lambda i: (i, 0)),
                pl.BlockSpec((8, 128), lambda i: (i, 0)),
                _w((8, 256)), _w((8, 256)), _w((8, 256)),
                _w((1, 128)), _w((128, 256)), _w((1, 256)), _w((256, 128)),
                _w((1, 128)), _w((128, 256)), _w((128, 256)), _w((1, 256)),
                _w((256, 256)), _w((1, 256)), _w((256, 128)), _w((1, 128)),
            ],
            out_specs=pl.BlockSpec((BR, 128), lambda i: (i, 0)),
            out_shape=jax.ShapeDtypeStruct((e8h, 128), _F32),
        )(trg, tsg, ec[0], ec[1], ec[2], qmats[0], qmats[1], qmats[2],
          b1t, w2bd, b2t, w3bd, b3t, uw1n, uw1e, ub1t, uw2bd, ub2t,
          uw3bd, ub3t)

    chs = 1024
    sub = chs // 128
    per_w = eh // 32
    nchs = per_w // chs
    rows_per_tile = npad // 16
    zeros_hbm = jnp.zeros((npad, 8), _F32)
    mesh2 = plsc.VectorSubcoreMesh(core_axis_name="c", subcore_axis_name="s")

    @functools.partial(
        pl.kernel,
        out_type=(jax.ShapeDtypeStruct((npad, 8), _F32),
                  jax.ShapeDtypeStruct((npad, 8), _F32)),
        mesh=mesh2,
        scratch_types=[
            pltpu.VMEM((sub, 128), jnp.int32),
            pltpu.VMEM((chs, 8), _F32),
            pltpu.VMEM_SHARED((npad, 8), _F32),
            pltpu.SemaphoreType.DMA,
        ],
        compiler_params=pltpu.CompilerParams(use_tc_tiling_on_sc=False),
    )
    def _scatter_k(he_hbm, ri_hbm, z_hbm, out0, out1, idx_v, val_v, acc, sem):
        c = lax.axis_index("c")
        s = lax.axis_index("s")
        wid = s * 2 + c
        tile_rows = pl.ds(s * rows_per_tile, rows_per_tile)
        pltpu.sync_copy(z_hbm.at[tile_rows], acc.at[tile_rows])
        plsc.subcore_barrier()

        def body(i):
            ebase = wid * per_w + i * chs
            pltpu.sync_copy(ri_hbm.at[pl.ds(ebase // 128, sub)], idx_v)
            pltpu.sync_copy(he_hbm.at[pl.ds(ebase, chs), pl.ds(0, 8)], val_v)
            for j in range(sub):
                pltpu.sync_copy(val_v.at[pl.ds(j * 128, 128)],
                                acc.at[idx_v.at[j]], add=True)

        pl.loop(0, nchs)(body)
        plsc.subcore_barrier()

        @pl.when(c == 0)
        def _():
            pltpu.sync_copy(acc.at[tile_rows], out0.at[tile_rows])

        @pl.when(c == 1)
        def _():
            pltpu.sync_copy(acc.at[tile_rows], out1.at[tile_rows])

    partials = []
    for h in range(2):
        sl = slice(h * eh, (h + 1) * eh)
        trg, tsg = _gather_k(tr, ts, ri_g[sl], si_g[sl])
        he_pk = _edge_call(trg.reshape(e8h, 128), tsg.reshape(e8h, 128),
                           ecols[h])
        p0, p1 = _scatter_k(he_pk.reshape(eh, 16),
                            ri_sc[h * (eh // 128):(h + 1) * (eh // 128)],
                            zeros_hbm)
        partials += [p0, p1]

    def _node_k(p0_r, p1_r, p2_r, p3_r, nd_r, pw1_r, pb1_r, pw2_r, pb2_r,
                pw3_r, pb3_r, nw1n_r, nw1e_r, nb1_r, nw2_r, nb2_r, nw3_r,
                nb3_r, out_r):
        i = pl.program_id(0)
        seg = (p0_r[...] + p1_r[...]) + (p2_r[...] + p3_r[...])
        h = _selu(jnp.dot(seg, pw1_r[...], preferred_element_type=_F32) + pb1_r[...])
        h = _selu(jnp.dot(h, pw2_r[...], preferred_element_type=_F32) + pb2_r[...])
        h2e = jnp.dot(h, pw3_r[...], preferred_element_type=_F32) + pb3_r[...]
        c2 = jnp.dot(h2e, nw1e_r[...], preferred_element_type=_F32) + nb1_r[...]
        hn = nd_r[...]
        for _ in range(3):
            t = _selu(jnp.dot(hn, nw1n_r[...], preferred_element_type=_F32) + c2)
            t = _selu(jnp.dot(t, nw2_r[...], preferred_element_type=_F32) + nb2_r[...])
            hn = jnp.dot(t, nw3_r[...], preferred_element_type=_F32) + nb3_r[...]
        g = jnp.concatenate([hn[:, :3], h2e, jnp.zeros((NBK, 5), _F32)], axis=1)
        rows = i * NBK + lax.broadcasted_iota(jnp.int32, (NBK, 1), 0)
        g = jnp.where(rows < N, g, 0.0)
        gs = jnp.sum(g, axis=0, keepdims=True)
        contrib = jnp.concatenate([gs, jnp.zeros((7, 24), _F32)], axis=0)

        @pl.when(i == 0)
        def _():
            out_r[...] = jnp.zeros((8, 24), _F32)

        out_r[...] += contrib

    gsum = pl.pallas_call(
        _node_k,
        grid=(npad // NBK,),
        in_specs=[
            pl.BlockSpec((NBK, 8), lambda i: (i, 0)),
            pl.BlockSpec((NBK, 8), lambda i: (i, 0)),
            pl.BlockSpec((NBK, 8), lambda i: (i, 0)),
            pl.BlockSpec((NBK, 8), lambda i: (i, 0)),
            pl.BlockSpec((NBK, 8), lambda i: (i, 0)),
            _w((8, 16)), _w((1, 16)), _w((16, 32)), _w((1, 32)), _w((32, 16)),
            _w((1, 16)), _w((8, 32)), _w((16, 32)), _w((1, 32)), _w((32, 16)),
            _w((1, 16)), _w((16, 8)), _w((1, 8)),
        ],
        out_specs=pl.BlockSpec((8, 24), lambda i: (0, 0)),
        out_shape=jax.ShapeDtypeStruct((8, 24), _F32),
    )(partials[0], partials[1], partials[2], partials[3], nodes_p8,
      pw1, pb1, pw2, pb2, pw3, pb3, nw1n, nw1e, nb1, nw2, nb2, nw3, nb3)

    def _pred_k(x_r, w1_r, b1_r, w2_r, b2_r, w3_r, b3_r, out_r):
        h = _selu(jnp.dot(x_r[...], w1_r[...], preferred_element_type=_F32) + b1_r[...])
        h = _selu(jnp.dot(h, w2_r[...], preferred_element_type=_F32) + b2_r[...])
        out_r[...] = jnp.dot(h, w3_r[...], preferred_element_type=_F32) + b3_r[...]

    out = pl.pallas_call(
        _pred_k,
        out_shape=jax.ShapeDtypeStruct((8, 16), _F32),
    )(gsum, qw1, qb1, qw2, qb2, qw3, qb3)

    return out[0:1, 0:9]

# --- scband reference (transcript-rebuilt; emitter-appended) ---
"""Pipeline reference for scband-arc-65249143160995 (READ-ONLY COPY).

The authoritative reference and input builder live on the scoring server;
editing this copy changes nothing except your own understanding.
"""

import jax, jax.numpy as jnp
import numpy as np


def _init_mlp(key, dims):
    params = []
    for i in range(len(dims) - 1):
        key, k1 = jax.random.split(key)
        w = jax.random.normal(k1, (dims[i], dims[i + 1]), jnp.float32) * (1.0 / np.sqrt(dims[i]))
        b = jnp.zeros((dims[i + 1],), jnp.float32)
        params.append((w, b))
    return params, key


def _mlp(params, x):
    n = len(params)
    for i, (w, b) in enumerate(params):
        x = x @ w + b
        if i < n - 1:
            x = jax.nn.selu(x)
    return x


def setup_inputs(seed: int = 0) -> dict:
    N = 100000
    E = 1600000
    key = jax.random.key(seed)
    k_nodes, k_edges, k_snd, k_rcv, k_par = jax.random.split(key, 5)
    nodes = jax.random.normal(k_nodes, (N, 3), jnp.float32)
    edges = jax.random.normal(k_edges, (E, 3), jnp.float32)
    senders = jax.random.randint(k_snd, (E,), 0, N).astype(jnp.int64)
    receivers = jax.random.randint(k_rcv, (E,), 0, N).astype(jnp.int64)
    pn, k_par = _init_mlp(k_par, [6, 16, 32, 16])
    ue, k_par = _init_mlp(k_par, [19, 32, 16, 3])
    pe, k_par = _init_mlp(k_par, [3, 16, 32, 16])
    un, k_par = _init_mlp(k_par, [19, 32, 16, 3])
    pred, k_par = _init_mlp(k_par, [19, 10, 10, 9])
    params = {"permutate_nodes": pn, "update_edges": ue, "permutate_edges": pe, "update_nodes": un, "predict": pred}
    return {"nodes": nodes, "edges": edges, "senders": senders, "receivers": receivers, "params": params}


def reference(nodes, edges, senders, receivers, params):
    # broadcast receiver and sender node features to edges, then concat -> [E, 6]
    collected_nodes = jnp.concatenate([nodes[receivers], nodes[senders]], axis=-1)
    h1_nodes = _mlp(params["permutate_nodes"], collected_nodes)  # [E, 16]
    h1_edges = edges  # [E, 3]
    for _ in range(3):
        temp = jnp.concatenate([h1_edges, h1_nodes], axis=-1)  # [E, 19]
        h1_edges = _mlp(params["update_edges"], temp)  # [E, 3]
    # EdgesToNodesAggregator: scatter-add edges into receiver nodes
    edges_of_nodes = jax.ops.segment_sum(h1_edges, receivers, num_segments=nodes.shape[0])  # [N, 3]
    h2_edges = _mlp(params["permutate_edges"], edges_of_nodes)  # [N, 16]
    h2_nodes = nodes  # [N, 3]
    for _ in range(3):
        temp2 = jnp.concatenate([h2_nodes, h2_edges], axis=-1)  # [N, 19]
        h2_nodes = _mlp(params["update_nodes"], temp2)  # [N, 3]
    # NodesToGlobalsAggregator: single graph -> sum over all nodes
    temp3 = jnp.sum(jnp.concatenate([h2_nodes, h2_edges], axis=-1), axis=0, keepdims=True)  # [1, 19]
    out = _mlp(params["predict"], temp3)  # [1, 9]
    return out

if __name__ == "__main__":
    import jax
    _d = setup_inputs()
    print(jax.jit(kernel)(*tuple(_d.values())))

</pallas_src>

<mosaic_0001>
#map = affine_map<(d0, d1) -> (0, 0)>
#map1 = affine_map<(d0, d1) -> (0)>
module attributes {stable_mosaic.version = 14 : i64} {
  func.func @_gather_k(%arg0: i32, %arg1: i32, %arg2: memref<100352x16xf32, #tpu.memory_space<hbm>>, %arg3: memref<100352x16xf32, #tpu.memory_space<hbm>>, %arg4: memref<819200xi32, #tpu.memory_space<hbm>>, %arg5: memref<819200xi32, #tpu.memory_space<hbm>>, %arg6: memref<819200x16xf32, #tpu.memory_space<hbm>>, %arg7: memref<819200x16xf32, #tpu.memory_space<hbm>>, %arg8: memref<1024xi32, #tpu.memory_space<vmem>>, %arg9: memref<1024xi32, #tpu.memory_space<vmem>>, %arg10: memref<1024x16xf32, #tpu.memory_space<vmem>>, %arg11: memref<1024x16xf32, #tpu.memory_space<vmem>>, %arg12: memref<!tpu.dma_semaphore, #tpu.memory_space<semaphore_mem>>, %arg13: memref<!tpu.dma_semaphore, #tpu.memory_space<semaphore_mem>>, %arg14: memref<!tpu.dma_semaphore, #tpu.memory_space<semaphore_mem>>, %arg15: memref<!tpu.dma_semaphore, #tpu.memory_space<semaphore_mem>>, %arg16: memref<!tpu.dma_semaphore, #tpu.memory_space<semaphore_mem>>) attributes {dimension_semantics = [#tpu.dimension_semantics<core_parallel>, #tpu.dimension_semantics<subcore_parallel>], iteration_bounds = array<i64: 2, 16>, scalar_prefetch = 0 : i64, scratch_operands = 9 : i64, tpu.core_type = #tpu.core_type<sc_vector_subcore>, window_params = [{transform_indices = #map}, {transform_indices = #map}, {transform_indices = #map1}, {transform_indices = #map1}, {transform_indices = #map}, {transform_indices = #map}]} {
    %eq3A = arith.constant 0 : i32
    %eq3A_0 = arith.cmpi eq, %arg0, %eq3A : i32
    %convert_element_type3A = arith.extui %eq3A_0 : i1 to i32
    %cond3A = arith.constant 0 : i32
    %cond3A_1 = arith.cmpi ne, %convert_element_type3A, %cond3A : i32
    scf.if %cond3A_1 {
      %mul3A = arith.constant 51200 : i32
      %mul3A_7 = arith.muli %arg1, %mul3A : i32
      %add3A = arith.constant 0 : i32
      %add3A_8 = arith.addi %mul3A_7, %add3A : i32
      %dma_start3A = tpu.memref_slice %arg4[%add3A_8] : memref<819200xi32, #tpu.memory_space<hbm>> -> memref<1024xi32, #tpu.memory_space<hbm>>
      %dma_start3A_9 = tpu.memref_slice %arg4[%add3A_8] : memref<819200xi32, #tpu.memory_space<hbm>> -> memref<1024xi32, #tpu.memory_space<hbm>>
      tpu.enqueue_dma source(%dma_start3A_9 : memref<1024xi32, #tpu.memory_space<hbm>>) target(%arg8 : memref<1024xi32, #tpu.memory_space<vmem>>) target_semaphore(%arg12 : memref<!tpu.dma_semaphore, #tpu.memory_space<semaphore_mem>>)
      %scan3A = arith.constant 0 : i32
      %scan3A_10 = arith.constant 25 : i32
      %scan3A_11 = arith.addi %scan3A, %scan3A_10 : i32
      %scan3A_12 = arith.constant 1 : i32
      scf.for %scan3A_29 = %scan3A to %scan3A_11 step %scan3A_12  : i32 {
        %mul3A_30 = arith.constant 2 : i32
        %mul3A_31 = arith.muli %scan3A_29, %mul3A_30 : i32
        %add3A_32 = arith.constant 0 : i32
        %add3A_33 = arith.addi %add3A_32, %mul3A_31 : i32
        %mul3A_34 = arith.constant 51200 : i32
        %mul3A_35 = arith.muli %arg1, %mul3A_34 : i32
        %mul3A_36 = arith.constant 1024 : i32
        %mul3A_37 = arith.muli %add3A_33, %mul3A_36 : i32
        %add3A_38 = arith.addi %mul3A_35, %mul3A_37 : i32
        %dma_wait3A_39 = tpu.memref_slice %arg4[%add3A_38] : memref<819200xi32, #tpu.memory_space<hbm>> -> memref<1024xi32, #tpu.memory_space<hbm>>
        %dma_wait3A_40 = tpu.memref_slice %arg4[%add3A_38] : memref<819200xi32, #tpu.memory_space<hbm>> -> memref<1024xi32, #tpu.memory_space<hbm>>
        tpu.wait_dma2 semaphore(%arg12 : memref<!tpu.dma_semaphore, #tpu.memory_space<semaphore_mem>>) src(%dma_wait3A_40 : memref<1024xi32, #tpu.memory_space<hbm>>) dst(%arg8 : memref<1024xi32, #tpu.memory_space<vmem>>)
        %add3A_41 = arith.constant 1 : i32
        %add3A_42 = arith.addi %add3A_33, %add3A_41 : i32
        %lt3A = arith.constant 50 : i32
        %lt3A_43 = arith.cmpi slt, %add3A_42, %lt3A : i32
        %convert_element_type3A_44 = arith.extui %lt3A_43 : i1 to i32
        %cond3A_45 = arith.constant 0 : i32
        %cond3A_46 = arith.cmpi ne, %convert_element_type3A_44, %cond3A_45 : i32
        scf.if %cond3A_46 {
          %add3A_104 = arith.constant 1 : i32
          %add3A_105 = arith.addi %add3A_33, %add3A_104 : i32
          %mul3A_106 = arith.constant 51200 : i32
          %mul3A_107 = arith.muli %arg1, %mul3A_106 : i32
          %mul3A_108 = arith.constant 1024 : i32
          %mul3A_109 = arith.muli %add3A_105, %mul3A_108 : i32
          %add3A_110 = arith.addi %mul3A_107, %mul3A_109 : i32
          %dma_start3A_111 = tpu.memref_slice %arg4[%add3A_110] : memref<819200xi32, #tpu.memory_space<hbm>> -> memref<1024xi32, #tpu.memory_space<hbm>>
          %dma_start3A_112 = tpu.memref_slice %arg4[%add3A_110] : memref<819200xi32, #tpu.memory_space<hbm>> -> memref<1024xi32, #tpu.memory_space<hbm>>
          tpu.enqueue_dma source(%dma_start3A_112 : memref<1024xi32, #tpu.memory_space<hbm>>) target(%arg9 : memref<1024xi32, #tpu.memory_space<vmem>>) target_semaphore(%arg13 : memref<!tpu.dma_semaphore, #tpu.memory_space<semaphore_mem>>)
        } else {
        }
        %gt3A = arith.constant 0 : i32
        %gt3A_47 = arith.cmpi sgt, %add3A_33, %gt3A : i32
        %convert_element_type3A_48 = arith.extui %gt3A_47 : i1 to i32
        %cond3A_49 = arith.constant 0 : i32
        %cond3A_50 = arith.cmpi ne, %convert_element_type3A_48, %cond3A_49 : i32
        scf.if %cond3A_50 {
          %mul3A_104 = arith.constant 51200 : i32
          %mul3A_105 = arith.muli %arg1, %mul3A_104 : i32
          %mul3A_106 = arith.constant 1024 : i32
          %mul3A_107 = arith.muli %add3A_33, %mul3A_106 : i32
          %add3A_108 = arith.addi %mul3A_105, %mul3A_107 : i32
          %dma_wait3A_109 = arith.constant 0 : i32
          %dma_wait3A_110 = tpu.memref_slice %arg6[%add3A_108, %dma_wait3A_109] : memref<819200x16xf32, #tpu.memory_space<hbm>> -> memref<1024x16xf32, #tpu.memory_space<hbm>>
          %dma_wait3A_111 = arith.constant 0 : i32
          %dma_wait3A_112 = tpu.memref_slice %arg6[%add3A_108, %dma_wait3A_111] : memref<819200x16xf32, #tpu.memory_space<hbm>> -> memref<1024x16xf32, #tpu.memory_space<hbm>>
          tpu.wait_dma2 semaphore(%arg15 : memref<!tpu.dma_semaphore, #tpu.memory_space<semaphore_mem>>) src(%arg10 : memref<1024x16xf32, #tpu.memory_space<vmem>>) dst(%dma_wait3A_112 : memref<1024x16xf32, #tpu.memory_space<hbm>>)
        } else {
        }
        %dma_start3A_51 = arith.constant 0 : i32
        %dma_start3A_52 = arith.constant 0 : i32
        %dma_start3A_53 = tpu.memref_slice %arg2[%dma_start3A_51, %dma_start3A_52] : memref<100352x16xf32, #tpu.memory_space<hbm>> -> memref<100352x16xf32, #tpu.memory_space<hbm>>
        tpu.enqueue_indirect_dma source(%dma_start3A_53 : memref<100352x16xf32, #tpu.memory_space<hbm>>) target(%arg10 : memref<1024x16xf32, #tpu.memory_space<vmem>>) offsets(%arg8 : memref<1024xi32, #tpu.memory_space<vmem>>) semaphore(%arg14 : memref<!tpu.dma_semaphore, #tpu.memory_space<semaphore_mem>>)
        %dma_wait3A_54 = arith.constant 0 : i32
        %dma_wait3A_55 = arith.constant 0 : i32
        %dma_wait3A_56 = tpu.memref_slice %arg2[%dma_wait3A_54, %dma_wait3A_55] : memref<100352x16xf32, #tpu.memory_space<hbm>> -> memref<100352x16xf32, #tpu.memory_space<hbm>>
        tpu.wait_indirect_dma semaphore(%arg14 : memref<!tpu.dma_semaphore, #tpu.memory_space<semaphore_mem>>) src(%dma_wait3A_56 : memref<100352x16xf32, #tpu.memory_space<hbm>>) dst(%arg10 : memref<1024x16xf32, #tpu.memory_space<vmem>>)
        %mul3A_57 = arith.constant 51200 : i32
        %mul3A_58 = arith.muli %arg1, %mul3A_57 : i32
        %mul3A_59 = arith.constant 1024 : i32
        %mul3A_60 = arith.muli %add3A_33, %mul3A_59 : i32
        %add3A_61 = arith.addi %mul3A_58, %mul3A_60 : i32
        %dma_start3A_62 = arith.constant 0 : i32
        %dma_start3A_63 = tpu.memref_slice %arg6[%add3A_61, %dma_start3A_62] : memref<819200x16xf32, #tpu.memory_space<hbm>> -> memref<1024x16xf32, #tpu.memory_space<hbm>>
        %dma_start3A_64 = arith.constant 0 : i32
        %dma_start3A_65 = tpu.memref_slice %arg6[%add3A_61, %dma_start3A_64] : memref<819200x16xf32, #tpu.memory_space<hbm>> -> memref<1024x16xf32, #tpu.memory_space<hbm>>
        tpu.enqueue_dma source(%arg10 : memref<1024x16xf32, #tpu.memory_space<vmem>>) target(%dma_start3A_65 : memref<1024x16xf32, #tpu.memory_space<hbm>>) target_semaphore(%arg15 : memref<!tpu.dma_semaphore, #tpu.memory_space<semaphore_mem>>)
        %add3A_66 = arith.constant 1 : i32
        %add3A_67 = arith.addi %add3A_33, %add3A_66 : i32
        %mul3A_68 = arith.constant 51200 : i32
        %mul3A_69 = arith.muli %arg1, %mul3A_68 : i32
        %mul3A_70 = arith.constant 1024 : i32
        %mul3A_71 = arith.muli %add3A_67, %mul3A_70 : i32
        %add3A_72 = arith.addi %mul3A_69, %mul3A_71 : i32
        %dma_wait3A_73 = tpu.memref_slice %arg4[%add3A_72] : memref<819200xi32, #tpu.memory_space<hbm>> -> memref<1024xi32, #tpu.memory_space<hbm>>
        %dma_wait3A_74 = tpu.memref_slice %arg4[%add3A_72] : memref<819200xi32, #tpu.memory_space<hbm>> -> memref<1024xi32, #tpu.memory_space<hbm>>
        tpu.wait_dma2 semaphore(%arg13 : memref<!tpu.dma_semaphore, #tpu.memory_space<semaphore_mem>>) src(%dma_wait3A_74 : memref<1024xi32, #tpu.memory_space<hbm>>) dst(%arg9 : memref<1024xi32, #tpu.memory_space<vmem>>)
        %add3A_75 = arith.constant 2 : i32
        %add3A_76 = arith.addi %add3A_33, %add3A_75 : i32
        %lt3A_77 = arith.constant 50 : i32
        %lt3A_78 = arith.cmpi slt, %add3A_76, %lt3A_77 : i32
        %convert_element_type3A_79 = arith.extui %lt3A_78 : i1 to i32
        %cond3A_80 = arith.constant 0 : i32
        %cond3A_81 = arith.cmpi ne, %convert_element_type3A_79, %cond3A_80 : i32
        scf.if %cond3A_81 {
          %add3A_104 = arith.constant 2 : i32
          %add3A_105 = arith.addi %add3A_33, %add3A_104 : i32
          %mul3A_106 = arith.constant 51200 : i32
          %mul3A_107 = arith.muli %arg1, %mul3A_106 : i32
          %mul3A_108 = arith.constant 1024 : i32
          %mul3A_109 = arith.muli %add3A_105, %mul3A_108 : i32
          %add3A_110 = arith.addi %mul3A_107, %mul3A_109 : i32
          %dma_start3A_111 = tpu.memref_slice %arg4[%add3A_110] : memref<819200xi32, #tpu.memory_space<hbm>> -> memref<1024xi32, #tpu.memory_space<hbm>>
          %dma_start3A_112 = tpu.memref_slice %arg4[%add3A_110] : memref<819200xi32, #tpu.memory_space<hbm>> -> memref<1024xi32, #tpu.memory_space<hbm>>
          tpu.enqueue_dma source(%dma_start3A_112 : memref<1024xi32, #tpu.memory_space<hbm>>) target(%arg8 : memref<1024xi32, #tpu.memory_space<vmem>>) target_semaphore(%arg12 : memref<!tpu.dma_semaphore, #tpu.memory_space<semaphore_mem>>)
        } else {
        }
        %gt3A_82 = arith.constant 0 : i32
        %gt3A_83 = arith.cmpi sgt, %add3A_33, %gt3A_82 : i32
        %convert_element_type3A_84 = arith.extui %gt3A_83 : i1 to i32
        %cond3A_85 = arith.constant 0 : i32
        %cond3A_86 = arith.cmpi ne, %convert_element_type3A_84, %cond3A_85 : i32
        scf.if %cond3A_86 {
          %add3A_104 = arith.constant 1 : i32
          %add3A_105 = arith.addi %add3A_33, %add3A_104 : i32
          %mul3A_106 = arith.constant 51200 : i32
          %mul3A_107 = arith.muli %arg1, %mul3A_106 : i32
          %mul3A_108 = arith.constant 1024 : i32
          %mul3A_109 = arith.muli %add3A_105, %mul3A_108 : i32
          %add3A_110 = arith.addi %mul3A_107, %mul3A_109 : i32
          %dma_wait3A_111 = arith.constant 0 : i32
          %dma_wait3A_112 = tpu.memref_slice %arg6[%add3A_110, %dma_wait3A_111] : memref<819200x16xf32, #tpu.memory_space<hbm>> -> memref<1024x16xf32, #tpu.memory_space<hbm>>
          %dma_wait3A_113 = arith.constant 0 : i32
          %dma_wait3A_114 = tpu.memref_slice %arg6[%add3A_110, %dma_wait3A_113] : memref<819200x16xf32, #tpu.memory_space<hbm>> -> memref<1024x16xf32, #tpu.memory_space<hbm>>
          tpu.wait_dma2 semaphore(%arg16 : memref<!tpu.dma_semaphore, #tpu.memory_space<semaphore_mem>>) src(%arg11 : memref<1024x16xf32, #tpu.memory_space<vmem>>) dst(%dma_wait3A_114 : memref<1024x16xf32, #tpu.memory_space<hbm>>)
        } else {
        }
        %dma_start3A_87 = arith.constant 0 : i32
        %dma_start3A_88 = arith.constant 0 : i32
        %dma_start3A_89 = tpu.memref_slice %arg2[%dma_start3A_87, %dma_start3A_88] : memref<100352x16xf32, #tpu.memory_space<hbm>> -> memref<100352x16xf32, #tpu.memory_space<hbm>>
        tpu.enqueue_indirect_dma source(%dma_start3A_89 : memref<100352x16xf32, #tpu.memory_space<hbm>>) target(%arg11 : memref<1024x16xf32, #tpu.memory_space<vmem>>) offsets(%arg9 : memref<1024xi32, #tpu.memory_space<vmem>>) semaphore(%arg14 : memref<!tpu.dma_semaphore, #tpu.memory_space<semaphore_mem>>)
        %dma_wait3A_90 = arith.constant 0 : i32
        %dma_wait3A_91 = arith.constant 0 : i32
        %dma_wait3A_92 = tpu.memref_slice %arg2[%dma_wait3A_90, %dma_wait3A_91] : memref<100352x16xf32, #tpu.memory_space<hbm>> -> memref<100352x16xf32, #tpu.memory_space<hbm>>
        tpu.wait_indirect_dma semaphore(%arg14 : memref<!tpu.dma_semaphore, #tpu.memory_space<semaphore_mem>>) src(%dma_wait3A_92 : memref<100352x16xf32, #tpu.memory_space<hbm>>) dst(%arg11 : memref<1024x16xf32, #tpu.memory_space<vmem>>)
        %add3A_93 = arith.constant 1 : i32
        %add3A_94 = arith.addi %add3A_33, %add3A_93 : i32
        %mul3A_95 = arith.constant 51200 : i32
        %mul3A_96 = arith.muli %arg1, %mul3A_95 : i32
        %mul3A_97 = arith.constant 1024 : i32
        %mul3A_98 = arith.muli %add3A_94, %mul3A_97 : i32
        %add3A_99 = arith.addi %mul3A_96, %mul3A_98 : i32
        %dma_start3A_100 = arith.constant 0 : i32
        %dma_start3A_101 = tpu.memref_slice %arg6[%add3A_99, %dma_start3A_100] : memref<819200x16xf32, #tpu.memory_space<hbm>> -> memref<1024x16xf32, #tpu.memory_space<hbm>>
        %dma_start3A_102 = arith.constant 0 : i32
        %dma_start3A_103 = tpu.memref_slice %arg6[%add3A_99, %dma_start3A_102] : memref<819200x16xf32, #tpu.memory_space<hbm>> -> memref<1024x16xf32, #tpu.memory_space<hbm>>
        tpu.enqueue_dma source(%arg11 : memref<1024x16xf32, #tpu.memory_space<vmem>>) target(%dma_start3A_103 : memref<1024x16xf32, #tpu.memory_space<hbm>>) target_semaphore(%arg16 : memref<!tpu.dma_semaphore, #tpu.memory_space<semaphore_mem>>)
      }
      %scan3A_13 = arith.constant 25 : i32
      %mul3A_14 = arith.constant 51200 : i32
      %mul3A_15 = arith.muli %arg1, %mul3A_14 : i32
      %add3A_16 = arith.constant 0 : i32
      %add3A_17 = arith.addi %mul3A_15, %add3A_16 : i32
      %dma_wait3A = arith.constant 0 : i32
      %dma_wait3A_18 = tpu.memref_slice %arg6[%add3A_17, %dma_wait3A] : memref<819200x16xf32, #tpu.memory_space<hbm>> -> memref<1024x16xf32, #tpu.memory_space<hbm>>
      %dma_wait3A_19 = arith.constant 0 : i32
      %dma_wait3A_20 = tpu.memref_slice %arg6[%add3A_17, %dma_wait3A_19] : memref<819200x16xf32, #tpu.memory_space<hbm>> -> memref<1024x16xf32, #tpu.memory_space<hbm>>
      tpu.wait_dma2 semaphore(%arg15 : memref<!tpu.dma_semaphore, #tpu.memory_space<semaphore_mem>>) src(%arg10 : memref<1024x16xf32, #tpu.memory_space<vmem>>) dst(%dma_wait3A_20 : memref<1024x16xf32, #tpu.memory_space<hbm>>)
      %mul3A_21 = arith.constant 51200 : i32
      %mul3A_22 = arith.muli %arg1, %mul3A_21 : i32
      %add3A_23 = arith.constant 0 : i32
      %add3A_24 = arith.addi %mul3A_22, %add3A_23 : i32
      %dma_wait3A_25 = arith.constant 0 : i32
      %dma_wait3A_26 = tpu.memref_slice %arg6[%add3A_24, %dma_wait3A_25] : memref<819200x16xf32, #tpu.memory_space<hbm>> -> memref<1024x16xf32, #tpu.memory_space<hbm>>
      %dma_wait3A_27 = arith.constant 0 : i32
      %dma_wait3A_28 = tpu.memref_slice %arg6[%add3A_24, %dma_wait3A_27] : memref<819200x16xf32, #tpu.memory_space<hbm>> -> memref<1024x16xf32, #tpu.memory_space<hbm>>
      tpu.wait_dma2 semaphore(%arg16 : memref<!tpu.dma_semaphore, #tpu.memory_space<semaphore_mem>>) src(%arg11 : memref<1024x16xf32, #tpu.memory_space<vmem>>) dst(%dma_wait3A_28 : memref<1024x16xf32, #tpu.memory_space<hbm>>)
    } else {
    }
    %eq3A_2 = arith.constant 1 : i32
    %eq3A_3 = arith.cmpi eq, %arg0, %eq3A_2 : i32
    %convert_element_type3A_4 = arith.extui %eq3A_3 : i1 to i32
    %cond3A_5 = arith.constant 0 : i32
    %cond3A_6 = arith.cmpi ne, %convert_element_type3A_4, %cond3A_5 : i32
    scf.if %cond3A_6 {
      %mul3A = arith.constant 51200 : i32
      %mul3A_7 = arith.muli %arg1, %mul3A : i32
      %add3A = arith.constant 0 : i32
      %add3A_8 = arith.addi %mul3A_7, %add3A : i32
      %dma_start3A = tpu.memref_slice %arg5[%add3A_8] : memref<819200xi32, #tpu.memory_space<hbm>> -> memref<1024xi32, #tpu.memory_space<hbm>>
      %dma_start3A_9 = tpu.memref_slice %arg5[%add3A_8] : memref<819200xi32, #tpu.memory_space<hbm>> -> memref<1024xi32, #tpu.memory_space<hbm>>
      tpu.enqueue_dma source(%dma_start3A_9 : memref<1024xi32, #tpu.memory_space<hbm>>) target(%arg8 : memref<1024xi32, #tpu.memory_space<vmem>>) target_semaphore(%arg12 : memref<!tpu.dma_semaphore, #tpu.memory_space<semaphore_mem>>)
      %scan3A = arith.constant 0 : i32
      %scan3A_10 = arith.constant 25 : i32
      %scan3A_11 = arith.addi %scan3A, %scan3A_10 : i32
      %scan3A_12 = arith.constant 1 : i32
      scf.for %scan3A_29 = %scan3A to %scan3A_11 step %scan3A_12  : i32 {
        %mul3A_30 = arith.constant 2 : i32
        %mul3A_31 = arith.muli %scan3A_29, %mul3A_30 : i32
        %add3A_32 = arith.constant 0 : i32
        %add3A_33 = arith.addi %add3A_32, %mul3A_31 : i32
        %mul3A_34 = arith.constant 51200 : i32
        %mul3A_35 = arith.muli %arg1, %mul3A_34 : i32
        %mul3A_36 = arith.constant 1024 : i32
        %mul3A_37 = arith.muli %add3A_33, %mul3A_36 : i32
        %add3A_38 = arith.addi %mul3A_35, %mul3A_37 : i32
        %dma_wait3A_39 = tpu.memref_slice %arg5[%add3A_38] : memref<819200xi32, #tpu.memory_space<hbm>> -> memref<1024xi32, #tpu.memory_space<hbm>>
        %dma_wait3A_40 = tpu.memref_slice %arg5[%add3A_38] : memref<819200xi32, #tpu.memory_space<hbm>> -> memref<1024xi32, #tpu.memory_space<hbm>>
        tpu.wait_dma2 semaphore(%arg12 : memref<!tpu.dma_semaphore, #tpu.memory_space<semaphore_mem>>) src(%dma_wait3A_40 : memref<1024xi32, #tpu.memory_space<hbm>>) dst(%arg8 : memref<1024xi32, #tpu.memory_space<vmem>>)
        %add3A_41 = arith.constant 1 : i32
        %add3A_42 = arith.addi %add3A_33, %add3A_41 : i32
        %lt3A = arith.constant 50 : i32
        %lt3A_43 = arith.cmpi slt, %add3A_42, %lt3A : i32
        %convert_element_type3A_44 = arith.extui %lt3A_43 : i1 to i32
        %cond3A_45 = arith.constant 0 : i32
        %cond3A_46 = arith.cmpi ne, %convert_element_type3A_44, %cond3A_45 : i32
        scf.if %cond3A_46 {
          %add3A_104 = arith.constant 1 : i32
          %add3A_105 = arith.addi %add3A_33, %add3A_104 : i32
          %mul3A_106 = arith.constant 51200 : i32
          %mul3A_107 = arith.muli %arg1, %mul3A_106 : i32
          %mul3A_108 = arith.constant 1024 : i32
          %mul3A_109 = arith.muli %add3A_105, %mul3A_108 : i32
          %add3A_110 = arith.addi %mul3A_107, %mul3A_109 : i32
          %dma_start3A_111 = tpu.memref_slice %arg5[%add3A_110] : memref<819200xi32, #tpu.memory_space<hbm>> -> memref<1024xi32, #tpu.memory_space<hbm>>
          %dma_start3A_112 = tpu.memref_slice %arg5[%add3A_110] : memref<819200xi32, #tpu.memory_space<hbm>> -> memref<1024xi32, #tpu.memory_space<hbm>>
          tpu.enqueue_dma source(%dma_start3A_112 : memref<1024xi32, #tpu.memory_space<hbm>>) target(%arg9 : memref<1024xi32, #tpu.memory_space<vmem>>) target_semaphore(%arg13 : memref<!tpu.dma_semaphore, #tpu.memory_space<semaphore_mem>>)
        } else {
        }
        %gt3A = arith.constant 0 : i32
        %gt3A_47 = arith.cmpi sgt, %add3A_33, %gt3A : i32
        %convert_element_type3A_48 = arith.extui %gt3A_47 : i1 to i32
        %cond3A_49 = arith.constant 0 : i32
        %cond3A_50 = arith.cmpi ne, %convert_element_type3A_48, %cond3A_49 : i32
        scf.if %cond3A_50 {
          %mul3A_104 = arith.constant 51200 : i32
          %mul3A_105 = arith.muli %arg1, %mul3A_104 : i32
          %mul3A_106 = arith.constant 1024 : i32
          %mul3A_107 = arith.muli %add3A_33, %mul3A_106 : i32
          %add3A_108 = arith.addi %mul3A_105, %mul3A_107 : i32
          %dma_wait3A_109 = arith.constant 0 : i32
          %dma_wait3A_110 = tpu.memref_slice %arg7[%add3A_108, %dma_wait3A_109] : memref<819200x16xf32, #tpu.memory_space<hbm>> -> memref<1024x16xf32, #tpu.memory_space<hbm>>
          %dma_wait3A_111 = arith.constant 0 : i32
          %dma_wait3A_112 = tpu.memref_slice %arg7[%add3A_108, %dma_wait3A_111] : memref<819200x16xf32, #tpu.memory_space<hbm>> -> memref<1024x16xf32, #tpu.memory_space<hbm>>
          tpu.wait_dma2 semaphore(%arg15 : memref<!tpu.dma_semaphore, #tpu.memory_space<semaphore_mem>>) src(%arg10 : memref<1024x16xf32, #tpu.memory_space<vmem>>) dst(%dma_wait3A_112 : memref<1024x16xf32, #tpu.memory_space<hbm>>)
        } else {
        }
        %dma_start3A_51 = arith.constant 0 : i32
        %dma_start3A_52 = arith.constant 0 : i32
        %dma_start3A_53 = tpu.memref_slice %arg3[%dma_start3A_51, %dma_start3A_52] : memref<100352x16xf32, #tpu.memory_space<hbm>> -> memref<100352x16xf32, #tpu.memory_space<hbm>>
        tpu.enqueue_indirect_dma source(%dma_start3A_53 : memref<100352x16xf32, #tpu.memory_space<hbm>>) target(%arg10 : memref<1024x16xf32, #tpu.memory_space<vmem>>) offsets(%arg8 : memref<1024xi32, #tpu.memory_space<vmem>>) semaphore(%arg14 : memref<!tpu.dma_semaphore, #tpu.memory_space<semaphore_mem>>)
        %dma_wait3A_54 = arith.constant 0 : i32
        %dma_wait3A_55 = arith.constant 0 : i32
        %dma_wait3A_56 = tpu.memref_slice %arg3[%dma_wait3A_54, %dma_wait3A_55] : memref<100352x16xf32, #tpu.memory_space<hbm>> -> memref<100352x16xf32, #tpu.memory_space<hbm>>
        tpu.wait_indirect_dma semaphore(%arg14 : memref<!tpu.dma_semaphore, #tpu.memory_space<semaphore_mem>>) src(%dma_wait3A_56 : memref<100352x16xf32, #tpu.memory_space<hbm>>) dst(%arg10 : memref<1024x16xf32, #tpu.memory_space<vmem>>)
        %mul3A_57 = arith.constant 51200 : i32
        %mul3A_58 = arith.muli %arg1, %mul3A_57 : i32
        %mul3A_59 = arith.constant 1024 : i32
        %mul3A_60 = arith.muli %add3A_33, %mul3A_59 : i32
        %add3A_61 = arith.addi %mul3A_58, %mul3A_60 : i32
        %dma_start3A_62 = arith.constant 0 : i32
        %dma_start3A_63 = tpu.memref_slice %arg7[%add3A_61, %dma_start3A_62] : memref<819200x16xf32, #tpu.memory_space<hbm>> -> memref<1024x16xf32, #tpu.memory_space<hbm>>
        %dma_start3A_64 = arith.constant 0 : i32
        %dma_start3A_65 = tpu.memref_slice %arg7[%add3A_61, %dma_start3A_64] : memref<819200x16xf32, #tpu.memory_space<hbm>> -> memref<1024x16xf32, #tpu.memory_space<hbm>>
        tpu.enqueue_dma source(%arg10 : memref<1024x16xf32, #tpu.memory_space<vmem>>) target(%dma_start3A_65 : memref<1024x16xf32, #tpu.memory_space<hbm>>) target_semaphore(%arg15 : memref<!tpu.dma_semaphore, #tpu.memory_space<semaphore_mem>>)
        %add3A_66 = arith.constant 1 : i32
        %add3A_67 = arith.addi %add3A_33, %add3A_66 : i32
        %mul3A_68 = arith.constant 51200 : i32
        %mul3A_69 = arith.muli %arg1, %mul3A_68 : i32
        %mul3A_70 = arith.constant 1024 : i32
        %mul3A_71 = arith.muli %add3A_67, %mul3A_70 : i32
        %add3A_72 = arith.addi %mul3A_69, %mul3A_71 : i32
        %dma_wait3A_73 = tpu.memref_slice %arg5[%add3A_72] : memref<819200xi32, #tpu.memory_space<hbm>> -> memref<1024xi32, #tpu.memory_space<hbm>>
        %dma_wait3A_74 = tpu.memref_slice %arg5[%add3A_72] : memref<819200xi32, #tpu.memory_space<hbm>> -> memref<1024xi32, #tpu.memory_space<hbm>>
        tpu.wait_dma2 semaphore(%arg13 : memref<!tpu.dma_semaphore, #tpu.memory_space<semaphore_mem>>) src(%dma_wait3A_74 : memref<1024xi32, #tpu.memory_space<hbm>>) dst(%arg9 : memref<1024xi32, #tpu.memory_space<vmem>>)
        %add3A_75 = arith.constant 2 : i32
        %add3A_76 = arith.addi %add3A_33, %add3A_75 : i32
        %lt3A_77 = arith.constant 50 : i32
        %lt3A_78 = arith.cmpi slt, %add3A_76, %lt3A_77 : i32
        %convert_element_type3A_79 = arith.extui %lt3A_78 : i1 to i32
        %cond3A_80 = arith.constant 0 : i32
        %cond3A_81 = arith.cmpi ne, %convert_element_type3A_79, %cond3A_80 : i32
        scf.if %cond3A_81 {
          %add3A_104 = arith.constant 2 : i32
          %add3A_105 = arith.addi %add3A_33, %add3A_104 : i32
          %mul3A_106 = arith.constant 51200 : i32
          %mul3A_107 = arith.muli %arg1, %mul3A_106 : i32
          %mul3A_108 = arith.constant 1024 : i32
          %mul3A_109 = arith.muli %add3A_105, %mul3A_108 : i32
          %add3A_110 = arith.addi %mul3A_107, %mul3A_109 : i32
          %dma_start3A_111 = tpu.memref_slice %arg5[%add3A_110] : memref<819200xi32, #tpu.memory_space<hbm>> -> memref<1024xi32, #tpu.memory_space<hbm>>
          %dma_start3A_112 = tpu.memref_slice %arg5[%add3A_110] : memref<819200xi32, #tpu.memory_space<hbm>> -> memref<1024xi32, #tpu.memory_space<hbm>>
          tpu.enqueue_dma source(%dma_start3A_112 : memref<1024xi32, #tpu.memory_space<hbm>>) target(%arg8 : memref<1024xi32, #tpu.memory_space<vmem>>) target_semaphore(%arg12 : memref<!tpu.dma_semaphore, #tpu.memory_space<semaphore_mem>>)
        } else {
        }
        %gt3A_82 = arith.constant 0 : i32
        %gt3A_83 = arith.cmpi sgt, %add3A_33, %gt3A_82 : i32
        %convert_element_type3A_84 = arith.extui %gt3A_83 : i1 to i32
        %cond3A_85 = arith.constant 0 : i32
        %cond3A_86 = arith.cmpi ne, %convert_element_type3A_84, %cond3A_85 : i32
        scf.if %cond3A_86 {
          %add3A_104 = arith.constant 1 : i32
          %add3A_105 = arith.addi %add3A_33, %add3A_104 : i32
          %mul3A_106 = arith.constant 51200 : i32
          %mul3A_107 = arith.muli %arg1, %mul3A_106 : i32
          %mul3A_108 = arith.constant 1024 : i32
          %mul3A_109 = arith.muli %add3A_105, %mul3A_108 : i32
          %add3A_110 = arith.addi %mul3A_107, %mul3A_109 : i32
          %dma_wait3A_111 = arith.constant 0 : i32
          %dma_wait3A_112 = tpu.memref_slice %arg7[%add3A_110, %dma_wait3A_111] : memref<819200x16xf32, #tpu.memory_space<hbm>> -> memref<1024x16xf32, #tpu.memory_space<hbm>>
          %dma_wait3A_113 = arith.constant 0 : i32
          %dma_wait3A_114 = tpu.memref_slice %arg7[%add3A_110, %dma_wait3A_113] : memref<819200x16xf32, #tpu.memory_space<hbm>> -> memref<1024x16xf32, #tpu.memory_space<hbm>>
          tpu.wait_dma2 semaphore(%arg16 : memref<!tpu.dma_semaphore, #tpu.memory_space<semaphore_mem>>) src(%arg11 : memref<1024x16xf32, #tpu.memory_space<vmem>>) dst(%dma_wait3A_114 : memref<1024x16xf32, #tpu.memory_space<hbm>>)
        } else {
        }
        %dma_start3A_87 = arith.constant 0 : i32
        %dma_start3A_88 = arith.constant 0 : i32
        %dma_start3A_89 = tpu.memref_slice %arg3[%dma_start3A_87, %dma_start3A_88] : memref<100352x16xf32, #tpu.memory_space<hbm>> -> memref<100352x16xf32, #tpu.memory_space<hbm>>
        tpu.enqueue_indirect_dma source(%dma_start3A_89 : memref<100352x16xf32, #tpu.memory_space<hbm>>) target(%arg11 : memref<1024x16xf32, #tpu.memory_space<vmem>>) offsets(%arg9 : memref<1024xi32, #tpu.memory_space<vmem>>) semaphore(%arg14 : memref<!tpu.dma_semaphore, #tpu.memory_space<semaphore_mem>>)
        %dma_wait3A_90 = arith.constant 0 : i32
        %dma_wait3A_91 = arith.constant 0 : i32
        %dma_wait3A_92 = tpu.memref_slice %arg3[%dma_wait3A_90, %dma_wait3A_91] : memref<100352x16xf32, #tpu.memory_space<hbm>> -> memref<100352x16xf32, #tpu.memory_space<hbm>>
        tpu.wait_indirect_dma semaphore(%arg14 : memref<!tpu.dma_semaphore, #tpu.memory_space<semaphore_mem>>) src(%dma_wait3A_92 : memref<100352x16xf32, #tpu.memory_space<hbm>>) dst(%arg11 : memref<1024x16xf32, #tpu.memory_space<vmem>>)
        %add3A_93 = arith.constant 1 : i32
        %add3A_94 = arith.addi %add3A_33, %add3A_93 : i32
        %mul3A_95 = arith.constant 51200 : i32
        %mul3A_96 = arith.muli %arg1, %mul3A_95 : i32
        %mul3A_97 = arith.constant 1024 : i32
        %mul3A_98 = arith.muli %add3A_94, %mul3A_97 : i32
        %add3A_99 = arith.addi %mul3A_96, %mul3A_98 : i32
        %dma_start3A_100 = arith.constant 0 : i32
        %dma_start3A_101 = tpu.memref_slice %arg7[%add3A_99, %dma_start3A_100] : memref<819200x16xf32, #tpu.memory_space<hbm>> -> memref<1024x16xf32, #tpu.memory_space<hbm>>
        %dma_start3A_102 = arith.constant 0 : i32
        %dma_start3A_103 = tpu.memref_slice %arg7[%add3A_99, %dma_start3A_102] : memref<819200x16xf32, #tpu.memory_space<hbm>> -> memref<1024x16xf32, #tpu.memory_space<hbm>>
        tpu.enqueue_dma source(%arg11 : memref<1024x16xf32, #tpu.memory_space<vmem>>) target(%dma_start3A_103 : memref<1024x16xf32, #tpu.memory_space<hbm>>) target_semaphore(%arg16 : memref<!tpu.dma_semaphore, #tpu.memory_space<semaphore_mem>>)
      }
      %scan3A_13 = arith.constant 25 : i32
      %mul3A_14 = arith.constant 51200 : i32
      %mul3A_15 = arith.muli %arg1, %mul3A_14 : i32
      %add3A_16 = arith.constant 0 : i32
      %add3A_17 = arith.addi %mul3A_15, %add3A_16 : i32
      %dma_wait3A = arith.constant 0 : i32
      %dma_wait3A_18 = tpu.memref_slice %arg7[%add3A_17, %dma_wait3A] : memref<819200x16xf32, #tpu.memory_space<hbm>> -> memref<1024x16xf32, #tpu.memory_space<hbm>>
      %dma_wait3A_19 = arith.constant 0 : i32
      %dma_wait3A_20 = tpu.memref_slice %arg7[%add3A_17, %dma_wait3A_19] : memref<819200x16xf32, #tpu.memory_space<hbm>> -> memref<1024x16xf32, #tpu.memory_space<hbm>>
      tpu.wait_dma2 semaphore(%arg15 : memref<!tpu.dma_semaphore, #tpu.memory_space<semaphore_mem>>) src(%arg10 : memref<1024x16xf32, #tpu.memory_space<vmem>>) dst(%dma_wait3A_20 : memref<1024x16xf32, #tpu.memory_space<hbm>>)
      %mul3A_21 = arith.constant 51200 : i32
      %mul3A_22 = arith.muli %arg1, %mul3A_21 : i32
      %add3A_23 = arith.constant 0 : i32
      %add3A_24 = arith.addi %mul3A_22, %add3A_23 : i32
      %dma_wait3A_25 = arith.constant 0 : i32
      %dma_wait3A_26 = tpu.memref_slice %arg7[%add3A_24, %dma_wait3A_25] : memref<819200x16xf32, #tpu.memory_space<hbm>> -> memref<1024x16xf32, #tpu.memory_space<hbm>>
      %dma_wait3A_27 = arith.constant 0 : i32
      %dma_wait3A_28 = tpu.memref_slice %arg7[%add3A_24, %dma_wait3A_27] : memref<819200x16xf32, #tpu.memory_space<hbm>> -> memref<1024x16xf32, #tpu.memory_space<hbm>>
      tpu.wait_dma2 semaphore(%arg16 : memref<!tpu.dma_semaphore, #tpu.memory_space<semaphore_mem>>) src(%arg11 : memref<1024x16xf32, #tpu.memory_space<vmem>>) dst(%dma_wait3A_28 : memref<1024x16xf32, #tpu.memory_space<hbm>>)
    } else {
    }
    return
  }
}

#map = affine_map<(d0, d1) -> (0, 0)>
module attributes {stable_mosaic.version = 14 : i64} {
  func.func @_scatter_k(%arg0: i32, %arg1: i32, %arg2: memref<819200x16xf32, #tpu.memory_space<hbm>>, %arg3: memref<6400x128xi32, #tpu.memory_space<hbm>>, %arg4: memref<100352x8xf32, #tpu.memory_space<hbm>>, %arg5: memref<100352x8xf32, #tpu.memory_space<hbm>>, %arg6: memref<100352x8xf32, #tpu.memory_space<hbm>>, %arg7: memref<8x128xi32, #tpu.memory_space<vmem>>, %arg8: memref<1024x8xf32, #tpu.memory_space<vmem>>, %arg9: memref<100352x8xf32, #tpu.memory_space<vmem_shared>>, %arg10: memref<!tpu.dma_semaphore, #tpu.memory_space<semaphore_mem>>) attributes {dimension_semantics = [#tpu.dimension_semantics<core_parallel>, #tpu.dimension_semantics<subcore_parallel>], iteration_bounds = array<i64: 2, 16>, scalar_prefetch = 0 : i64, scratch_operands = 4 : i64, tpu.core_type = #tpu.core_type<sc_vector_subcore>, window_params = [{transform_indices = #map}, {transform_indices = #map}, {transform_indices = #map}, {transform_indices = #map}, {transform_indices = #map}]} {
    %mul3A = arith.constant 2 : i32
    %mul3A_0 = arith.muli %arg1, %mul3A : i32
    %add3A = arith.addi %mul3A_0, %arg0 : i32
    %mul3A_1 = arith.constant 6272 : i32
    %mul3A_2 = arith.muli %arg1, %mul3A_1 : i32
    "tpu.region"() ({
      %run_scoped3A = tpu.sem_alloc : memref<!tpu.dma_semaphore, #tpu.memory_space<semaphore_mem>>
      %dma_start3A = arith.constant 0 : i32
      %dma_start3A_15 = tpu.memref_slice %arg9[%mul3A_2, %dma_start3A] : memref<100352x8xf32, #tpu.memory_space<vmem_shared>> -> memref<6272x8xf32, #tpu.memory_space<vmem_shared>>
      %dma_start3A_16 = arith.constant 0 : i32
      %dma_start3A_17 = tpu.memref_slice %arg4[%mul3A_2, %dma_start3A_16] : memref<100352x8xf32, #tpu.memory_space<hbm>> -> memref<6272x8xf32, #tpu.memory_space<hbm>>
      tpu.enqueue_dma source(%dma_start3A_17 : memref<6272x8xf32, #tpu.memory_space<hbm>>) target(%dma_start3A_15 : memref<6272x8xf32, #tpu.memory_space<vmem_shared>>) target_semaphore(%run_scoped3A : memref<!tpu.dma_semaphore, #tpu.memory_space<semaphore_mem>>)
      %dma_wait3A = arith.constant 0 : i32
      %dma_wait3A_18 = tpu.memref_slice %arg9[%mul3A_2, %dma_wait3A] : memref<100352x8xf32, #tpu.memory_space<vmem_shared>> -> memref<6272x8xf32, #tpu.memory_space<vmem_shared>>
      %dma_wait3A_19 = arith.constant 0 : i32
      %dma_wait3A_20 = tpu.memref_slice %arg4[%mul3A_2, %dma_wait3A_19] : memref<100352x8xf32, #tpu.memory_space<hbm>> -> memref<6272x8xf32, #tpu.memory_space<hbm>>
      tpu.wait_dma2 semaphore(%run_scoped3A : memref<!tpu.dma_semaphore, #tpu.memory_space<semaphore_mem>>) src(%dma_wait3A_20 : memref<6272x8xf32, #tpu.memory_space<hbm>>) dst(%dma_wait3A_18 : memref<6272x8xf32, #tpu.memory_space<vmem_shared>>)
      tpu.yield
    }) : () -> ()
    %barrier3A = arith.constant 0 : index
    tpu.barrier barrier_id(%barrier3A)
    %scan3A = arith.constant 0 : i32
    %scan3A_3 = arith.constant 25 : i32
    %scan3A_4 = arith.addi %scan3A, %scan3A_3 : i32
    %scan3A_5 = arith.constant 1 : i32
    scf.for %scan3A_15 = %scan3A to %scan3A_4 step %scan3A_5  : i32 {
      %mul3A_16 = arith.constant 1 : i32
      %mul3A_17 = arith.muli %scan3A_15, %mul3A_16 : i32
      %add3A_18 = arith.constant 0 : i32
      %add3A_19 = arith.addi %add3A_18, %mul3A_17 : i32
      %mul3A_20 = arith.constant 25600 : i32
      %mul3A_21 = arith.muli %add3A, %mul3A_20 : i32
      %mul3A_22 = arith.constant 1024 : i32
      %mul3A_23 = arith.muli %add3A_19, %mul3A_22 : i32
      %add3A_24 = arith.addi %mul3A_21, %mul3A_23 : i32
      %jit3A = arith.constant 128 : i32
      %div3A = arith.divsi %add3A_24, %jit3A : i32
      %sign3A = arith.constant 0 : i32
      %sign3A_25 = arith.cmpi sgt, %add3A_24, %sign3A : i32
      %sign3A_26 = arith.extui %sign3A_25 : i1 to i32
      %sign3A_27 = arith.constant 0 : i32
      %sign3A_28 = arith.cmpi slt, %add3A_24, %sign3A_27 : i32
      %sign3A_29 = arith.extui %sign3A_28 : i1 to i32
      %sign3A_30 = arith.subi %sign3A_26, %sign3A_29 : i32
      %sign3A_31 = arith.constant 0 : i32
      %sign3A_32 = arith.cmpi sgt, %jit3A, %sign3A_31 : i32
      %sign3A_33 = arith.extui %sign3A_32 : i1 to i32
      %sign3A_34 = arith.constant 0 : i32
      %sign3A_35 = arith.cmpi slt, %jit3A, %sign3A_34 : i32
      %sign3A_36 = arith.extui %sign3A_35 : i1 to i32
      %sign3A_37 = arith.subi %sign3A_33, %sign3A_36 : i32
      %ne3A = arith.cmpi ne, %sign3A_30, %sign3A_37 : i32
      %rem3A = arith.remsi %add3A_24, %jit3A : i32
      %ne3A_38 = arith.constant 0 : i32
      %ne3A_39 = arith.cmpi ne, %rem3A, %ne3A_38 : i32
      %and3A = arith.andi %ne3A, %ne3A_39 : i1
      %sub3A = arith.constant 1 : i32
      %sub3A_40 = arith.subi %div3A, %sub3A : i32
      %select_n3A = arith.select %and3A, %sub3A_40, %div3A : i32
      "tpu.region"() ({
        %run_scoped3A_48 = tpu.sem_alloc : memref<!tpu.dma_semaphore, #tpu.memory_space<semaphore_mem>>
        %dma_start3A = arith.constant 0 : i32
        %dma_start3A_49 = tpu.memref_slice %arg3[%select_n3A, %dma_start3A] : memref<6400x128xi32, #tpu.memory_space<hbm>> -> memref<8x128xi32, #tpu.memory_space<hbm>>
        %dma_start3A_50 = arith.constant 0 : i32
        %dma_start3A_51 = tpu.memref_slice %arg3[%select_n3A, %dma_start3A_50] : memref<6400x128xi32, #tpu.memory_space<hbm>> -> memref<8x128xi32, #tpu.memory_space<hbm>>
        tpu.enqueue_dma source(%dma_start3A_51 : memref<8x128xi32, #tpu.memory_space<hbm>>) target(%arg7 : memref<8x128xi32, #tpu.memory_space<vmem>>) target_semaphore(%run_scoped3A_48 : memref<!tpu.dma_semaphore, #tpu.memory_space<semaphore_mem>>)
        %dma_wait3A = arith.constant 0 : i32
        %dma_wait3A_52 = tpu.memref_slice %arg3[%select_n3A, %dma_wait3A] : memref<6400x128xi32, #tpu.memory_space<hbm>> -> memref<8x128xi32, #tpu.memory_space<hbm>>
        %dma_wait3A_53 = arith.constant 0 : i32
        %dma_wait3A_54 = tpu.memref_slice %arg3[%select_n3A, %dma_wait3A_53] : memref<6400x128xi32, #tpu.memory_space<hbm>> -> memref<8x128xi32, #tpu.memory_space<hbm>>
        tpu.wait_dma2 semaphore(%run_scoped3A_48 : memref<!tpu.dma_semaphore, #tpu.memory_space<semaphore_mem>>) src(%dma_wait3A_54 : memref<8x128xi32, #tpu.memory_space<hbm>>) dst(%arg7 : memref<8x128xi32, #tpu.memory_space<vmem>>)
        tpu.yield
      }) : () -> ()
      "tpu.region"() ({
        %run_scoped3A_48 = tpu.sem_alloc : memref<!tpu.dma_semaphore, #tpu.memory_space<semaphore_mem>>
        %dma_start3A = arith.constant 0 : i32
        %dma_start3A_49 = tpu.memref_slice %arg2[%add3A_24, %dma_start3A] : memref<819200x16xf32, #tpu.memory_space<hbm>> -> memref<1024x8xf32, #tpu.memory_space<hbm>>
        %dma_start3A_50 = arith.constant 0 : i32
        %dma_start3A_51 = tpu.memref_slice %arg2[%add3A_24, %dma_start3A_50] : memref<819200x16xf32, #tpu.memory_space<hbm>> -> memref<1024x8xf32, #tpu.memory_space<hbm>>
        tpu.enqueue_dma source(%dma_start3A_51 : memref<1024x8xf32, #tpu.memory_space<hbm>>) target(%arg8 : memref<1024x8xf32, #tpu.memory_space<vmem>>) target_semaphore(%run_scoped3A_48 : memref<!tpu.dma_semaphore, #tpu.memory_space<semaphore_mem>>)
        %dma_wait3A = arith.constant 0 : i32
        %dma_wait3A_52 = tpu.memref_slice %arg2[%add3A_24, %dma_wait3A] : memref<819200x16xf32, #tpu.memory_space<hbm>> -> memref<1024x8xf32, #tpu.memory_space<hbm>>
        %dma_wait3A_53 = arith.constant 0 : i32
        %dma_wait3A_54 = tpu.memref_slice %arg2[%add3A_24, %dma_wait3A_53] : memref<819200x16xf32, #tpu.memory_space<hbm>> -> memref<1024x8xf32, #tpu.memory_space<hbm>>
        tpu.wait_dma2 semaphore(%run_scoped3A_48 : memref<!tpu.dma_semaphore, #tpu.memory_space<semaphore_mem>>) src(%dma_wait3A_54 : memref<1024x8xf32, #tpu.memory_space<hbm>>) dst(%arg8 : memref<1024x8xf32, #tpu.memory_space<vmem>>)
        tpu.yield
      }) : () -> ()
      %run_scoped3A = arith.constant 0 : i32
      "tpu.region"() ({
        %run_scoped3A_48 = tpu.sem_alloc : memref<!tpu.dma_semaphore, #tpu.memory_space<semaphore_mem>>
        %dma_start3A = arith.constant 0 : i32
        %dma_start3A_49 = arith.constant 0 : i32
        %dma_start3A_50 = tpu.memref_slice %arg8[%dma_start3A, %dma_start3A_49] : memref<1024x8xf32, #tpu.memory_space<vmem>> -> memref<128x8xf32, #tpu.memory_space<vmem>>
        %dma_start3A_51 = arith.constant 0 : i32
        %dma_start3A_52 = tpu.memref_slice %arg7[%run_scoped3A, %dma_start3A_51] : memref<8x128xi32, #tpu.memory_space<vmem>> -> memref<1x128xi32, #tpu.memory_space<vmem>>
        %dma_start3A_53 = tpu.memref_squeeze %dma_start3A_52 : memref<1x128xi32, #tpu.memory_space<vmem>> -> memref<128xi32, #tpu.memory_space<vmem>>
        %dma_start3A_54 = arith.constant 0 : i32
        %dma_start3A_55 = arith.constant 0 : i32
        %dma_start3A_56 = tpu.memref_slice %arg9[%dma_start3A_54, %dma_start3A_55] : memref<100352x8xf32, #tpu.memory_space<vmem_shared>> -> memref<100352x8xf32, #tpu.memory_space<vmem_shared>>
        tpu.enqueue_indirect_dma source(%dma_start3A_50 : memref<128x8xf32, #tpu.memory_space<vmem>>) target(%dma_start3A_56 : memref<100352x8xf32, #tpu.memory_space<vmem_shared>>) offsets(%dma_start3A_53 : memref<128xi32, #tpu.memory_space<vmem>>) semaphore(%run_scoped3A_48 : memref<!tpu.dma_semaphore, #tpu.memory_space<semaphore_mem>>) {add = true}
        %dma_wait3A = arith.constant 0 : i32
        %dma_wait3A_57 = arith.constant 0 : i32
        %dma_wait3A_58 = tpu.memref_slice %arg8[%dma_wait3A, %dma_wait3A_57] : memref<1024x8xf32, #tpu.memory_space<vmem>> -> memref<128x8xf32, #tpu.memory_space<vmem>>
        %dma_wait3A_59 = arith.constant 0 : i32
        %dma_wait3A_60 = tpu.memref_slice %arg7[%run_scoped3A, %dma_wait3A_59] : memref<8x128xi32, #tpu.memory_space<vmem>> -> memref<1x128xi32, #tpu.memory_space<vmem>>
        %dma_wait3A_61 = tpu.memref_squeeze %dma_wait3A_60 : memref<1x128xi32, #tpu.memory_space<vmem>> -> memref<128xi32, #tpu.memory_space<vmem>>
        %dma_wait3A_62 = arith.constant 0 : i32
        %dma_wait3A_63 = arith.constant 0 : i32
        %dma_wait3A_64 = tpu.memref_slice %arg9[%dma_wait3A_62, %dma_wait3A_63] : memref<100352x8xf32, #tpu.memory_space<vmem_shared>> -> memref<100352x8xf32, #tpu.memory_space<vmem_shared>>
        tpu.wait_indirect_dma semaphore(%run_scoped3A_48 : memref<!tpu.dma_semaphore, #tpu.memory_space<semaphore_mem>>) src(%dma_wait3A_58 : memref<128x8xf32, #tpu.memory_space<vmem>>) dst(%dma_wait3A_64 : memref<100352x8xf32, #tpu.memory_space<vmem_shared>>)
        tpu.yield
      }) : () -> ()
      %run_scoped3A_41 = arith.constant 1 : i32
      "tpu.region"() ({
        %run_scoped3A_48 = tpu.sem_alloc : memref<!tpu.dma_semaphore, #tpu.memory_space<semaphore_mem>>
        %dma_start3A = arith.constant 128 : i32
        %dma_start3A_49 = arith.constant 0 : i32
        %dma_start3A_50 = tpu.memref_slice %arg8[%dma_start3A, %dma_start3A_49] : memref<1024x8xf32, #tpu.memory_space<vmem>> -> memref<128x8xf32, #tpu.memory_space<vmem>>
        %dma_start3A_51 = arith.constant 0 : i32
        %dma_start3A_52 = tpu.memref_slice %arg7[%run_scoped3A_41, %dma_start3A_51] : memref<8x128xi32, #tpu.memory_space<vmem>> -> memref<1x128xi32, #tpu.memory_space<vmem>>
        %dma_start3A_53 = tpu.memref_squeeze %dma_start3A_52 : memref<1x128xi32, #tpu.memory_space<vmem>> -> memref<128xi32, #tpu.memory_space<vmem>>
        %dma_start3A_54 = arith.constant 0 : i32
        %dma_start3A_55 = arith.constant 0 : i32
        %dma_start3A_56 = tpu.memref_slice %arg9[%dma_start3A_54, %dma_start3A_55] : memref<100352x8xf32, #tpu.memory_space<vmem_shared>> -> memref<100352x8xf32, #tpu.memory_space<vmem_shared>>
        tpu.enqueue_indirect_dma source(%dma_start3A_50 : memref<128x8xf32, #tpu.memory_space<vmem>>) target(%dma_start3A_56 : memref<100352x8xf32, #tpu.memory_space<vmem_shared>>) offsets(%dma_start3A_53 : memref<128xi32, #tpu.memory_space<vmem>>) semaphore(%run_scoped3A_48 : memref<!tpu.dma_semaphore, #tpu.memory_space<semaphore_mem>>) {add = true}
        %dma_wait3A = arith.constant 128 : i32
        %dma_wait3A_57 = arith.constant 0 : i32
        %dma_wait3A_58 = tpu.memref_slice %arg8[%dma_wait3A, %dma_wait3A_57] : memref<1024x8xf32, #tpu.memory_space<vmem>> -> memref<128x8xf32, #tpu.memory_space<vmem>>
        %dma_wait3A_59 = arith.constant 0 : i32
        %dma_wait3A_60 = tpu.memref_slice %arg7[%run_scoped3A_41, %dma_wait3A_59] : memref<8x128xi32, #tpu.memory_space<vmem>> -> memref<1x128xi32, #tpu.memory_space<vmem>>
        %dma_wait3A_61 = tpu.memref_squeeze %dma_wait3A_60 : memref<1x128xi32, #tpu.memory_space<vmem>> -> memref<128xi32, #tpu.memory_space<vmem>>
        %dma_wait3A_62 = arith.constant 0 : i32
        %dma_wait3A_63 = arith.constant 0 : i32
        %dma_wait3A_64 = tpu.memref_slice %arg9[%dma_wait3A_62, %dma_wait3A_63] : memref<100352x8xf32, #tpu.memory_space<vmem_shared>> -> memref<100352x8xf32, #tpu.memory_space<vmem_shared>>
        tpu.wait_indirect_dma semaphore(%run_scoped3A_48 : memref<!tpu.dma_semaphore, #tpu.memory_space<semaphore_mem>>) src(%dma_wait3A_58 : memref<128x8xf32, #tpu.memory_space<vmem>>) dst(%dma_wait3A_64 : memref<100352x8xf32, #tpu.memory_space<vmem_shared>>)
        tpu.yield
      }) : () -> ()
      %run_scoped3A_42 = arith.constant 2 : i32
      "tpu.region"() ({
        %run_scoped3A_48 = tpu.sem_alloc : memref<!tpu.dma_semaphore, #tpu.memory_space<semaphore_mem>>
        %dma_start3A = arith.constant 256 : i32
        %dma_start3A_49 = arith.constant 0 : i32
        %dma_start3A_50 = tpu.memref_slice %arg8[%dma_start3A, %dma_start3A_49] : memref<1024x8xf32, #tpu.memory_space<vmem>> -> memref<128x8xf32, #tpu.memory_space<vmem>>
        %dma_start3A_51 = arith.constant 0 : i32
        %dma_start3A_52 = tpu.memref_slice %arg7[%run_scoped3A_42, %dma_start3A_51] : memref<8x128xi32, #tpu.memory_space<vmem>> -> memref<1x128xi32, #tpu.memory_space<vmem>>
        %dma_start3A_53 = tpu.memref_squeeze %dma_start3A_52 : memref<1x128xi32, #tpu.memory_space<vmem>> -> memref<128xi32, #tpu.memory_space<vmem>>
        %dma_start3A_54 = arith.constant 0 : i32
        %dma_start3A_55 = arith.constant 0 : i32
        %dma_start3A_56 = tpu.memref_slice %arg9[%dma_start3A_54, %dma_start3A_55] : memref<100352x8xf32, #tpu.memory_space<vmem_shared>> -> memref<100352x8xf32, #tpu.memory_space<vmem_shared>>
        tpu.enqueue_indirect_dma source(%dma_start3A_50 : memref<128x8xf32, #tpu.memory_space<vmem>>) target(%dma_start3A_56 : memref<100352x8xf32, #tpu.memory_space<vmem_shared>>) offsets(%dma_start3A_53 : memref<128xi32, #tpu.memory_space<vmem>>) semaphore(%run_scoped3A_48 : memref<!tpu.dma_semaphore, #tpu.memory_space<semaphore_mem>>) {add = true}
        %dma_wait3A = arith.constant 256 : i32
        %dma_wait3A_57 = arith.constant 0 : i32
        %dma_wait3A_58 = tpu.memref_slice %arg8[%dma_wait3A, %dma_wait3A_57] : memref<1024x8xf32, #tpu.memory_space<vmem>> -> memref<128x8xf32, #tpu.memory_space<vmem>>
        %dma_wait3A_59 = arith.constant 0 : i32
        %dma_wait3A_60 = tpu.memref_slice %arg7[%run_scoped3A_42, %dma_wait3A_59] : memref<8x128xi32, #tpu.memory_space<vmem>> -> memref<1x128xi32, #tpu.memory_space<vmem>>
        %dma_wait3A_61 = tpu.memref_squeeze %dma_wait3A_60 : memref<1x128xi32, #tpu.memory_space<vmem>> -> memref<128xi32, #tpu.memory_space<vmem>>
        %dma_wait3A_62 = arith.constant 0 : i32
        %dma_wait3A_63 = arith.constant 0 : i32
        %dma_wait3A_64 = tpu.memref_slice %arg9[%dma_wait3A_62, %dma_wait3A_63] : memref<100352x8xf32, #tpu.memory_space<vmem_shared>> -> memref<100352x8xf32, #tpu.memory_space<vmem_shared>>
        tpu.wait_indirect_dma semaphore(%run_scoped3A_48 : memref<!tpu.dma_semaphore, #tpu.memory_space<semaphore_mem>>) src(%dma_wait3A_58 : memref<128x8xf32, #tpu.memory_space<vmem>>) dst(%dma_wait3A_64 : memref<100352x8xf32, #tpu.memory_space<vmem_shared>>)
        tpu.yield
      }) : () -> ()
      %run_scoped3A_43 = arith.constant 3 : i32
      "tpu.region"() ({
        %run_scoped3A_48 = tpu.sem_alloc : memref<!tpu.dma_semaphore, #tpu.memory_space<semaphore_mem>>
        %dma_start3A = arith.constant 384 : i32
        %dma_start3A_49 = arith.constant 0 : i32
        %dma_start3A_50 = tpu.memref_slice %arg8[%dma_start3A, %dma_start3A_49] : memref<1024x8xf32, #tpu.memory_space<vmem>> -> memref<128x8xf32, #tpu.memory_space<vmem>>
        %dma_start3A_51 = arith.constant 0 : i32
        %dma_start3A_52 = tpu.memref_slice %arg7[%run_scoped3A_43, %dma_start3A_51] : memref<8x128xi32, #tpu.memory_space<vmem>> -> memref<1x128xi32, #tpu.memory_space<vmem>>
        %dma_start3A_53 = tpu.memref_squeeze %dma_start3A_52 : memref<1x128xi32, #tpu.memory_space<vmem>> -> memref<128xi32, #tpu.memory_space<vmem>>
        %dma_start3A_54 = arith.constant 0 : i32
        %dma_start3A_55 = arith.constant 0 : i32
        %dma_start3A_56 = tpu.memref_slice %arg9[%dma_start3A_54, %dma_start3A_55] : memref<100352x8xf32, #tpu.memory_space<vmem_shared>> -> memref<100352x8xf32, #tpu.memory_space<vmem_shared>>
        tpu.enqueue_indirect_dma source(%dma_start3A_50 : memref<128x8xf32, #tpu.memory_space<vmem>>) target(%dma_start3A_56 : memref<100352x8xf32, #tpu.memory_space<vmem_shared>>) offsets(%dma_start3A_53 : memref<128xi32, #tpu.memory_space<vmem>>) semaphore(%run_scoped3A_48 : memref<!tpu.dma_semaphore, #tpu.memory_space<semaphore_mem>>) {add = true}
        %dma_wait3A = arith.constant 384 : i32
        %dma_wait3A_57 = arith.constant 0 : i32
        %dma_wait3A_58 = tpu.memref_slice %arg8[%dma_wait3A, %dma_wait3A_57] : memref<1024x8xf32, #tpu.memory_space<vmem>> -> memref<128x8xf32, #tpu.memory_space<vmem>>
        %dma_wait3A_59 = arith.constant 0 : i32
        %dma_wait3A_60 = tpu.memref_slice %arg7[%run_scoped3A_43, %dma_wait3A_59] : memref<8x128xi32, #tpu.memory_space<vmem>> -> memref<1x128xi32, #tpu.memory_space<vmem>>
        %dma_wait3A_61 = tpu.memref_squeeze %dma_wait3A_60 : memref<1x128xi32, #tpu.memory_space<vmem>> -> memref<128xi32, #tpu.memory_space<vmem>>
        %dma_wait3A_62 = arith.constant 0 : i32
        %dma_wait3A_63 = arith.constant 0 : i32
        %dma_wait3A_64 = tpu.memref_slice %arg9[%dma_wait3A_62, %dma_wait3A_63] : memref<100352x8xf32, #tpu.memory_space<vmem_shared>> -> memref<100352x8xf32, #tpu.memory_space<vmem_shared>>
        tpu.wait_indirect_dma semaphore(%run_scoped3A_48 : memref<!tpu.dma_semaphore, #tpu.memory_space<semaphore_mem>>) src(%dma_wait3A_58 : memref<128x8xf32, #tpu.memory_space<vmem>>) dst(%dma_wait3A_64 : memref<100352x8xf32, #tpu.memory_space<vmem_shared>>)
        tpu.yield
      }) : () -> ()
      %run_scoped3A_44 = arith.constant 4 : i32
      "tpu.region"() ({
        %run_scoped3A_48 = tpu.sem_alloc : memref<!tpu.dma_semaphore, #tpu.memory_space<semaphore_mem>>
        %dma_start3A = arith.constant 512 : i32
        %dma_start3A_49 = arith.constant 0 : i32
        %dma_start3A_50 = tpu.memref_slice %arg8[%dma_start3A, %dma_start3A_49] : memref<1024x8xf32, #tpu.memory_space<vmem>> -> memref<128x8xf32, #tpu.memory_space<vmem>>
        %dma_start3A_51 = arith.constant 0 : i32
        %dma_start3A_52 = tpu.memref_slice %arg7[%run_scoped3A_44, %dma_start3A_51] : memref<8x128xi32, #tpu.memory_space<vmem>> -> memref<1x128xi32, #tpu.memory_space<vmem>>
        %dma_start3A_53 = tpu.memref_squeeze %dma_start3A_52 : memref<1x128xi32, #tpu.memory_space<vmem>> -> memref<128xi32, #tpu.memory_space<vmem>>
        %dma_start3A_54 = arith.constant 0 : i32
        %dma_start3A_55 = arith.constant 0 : i32
        %dma_start3A_56 = tpu.memref_slice %arg9[%dma_start3A_54, %dma_start3A_55] : memref<100352x8xf32, #tpu.memory_space<vmem_shared>> -> memref<100352x8xf32, #tpu.memory_space<vmem_shared>>
        tpu.enqueue_indirect_dma source(%dma_start3A_50 : memref<128x8xf32, #tpu.memory_space<vmem>>) target(%dma_start3A_56 : memref<100352x8xf32, #tpu.memory_space<vmem_shared>>) offsets(%dma_start3A_53 : memref<128xi32, #tpu.memory_space<vmem>>) semaphore(%run_scoped3A_48 : memref<!tpu.dma_semaphore, #tpu.memory_space<semaphore_mem>>) {add = true}
        %dma_wait3A = arith.constant 512 : i32
        %dma_wait3A_57 = arith.constant 0 : i32
        %dma_wait3A_58 = tpu.memref_slice %arg8[%dma_wait3A, %dma_wait3A_57] : memref<1024x8xf32, #tpu.memory_space<vmem>> -> memref<128x8xf32, #tpu.memory_space<vmem>>
        %dma_wait3A_59 = arith.constant 0 : i32
        %dma_wait3A_60 = tpu.memref_slice %arg7[%run_scoped3A_44, %dma_wait3A_59] : memref<8x128xi32, #tpu.memory_space<vmem>> -> memref<1x128xi32, #tpu.memory_space<vmem>>
        %dma_wait3A_61 = tpu.memref_squeeze %dma_wait3A_60 : memref<1x128xi32, #tpu.memory_space<vmem>> -> memref<128xi32, #tpu.memory_space<vmem>>
        %dma_wait3A_62 = arith.constant 0 : i32
        %dma_wait3A_63 = arith.constant 0 : i32
        %dma_wait3A_64 = tpu.memref_slice %arg9[%dma_wait3A_62, %dma_wait3A_63] : memref<100352x8xf32, #tpu.memory_space<vmem_shared>> -> memref<100352x8xf32, #tpu.memory_space<vmem_shared>>
        tpu.wait_indirect_dma semaphore(%run_scoped3A_48 : memref<!tpu.dma_semaphore, #tpu.memory_space<semaphore_mem>>) src(%dma_wait3A_58 : memref<128x8xf32, #tpu.memory_space<vmem>>) dst(%dma_wait3A_64 : memref<100352x8xf32, #tpu.memory_space<vmem_shared>>)
        tpu.yield
      }) : () -> ()
      %run_scoped3A_45 = arith.constant 5 : i32
      "tpu.region"() ({
        %run_scoped3A_48 = tpu.sem_alloc : memref<!tpu.dma_semaphore, #tpu.memory_space<semaphore_mem>>
        %dma_start3A = arith.constant 640 : i32
        %dma_start3A_49 = arith.constant 0 : i32
        %dma_start3A_50 = tpu.memref_slice %arg8[%dma_start3A, %dma_start3A_49] : memref<1024x8xf32, #tpu.memory_space<vmem>> -> memref<128x8xf32, #tpu.memory_space<vmem>>
        %dma_start3A_51 = arith.constant 0 : i32
        %dma_start3A_52 = tpu.memref_slice %arg7[%run_scoped3A_45, %dma_start3A_51] : memref<8x128xi32, #tpu.memory_space<vmem>> -> memref<1x128xi32, #tpu.memory_space<vmem>>
        %dma_start3A_53 = tpu.memref_squeeze %dma_start3A_52 : memref<1x128xi32, #tpu.memory_space<vmem>> -> memref<128xi32, #tpu.memory_space<vmem>>
        %dma_start3A_54 = arith.constant 0 : i32
        %dma_start3A_55 = arith.constant 0 : i32
        %dma_start3A_56 = tpu.memref_slice %arg9[%dma_start3A_54, %dma_start3A_55] : memref<100352x8xf32, #tpu.memory_space<vmem_shared>> -> memref<100352x8xf32, #tpu.memory_space<vmem_shared>>
        tpu.enqueue_indirect_dma source(%dma_start3A_50 : memref<128x8xf32, #tpu.memory_space<vmem>>) target(%dma_start3A_56 : memref<100352x8xf32, #tpu.memory_space<vmem_shared>>) offsets(%dma_start3A_53 : memref<128xi32, #tpu.memory_space<vmem>>) semaphore(%run_scoped3A_48 : memref<!tpu.dma_semaphore, #tpu.memory_space<semaphore_mem>>) {add = true}
        %dma_wait3A = arith.constant 640 : i32
        %dma_wait3A_57 = arith.constant 0 : i32
        %dma_wait3A_58 = tpu.memref_slice %arg8[%dma_wait3A, %dma_wait3A_57] : memref<1024x8xf32, #tpu.memory_space<vmem>> -> memref<128x8xf32, #tpu.memory_space<vmem>>
        %dma_wait3A_59 = arith.constant 0 : i32
        %dma_wait3A_60 = tpu.memref_slice %arg7[%run_scoped3A_45, %dma_wait3A_59] : memref<8x128xi32, #tpu.memory_space<vmem>> -> memref<1x128xi32, #tpu.memory_space<vmem>>
        %dma_wait3A_61 = tpu.memref_squeeze %dma_wait3A_60 : memref<1x128xi32, #tpu.memory_space<vmem>> -> memref<128xi32, #tpu.memory_space<vmem>>
        %dma_wait3A_62 = arith.constant 0 : i32
        %dma_wait3A_63 = arith.constant 0 : i32
        %dma_wait3A_64 = tpu.memref_slice %arg9[%dma_wait3A_62, %dma_wait3A_63] : memref<100352x8xf32, #tpu.memory_space<vmem_shared>> -> memref<100352x8xf32, #tpu.memory_space<vmem_shared>>
        tpu.wait_indirect_dma semaphore(%run_scoped3A_48 : memref<!tpu.dma_semaphore, #tpu.memory_space<semaphore_mem>>) src(%dma_wait3A_58 : memref<128x8xf32, #tpu.memory_space<vmem>>) dst(%dma_wait3A_64 : memref<100352x8xf32, #tpu.memory_space<vmem_shared>>)
        tpu.yield
      }) : () -> ()
      %run_scoped3A_46 = arith.constant 6 : i32
      "tpu.region"() ({
        %run_scoped3A_48 = tpu.sem_alloc : memref<!tpu.dma_semaphore, #tpu.memory_space<semaphore_mem>>
        %dma_start3A = arith.constant 768 : i32
        %dma_start3A_49 = arith.constant 0 : i32
        %dma_start3A_50 = tpu.memref_slice %arg8[%dma_start3A, %dma_start3A_49] : memref<1024x8xf32, #tpu.memory_space<vmem>> -> memref<128x8xf32, #tpu.memory_space<vmem>>
        %dma_start3A_51 = arith.constant 0 : i32
        %dma_start3A_52 = tpu.memref_slice %arg7[%run_scoped3A_46, %dma_start3A_51] : memref<8x128xi32, #tpu.memory_space<vmem>> -> memref<1x128xi32, #tpu.memory_space<vmem>>
        %dma_start3A_53 = tpu.memref_squeeze %dma_start3A_52 : memref<1x128xi32, #tpu.memory_space<vmem>> -> memref<128xi32, #tpu.memory_space<vmem>>
        %dma_start3A_54 = arith.constant 0 : i32
        %dma_start3A_55 = arith.constant 0 : i32
        %dma_start3A_56 = tpu.memref_slice %arg9[%dma_start3A_54, %dma_start3A_55] : memref<100352x8xf32, #tpu.memory_space<vmem_shared>> -> memref<100352x8xf32, #tpu.memory_space<vmem_shared>>
        tpu.enqueue_indirect_dma source(%dma_start3A_50 : memref<128x8xf32, #tpu.memory_space<vmem>>) target(%dma_start3A_56 : memref<100352x8xf32, #tpu.memory_space<vmem_shared>>) offsets(%dma_start3A_53 : memref<128xi32, #tpu.memory_space<vmem>>) semaphore(%run_scoped3A_48 : memref<!tpu.dma_semaphore, #tpu.memory_space<semaphore_mem>>) {add = true}
        %dma_wait3A = arith.constant 768 : i32
        %dma_wait3A_57 = arith.constant 0 : i32
        %dma_wait3A_58 = tpu.memref_slice %arg8[%dma_wait3A, %dma_wait3A_57] : memref<1024x8xf32, #tpu.memory_space<vmem>> -> memref<128x8xf32, #tpu.memory_space<vmem>>
        %dma_wait3A_59 = arith.constant 0 : i32
        %dma_wait3A_60 = tpu.memref_slice %arg7[%run_scoped3A_46, %dma_wait3A_59] : memref<8x128xi32, #tpu.memory_space<vmem>> -> memref<1x128xi32, #tpu.memory_space<vmem>>
        %dma_wait3A_61 = tpu.memref_squeeze %dma_wait3A_60 : memref<1x128xi32, #tpu.memory_space<vmem>> -> memref<128xi32, #tpu.memory_space<vmem>>
        %dma_wait3A_62 = arith.constant 0 : i32
        %dma_wait3A_63 = arith.constant 0 : i32
        %dma_wait3A_64 = tpu.memref_slice %arg9[%dma_wait3A_62, %dma_wait3A_63] : memref<100352x8xf32, #tpu.memory_space<vmem_shared>> -> memref<100352x8xf32, #tpu.memory_space<vmem_shared>>
        tpu.wait_indirect_dma semaphore(%run_scoped3A_48 : memref<!tpu.dma_semaphore, #tpu.memory_space<semaphore_mem>>) src(%dma_wait3A_58 : memref<128x8xf32, #tpu.memory_space<vmem>>) dst(%dma_wait3A_64 : memref<100352x8xf32, #tpu.memory_space<vmem_shared>>)
        tpu.yield
      }) : () -> ()
      %run_scoped3A_47 = arith.constant 7 : i32
      "tpu.region"() ({
        %run_scoped3A_48 = tpu.sem_alloc : memref<!tpu.dma_semaphore, #tpu.memory_space<semaphore_mem>>
        %dma_start3A = arith.constant 896 : i32
        %dma_start3A_49 = arith.constant 0 : i32
        %dma_start3A_50 = tpu.memref_slice %arg8[%dma_start3A, %dma_start3A_49] : memref<1024x8xf32, #tpu.memory_space<vmem>> -> memref<128x8xf32, #tpu.memory_space<vmem>>
        %dma_start3A_51 = arith.constant 0 : i32
        %dma_start3A_52 = tpu.memref_slice %arg7[%run_scoped3A_47, %dma_start3A_51] : memref<8x128xi32, #tpu.memory_space<vmem>> -> memref<1x128xi32, #tpu.memory_space<vmem>>
        %dma_start3A_53 = tpu.memref_squeeze %dma_start3A_52 : memref<1x128xi32, #tpu.memory_space<vmem>> -> memref<128xi32, #tpu.memory_space<vmem>>
        %dma_start3A_54 = arith.constant 0 : i32
        %dma_start3A_55 = arith.constant 0 : i32
        %dma_start3A_56 = tpu.memref_slice %arg9[%dma_start3A_54, %dma_start3A_55] : memref<100352x8xf32, #tpu.memory_space<vmem_shared>> -> memref<100352x8xf32, #tpu.memory_space<vmem_shared>>
        tpu.enqueue_indirect_dma source(%dma_start3A_50 : memref<128x8xf32, #tpu.memory_space<vmem>>) target(%dma_start3A_56 : memref<100352x8xf32, #tpu.memory_space<vmem_shared>>) offsets(%dma_start3A_53 : memref<128xi32, #tpu.memory_space<vmem>>) semaphore(%run_scoped3A_48 : memref<!tpu.dma_semaphore, #tpu.memory_space<semaphore_mem>>) {add = true}
        %dma_wait3A = arith.constant 896 : i32
        %dma_wait3A_57 = arith.constant 0 : i32
        %dma_wait3A_58 = tpu.memref_slice %arg8[%dma_wait3A, %dma_wait3A_57] : memref<1024x8xf32, #tpu.memory_space<vmem>> -> memref<128x8xf32, #tpu.memory_space<vmem>>
        %dma_wait3A_59 = arith.constant 0 : i32
        %dma_wait3A_60 = tpu.memref_slice %arg7[%run_scoped3A_47, %dma_wait3A_59] : memref<8x128xi32, #tpu.memory_space<vmem>> -> memref<1x128xi32, #tpu.memory_space<vmem>>
        %dma_wait3A_61 = tpu.memref_squeeze %dma_wait3A_60 : memref<1x128xi32, #tpu.memory_space<vmem>> -> memref<128xi32, #tpu.memory_space<vmem>>
        %dma_wait3A_62 = arith.constant 0 : i32
        %dma_wait3A_63 = arith.constant 0 : i32
        %dma_wait3A_64 = tpu.memref_slice %arg9[%dma_wait3A_62, %dma_wait3A_63] : memref<100352x8xf32, #tpu.memory_space<vmem_shared>> -> memref<100352x8xf32, #tpu.memory_space<vmem_shared>>
        tpu.wait_indirect_dma semaphore(%run_scoped3A_48 : memref<!tpu.dma_semaphore, #tpu.memory_space<semaphore_mem>>) src(%dma_wait3A_58 : memref<128x8xf32, #tpu.memory_space<vmem>>) dst(%dma_wait3A_64 : memref<100352x8xf32, #tpu.memory_space<vmem_shared>>)
        tpu.yield
      }) : () -> ()
    }
    %scan3A_6 = arith.constant 25 : i32
    %barrier3A_7 = arith.constant 0 : index
    tpu.barrier barrier_id(%barrier3A_7)
    %eq3A = arith.constant 0 : i32
    %eq3A_8 = arith.cmpi eq, %arg0, %eq3A : i32
    %convert_element_type3A = arith.extui %eq3A_8 : i1 to i32
    %cond3A = arith.constant 0 : i32
    %cond3A_9 = arith.cmpi ne, %convert_element_type3A, %cond3A : i32
    scf.if %cond3A_9 {
      "tpu.region"() ({
        %run_scoped3A = tpu.sem_alloc : memref<!tpu.dma_semaphore, #tpu.memory_space<semaphore_mem>>
        %dma_start3A = arith.constant 0 : i32
        %dma_start3A_15 = tpu.memref_slice %arg5[%mul3A_2, %dma_start3A] : memref<100352x8xf32, #tpu.memory_space<hbm>> -> memref<6272x8xf32, #tpu.memory_space<hbm>>
        %dma_start3A_16 = arith.constant 0 : i32
        %dma_start3A_17 = tpu.memref_slice %arg9[%mul3A_2, %dma_start3A_16] : memref<100352x8xf32, #tpu.memory_space<vmem_shared>> -> memref<6272x8xf32, #tpu.memory_space<vmem_shared>>
        tpu.enqueue_dma source(%dma_start3A_17 : memref<6272x8xf32, #tpu.memory_space<vmem_shared>>) target(%dma_start3A_15 : memref<6272x8xf32, #tpu.memory_space<hbm>>) target_semaphore(%run_scoped3A : memref<!tpu.dma_semaphore, #tpu.memory_space<semaphore_mem>>)
        %dma_wait3A = arith.constant 0 : i32
        %dma_wait3A_18 = tpu.memref_slice %arg5[%mul3A_2, %dma_wait3A] : memref<100352x8xf32, #tpu.memory_space<hbm>> -> memref<6272x8xf32, #tpu.memory_space<hbm>>
        %dma_wait3A_19 = arith.constant 0 : i32
        %dma_wait3A_20 = tpu.memref_slice %arg9[%mul3A_2, %dma_wait3A_19] : memref<100352x8xf32, #tpu.memory_space<vmem_shared>> -> memref<6272x8xf32, #tpu.memory_space<vmem_shared>>
        tpu.wait_dma2 semaphore(%run_scoped3A : memref<!tpu.dma_semaphore, #tpu.memory_space<semaphore_mem>>) src(%dma_wait3A_20 : memref<6272x8xf32, #tpu.memory_space<vmem_shared>>) dst(%dma_wait3A_18 : memref<6272x8xf32, #tpu.memory_space<hbm>>)
        tpu.yield
      }) : () -> ()
    } else {
    }
    %eq3A_10 = arith.constant 1 : i32
    %eq3A_11 = arith.cmpi eq, %arg0, %eq3A_10 : i32
    %convert_element_type3A_12 = arith.extui %eq3A_11 : i1 to i32
    %cond3A_13 = arith.constant 0 : i32
    %cond3A_14 = arith.cmpi ne, %convert_element_type3A_12, %cond3A_13 : i32
    scf.if %cond3A_14 {
      "tpu.region"() ({
        %run_scoped3A = tpu.sem_alloc : memref<!tpu.dma_semaphore, #tpu.memory_space<semaphore_mem>>
        %dma_start3A = arith.constant 0 : i32
        %dma_start3A_15 = tpu.memref_slice %arg6[%mul3A_2, %dma_start3A] : memref<100352x8xf32, #tpu.memory_space<hbm>> -> memref<6272x8xf32, #tpu.memory_space<hbm>>
        %dma_start3A_16 = arith.constant 0 : i32
        %dma_start3A_17 = tpu.memref_slice %arg9[%mul3A_2, %dma_start3A_16] : memref<100352x8xf32, #tpu.memory_space<vmem_shared>> -> memref<6272x8xf32, #tpu.memory_space<vmem_shared>>
        tpu.enqueue_dma source(%dma_start3A_17 : memref<6272x8xf32, #tpu.memory_space<vmem_shared>>) target(%dma_start3A_15 : memref<6272x8xf32, #tpu.memory_space<hbm>>) target_semaphore(%run_scoped3A : memref<!tpu.dma_semaphore, #tpu.memory_space<semaphore_mem>>)
        %dma_wait3A = arith.constant 0 : i32
        %dma_wait3A_18 = tpu.memref_slice %arg6[%mul3A_2, %dma_wait3A] : memref<100352x8xf32, #tpu.memory_space<hbm>> -> memref<6272x8xf32, #tpu.memory_space<hbm>>
        %dma_wait3A_19 = arith.constant 0 : i32
        %dma_wait3A_20 = tpu.memref_slice %arg9[%mul3A_2, %dma_wait3A_19] : memref<100352x8xf32, #tpu.memory_space<vmem_shared>> -> memref<6272x8xf32, #tpu.memory_space<vmem_shared>>
        tpu.wait_dma2 semaphore(%run_scoped3A : memref<!tpu.dma_semaphore, #tpu.memory_space<semaphore_mem>>) src(%dma_wait3A_20 : memref<6272x8xf32, #tpu.memory_space<vmem_shared>>) dst(%dma_wait3A_18 : memref<6272x8xf32, #tpu.memory_space<hbm>>)
        tpu.yield
      }) : () -> ()
    } else {
    }
    return
  }
}

#map = affine_map<(d0, d1) -> (0, 0)>
#map1 = affine_map<(d0, d1) -> (0)>
module attributes {stable_mosaic.version = 14 : i64} {
  func.func @_gather_k(%arg0: i32, %arg1: i32, %arg2: memref<100352x16xf32, #tpu.memory_space<hbm>>, %arg3: memref<100352x16xf32, #tpu.memory_space<hbm>>, %arg4: memref<819200xi32, #tpu.memory_space<hbm>>, %arg5: memref<819200xi32, #tpu.memory_space<hbm>>, %arg6: memref<819200x16xf32, #tpu.memory_space<hbm>>, %arg7: memref<819200x16xf32, #tpu.memory_space<hbm>>, %arg8: memref<1024xi32, #tpu.memory_space<vmem>>, %arg9: memref<1024xi32, #tpu.memory_space<vmem>>, %arg10: memref<1024x16xf32, #tpu.memory_space<vmem>>, %arg11: memref<1024x16xf32, #tpu.memory_space<vmem>>, %arg12: memref<!tpu.dma_semaphore, #tpu.memory_space<semaphore_mem>>, %arg13: memref<!tpu.dma_semaphore, #tpu.memory_space<semaphore_mem>>, %arg14: memref<!tpu.dma_semaphore, #tpu.memory_space<semaphore_mem>>, %arg15: memref<!tpu.dma_semaphore, #tpu.memory_space<semaphore_mem>>, %arg16: memref<!tpu.dma_semaphore, #tpu.memory_space<semaphore_mem>>) attributes {dimension_semantics = [#tpu.dimension_semantics<core_parallel>, #tpu.dimension_semantics<subcore_parallel>], iteration_bounds = array<i64: 2, 16>, scalar_prefetch = 0 : i64, scratch_operands = 9 : i64, tpu.core_type = #tpu.core_type<sc_vector_subcore>, window_params = [{transform_indices = #map}, {transform_indices = #map}, {transform_indices = #map1}, {transform_indices = #map1}, {transform_indices = #map}, {transform_indices = #map}]} {
    %eq3A = arith.constant 0 : i32
    %eq3A_0 = arith.cmpi eq, %arg0, %eq3A : i32
    %convert_element_type3A = arith.extui %eq3A_0 : i1 to i32
    %cond3A = arith.constant 0 : i32
    %cond3A_1 = arith.cmpi ne, %convert_element_type3A, %cond3A : i32
    scf.if %cond3A_1 {
      %mul3A = arith.constant 51200 : i32
      %mul3A_7 = arith.muli %arg1, %mul3A : i32
      %add3A = arith.constant 0 : i32
      %add3A_8 = arith.addi %mul3A_7, %add3A : i32
      %dma_start3A = tpu.memref_slice %arg4[%add3A_8] : memref<819200xi32, #tpu.memory_space<hbm>> -> memref<1024xi32, #tpu.memory_space<hbm>>
      %dma_start3A_9 = tpu.memref_slice %arg4[%add3A_8] : memref<819200xi32, #tpu.memory_space<hbm>> -> memref<1024xi32, #tpu.memory_space<hbm>>
      tpu.enqueue_dma source(%dma_start3A_9 : memref<1024xi32, #tpu.memory_space<hbm>>) target(%arg8 : memref<1024xi32, #tpu.memory_space<vmem>>) target_semaphore(%arg12 : memref<!tpu.dma_semaphore, #tpu.memory_space<semaphore_mem>>)
      %scan3A = arith.constant 0 : i32
      %scan3A_10 = arith.constant 25 : i32
      %scan3A_11 = arith.addi %scan3A, %scan3A_10 : i32
      %scan3A_12 = arith.constant 1 : i32
      scf.for %scan3A_29 = %scan3A to %scan3A_11 step %scan3A_12  : i32 {
        %mul3A_30 = arith.constant 2 : i32
        %mul3A_31 = arith.muli %scan3A_29, %mul3A_30 : i32
        %add3A_32 = arith.constant 0 : i32
        %add3A_33 = arith.addi %add3A_32, %mul3A_31 : i32
        %mul3A_34 = arith.constant 51200 : i32
        %mul3A_35 = arith.muli %arg1, %mul3A_34 : i32
        %mul3A_36 = arith.constant 1024 : i32
        %mul3A_37 = arith.muli %add3A_33, %mul3A_36 : i32
        %add3A_38 = arith.addi %mul3A_35, %mul3A_37 : i32
        %dma_wait3A_39 = tpu.memref_slice %arg4[%add3A_38] : memref<819200xi32, #tpu.memory_space<hbm>> -> memref<1024xi32, #tpu.memory_space<hbm>>
        %dma_wait3A_40 = tpu.memref_slice %arg4[%add3A_38] : memref<819200xi32, #tpu.memory_space<hbm>> -> memref<1024xi32, #tpu.memory_space<hbm>>
        tpu.wait_dma2 semaphore(%arg12 : memref<!tpu.dma_semaphore, #tpu.memory_space<semaphore_mem>>) src(%dma_wait3A_40 : memref<1024xi32, #tpu.memory_space<hbm>>) dst(%arg8 : memref<1024xi32, #tpu.memory_space<vmem>>)
        %add3A_41 = arith.constant 1 : i32
        %add3A_42 = arith.addi %add3A_33, %add3A_41 : i32
        %lt3A = arith.constant 50 : i32
        %lt3A_43 = arith.cmpi slt, %add3A_42, %lt3A : i32
        %convert_element_type3A_44 = arith.extui %lt3A_43 : i1 to i32
        %cond3A_45 = arith.constant 0 : i32
        %cond3A_46 = arith.cmpi ne, %convert_element_type3A_44, %cond3A_45 : i32
        scf.if %cond3A_46 {
          %add3A_104 = arith.constant 1 : i32
          %add3A_105 = arith.addi %add3A_33, %add3A_104 : i32
          %mul3A_106 = arith.constant 51200 : i32
          %mul3A_107 = arith.muli %arg1, %mul3A_106 : i32
          %mul3A_108 = arith.constant 1024 : i32
          %mul3A_109 = arith.muli %add3A_105, %mul3A_108 : i32
          %add3A_110 = arith.addi %mul3A_107, %mul3A_109 : i32
          %dma_start3A_111 = tpu.memref_slice %arg4[%add3A_110] : memref<819200xi32, #tpu.memory_space<hbm>> -> memref<1024xi32, #tpu.memory_space<hbm>>
          %dma_start3A_112 = tpu.memref_slice %arg4[%add3A_110] : memref<819200xi32, #tpu.memory_space<hbm>> -> memref<1024xi32, #tpu.memory_space<hbm>>
          tpu.enqueue_dma source(%dma_start3A_112 : memref<1024xi32, #tpu.memory_space<hbm>>) target(%arg9 : memref<1024xi32, #tpu.memory_space<vmem>>) target_semaphore(%arg13 : memref<!tpu.dma_semaphore, #tpu.memory_space<semaphore_mem>>)
        } else {
        }
        %gt3A = arith.constant 0 : i32
        %gt3A_47 = arith.cmpi sgt, %add3A_33, %gt3A : i32
        %convert_element_type3A_48 = arith.extui %gt3A_47 : i1 to i32
        %cond3A_49 = arith.constant 0 : i32
        %cond3A_50 = arith.cmpi ne, %convert_element_type3A_48, %cond3A_49 : i32
        scf.if %cond3A_50 {
          %mul3A_104 = arith.constant 51200 : i32
          %mul3A_105 = arith.muli %arg1, %mul3A_104 : i32
          %mul3A_106 = arith.constant 1024 : i32
          %mul3A_107 = arith.muli %add3A_33, %mul3A_106 : i32
          %add3A_108 = arith.addi %mul3A_105, %mul3A_107 : i32
          %dma_wait3A_109 = arith.constant 0 : i32
          %dma_wait3A_110 = tpu.memref_slice %arg6[%add3A_108, %dma_wait3A_109] : memref<819200x16xf32, #tpu.memory_space<hbm>> -> memref<1024x16xf32, #tpu.memory_space<hbm>>
          %dma_wait3A_111 = arith.constant 0 : i32
          %dma_wait3A_112 = tpu.memref_slice %arg6[%add3A_108, %dma_wait3A_111] : memref<819200x16xf32, #tpu.memory_space<hbm>> -> memref<1024x16xf32, #tpu.memory_space<hbm>>
          tpu.wait_dma2 semaphore(%arg15 : memref<!tpu.dma_semaphore, #tpu.memory_space<semaphore_mem>>) src(%arg10 : memref<1024x16xf32, #tpu.memory_space<vmem>>) dst(%dma_wait3A_112 : memref<1024x16xf32, #tpu.memory_space<hbm>>)
        } else {
        }
        %dma_start3A_51 = arith.constant 0 : i32
        %dma_start3A_52 = arith.constant 0 : i32
        %dma_start3A_53 = tpu.memref_slice %arg2[%dma_start3A_51, %dma_start3A_52] : memref<100352x16xf32, #tpu.memory_space<hbm>> -> memref<100352x16xf32, #tpu.memory_space<hbm>>
        tpu.enqueue_indirect_dma source(%dma_start3A_53 : memref<100352x16xf32, #tpu.memory_space<hbm>>) target(%arg10 : memref<1024x16xf32, #tpu.memory_space<vmem>>) offsets(%arg8 : memref<1024xi32, #tpu.memory_space<vmem>>) semaphore(%arg14 : memref<!tpu.dma_semaphore, #tpu.memory_space<semaphore_mem>>)
        %dma_wait3A_54 = arith.constant 0 : i32
        %dma_wait3A_55 = arith.constant 0 : i32
        %dma_wait3A_56 = tpu.memref_slice %arg2[%dma_wait3A_54, %dma_wait3A_55] : memref<100352x16xf32, #tpu.memory_space<hbm>> -> memref<100352x16xf32, #tpu.memory_space<hbm>>
        tpu.wait_indirect_dma semaphore(%arg14 : memref<!tpu.dma_semaphore, #tpu.memory_space<semaphore_mem>>) src(%dma_wait3A_56 : memref<100352x16xf32, #tpu.memory_space<hbm>>) dst(%arg10 : memref<1024x16xf32, #tpu.memory_space<vmem>>)
        %mul3A_57 = arith.constant 51200 : i32
        %mul3A_58 = arith.muli %arg1, %mul3A_57 : i32
        %mul3A_59 = arith.constant 1024 : i32
        %mul3A_60 = arith.muli %add3A_33, %mul3A_59 : i32
        %add3A_61 = arith.addi %mul3A_58, %mul3A_60 : i32
        %dma_start3A_62 = arith.constant 0 : i32
        %dma_start3A_63 = tpu.memref_slice %arg6[%add3A_61, %dma_start3A_62] : memref<819200x16xf32, #tpu.memory_space<hbm>> -> memref<1024x16xf32, #tpu.memory_space<hbm>>
        %dma_start3A_64 = arith.constant 0 : i32
        %dma_start3A_65 = tpu.memref_slice %arg6[%add3A_61, %dma_start3A_64] : memref<819200x16xf32, #tpu.memory_space<hbm>> -> memref<1024x16xf32, #tpu.memory_space<hbm>>
        tpu.enqueue_dma source(%arg10 : memref<1024x16xf32, #tpu.memory_space<vmem>>) target(%dma_start3A_65 : memref<1024x16xf32, #tpu.memory_space<hbm>>) target_semaphore(%arg15 : memref<!tpu.dma_semaphore, #tpu.memory_space<semaphore_mem>>)
        %add3A_66 = arith.constant 1 : i32
        %add3A_67 = arith.addi %add3A_33, %add3A_66 : i32
        %mul3A_68 = arith.constant 51200 : i32
        %mul3A_69 = arith.muli %arg1, %mul3A_68 : i32
        %mul3A_70 = arith.constant 1024 : i32
        %mul3A_71 = arith.muli %add3A_67, %mul3A_70 : i32
        %add3A_72 = arith.addi %mul3A_69, %mul3A_71 : i32
        %dma_wait3A_73 = tpu.memref_slice %arg4[%add3A_72] : memref<819200xi32, #tpu.memory_space<hbm>> -> memref<1024xi32, #tpu.memory_space<hbm>>
        %dma_wait3A_74 = tpu.memref_slice %arg4[%add3A_72] : memref<819200xi32, #tpu.memory_space<hbm>> -> memref<1024xi32, #tpu.memory_space<hbm>>
        tpu.wait_dma2 semaphore(%arg13 : memref<!tpu.dma_semaphore, #tpu.memory_space<semaphore_mem>>) src(%dma_wait3A_74 : memref<1024xi32, #tpu.memory_space<hbm>>) dst(%arg9 : memref<1024xi32, #tpu.memory_space<vmem>>)
        %add3A_75 = arith.constant 2 : i32
        %add3A_76 = arith.addi %add3A_33, %add3A_75 : i32
        %lt3A_77 = arith.constant 50 : i32
        %lt3A_78 = arith.cmpi slt, %add3A_76, %lt3A_77 : i32
        %convert_element_type3A_79 = arith.extui %lt3A_78 : i1 to i32
        %cond3A_80 = arith.constant 0 : i32
        %cond3A_81 = arith.cmpi ne, %convert_element_type3A_79, %cond3A_80 : i32
        scf.if %cond3A_81 {
          %add3A_104 = arith.constant 2 : i32
          %add3A_105 = arith.addi %add3A_33, %add3A_104 : i32
          %mul3A_106 = arith.constant 51200 : i32
          %mul3A_107 = arith.muli %arg1, %mul3A_106 : i32
          %mul3A_108 = arith.constant 1024 : i32
          %mul3A_109 = arith.muli %add3A_105, %mul3A_108 : i32
          %add3A_110 = arith.addi %mul3A_107, %mul3A_109 : i32
          %dma_start3A_111 = tpu.memref_slice %arg4[%add3A_110] : memref<819200xi32, #tpu.memory_space<hbm>> -> memref<1024xi32, #tpu.memory_space<hbm>>
          %dma_start3A_112 = tpu.memref_slice %arg4[%add3A_110] : memref<819200xi32, #tpu.memory_space<hbm>> -> memref<1024xi32, #tpu.memory_space<hbm>>
          tpu.enqueue_dma source(%dma_start3A_112 : memref<1024xi32, #tpu.memory_space<hbm>>) target(%arg8 : memref<1024xi32, #tpu.memory_space<vmem>>) target_semaphore(%arg12 : memref<!tpu.dma_semaphore, #tpu.memory_space<semaphore_mem>>)
        } else {
        }
        %gt3A_82 = arith.constant 0 : i32
        %gt3A_83 = arith.cmpi sgt, %add3A_33, %gt3A_82 : i32
        %convert_element_type3A_84 = arith.extui %gt3A_83 : i1 to i32
        %cond3A_85 = arith.constant 0 : i32
        %cond3A_86 = arith.cmpi ne, %convert_element_type3A_84, %cond3A_85 : i32
        scf.if %cond3A_86 {
          %add3A_104 = arith.constant 1 : i32
          %add3A_105 = arith.addi %add3A_33, %add3A_104 : i32
          %mul3A_106 = arith.constant 51200 : i32
          %mul3A_107 = arith.muli %arg1, %mul3A_106 : i32
          %mul3A_108 = arith.constant 1024 : i32
          %mul3A_109 = arith.muli %add3A_105, %mul3A_108 : i32
          %add3A_110 = arith.addi %mul3A_107, %mul3A_109 : i32
          %dma_wait3A_111 = arith.constant 0 : i32
          %dma_wait3A_112 = tpu.memref_slice %arg6[%add3A_110, %dma_wait3A_111] : memref<819200x16xf32, #tpu.memory_space<hbm>> -> memref<1024x16xf32, #tpu.memory_space<hbm>>
          %dma_wait3A_113 = arith.constant 0 : i32
          %dma_wait3A_114 = tpu.memref_slice %arg6[%add3A_110, %dma_wait3A_113] : memref<819200x16xf32, #tpu.memory_space<hbm>> -> memref<1024x16xf32, #tpu.memory_space<hbm>>
          tpu.wait_dma2 semaphore(%arg16 : memref<!tpu.dma_semaphore, #tpu.memory_space<semaphore_mem>>) src(%arg11 : memref<1024x16xf32, #tpu.memory_space<vmem>>) dst(%dma_wait3A_114 : memref<1024x16xf32, #tpu.memory_space<hbm>>)
        } else {
        }
        %dma_start3A_87 = arith.constant 0 : i32
        %dma_start3A_88 = arith.constant 0 : i32
        %dma_start3A_89 = tpu.memref_slice %arg2[%dma_start3A_87, %dma_start3A_88] : memref<100352x16xf32, #tpu.memory_space<hbm>> -> memref<100352x16xf32, #tpu.memory_space<hbm>>
        tpu.enqueue_indirect_dma source(%dma_start3A_89 : memref<100352x16xf32, #tpu.memory_space<hbm>>) target(%arg11 : memref<1024x16xf32, #tpu.memory_space<vmem>>) offsets(%arg9 : memref<1024xi32, #tpu.memory_space<vmem>>) semaphore(%arg14 : memref<!tpu.dma_semaphore, #tpu.memory_space<semaphore_mem>>)
        %dma_wait3A_90 = arith.constant 0 : i32
        %dma_wait3A_91 = arith.constant 0 : i32
        %dma_wait3A_92 = tpu.memref_slice %arg2[%dma_wait3A_90, %dma_wait3A_91] : memref<100352x16xf32, #tpu.memory_space<hbm>> -> memref<100352x16xf32, #tpu.memory_space<hbm>>
        tpu.wait_indirect_dma semaphore(%arg14 : memref<!tpu.dma_semaphore, #tpu.memory_space<semaphore_mem>>) src(%dma_wait3A_92 : memref<100352x16xf32, #tpu.memory_space<hbm>>) dst(%arg11 : memref<1024x16xf32, #tpu.memory_space<vmem>>)
        %add3A_93 = arith.constant 1 : i32
        %add3A_94 = arith.addi %add3A_33, %add3A_93 : i32
        %mul3A_95 = arith.constant 51200 : i32
        %mul3A_96 = arith.muli %arg1, %mul3A_95 : i32
        %mul3A_97 = arith.constant 1024 : i32
        %mul3A_98 = arith.muli %add3A_94, %mul3A_97 : i32
        %add3A_99 = arith.addi %mul3A_96, %mul3A_98 : i32
        %dma_start3A_100 = arith.constant 0 : i32
        %dma_start3A_101 = tpu.memref_slice %arg6[%add3A_99, %dma_start3A_100] : memref<819200x16xf32, #tpu.memory_space<hbm>> -> memref<1024x16xf32, #tpu.memory_space<hbm>>
        %dma_start3A_102 = arith.constant 0 : i32
        %dma_start3A_103 = tpu.memref_slice %arg6[%add3A_99, %dma_start3A_102] : memref<819200x16xf32, #tpu.memory_space<hbm>> -> memref<1024x16xf32, #tpu.memory_space<hbm>>
        tpu.enqueue_dma source(%arg11 : memref<1024x16xf32, #tpu.memory_space<vmem>>) target(%dma_start3A_103 : memref<1024x16xf32, #tpu.memory_space<hbm>>) target_semaphore(%arg16 : memref<!tpu.dma_semaphore, #tpu.memory_space<semaphore_mem>>)
      }
      %scan3A_13 = arith.constant 25 : i32
      %mul3A_14 = arith.constant 51200 : i32
      %mul3A_15 = arith.muli %arg1, %mul3A_14 : i32
      %add3A_16 = arith.constant 0 : i32
      %add3A_17 = arith.addi %mul3A_15, %add3A_16 : i32
      %dma_wait3A = arith.constant 0 : i32
      %dma_wait3A_18 = tpu.memref_slice %arg6[%add3A_17, %dma_wait3A] : memref<819200x16xf32, #tpu.memory_space<hbm>> -> memref<1024x16xf32, #tpu.memory_space<hbm>>
      %dma_wait3A_19 = arith.constant 0 : i32
      %dma_wait3A_20 = tpu.memref_slice %arg6[%add3A_17, %dma_wait3A_19] : memref<819200x16xf32, #tpu.memory_space<hbm>> -> memref<1024x16xf32, #tpu.memory_space<hbm>>
      tpu.wait_dma2 semaphore(%arg15 : memref<!tpu.dma_semaphore, #tpu.memory_space<semaphore_mem>>) src(%arg10 : memref<1024x16xf32, #tpu.memory_space<vmem>>) dst(%dma_wait3A_20 : memref<1024x16xf32, #tpu.memory_space<hbm>>)
      %mul3A_21 = arith.constant 51200 : i32
      %mul3A_22 = arith.muli %arg1, %mul3A_21 : i32
      %add3A_23 = arith.constant 0 : i32
      %add3A_24 = arith.addi %mul3A_22, %add3A_23 : i32
      %dma_wait3A_25 = arith.constant 0 : i32
      %dma_wait3A_26 = tpu.memref_slice %arg6[%add3A_24, %dma_wait3A_25] : memref<819200x16xf32, #tpu.memory_space<hbm>> -> memref<1024x16xf32, #tpu.memory_space<hbm>>
      %dma_wait3A_27 = arith.constant 0 : i32
      %dma_wait3A_28 = tpu.memref_slice %arg6[%add3A_24, %dma_wait3A_27] : memref<819200x16xf32, #tpu.memory_space<hbm>> -> memref<1024x16xf32, #tpu.memory_space<hbm>>
      tpu.wait_dma2 semaphore(%arg16 : memref<!tpu.dma_semaphore, #tpu.memory_space<semaphore_mem>>) src(%arg11 : memref<1024x16xf32, #tpu.memory_space<vmem>>) dst(%dma_wait3A_28 : memref<1024x16xf32, #tpu.memory_space<hbm>>)
    } else {
    }
    %eq3A_2 = arith.constant 1 : i32
    %eq3A_3 = arith.cmpi eq, %arg0, %eq3A_2 : i32
    %convert_element_type3A_4 = arith.extui %eq3A_3 : i1 to i32
    %cond3A_5 = arith.constant 0 : i32
    %cond3A_6 = arith.cmpi ne, %convert_element_type3A_4, %cond3A_5 : i32
    scf.if %cond3A_6 {
      %mul3A = arith.constant 51200 : i32
      %mul3A_7 = arith.muli %arg1, %mul3A : i32
      %add3A = arith.constant 0 : i32
      %add3A_8 = arith.addi %mul3A_7, %add3A : i32
      %dma_start3A = tpu.memref_slice %arg5[%add3A_8] : memref<819200xi32, #tpu.memory_space<hbm>> -> memref<1024xi32, #tpu.memory_space<hbm>>
      %dma_start3A_9 = tpu.memref_slice %arg5[%add3A_8] : memref<819200xi32, #tpu.memory_space<hbm>> -> memref<1024xi32, #tpu.memory_space<hbm>>
      tpu.enqueue_dma source(%dma_start3A_9 : memref<1024xi32, #tpu.memory_space<hbm>>) target(%arg8 : memref<1024xi32, #tpu.memory_space<vmem>>) target_semaphore(%arg12 : memref<!tpu.dma_semaphore, #tpu.memory_space<semaphore_mem>>)
      %scan3A = arith.constant 0 : i32
      %scan3A_10 = arith.constant 25 : i32
      %scan3A_11 = arith.addi %scan3A, %scan3A_10 : i32
      %scan3A_12 = arith.constant 1 : i32
      scf.for %scan3A_29 = %scan3A to %scan3A_11 step %scan3A_12  : i32 {
        %mul3A_30 = arith.constant 2 : i32
        %mul3A_31 = arith.muli %scan3A_29, %mul3A_30 : i32
        %add3A_32 = arith.constant 0 : i32
        %add3A_33 = arith.addi %add3A_32, %mul3A_31 : i32
        %mul3A_34 = arith.constant 51200 : i32
        %mul3A_35 = arith.muli %arg1, %mul3A_34 : i32
        %mul3A_36 = arith.constant 1024 : i32
        %mul3A_37 = arith.muli %add3A_33, %mul3A_36 : i32
        %add3A_38 = arith.addi %mul3A_35, %mul3A_37 : i32
        %dma_wait3A_39 = tpu.memref_slice %arg5[%add3A_38] : memref<819200xi32, #tpu.memory_space<hbm>> -> memref<1024xi32, #tpu.memory_space<hbm>>
        %dma_wait3A_40 = tpu.memref_slice %arg5[%add3A_38] : memref<819200xi32, #tpu.memory_space<hbm>> -> memref<1024xi32, #tpu.memory_space<hbm>>
        tpu.wait_dma2 semaphore(%arg12 : memref<!tpu.dma_semaphore, #tpu.memory_space<semaphore_mem>>) src(%dma_wait3A_40 : memref<1024xi32, #tpu.memory_space<hbm>>) dst(%arg8 : memref<1024xi32, #tpu.memory_space<vmem>>)
        %add3A_41 = arith.constant 1 : i32
        %add3A_42 = arith.addi %add3A_33, %add3A_41 : i32
        %lt3A = arith.constant 50 : i32
        %lt3A_43 = arith.cmpi slt, %add3A_42, %lt3A : i32
        %convert_element_type3A_44 = arith.extui %lt3A_43 : i1 to i32
        %cond3A_45 = arith.constant 0 : i32
        %cond3A_46 = arith.cmpi ne, %convert_element_type3A_44, %cond3A_45 : i32
        scf.if %cond3A_46 {
          %add3A_104 = arith.constant 1 : i32
          %add3A_105 = arith.addi %add3A_33, %add3A_104 : i32
          %mul3A_106 = arith.constant 51200 : i32
          %mul3A_107 = arith.muli %arg1, %mul3A_106 : i32
          %mul3A_108 = arith.constant 1024 : i32
          %mul3A_109 = arith.muli %add3A_105, %mul3A_108 : i32
          %add3A_110 = arith.addi %mul3A_107, %mul3A_109 : i32
          %dma_start3A_111 = tpu.memref_slice %arg5[%add3A_110] : memref<819200xi32, #tpu.memory_space<hbm>> -> memref<1024xi32, #tpu.memory_space<hbm>>
          %dma_start3A_112 = tpu.memref_slice %arg5[%add3A_110] : memref<819200xi32, #tpu.memory_space<hbm>> -> memref<1024xi32, #tpu.memory_space<hbm>>
          tpu.enqueue_dma source(%dma_start3A_112 : memref<1024xi32, #tpu.memory_space<hbm>>) target(%arg9 : memref<1024xi32, #tpu.memory_space<vmem>>) target_semaphore(%arg13 : memref<!tpu.dma_semaphore, #tpu.memory_space<semaphore_mem>>)
        } else {
        }
        %gt3A = arith.constant 0 : i32
        %gt3A_47 = arith.cmpi sgt, %add3A_33, %gt3A : i32
        %convert_element_type3A_48 = arith.extui %gt3A_47 : i1 to i32
        %cond3A_49 = arith.constant 0 : i32
        %cond3A_50 = arith.cmpi ne, %convert_element_type3A_48, %cond3A_49 : i32
        scf.if %cond3A_50 {
          %mul3A_104 = arith.constant 51200 : i32
          %mul3A_105 = arith.muli %arg1, %mul3A_104 : i32
          %mul3A_106 = arith.constant 1024 : i32
          %mul3A_107 = arith.muli %add3A_33, %mul3A_106 : i32
          %add3A_108 = arith.addi %mul3A_105, %mul3A_107 : i32
          %dma_wait3A_109 = arith.constant 0 : i32
          %dma_wait3A_110 = tpu.memref_slice %arg7[%add3A_108, %dma_wait3A_109] : memref<819200x16xf32, #tpu.memory_space<hbm>> -> memref<1024x16xf32, #tpu.memory_space<hbm>>
          %dma_wait3A_111 = arith.constant 0 : i32
          %dma_wait3A_112 = tpu.memref_slice %arg7[%add3A_108, %dma_wait3A_111] : memref<819200x16xf32, #tpu.memory_space<hbm>> -> memref<1024x16xf32, #tpu.memory_space<hbm>>
          tpu.wait_dma2 semaphore(%arg15 : memref<!tpu.dma_semaphore, #tpu.memory_space<semaphore_mem>>) src(%arg10 : memref<1024x16xf32, #tpu.memory_space<vmem>>) dst(%dma_wait3A_112 : memref<1024x16xf32, #tpu.memory_space<hbm>>)
        } else {
        }
        %dma_start3A_51 = arith.constant 0 : i32
        %dma_start3A_52 = arith.constant 0 : i32
        %dma_start3A_53 = tpu.memref_slice %arg3[%dma_start3A_51, %dma_start3A_52] : memref<100352x16xf32, #tpu.memory_space<hbm>> -> memref<100352x16xf32, #tpu.memory_space<hbm>>
        tpu.enqueue_indirect_dma source(%dma_start3A_53 : memref<100352x16xf32, #tpu.memory_space<hbm>>) target(%arg10 : memref<1024x16xf32, #tpu.memory_space<vmem>>) offsets(%arg8 : memref<1024xi32, #tpu.memory_space<vmem>>) semaphore(%arg14 : memref<!tpu.dma_semaphore, #tpu.memory_space<semaphore_mem>>)
        %dma_wait3A_54 = arith.constant 0 : i32
        %dma_wait3A_55 = arith.constant 0 : i32
        %dma_wait3A_56 = tpu.memref_slice %arg3[%dma_wait3A_54, %dma_wait3A_55] : memref<100352x16xf32, #tpu.memory_space<hbm>> -> memref<100352x16xf32, #tpu.memory_space<hbm>>
        tpu.wait_indirect_dma semaphore(%arg14 : memref<!tpu.dma_semaphore, #tpu.memory_space<semaphore_mem>>) src(%dma_wait3A_56 : memref<100352x16xf32, #tpu.memory_space<hbm>>) dst(%arg10 : memref<1024x16xf32, #tpu.memory_space<vmem>>)
        %mul3A_57 = arith.constant 51200 : i32
        %mul3A_58 = arith.muli %arg1, %mul3A_57 : i32
        %mul3A_59 = arith.constant 1024 : i32
        %mul3A_60 = arith.muli %add3A_33, %mul3A_59 : i32
        %add3A_61 = arith.addi %mul3A_58, %mul3A_60 : i32
        %dma_start3A_62 = arith.constant 0 : i32
        %dma_start3A_63 = tpu.memref_slice %arg7[%add3A_61, %dma_start3A_62] : memref<819200x16xf32, #tpu.memory_space<hbm>> -> memref<1024x16xf32, #tpu.memory_space<hbm>>
        %dma_start3A_64 = arith.constant 0 : i32
        %dma_start3A_65 = tpu.memref_slice %arg7[%add3A_61, %dma_start3A_64] : memref<819200x16xf32, #tpu.memory_space<hbm>> -> memref<1024x16xf32, #tpu.memory_space<hbm>>
        tpu.enqueue_dma source(%arg10 : memref<1024x16xf32, #tpu.memory_space<vmem>>) target(%dma_start3A_65 : memref<1024x16xf32, #tpu.memory_space<hbm>>) target_semaphore(%arg15 : memref<!tpu.dma_semaphore, #tpu.memory_space<semaphore_mem>>)
        %add3A_66 = arith.constant 1 : i32
        %add3A_67 = arith.addi %add3A_33, %add3A_66 : i32
        %mul3A_68 = arith.constant 51200 : i32
        %mul3A_69 = arith.muli %arg1, %mul3A_68 : i32
        %mul3A_70 = arith.constant 1024 : i32
        %mul3A_71 = arith.muli %add3A_67, %mul3A_70 : i32
        %add3A_72 = arith.addi %mul3A_69, %mul3A_71 : i32
        %dma_wait3A_73 = tpu.memref_slice %arg5[%add3A_72] : memref<819200xi32, #tpu.memory_space<hbm>> -> memref<1024xi32, #tpu.memory_space<hbm>>
        %dma_wait3A_74 = tpu.memref_slice %arg5[%add3A_72] : memref<819200xi32, #tpu.memory_space<hbm>> -> memref<1024xi32, #tpu.memory_space<hbm>>
        tpu.wait_dma2 semaphore(%arg13 : memref<!tpu.dma_semaphore, #tpu.memory_space<semaphore_mem>>) src(%dma_wait3A_74 : memref<1024xi32, #tpu.memory_space<hbm>>) dst(%arg9 : memref<1024xi32, #tpu.memory_space<vmem>>)
        %add3A_75 = arith.constant 2 : i32
        %add3A_76 = arith.addi %add3A_33, %add3A_75 : i32
        %lt3A_77 = arith.constant 50 : i32
        %lt3A_78 = arith.cmpi slt, %add3A_76, %lt3A_77 : i32
        %convert_element_type3A_79 = arith.extui %lt3A_78 : i1 to i32
        %cond3A_80 = arith.constant 0 : i32
        %cond3A_81 = arith.cmpi ne, %convert_element_type3A_79, %cond3A_80 : i32
        scf.if %cond3A_81 {
          %add3A_104 = arith.constant 2 : i32
          %add3A_105 = arith.addi %add3A_33, %add3A_104 : i32
          %mul3A_106 = arith.constant 51200 : i32
          %mul3A_107 = arith.muli %arg1, %mul3A_106 : i32
          %mul3A_108 = arith.constant 1024 : i32
          %mul3A_109 = arith.muli %add3A_105, %mul3A_108 : i32
          %add3A_110 = arith.addi %mul3A_107, %mul3A_109 : i32
          %dma_start3A_111 = tpu.memref_slice %arg5[%add3A_110] : memref<819200xi32, #tpu.memory_space<hbm>> -> memref<1024xi32, #tpu.memory_space<hbm>>
          %dma_start3A_112 = tpu.memref_slice %arg5[%add3A_110] : memref<819200xi32, #tpu.memory_space<hbm>> -> memref<1024xi32, #tpu.memory_space<hbm>>
          tpu.enqueue_dma source(%dma_start3A_112 : memref<1024xi32, #tpu.memory_space<hbm>>) target(%arg8 : memref<1024xi32, #tpu.memory_space<vmem>>) target_semaphore(%arg12 : memref<!tpu.dma_semaphore, #tpu.memory_space<semaphore_mem>>)
        } else {
        }
        %gt3A_82 = arith.constant 0 : i32
        %gt3A_83 = arith.cmpi sgt, %add3A_33, %gt3A_82 : i32
        %convert_element_type3A_84 = arith.extui %gt3A_83 : i1 to i32
        %cond3A_85 = arith.constant 0 : i32
        %cond3A_86 = arith.cmpi ne, %convert_element_type3A_84, %cond3A_85 : i32
        scf.if %cond3A_86 {
          %add3A_104 = arith.constant 1 : i32
          %add3A_105 = arith.addi %add3A_33, %add3A_104 : i32
          %mul3A_106 = arith.constant 51200 : i32
          %mul3A_107 = arith.muli %arg1, %mul3A_106 : i32
          %mul3A_108 = arith.constant 1024 : i32
          %mul3A_109 = arith.muli %add3A_105, %mul3A_108 : i32
          %add3A_110 = arith.addi %mul3A_107, %mul3A_109 : i32
          %dma_wait3A_111 = arith.constant 0 : i32
          %dma_wait3A_112 = tpu.memref_slice %arg7[%add3A_110, %dma_wait3A_111] : memref<819200x16xf32, #tpu.memory_space<hbm>> -> memref<1024x16xf32, #tpu.memory_space<hbm>>
          %dma_wait3A_113 = arith.constant 0 : i32
          %dma_wait3A_114 = tpu.memref_slice %arg7[%add3A_110, %dma_wait3A_113] : memref<819200x16xf32, #tpu.memory_space<hbm>> -> memref<1024x16xf32, #tpu.memory_space<hbm>>
          tpu.wait_dma2 semaphore(%arg16 : memref<!tpu.dma_semaphore, #tpu.memory_space<semaphore_mem>>) src(%arg11 : memref<1024x16xf32, #tpu.memory_space<vmem>>) dst(%dma_wait3A_114 : memref<1024x16xf32, #tpu.memory_space<hbm>>)
        } else {
        }
        %dma_start3A_87 = arith.constant 0 : i32
        %dma_start3A_88 = arith.constant 0 : i32
        %dma_start3A_89 = tpu.memref_slice %arg3[%dma_start3A_87, %dma_start3A_88] : memref<100352x16xf32, #tpu.memory_space<hbm>> -> memref<100352x16xf32, #tpu.memory_space<hbm>>
        tpu.enqueue_indirect_dma source(%dma_start3A_89 : memref<100352x16xf32, #tpu.memory_space<hbm>>) target(%arg11 : memref<1024x16xf32, #tpu.memory_space<vmem>>) offsets(%arg9 : memref<1024xi32, #tpu.memory_space<vmem>>) semaphore(%arg14 : memref<!tpu.dma_semaphore, #tpu.memory_space<semaphore_mem>>)
        %dma_wait3A_90 = arith.constant 0 : i32
        %dma_wait3A_91 = arith.constant 0 : i32
        %dma_wait3A_92 = tpu.memref_slice %arg3[%dma_wait3A_90, %dma_wait3A_91] : memref<100352x16xf32, #tpu.memory_space<hbm>> -> memref<100352x16xf32, #tpu.memory_space<hbm>>
        tpu.wait_indirect_dma semaphore(%arg14 : memref<!tpu.dma_semaphore, #tpu.memory_space<semaphore_mem>>) src(%dma_wait3A_92 : memref<100352x16xf32, #tpu.memory_space<hbm>>) dst(%arg11 : memref<1024x16xf32, #tpu.memory_space<vmem>>)
        %add3A_93 = arith.constant 1 : i32
        %add3A_94 = arith.addi %add3A_33, %add3A_93 : i32
        %mul3A_95 = arith.constant 51200 : i32
        %mul3A_96 = arith.muli %arg1, %mul3A_95 : i32
        %mul3A_97 = arith.constant 1024 : i32
        %mul3A_98 = arith.muli %add3A_94, %mul3A_97 : i32
        %add3A_99 = arith.addi %mul3A_96, %mul3A_98 : i32
        %dma_start3A_100 = arith.constant 0 : i32
        %dma_start3A_101 = tpu.memref_slice %arg7[%add3A_99, %dma_start3A_100] : memref<819200x16xf32, #tpu.memory_space<hbm>> -> memref<1024x16xf32, #tpu.memory_space<hbm>>
        %dma_start3A_102 = arith.constant 0 : i32
        %dma_start3A_103 = tpu.memref_slice %arg7[%add3A_99, %dma_start3A_102] : memref<819200x16xf32, #tpu.memory_space<hbm>> -> memref<1024x16xf32, #tpu.memory_space<hbm>>
        tpu.enqueue_dma source(%arg11 : memref<1024x16xf32, #tpu.memory_space<vmem>>) target(%dma_start3A_103 : memref<1024x16xf32, #tpu.memory_space<hbm>>) target_semaphore(%arg16 : memref<!tpu.dma_semaphore, #tpu.memory_space<semaphore_mem>>)
      }
      %scan3A_13 = arith.constant 25 : i32
      %mul3A_14 = arith.constant 51200 : i32
      %mul3A_15 = arith.muli %arg1, %mul3A_14 : i32
      %add3A_16 = arith.constant 0 : i32
      %add3A_17 = arith.addi %mul3A_15, %add3A_16 : i32
      %dma_wait3A = arith.constant 0 : i32
      %dma_wait3A_18 = tpu.memref_slice %arg7[%add3A_17, %dma_wait3A] : memref<819200x16xf32, #tpu.memory_space<hbm>> -> memref<1024x16xf32, #tpu.memory_space<hbm>>
      %dma_wait3A_19 = arith.constant 0 : i32
      %dma_wait3A_20 = tpu.memref_slice %arg7[%add3A_17, %dma_wait3A_19] : memref<819200x16xf32, #tpu.memory_space<hbm>> -> memref<1024x16xf32, #tpu.memory_space<hbm>>
      tpu.wait_dma2 semaphore(%arg15 : memref<!tpu.dma_semaphore, #tpu.memory_space<semaphore_mem>>) src(%arg10 : memref<1024x16xf32, #tpu.memory_space<vmem>>) dst(%dma_wait3A_20 : memref<1024x16xf32, #tpu.memory_space<hbm>>)
      %mul3A_21 = arith.constant 51200 : i32
      %mul3A_22 = arith.muli %arg1, %mul3A_21 : i32
      %add3A_23 = arith.constant 0 : i32
      %add3A_24 = arith.addi %mul3A_22, %add3A_23 : i32
      %dma_wait3A_25 = arith.constant 0 : i32
      %dma_wait3A_26 = tpu.memref_slice %arg7[%add3A_24, %dma_wait3A_25] : memref<819200x16xf32, #tpu.memory_space<hbm>> -> memref<1024x16xf32, #tpu.memory_space<hbm>>
      %dma_wait3A_27 = arith.constant 0 : i32
      %dma_wait3A_28 = tpu.memref_slice %arg7[%add3A_24, %dma_wait3A_27] : memref<819200x16xf32, #tpu.memory_space<hbm>> -> memref<1024x16xf32, #tpu.memory_space<hbm>>
      tpu.wait_dma2 semaphore(%arg16 : memref<!tpu.dma_semaphore, #tpu.memory_space<semaphore_mem>>) src(%arg11 : memref<1024x16xf32, #tpu.memory_space<vmem>>) dst(%dma_wait3A_28 : memref<1024x16xf32, #tpu.memory_space<hbm>>)
    } else {
    }
    return
  }
}

#map = affine_map<(d0, d1) -> (0, 0)>
module attributes {stable_mosaic.version = 14 : i64} {
  func.func @_scatter_k(%arg0: i32, %arg1: i32, %arg2: memref<819200x16xf32, #tpu.memory_space<hbm>>, %arg3: memref<6400x128xi32, #tpu.memory_space<hbm>>, %arg4: memref<100352x8xf32, #tpu.memory_space<hbm>>, %arg5: memref<100352x8xf32, #tpu.memory_space<hbm>>, %arg6: memref<100352x8xf32, #tpu.memory_space<hbm>>, %arg7: memref<8x128xi32, #tpu.memory_space<vmem>>, %arg8: memref<1024x8xf32, #tpu.memory_space<vmem>>, %arg9: memref<100352x8xf32, #tpu.memory_space<vmem_shared>>, %arg10: memref<!tpu.dma_semaphore, #tpu.memory_space<semaphore_mem>>) attributes {dimension_semantics = [#tpu.dimension_semantics<core_parallel>, #tpu.dimension_semantics<subcore_parallel>], iteration_bounds = array<i64: 2, 16>, scalar_prefetch = 0 : i64, scratch_operands = 4 : i64, tpu.core_type = #tpu.core_type<sc_vector_subcore>, window_params = [{transform_indices = #map}, {transform_indices = #map}, {transform_indices = #map}, {transform_indices = #map}, {transform_indices = #map}]} {
    %mul3A = arith.constant 2 : i32
    %mul3A_0 = arith.muli %arg1, %mul3A : i32
    %add3A = arith.addi %mul3A_0, %arg0 : i32
    %mul3A_1 = arith.constant 6272 : i32
    %mul3A_2 = arith.muli %arg1, %mul3A_1 : i32
    "tpu.region"() ({
      %run_scoped3A = tpu.sem_alloc : memref<!tpu.dma_semaphore, #tpu.memory_space<semaphore_mem>>
      %dma_start3A = arith.constant 0 : i32
      %dma_start3A_15 = tpu.memref_slice %arg9[%mul3A_2, %dma_start3A] : memref<100352x8xf32, #tpu.memory_space<vmem_shared>> -> memref<6272x8xf32, #tpu.memory_space<vmem_shared>>
      %dma_start3A_16 = arith.constant 0 : i32
      %dma_start3A_17 = tpu.memref_slice %arg4[%mul3A_2, %dma_start3A_16] : memref<100352x8xf32, #tpu.memory_space<hbm>> -> memref<6272x8xf32, #tpu.memory_space<hbm>>
      tpu.enqueue_dma source(%dma_start3A_17 : memref<6272x8xf32, #tpu.memory_space<hbm>>) target(%dma_start3A_15 : memref<6272x8xf32, #tpu.memory_space<vmem_shared>>) target_semaphore(%run_scoped3A : memref<!tpu.dma_semaphore, #tpu.memory_space<semaphore_mem>>)
      %dma_wait3A = arith.constant 0 : i32
      %dma_wait3A_18 = tpu.memref_slice %arg9[%mul3A_2, %dma_wait3A] : memref<100352x8xf32, #tpu.memory_space<vmem_shared>> -> memref<6272x8xf32, #tpu.memory_space<vmem_shared>>
      %dma_wait3A_19 = arith.constant 0 : i32
      %dma_wait3A_20 = tpu.memref_slice %arg4[%mul3A_2, %dma_wait3A_19] : memref<100352x8xf32, #tpu.memory_space<hbm>> -> memref<6272x8xf32, #tpu.memory_space<hbm>>
      tpu.wait_dma2 semaphore(%run_scoped3A : memref<!tpu.dma_semaphore, #tpu.memory_space<semaphore_mem>>) src(%dma_wait3A_20 : memref<6272x8xf32, #tpu.memory_space<hbm>>) dst(%dma_wait3A_18 : memref<6272x8xf32, #tpu.memory_space<vmem_shared>>)
      tpu.yield
    }) : () -> ()
    %barrier3A = arith.constant 0 : index
    tpu.barrier barrier_id(%barrier3A)
    %scan3A = arith.constant 0 : i32
    %scan3A_3 = arith.constant 25 : i32
    %scan3A_4 = arith.addi %scan3A, %scan3A_3 : i32
    %scan3A_5 = arith.constant 1 : i32
    scf.for %scan3A_15 = %scan3A to %scan3A_4 step %scan3A_5  : i32 {
      %mul3A_16 = arith.constant 1 : i32
      %mul3A_17 = arith.muli %scan3A_15, %mul3A_16 : i32
      %add3A_18 = arith.constant 0 : i32
      %add3A_19 = arith.addi %add3A_18, %mul3A_17 : i32
      %mul3A_20 = arith.constant 25600 : i32
      %mul3A_21 = arith.muli %add3A, %mul3A_20 : i32
      %mul3A_22 = arith.constant 1024 : i32
      %mul3A_23 = arith.muli %add3A_19, %mul3A_22 : i32
      %add3A_24 = arith.addi %mul3A_21, %mul3A_23 : i32
      %jit3A = arith.constant 128 : i32
      %div3A = arith.divsi %add3A_24, %jit3A : i32
      %sign3A = arith.constant 0 : i32
      %sign3A_25 = arith.cmpi sgt, %add3A_24, %sign3A : i32
      %sign3A_26 = arith.extui %sign3A_25 : i1 to i32
      %sign3A_27 = arith.constant 0 : i32
      %sign3A_28 = arith.cmpi slt, %add3A_24, %sign3A_27 : i32
      %sign3A_29 = arith.extui %sign3A_28 : i1 to i32
      %sign3A_30 = arith.subi %sign3A_26, %sign3A_29 : i32
      %sign3A_31 = arith.constant 0 : i32
      %sign3A_32 = arith.cmpi sgt, %jit3A, %sign3A_31 : i32
      %sign3A_33 = arith.extui %sign3A_32 : i1 to i32
      %sign3A_34 = arith.constant 0 : i32
      %sign3A_35 = arith.cmpi slt, %jit3A, %sign3A_34 : i32
      %sign3A_36 = arith.extui %sign3A_35 : i1 to i32
      %sign3A_37 = arith.subi %sign3A_33, %sign3A_36 : i32
      %ne3A = arith.cmpi ne, %sign3A_30, %sign3A_37 : i32
      %rem3A = arith.remsi %add3A_24, %jit3A : i32
      %ne3A_38 = arith.constant 0 : i32
      %ne3A_39 = arith.cmpi ne, %rem3A, %ne3A_38 : i32
      %and3A = arith.andi %ne3A, %ne3A_39 : i1
      %sub3A = arith.constant 1 : i32
      %sub3A_40 = arith.subi %div3A, %sub3A : i32
      %select_n3A = arith.select %and3A, %sub3A_40, %div3A : i32
      "tpu.region"() ({
        %run_scoped3A_48 = tpu.sem_alloc : memref<!tpu.dma_semaphore, #tpu.memory_space<semaphore_mem>>
        %dma_start3A = arith.constant 0 : i32
        %dma_start3A_49 = tpu.memref_slice %arg3[%select_n3A, %dma_start3A] : memref<6400x128xi32, #tpu.memory_space<hbm>> -> memref<8x128xi32, #tpu.memory_space<hbm>>
        %dma_start3A_50 = arith.constant 0 : i32
        %dma_start3A_51 = tpu.memref_slice %arg3[%select_n3A, %dma_start3A_50] : memref<6400x128xi32, #tpu.memory_space<hbm>> -> memref<8x128xi32, #tpu.memory_space<hbm>>
        tpu.enqueue_dma source(%dma_start3A_51 : memref<8x128xi32, #tpu.memory_space<hbm>>) target(%arg7 : memref<8x128xi32, #tpu.memory_space<vmem>>) target_semaphore(%run_scoped3A_48 : memref<!tpu.dma_semaphore, #tpu.memory_space<semaphore_mem>>)
        %dma_wait3A = arith.constant 0 : i32
        %dma_wait3A_52 = tpu.memref_slice %arg3[%select_n3A, %dma_wait3A] : memref<6400x128xi32, #tpu.memory_space<hbm>> -> memref<8x128xi32, #tpu.memory_space<hbm>>
        %dma_wait3A_53 = arith.constant 0 : i32
        %dma_wait3A_54 = tpu.memref_slice %arg3[%select_n3A, %dma_wait3A_53] : memref<6400x128xi32, #tpu.memory_space<hbm>> -> memref<8x128xi32, #tpu.memory_space<hbm>>
        tpu.wait_dma2 semaphore(%run_scoped3A_48 : memref<!tpu.dma_semaphore, #tpu.memory_space<semaphore_mem>>) src(%dma_wait3A_54 : memref<8x128xi32, #tpu.memory_space<hbm>>) dst(%arg7 : memref<8x128xi32, #tpu.memory_space<vmem>>)
        tpu.yield
      }) : () -> ()
      "tpu.region"() ({
        %run_scoped3A_48 = tpu.sem_alloc : memref<!tpu.dma_semaphore, #tpu.memory_space<semaphore_mem>>
        %dma_start3A = arith.constant 0 : i32
        %dma_start3A_49 = tpu.memref_slice %arg2[%add3A_24, %dma_start3A] : memref<819200x16xf32, #tpu.memory_space<hbm>> -> memref<1024x8xf32, #tpu.memory_space<hbm>>
        %dma_start3A_50 = arith.constant 0 : i32
        %dma_start3A_51 = tpu.memref_slice %arg2[%add3A_24, %dma_start3A_50] : memref<819200x16xf32, #tpu.memory_space<hbm>> -> memref<1024x8xf32, #tpu.memory_space<hbm>>
        tpu.enqueue_dma source(%dma_start3A_51 : memref<1024x8xf32, #tpu.memory_space<hbm>>) target(%arg8 : memref<1024x8xf32, #tpu.memory_space<vmem>>) target_semaphore(%run_scoped3A_48 : memref<!tpu.dma_semaphore, #tpu.memory_space<semaphore_mem>>)
        %dma_wait3A = arith.constant 0 : i32
        %dma_wait3A_52 = tpu.memref_slice %arg2[%add3A_24, %dma_wait3A] : memref<819200x16xf32, #tpu.memory_space<hbm>> -> memref<1024x8xf32, #tpu.memory_space<hbm>>
        %dma_wait3A_53 = arith.constant 0 : i32
        %dma_wait3A_54 = tpu.memref_slice %arg2[%add3A_24, %dma_wait3A_53] : memref<819200x16xf32, #tpu.memory_space<hbm>> -> memref<1024x8xf32, #tpu.memory_space<hbm>>
        tpu.wait_dma2 semaphore(%run_scoped3A_48 : memref<!tpu.dma_semaphore, #tpu.memory_space<semaphore_mem>>) src(%dma_wait3A_54 : memref<1024x8xf32, #tpu.memory_space<hbm>>) dst(%arg8 : memref<1024x8xf32, #tpu.memory_space<vmem>>)
        tpu.yield
      }) : () -> ()
      %run_scoped3A = arith.constant 0 : i32
      "tpu.region"() ({
        %run_scoped3A_48 = tpu.sem_alloc : memref<!tpu.dma_semaphore, #tpu.memory_space<semaphore_mem>>
        %dma_start3A = arith.constant 0 : i32
        %dma_start3A_49 = arith.constant 0 : i32
        %dma_start3A_50 = tpu.memref_slice %arg8[%dma_start3A, %dma_start3A_49] : memref<1024x8xf32, #tpu.memory_space<vmem>> -> memref<128x8xf32, #tpu.memory_space<vmem>>
        %dma_start3A_51 = arith.constant 0 : i32
        %dma_start3A_52 = tpu.memref_slice %arg7[%run_scoped3A, %dma_start3A_51] : memref<8x128xi32, #tpu.memory_space<vmem>> -> memref<1x128xi32, #tpu.memory_space<vmem>>
        %dma_start3A_53 = tpu.memref_squeeze %dma_start3A_52 : memref<1x128xi32, #tpu.memory_space<vmem>> -> memref<128xi32, #tpu.memory_space<vmem>>
        %dma_start3A_54 = arith.constant 0 : i32
        %dma_start3A_55 = arith.constant 0 : i32
        %dma_start3A_56 = tpu.memref_slice %arg9[%dma_start3A_54, %dma_start3A_55] : memref<100352x8xf32, #tpu.memory_space<vmem_shared>> -> memref<100352x8xf32, #tpu.memory_space<vmem_shared>>
        tpu.enqueue_indirect_dma source(%dma_start3A_50 : memref<128x8xf32, #tpu.memory_space<vmem>>) target(%dma_start3A_56 : memref<100352x8xf32, #tpu.memory_space<vmem_shared>>) offsets(%dma_start3A_53 : memref<128xi32, #tpu.memory_space<vmem>>) semaphore(%run_scoped3A_48 : memref<!tpu.dma_semaphore, #tpu.memory_space<semaphore_mem>>) {add = true}
        %dma_wait3A = arith.constant 0 : i32
        %dma_wait3A_57 = arith.constant 0 : i32
        %dma_wait3A_58 = tpu.memref_slice %arg8[%dma_wait3A, %dma_wait3A_57] : memref<1024x8xf32, #tpu.memory_space<vmem>> -> memref<128x8xf32, #tpu.memory_space<vmem>>
        %dma_wait3A_59 = arith.constant 0 : i32
        %dma_wait3A_60 = tpu.memref_slice %arg7[%run_scoped3A, %dma_wait3A_59] : memref<8x128xi32, #tpu.memory_space<vmem>> -> memref<1x128xi32, #tpu.memory_space<vmem>>
        %dma_wait3A_61 = tpu.memref_squeeze %dma_wait3A_60 : memref<1x128xi32, #tpu.memory_space<vmem>> -> memref<128xi32, #tpu.memory_space<vmem>>
        %dma_wait3A_62 = arith.constant 0 : i32
        %dma_wait3A_63 = arith.constant 0 : i32
        %dma_wait3A_64 = tpu.memref_slice %arg9[%dma_wait3A_62, %dma_wait3A_63] : memref<100352x8xf32, #tpu.memory_space<vmem_shared>> -> memref<100352x8xf32, #tpu.memory_space<vmem_shared>>
        tpu.wait_indirect_dma semaphore(%run_scoped3A_48 : memref<!tpu.dma_semaphore, #tpu.memory_space<semaphore_mem>>) src(%dma_wait3A_58 : memref<128x8xf32, #tpu.memory_space<vmem>>) dst(%dma_wait3A_64 : memref<100352x8xf32, #tpu.memory_space<vmem_shared>>)
        tpu.yield
      }) : () -> ()
      %run_scoped3A_41 = arith.constant 1 : i32
      "tpu.region"() ({
        %run_scoped3A_48 = tpu.sem_alloc : memref<!tpu.dma_semaphore, #tpu.memory_space<semaphore_mem>>
        %dma_start3A = arith.constant 128 : i32
        %dma_start3A_49 = arith.constant 0 : i32
        %dma_start3A_50 = tpu.memref_slice %arg8[%dma_start3A, %dma_start3A_49] : memref<1024x8xf32, #tpu.memory_space<vmem>> -> memref<128x8xf32, #tpu.memory_space<vmem>>
        %dma_start3A_51 = arith.constant 0 : i32
        %dma_start3A_52 = tpu.memref_slice %arg7[%run_scoped3A_41, %dma_start3A_51] : memref<8x128xi32, #tpu.memory_space<vmem>> -> memref<1x128xi32, #tpu.memory_space<vmem>>
        %dma_start3A_53 = tpu.memref_squeeze %dma_start3A_52 : memref<1x128xi32, #tpu.memory_space<vmem>> -> memref<128xi32, #tpu.memory_space<vmem>>
        %dma_start3A_54 = arith.constant 0 : i32
        %dma_start3A_55 = arith.constant 0 : i32
        %dma_start3A_56 = tpu.memref_slice %arg9[%dma_start3A_54, %dma_start3A_55] : memref<100352x8xf32, #tpu.memory_space<vmem_shared>> -> memref<100352x8xf32, #tpu.memory_space<vmem_shared>>
        tpu.enqueue_indirect_dma source(%dma_start3A_50 : memref<128x8xf32, #tpu.memory_space<vmem>>) target(%dma_start3A_56 : memref<100352x8xf32, #tpu.memory_space<vmem_shared>>) offsets(%dma_start3A_53 : memref<128xi32, #tpu.memory_space<vmem>>) semaphore(%run_scoped3A_48 : memref<!tpu.dma_semaphore, #tpu.memory_space<semaphore_mem>>) {add = true}
        %dma_wait3A = arith.constant 128 : i32
        %dma_wait3A_57 = arith.constant 0 : i32
        %dma_wait3A_58 = tpu.memref_slice %arg8[%dma_wait3A, %dma_wait3A_57] : memref<1024x8xf32, #tpu.memory_space<vmem>> -> memref<128x8xf32, #tpu.memory_space<vmem>>
        %dma_wait3A_59 = arith.constant 0 : i32
        %dma_wait3A_60 = tpu.memref_slice %arg7[%run_scoped3A_41, %dma_wait3A_59] : memref<8x128xi32, #tpu.memory_space<vmem>> -> memref<1x128xi32, #tpu.memory_space<vmem>>
        %dma_wait3A_61 = tpu.memref_squeeze %dma_wait3A_60 : memref<1x128xi32, #tpu.memory_space<vmem>> -> memref<128xi32, #tpu.memory_space<vmem>>
        %dma_wait3A_62 = arith.constant 0 : i32
        %dma_wait3A_63 = arith.constant 0 : i32
        %dma_wait3A_64 = tpu.memref_slice %arg9[%dma_wait3A_62, %dma_wait3A_63] : memref<100352x8xf32, #tpu.memory_space<vmem_shared>> -> memref<100352x8xf32, #tpu.memory_space<vmem_shared>>
        tpu.wait_indirect_dma semaphore(%run_scoped3A_48 : memref<!tpu.dma_semaphore, #tpu.memory_space<semaphore_mem>>) src(%dma_wait3A_58 : memref<128x8xf32, #tpu.memory_space<vmem>>) dst(%dma_wait3A_64 : memref<100352x8xf32, #tpu.memory_space<vmem_shared>>)
        tpu.yield
      }) : () -> ()
      %run_scoped3A_42 = arith.constant 2 : i32
      "tpu.region"() ({
        %run_scoped3A_48 = tpu.sem_alloc : memref<!tpu.dma_semaphore, #tpu.memory_space<semaphore_mem>>
        %dma_start3A = arith.constant 256 : i32
        %dma_start3A_49 = arith.constant 0 : i32
        %dma_start3A_50 = tpu.memref_slice %arg8[%dma_start3A, %dma_start3A_49] : memref<1024x8xf32, #tpu.memory_space<vmem>> -> memref<128x8xf32, #tpu.memory_space<vmem>>
        %dma_start3A_51 = arith.constant 0 : i32
        %dma_start3A_52 = tpu.memref_slice %arg7[%run_scoped3A_42, %dma_start3A_51] : memref<8x128xi32, #tpu.memory_space<vmem>> -> memref<1x128xi32, #tpu.memory_space<vmem>>
        %dma_start3A_53 = tpu.memref_squeeze %dma_start3A_52 : memref<1x128xi32, #tpu.memory_space<vmem>> -> memref<128xi32, #tpu.memory_space<vmem>>
        %dma_start3A_54 = arith.constant 0 : i32
        %dma_start3A_55 = arith.constant 0 : i32
        %dma_start3A_56 = tpu.memref_slice %arg9[%dma_start3A_54, %dma_start3A_55] : memref<100352x8xf32, #tpu.memory_space<vmem_shared>> -> memref<100352x8xf32, #tpu.memory_space<vmem_shared>>
        tpu.enqueue_indirect_dma source(%dma_start3A_50 : memref<128x8xf32, #tpu.memory_space<vmem>>) target(%dma_start3A_56 : memref<100352x8xf32, #tpu.memory_space<vmem_shared>>) offsets(%dma_start3A_53 : memref<128xi32, #tpu.memory_space<vmem>>) semaphore(%run_scoped3A_48 : memref<!tpu.dma_semaphore, #tpu.memory_space<semaphore_mem>>) {add = true}
        %dma_wait3A = arith.constant 256 : i32
        %dma_wait3A_57 = arith.constant 0 : i32
        %dma_wait3A_58 = tpu.memref_slice %arg8[%dma_wait3A, %dma_wait3A_57] : memref<1024x8xf32, #tpu.memory_space<vmem>> -> memref<128x8xf32, #tpu.memory_space<vmem>>
        %dma_wait3A_59 = arith.constant 0 : i32
        %dma_wait3A_60 = tpu.memref_slice %arg7[%run_scoped3A_42, %dma_wait3A_59] : memref<8x128xi32, #tpu.memory_space<vmem>> -> memref<1x128xi32, #tpu.memory_space<vmem>>
        %dma_wait3A_61 = tpu.memref_squeeze %dma_wait3A_60 : memref<1x128xi32, #tpu.memory_space<vmem>> -> memref<128xi32, #tpu.memory_space<vmem>>
        %dma_wait3A_62 = arith.constant 0 : i32
        %dma_wait3A_63 = arith.constant 0 : i32
        %dma_wait3A_64 = tpu.memref_slice %arg9[%dma_wait3A_62, %dma_wait3A_63] : memref<100352x8xf32, #tpu.memory_space<vmem_shared>> -> memref<100352x8xf32, #tpu.memory_space<vmem_shared>>
        tpu.wait_indirect_dma semaphore(%run_scoped3A_48 : memref<!tpu.dma_semaphore, #tpu.memory_space<semaphore_mem>>) src(%dma_wait3A_58 : memref<128x8xf32, #tpu.memory_space<vmem>>) dst(%dma_wait3A_64 : memref<100352x8xf32, #tpu.memory_space<vmem_shared>>)
        tpu.yield
      }) : () -> ()
      %run_scoped3A_43 = arith.constant 3 : i32
      "tpu.region"() ({
        %run_scoped3A_48 = tpu.sem_alloc : memref<!tpu.dma_semaphore, #tpu.memory_space<semaphore_mem>>
        %dma_start3A = arith.constant 384 : i32
        %dma_start3A_49 = arith.constant 0 : i32
        %dma_start3A_50 = tpu.memref_slice %arg8[%dma_start3A, %dma_start3A_49] : memref<1024x8xf32, #tpu.memory_space<vmem>> -> memref<128x8xf32, #tpu.memory_space<vmem>>
        %dma_start3A_51 = arith.constant 0 : i32
        %dma_start3A_52 = tpu.memref_slice %arg7[%run_scoped3A_43, %dma_start3A_51] : memref<8x128xi32, #tpu.memory_space<vmem>> -> memref<1x128xi32, #tpu.memory_space<vmem>>
        %dma_start3A_53 = tpu.memref_squeeze %dma_start3A_52 : memref<1x128xi32, #tpu.memory_space<vmem>> -> memref<128xi32, #tpu.memory_space<vmem>>
        %dma_start3A_54 = arith.constant 0 : i32
        %dma_start3A_55 = arith.constant 0 : i32
        %dma_start3A_56 = tpu.memref_slice %arg9[%dma_start3A_54, %dma_start3A_55] : memref<100352x8xf32, #tpu.memory_space<vmem_shared>> -> memref<100352x8xf32, #tpu.memory_space<vmem_shared>>
        tpu.enqueue_indirect_dma source(%dma_start3A_50 : memref<128x8xf32, #tpu.memory_space<vmem>>) target(%dma_start3A_56 : memref<100352x8xf32, #tpu.memory_space<vmem_shared>>) offsets(%dma_start3A_53 : memref<128xi32, #tpu.memory_space<vmem>>) semaphore(%run_scoped3A_48 : memref<!tpu.dma_semaphore, #tpu.memory_space<semaphore_mem>>) {add = true}
        %dma_wait3A = arith.constant 384 : i32
        %dma_wait3A_57 = arith.constant 0 : i32
        %dma_wait3A_58 = tpu.memref_slice %arg8[%dma_wait3A, %dma_wait3A_57] : memref<1024x8xf32, #tpu.memory_space<vmem>> -> memref<128x8xf32, #tpu.memory_space<vmem>>
        %dma_wait3A_59 = arith.constant 0 : i32
        %dma_wait3A_60 = tpu.memref_slice %arg7[%run_scoped3A_43, %dma_wait3A_59] : memref<8x128xi32, #tpu.memory_space<vmem>> -> memref<1x128xi32, #tpu.memory_space<vmem>>
        %dma_wait3A_61 = tpu.memref_squeeze %dma_wait3A_60 : memref<1x128xi32, #tpu.memory_space<vmem>> -> memref<128xi32, #tpu.memory_space<vmem>>
        %dma_wait3A_62 = arith.constant 0 : i32
        %dma_wait3A_63 = arith.constant 0 : i32
        %dma_wait3A_64 = tpu.memref_slice %arg9[%dma_wait3A_62, %dma_wait3A_63] : memref<100352x8xf32, #tpu.memory_space<vmem_shared>> -> memref<100352x8xf32, #tpu.memory_space<vmem_shared>>
        tpu.wait_indirect_dma semaphore(%run_scoped3A_48 : memref<!tpu.dma_semaphore, #tpu.memory_space<semaphore_mem>>) src(%dma_wait3A_58 : memref<128x8xf32, #tpu.memory_space<vmem>>) dst(%dma_wait3A_64 : memref<100352x8xf32, #tpu.memory_space<vmem_shared>>)
        tpu.yield
      }) : () -> ()
      %run_scoped3A_44 = arith.constant 4 : i32
      "tpu.region"() ({
        %run_scoped3A_48 = tpu.sem_alloc : memref<!tpu.dma_semaphore, #tpu.memory_space<semaphore_mem>>
        %dma_start3A = arith.constant 512 : i32
        %dma_start3A_49 = arith.constant 0 : i32
        %dma_start3A_50 = tpu.memref_slice %arg8[%dma_start3A, %dma_start3A_49] : memref<1024x8xf32, #tpu.memory_space<vmem>> -> memref<128x8xf32, #tpu.memory_space<vmem>>
        %dma_start3A_51 = arith.constant 0 : i32
        %dma_start3A_52 = tpu.memref_slice %arg7[%run_scoped3A_44, %dma_start3A_51] : memref<8x128xi32, #tpu.memory_space<vmem>> -> memref<1x128xi32, #tpu.memory_space<vmem>>
        %dma_start3A_53 = tpu.memref_squeeze %dma_start3A_52 : memref<1x128xi32, #tpu.memory_space<vmem>> -> memref<128xi32, #tpu.memory_space<vmem>>
        %dma_start3A_54 = arith.constant 0 : i32
        %dma_start3A_55 = arith.constant 0 : i32
        %dma_start3A_56 = tpu.memref_slice %arg9[%dma_start3A_54, %dma_start3A_55] : memref<100352x8xf32, #tpu.memory_space<vmem_shared>> -> memref<100352x8xf32, #tpu.memory_space<vmem_shared>>
        tpu.enqueue_indirect_dma source(%dma_start3A_50 : memref<128x8xf32, #tpu.memory_space<vmem>>) target(%dma_start3A_56 : memref<100352x8xf32, #tpu.memory_space<vmem_shared>>) offsets(%dma_start3A_53 : memref<128xi32, #tpu.memory_space<vmem>>) semaphore(%run_scoped3A_48 : memref<!tpu.dma_semaphore, #tpu.memory_space<semaphore_mem>>) {add = true}
        %dma_wait3A = arith.constant 512 : i32
        %dma_wait3A_57 = arith.constant 0 : i32
        %dma_wait3A_58 = tpu.memref_slice %arg8[%dma_wait3A, %dma_wait3A_57] : memref<1024x8xf32, #tpu.memory_space<vmem>> -> memref<128x8xf32, #tpu.memory_space<vmem>>
        %dma_wait3A_59 = arith.constant 0 : i32
        %dma_wait3A_60 = tpu.memref_slice %arg7[%run_scoped3A_44, %dma_wait3A_59] : memref<8x128xi32, #tpu.memory_space<vmem>> -> memref<1x128xi32, #tpu.memory_space<vmem>>
        %dma_wait3A_61 = tpu.memref_squeeze %dma_wait3A_60 : memref<1x128xi32, #tpu.memory_space<vmem>> -> memref<128xi32, #tpu.memory_space<vmem>>
        %dma_wait3A_62 = arith.constant 0 : i32
        %dma_wait3A_63 = arith.constant 0 : i32
        %dma_wait3A_64 = tpu.memref_slice %arg9[%dma_wait3A_62, %dma_wait3A_63] : memref<100352x8xf32, #tpu.memory_space<vmem_shared>> -> memref<100352x8xf32, #tpu.memory_space<vmem_shared>>
        tpu.wait_indirect_dma semaphore(%run_scoped3A_48 : memref<!tpu.dma_semaphore, #tpu.memory_space<semaphore_mem>>) src(%dma_wait3A_58 : memref<128x8xf32, #tpu.memory_space<vmem>>) dst(%dma_wait3A_64 : memref<100352x8xf32, #tpu.memory_space<vmem_shared>>)
        tpu.yield
      }) : () -> ()
      %run_scoped3A_45 = arith.constant 5 : i32
      "tpu.region"() ({
        %run_scoped3A_48 = tpu.sem_alloc : memref<!tpu.dma_semaphore, #tpu.memory_space<semaphore_mem>>
        %dma_start3A = arith.constant 640 : i32
        %dma_start3A_49 = arith.constant 0 : i32
        %dma_start3A_50 = tpu.memref_slice %arg8[%dma_start3A, %dma_start3A_49] : memref<1024x8xf32, #tpu.memory_space<vmem>> -> memref<128x8xf32, #tpu.memory_space<vmem>>
        %dma_start3A_51 = arith.constant 0 : i32
        %dma_start3A_52 = tpu.memref_slice %arg7[%run_scoped3A_45, %dma_start3A_51] : memref<8x128xi32, #tpu.memory_space<vmem>> -> memref<1x128xi32, #tpu.memory_space<vmem>>
        %dma_start3A_53 = tpu.memref_squeeze %dma_start3A_52 : memref<1x128xi32, #tpu.memory_space<vmem>> -> memref<128xi32, #tpu.memory_space<vmem>>
        %dma_start3A_54 = arith.constant 0 : i32
        %dma_start3A_55 = arith.constant 0 : i32
        %dma_start3A_56 = tpu.memref_slice %arg9[%dma_start3A_54, %dma_start3A_55] : memref<100352x8xf32, #tpu.memory_space<vmem_shared>> -> memref<100352x8xf32, #tpu.memory_space<vmem_shared>>
        tpu.enqueue_indirect_dma source(%dma_start3A_50 : memref<128x8xf32, #tpu.memory_space<vmem>>) target(%dma_start3A_56 : memref<100352x8xf32, #tpu.memory_space<vmem_shared>>) offsets(%dma_start3A_53 : memref<128xi32, #tpu.memory_space<vmem>>) semaphore(%run_scoped3A_48 : memref<!tpu.dma_semaphore, #tpu.memory_space<semaphore_mem>>) {add = true}
        %dma_wait3A = arith.constant 640 : i32
        %dma_wait3A_57 = arith.constant 0 : i32
        %dma_wait3A_58 = tpu.memref_slice %arg8[%dma_wait3A, %dma_wait3A_57] : memref<1024x8xf32, #tpu.memory_space<vmem>> -> memref<128x8xf32, #tpu.memory_space<vmem>>
        %dma_wait3A_59 = arith.constant 0 : i32
        %dma_wait3A_60 = tpu.memref_slice %arg7[%run_scoped3A_45, %dma_wait3A_59] : memref<8x128xi32, #tpu.memory_space<vmem>> -> memref<1x128xi32, #tpu.memory_space<vmem>>
        %dma_wait3A_61 = tpu.memref_squeeze %dma_wait3A_60 : memref<1x128xi32, #tpu.memory_space<vmem>> -> memref<128xi32, #tpu.memory_space<vmem>>
        %dma_wait3A_62 = arith.constant 0 : i32
        %dma_wait3A_63 = arith.constant 0 : i32
        %dma_wait3A_64 = tpu.memref_slice %arg9[%dma_wait3A_62, %dma_wait3A_63] : memref<100352x8xf32, #tpu.memory_space<vmem_shared>> -> memref<100352x8xf32, #tpu.memory_space<vmem_shared>>
        tpu.wait_indirect_dma semaphore(%run_scoped3A_48 : memref<!tpu.dma_semaphore, #tpu.memory_space<semaphore_mem>>) src(%dma_wait3A_58 : memref<128x8xf32, #tpu.memory_space<vmem>>) dst(%dma_wait3A_64 : memref<100352x8xf32, #tpu.memory_space<vmem_shared>>)
        tpu.yield
      }) : () -> ()
      %run_scoped3A_46 = arith.constant 6 : i32
      "tpu.region"() ({
        %run_scoped3A_48 = tpu.sem_alloc : memref<!tpu.dma_semaphore, #tpu.memory_space<semaphore_mem>>
        %dma_start3A = arith.constant 768 : i32
        %dma_start3A_49 = arith.constant 0 : i32
        %dma_start3A_50 = tpu.memref_slice %arg8[%dma_start3A, %dma_start3A_49] : memref<1024x8xf32, #tpu.memory_space<vmem>> -> memref<128x8xf32, #tpu.memory_space<vmem>>
        %dma_start3A_51 = arith.constant 0 : i32
        %dma_start3A_52 = tpu.memref_slice %arg7[%run_scoped3A_46, %dma_start3A_51] : memref<8x128xi32, #tpu.memory_space<vmem>> -> memref<1x128xi32, #tpu.memory_space<vmem>>
        %dma_start3A_53 = tpu.memref_squeeze %dma_start3A_52 : memref<1x128xi32, #tpu.memory_space<vmem>> -> memref<128xi32, #tpu.memory_space<vmem>>
        %dma_start3A_54 = arith.constant 0 : i32
        %dma_start3A_55 = arith.constant 0 : i32
        %dma_start3A_56 = tpu.memref_slice %arg9[%dma_start3A_54, %dma_start3A_55] : memref<100352x8xf32, #tpu.memory_space<vmem_shared>> -> memref<100352x8xf32, #tpu.memory_space<vmem_shared>>
        tpu.enqueue_indirect_dma source(%dma_start3A_50 : memref<128x8xf32, #tpu.memory_space<vmem>>) target(%dma_start3A_56 : memref<100352x8xf32, #tpu.memory_space<vmem_shared>>) offsets(%dma_start3A_53 : memref<128xi32, #tpu.memory_space<vmem>>) semaphore(%run_scoped3A_48 : memref<!tpu.dma_semaphore, #tpu.memory_space<semaphore_mem>>) {add = true}
        %dma_wait3A = arith.constant 768 : i32
        %dma_wait3A_57 = arith.constant 0 : i32
        %dma_wait3A_58 = tpu.memref_slice %arg8[%dma_wait3A, %dma_wait3A_57] : memref<1024x8xf32, #tpu.memory_space<vmem>> -> memref<128x8xf32, #tpu.memory_space<vmem>>
        %dma_wait3A_59 = arith.constant 0 : i32
        %dma_wait3A_60 = tpu.memref_slice %arg7[%run_scoped3A_46, %dma_wait3A_59] : memref<8x128xi32, #tpu.memory_space<vmem>> -> memref<1x128xi32, #tpu.memory_space<vmem>>
        %dma_wait3A_61 = tpu.memref_squeeze %dma_wait3A_60 : memref<1x128xi32, #tpu.memory_space<vmem>> -> memref<128xi32, #tpu.memory_space<vmem>>
        %dma_wait3A_62 = arith.constant 0 : i32
        %dma_wait3A_63 = arith.constant 0 : i32
        %dma_wait3A_64 = tpu.memref_slice %arg9[%dma_wait3A_62, %dma_wait3A_63] : memref<100352x8xf32, #tpu.memory_space<vmem_shared>> -> memref<100352x8xf32, #tpu.memory_space<vmem_shared>>
        tpu.wait_indirect_dma semaphore(%run_scoped3A_48 : memref<!tpu.dma_semaphore, #tpu.memory_space<semaphore_mem>>) src(%dma_wait3A_58 : memref<128x8xf32, #tpu.memory_space<vmem>>) dst(%dma_wait3A_64 : memref<100352x8xf32, #tpu.memory_space<vmem_shared>>)
        tpu.yield
      }) : () -> ()
      %run_scoped3A_47 = arith.constant 7 : i32
      "tpu.region"() ({
        %run_scoped3A_48 = tpu.sem_alloc : memref<!tpu.dma_semaphore, #tpu.memory_space<semaphore_mem>>
        %dma_start3A = arith.constant 896 : i32
        %dma_start3A_49 = arith.constant 0 : i32
        %dma_start3A_50 = tpu.memref_slice %arg8[%dma_start3A, %dma_start3A_49] : memref<1024x8xf32, #tpu.memory_space<vmem>> -> memref<128x8xf32, #tpu.memory_space<vmem>>
        %dma_start3A_51 = arith.constant 0 : i32
        %dma_start3A_52 = tpu.memref_slice %arg7[%run_scoped3A_47, %dma_start3A_51] : memref<8x128xi32, #tpu.memory_space<vmem>> -> memref<1x128xi32, #tpu.memory_space<vmem>>
        %dma_start3A_53 = tpu.memref_squeeze %dma_start3A_52 : memref<1x128xi32, #tpu.memory_space<vmem>> -> memref<128xi32, #tpu.memory_space<vmem>>
        %dma_start3A_54 = arith.constant 0 : i32
        %dma_start3A_55 = arith.constant 0 : i32
        %dma_start3A_56 = tpu.memref_slice %arg9[%dma_start3A_54, %dma_start3A_55] : memref<100352x8xf32, #tpu.memory_space<vmem_shared>> -> memref<100352x8xf32, #tpu.memory_space<vmem_shared>>
        tpu.enqueue_indirect_dma source(%dma_start3A_50 : memref<128x8xf32, #tpu.memory_space<vmem>>) target(%dma_start3A_56 : memref<100352x8xf32, #tpu.memory_space<vmem_shared>>) offsets(%dma_start3A_53 : memref<128xi32, #tpu.memory_space<vmem>>) semaphore(%run_scoped3A_48 : memref<!tpu.dma_semaphore, #tpu.memory_space<semaphore_mem>>) {add = true}
        %dma_wait3A = arith.constant 896 : i32
        %dma_wait3A_57 = arith.constant 0 : i32
        %dma_wait3A_58 = tpu.memref_slice %arg8[%dma_wait3A, %dma_wait3A_57] : memref<1024x8xf32, #tpu.memory_space<vmem>> -> memref<128x8xf32, #tpu.memory_space<vmem>>
        %dma_wait3A_59 = arith.constant 0 : i32
        %dma_wait3A_60 = tpu.memref_slice %arg7[%run_scoped3A_47, %dma_wait3A_59] : memref<8x128xi32, #tpu.memory_space<vmem>> -> memref<1x128xi32, #tpu.memory_space<vmem>>
        %dma_wait3A_61 = tpu.memref_squeeze %dma_wait3A_60 : memref<1x128xi32, #tpu.memory_space<vmem>> -> memref<128xi32, #tpu.memory_space<vmem>>
        %dma_wait3A_62 = arith.constant 0 : i32
        %dma_wait3A_63 = arith.constant 0 : i32
        %dma_wait3A_64 = tpu.memref_slice %arg9[%dma_wait3A_62, %dma_wait3A_63] : memref<100352x8xf32, #tpu.memory_space<vmem_shared>> -> memref<100352x8xf32, #tpu.memory_space<vmem_shared>>
        tpu.wait_indirect_dma semaphore(%run_scoped3A_48 : memref<!tpu.dma_semaphore, #tpu.memory_space<semaphore_mem>>) src(%dma_wait3A_58 : memref<128x8xf32, #tpu.memory_space<vmem>>) dst(%dma_wait3A_64 : memref<100352x8xf32, #tpu.memory_space<vmem_shared>>)
        tpu.yield
      }) : () -> ()
    }
    %scan3A_6 = arith.constant 25 : i32
    %barrier3A_7 = arith.constant 0 : index
    tpu.barrier barrier_id(%barrier3A_7)
    %eq3A = arith.constant 0 : i32
    %eq3A_8 = arith.cmpi eq, %arg0, %eq3A : i32
    %convert_element_type3A = arith.extui %eq3A_8 : i1 to i32
    %cond3A = arith.constant 0 : i32
    %cond3A_9 = arith.cmpi ne, %convert_element_type3A, %cond3A : i32
    scf.if %cond3A_9 {
      "tpu.region"() ({
        %run_scoped3A = tpu.sem_alloc : memref<!tpu.dma_semaphore, #tpu.memory_space<semaphore_mem>>
        %dma_start3A = arith.constant 0 : i32
        %dma_start3A_15 = tpu.memref_slice %arg5[%mul3A_2, %dma_start3A] : memref<100352x8xf32, #tpu.memory_space<hbm>> -> memref<6272x8xf32, #tpu.memory_space<hbm>>
        %dma_start3A_16 = arith.constant 0 : i32
        %dma_start3A_17 = tpu.memref_slice %arg9[%mul3A_2, %dma_start3A_16] : memref<100352x8xf32, #tpu.memory_space<vmem_shared>> -> memref<6272x8xf32, #tpu.memory_space<vmem_shared>>
        tpu.enqueue_dma source(%dma_start3A_17 : memref<6272x8xf32, #tpu.memory_space<vmem_shared>>) target(%dma_start3A_15 : memref<6272x8xf32, #tpu.memory_space<hbm>>) target_semaphore(%run_scoped3A : memref<!tpu.dma_semaphore, #tpu.memory_space<semaphore_mem>>)
        %dma_wait3A = arith.constant 0 : i32
        %dma_wait3A_18 = tpu.memref_slice %arg5[%mul3A_2, %dma_wait3A] : memref<100352x8xf32, #tpu.memory_space<hbm>> -> memref<6272x8xf32, #tpu.memory_space<hbm>>
        %dma_wait3A_19 = arith.constant 0 : i32
        %dma_wait3A_20 = tpu.memref_slice %arg9[%mul3A_2, %dma_wait3A_19] : memref<100352x8xf32, #tpu.memory_space<vmem_shared>> -> memref<6272x8xf32, #tpu.memory_space<vmem_shared>>
        tpu.wait_dma2 semaphore(%run_scoped3A : memref<!tpu.dma_semaphore, #tpu.memory_space<semaphore_mem>>) src(%dma_wait3A_20 : memref<6272x8xf32, #tpu.memory_space<vmem_shared>>) dst(%dma_wait3A_18 : memref<6272x8xf32, #tpu.memory_space<hbm>>)
        tpu.yield
      }) : () -> ()
    } else {
    }
    %eq3A_10 = arith.constant 1 : i32
    %eq3A_11 = arith.cmpi eq, %arg0, %eq3A_10 : i32
    %convert_element_type3A_12 = arith.extui %eq3A_11 : i1 to i32
    %cond3A_13 = arith.constant 0 : i32
    %cond3A_14 = arith.cmpi ne, %convert_element_type3A_12, %cond3A_13 : i32
    scf.if %cond3A_14 {
      "tpu.region"() ({
        %run_scoped3A = tpu.sem_alloc : memref<!tpu.dma_semaphore, #tpu.memory_space<semaphore_mem>>
        %dma_start3A = arith.constant 0 : i32
        %dma_start3A_15 = tpu.memref_slice %arg6[%mul3A_2, %dma_start3A] : memref<100352x8xf32, #tpu.memory_space<hbm>> -> memref<6272x8xf32, #tpu.memory_space<hbm>>
        %dma_start3A_16 = arith.constant 0 : i32
        %dma_start3A_17 = tpu.memref_slice %arg9[%mul3A_2, %dma_start3A_16] : memref<100352x8xf32, #tpu.memory_space<vmem_shared>> -> memref<6272x8xf32, #tpu.memory_space<vmem_shared>>
        tpu.enqueue_dma source(%dma_start3A_17 : memref<6272x8xf32, #tpu.memory_space<vmem_shared>>) target(%dma_start3A_15 : memref<6272x8xf32, #tpu.memory_space<hbm>>) target_semaphore(%run_scoped3A : memref<!tpu.dma_semaphore, #tpu.memory_space<semaphore_mem>>)
        %dma_wait3A = arith.constant 0 : i32
        %dma_wait3A_18 = tpu.memref_slice %arg6[%mul3A_2, %dma_wait3A] : memref<100352x8xf32, #tpu.memory_space<hbm>> -> memref<6272x8xf32, #tpu.memory_space<hbm>>
        %dma_wait3A_19 = arith.constant 0 : i32
        %dma_wait3A_20 = tpu.memref_slice %arg9[%mul3A_2, %dma_wait3A_19] : memref<100352x8xf32, #tpu.memory_space<vmem_shared>> -> memref<6272x8xf32, #tpu.memory_space<vmem_shared>>
        tpu.wait_dma2 semaphore(%run_scoped3A : memref<!tpu.dma_semaphore, #tpu.memory_space<semaphore_mem>>) src(%dma_wait3A_20 : memref<6272x8xf32, #tpu.memory_space<vmem_shared>>) dst(%dma_wait3A_18 : memref<6272x8xf32, #tpu.memory_space<hbm>>)
        tpu.yield
      }) : () -> ()
    } else {
    }
    return
  }
}

module attributes {stable_mosaic.version = 14 : i64} {
  func.func @_tables_k(%arg0: i32, %arg1: memref<2048x8xf32, #tpu.memory_space<vmem>>, %arg2: memref<8x16xf32, #tpu.memory_space<vmem>>, %arg3: memref<8x16xf32, #tpu.memory_space<vmem>>, %arg4: memref<2048x16xf32, #tpu.memory_space<vmem>>, %arg5: memref<2048x16xf32, #tpu.memory_space<vmem>>) attributes {dimension_semantics = [#tpu.dimension_semantics<arbitrary>], iteration_bounds = array<i64: 49>, scalar_prefetch = 0 : i64, scratch_operands = 0 : i64, tpu.core_type = #tpu.core_type<tc>, window_params = [{transform_indices = @transform_0, window_bounds = array<i64: 2048, 8>}, {pipeline_mode = #tpu.pipeline_mode<synchronous>, transform_indices = @transform_1, window_bounds = array<i64: 8, 16>}, {pipeline_mode = #tpu.pipeline_mode<synchronous>, transform_indices = @transform_2, window_bounds = array<i64: 8, 16>}, {transform_indices = @transform_3, window_bounds = array<i64: 2048, 16>}, {transform_indices = @transform_4, window_bounds = array<i64: 2048, 16>}]} {
    %get3A = arith.constant 0 : index
    %get3A_0 = arith.constant 0 : index
    %get3A_1 = vector.load %arg1[%get3A, %get3A_0] : memref<2048x8xf32, #tpu.memory_space<vmem>>, vector<2048x8xf32>
    %get3A_2 = arith.constant 0 : index
    %get3A_3 = arith.constant 0 : index
    %get3A_4 = vector.load %arg2[%get3A_2, %get3A_3] : memref<8x16xf32, #tpu.memory_space<vmem>>, vector<8x16xf32>
    %dot_general3A = arith.constant dense<0.000000e+00> : vector<2048x16xf32>
    %dot_general3A_5 = tpu.matmul %get3A_1, %get3A_4, %dot_general3A {dimension_numbers = #tpu.dot_dimension_numbers<[1], [0], [0], [1], [0, 0, 1, 1], [], []>, transpose_lhs_hint = false} : vector<2048x8xf32>, vector<8x16xf32>, vector<2048x16xf32> -> vector<2048x16xf32>
    %swap3A = arith.constant 0 : index
    %swap3A_6 = arith.constant 0 : index
    %swap3A_7 = vector.load %arg4[%swap3A, %swap3A_6] : memref<2048x16xf32, #tpu.memory_space<vmem>>, vector<2048x16xf32>
    tpu.vector_store %arg4[%swap3A, %swap3A_6], %dot_general3A_5 {strides = array<i32>} : memref<2048x16xf32, #tpu.memory_space<vmem>>, vector<2048x16xf32>,
    %get3A_8 = arith.constant 0 : index
    %get3A_9 = arith.constant 0 : index
    %get3A_10 = vector.load %arg3[%get3A_8, %get3A_9] : memref<8x16xf32, #tpu.memory_space<vmem>>, vector<8x16xf32>
    %dot_general3A_11 = arith.constant dense<0.000000e+00> : vector<2048x16xf32>
    %dot_general3A_12 = tpu.matmul %get3A_1, %get3A_10, %dot_general3A_11 {dimension_numbers = #tpu.dot_dimension_numbers<[1], [0], [0], [1], [0, 0, 1, 1], [], []>, transpose_lhs_hint = false} : vector<2048x8xf32>, vector<8x16xf32>, vector<2048x16xf32> -> vector<2048x16xf32>
    %swap3A_13 = arith.constant 0 : index
    %swap3A_14 = arith.constant 0 : index
    %swap3A_15 = vector.load %arg5[%swap3A_13, %swap3A_14] : memref<2048x16xf32, #tpu.memory_space<vmem>>, vector<2048x16xf32>
    tpu.vector_store %arg5[%swap3A_13, %swap3A_14], %dot_general3A_12 {strides = array<i32>} : memref<2048x16xf32, #tpu.memory_space<vmem>>, vector<2048x16xf32>,
    return
  }
  func.func @transform_0(%arg0: i32) -> (i32, i32) {
    %c0_i32 = arith.constant 0 : i32
    %c0_i32_0 = arith.constant 0 : i32
    return %arg0, %c0_i32 : i32, i32
  }
  func.func @transform_1(%arg0: i32) -> (i32, i32) {
    %c0_i32 = arith.constant 0 : i32
    %c0_i32_0 = arith.constant 0 : i32
    %c0_i32_1 = arith.constant 0 : i32
    return %c0_i32, %c0_i32_0 : i32, i32
  }
  func.func @transform_2(%arg0: i32) -> (i32, i32) {
    %c0_i32 = arith.constant 0 : i32
    %c0_i32_0 = arith.constant 0 : i32
    %c0_i32_1 = arith.constant 0 : i32
    return %c0_i32, %c0_i32_0 : i32, i32
  }
  func.func @transform_3(%arg0: i32) -> (i32, i32) {
    %c0_i32 = arith.constant 0 : i32
    %c0_i32_0 = arith.constant 0 : i32
    return %arg0, %c0_i32 : i32, i32
  }
  func.func @transform_4(%arg0: i32) -> (i32, i32) {
    %c0_i32 = arith.constant 0 : i32
    %c0_i32_0 = arith.constant 0 : i32
    return %arg0, %c0_i32 : i32, i32
  }
}

module attributes {stable_mosaic.version = 14 : i64} {
  func.func @_edge_k(%arg0: i32, %arg1: memref<128x128xf32, #tpu.memory_space<vmem>>, %arg2: memref<128x128xf32, #tpu.memory_space<vmem>>, %arg3: memref<8x128xf32, #tpu.memory_space<vmem>>, %arg4: memref<8x128xf32, #tpu.memory_space<vmem>>, %arg5: memref<8x128xf32, #tpu.memory_space<vmem>>, %arg6: memref<8x256xf32, #tpu.memory_space<vmem>>, %arg7: memref<8x256xf32, #tpu.memory_space<vmem>>, %arg8: memref<8x256xf32, #tpu.memory_space<vmem>>, %arg9: memref<1x128xf32, #tpu.memory_space<vmem>>, %arg10: memref<128x256xf32, #tpu.memory_space<vmem>>, %arg11: memref<1x256xf32, #tpu.memory_space<vmem>>, %arg12: memref<256x128xf32, #tpu.memory_space<vmem>>, %arg13: memref<1x128xf32, #tpu.memory_space<vmem>>, %arg14: memref<128x256xf32, #tpu.memory_space<vmem>>, %arg15: memref<128x256xf32, #tpu.memory_space<vmem>>, %arg16: memref<1x256xf32, #tpu.memory_space<vmem>>, %arg17: memref<256x256xf32, #tpu.memory_space<vmem>>, %arg18: memref<1x256xf32, #tpu.memory_space<vmem>>, %arg19: memref<256x128xf32, #tpu.memory_space<vmem>>, %arg20: memref<1x128xf32, #tpu.memory_space<vmem>>, %arg21: memref<128x128xf32, #tpu.memory_space<vmem>>) attributes {dimension_semantics = [#tpu.dimension_semantics<arbitrary>], iteration_bounds = array<i64: 800>, scalar_prefetch = 0 : i64, scratch_operands = 0 : i64, tpu.core_type = #tpu.core_type<tc>, window_params = [{transform_indices = @transform_0, window_bounds = array<i64: 128, 128>}, {transform_indices = @transform_1, window_bounds = array<i64: 128, 128>}, {transform_indices = @transform_2, window_bounds = array<i64: 8, 128>}, {transform_indices = @transform_3, window_bounds = array<i64: 8, 128>}, {transform_indices = @transform_4, window_bounds = array<i64: 8, 128>}, {pipeline_mode = #tpu.pipeline_mode<synchronous>, transform_indices = @transform_5, window_bounds = array<i64: 8, 256>}, {pipeline_mode = #tpu.pipeline_mode<synchronous>, transform_indices = @transform_6, window_bounds = array<i64: 8, 256>}, {pipeline_mode = #tpu.pipeline_mode<synchronous>, transform_indices = @transform_7, window_bounds = array<i64: 8, 256>}, {pipeline_mode = #tpu.pipeline_mode<synchronous>, transform_indices = @transform_8, window_bounds = array<i64: 1, 128>}, {pipeline_mode = #tpu.pipeline_mode<synchronous>, transform_indices = @transform_9, window_bounds = array<i64: 128, 256>}, {pipeline_mode = #tpu.pipeline_mode<synchronous>, transform_indices = @transform_10, window_bounds = array<i64: 1, 256>}, {pipeline_mode = #tpu.pipeline_mode<synchronous>, transform_indices = @transform_11, window_bounds = array<i64: 256, 128>}, {pipeline_mode = #tpu.pipeline_mode<synchronous>, transform_indices = @transform_12, window_bounds = array<i64: 1, 128>}, {pipeline_mode = #tpu.pipeline_mode<synchronous>, transform_indices = @transform_13, window_bounds = array<i64: 128, 256>}, {pipeline_mode = #tpu.pipeline_mode<synchronous>, transform_indices = @transform_14, window_bounds = array<i64: 128, 256>}, {pipeline_mode = #tpu.pipeline_mode<synchronous>, transform_indices = @transform_15, window_bounds = array<i64: 1, 256>}, {pipeline_mode = #tpu.pipeline_mode<synchronous>, transform_indices = @transform_16, window_bounds = array<i64: 256, 256>}, {pipeline_mode = #tpu.pipeline_mode<synchronous>, transform_indices = @transform_17, window_bounds = array<i64: 1, 256>}, {pipeline_mode = #tpu.pipeline_mode<synchronous>, transform_indices = @transform_18, window_bounds = array<i64: 256, 128>}, {pipeline_mode = #tpu.pipeline_mode<synchronous>, transform_indices = @transform_19, window_bounds = array<i64: 1, 128>}, {transform_indices = @transform_20, window_bounds = array<i64: 128, 128>}]} {
    %get3A = arith.constant 0 : index
    %get3A_0 = arith.constant 0 : index
    %get3A_1 = vector.load %arg1[%get3A, %get3A_0] : memref<128x128xf32, #tpu.memory_space<vmem>>, vector<128x128xf32>
    %get3A_2 = arith.constant 0 : index
    %get3A_3 = arith.constant 0 : index
    %get3A_4 = vector.load %arg2[%get3A_2, %get3A_3] : memref<128x128xf32, #tpu.memory_space<vmem>>, vector<128x128xf32>
    %add3A = arith.addf %get3A_1, %get3A_4 : vector<128x128xf32>
    %get3A_5 = arith.constant 0 : index
    %get3A_6 = arith.constant 0 : index
    %get3A_7 = vector.load %arg9[%get3A_5, %get3A_6] : memref<1x128xf32, #tpu.memory_space<vmem>>, vector<1x128xf32>
    %add3A_8 = vector.broadcast %get3A_7 : vector<1x128xf32> to vector<128x128xf32>
    %add3A_9 = arith.addf %add3A, %add3A_8 : vector<128x128xf32>
    %exp3A = math.exp %add3A_9 : vector<128x128xf32>
    %sub3A = arith.constant 1.000000e+00 : f32
    %sub3A_10 = vector.broadcast %sub3A : f32 to vector<128x128xf32>
    %sub3A_11 = arith.subf %exp3A, %sub3A_10 : vector<128x128xf32>
    %mul3A = arith.constant 1.67326319 : f32
    %mul3A_12 = vector.broadcast %mul3A : f32 to vector<128x128xf32>
    %mul3A_13 = arith.mulf %mul3A_12, %sub3A_11 : vector<128x128xf32>
    %gt3A = arith.constant 0.000000e+00 : f32
    %gt3A_14 = vector.broadcast %gt3A : f32 to vector<128x128xf32>
    %gt3A_15 = arith.cmpf ogt, %add3A_9, %gt3A_14 : vector<128x128xf32>
    %mul3A_16 = arith.constant 1.05070102 : f32
    %mul3A_17 = vector.broadcast %mul3A_16 : f32 to vector<128x128xf32>
    %mul3A_18 = arith.mulf %mul3A_17, %add3A_9 : vector<128x128xf32>
    %mul3A_19 = arith.constant 1.05070102 : f32
    %mul3A_20 = vector.broadcast %mul3A_19 : f32 to vector<128x128xf32>
    %mul3A_21 = arith.mulf %mul3A_20, %mul3A_13 : vector<128x128xf32>
    %select_n3A = arith.select %gt3A_15, %mul3A_18, %mul3A_21 : vector<128x128xi1>, vector<128x128xf32>
    %get3A_22 = arith.constant 0 : index
    %get3A_23 = arith.constant 0 : index
    %get3A_24 = vector.load %arg10[%get3A_22, %get3A_23] : memref<128x256xf32, #tpu.memory_space<vmem>>, vector<128x256xf32>
    %dot_general3A = arith.constant dense<0.000000e+00> : vector<128x256xf32>
    %dot_general3A_25 = tpu.matmul %select_n3A, %get3A_24, %dot_general3A {dimension_numbers = #tpu.dot_dimension_numbers<[1], [0], [0], [1], [0, 0, 1, 1], [], []>, transpose_lhs_hint = false} : vector<128x128xf32>, vector<128x256xf32>, vector<128x256xf32> -> vector<128x256xf32>
    %get3A_26 = arith.constant 0 : index
    %get3A_27 = arith.constant 0 : index
    %get3A_28 = vector.load %arg11[%get3A_26, %get3A_27] : memref<1x256xf32, #tpu.memory_space<vmem>>, vector<1x256xf32>
    %add3A_29 = vector.broadcast %get3A_28 : vector<1x256xf32> to vector<128x256xf32>
    %add3A_30 = arith.addf %dot_general3A_25, %add3A_29 : vector<128x256xf32>
    %exp3A_31 = math.exp %add3A_30 : vector<128x256xf32>
    %sub3A_32 = arith.constant 1.000000e+00 : f32
    %sub3A_33 = vector.broadcast %sub3A_32 : f32 to vector<128x256xf32>
    %sub3A_34 = arith.subf %exp3A_31, %sub3A_33 : vector<128x256xf32>
    %mul3A_35 = arith.constant 1.67326319 : f32
    %mul3A_36 = vector.broadcast %mul3A_35 : f32 to vector<128x256xf32>
    %mul3A_37 = arith.mulf %mul3A_36, %sub3A_34 : vector<128x256xf32>
    %gt3A_38 = arith.constant 0.000000e+00 : f32
    %gt3A_39 = vector.broadcast %gt3A_38 : f32 to vector<128x256xf32>
    %gt3A_40 = arith.cmpf ogt, %add3A_30, %gt3A_39 : vector<128x256xf32>
    %mul3A_41 = arith.constant 1.05070102 : f32
    %mul3A_42 = vector.broadcast %mul3A_41 : f32 to vector<128x256xf32>
    %mul3A_43 = arith.mulf %mul3A_42, %add3A_30 : vector<128x256xf32>
    %mul3A_44 = arith.constant 1.05070102 : f32
    %mul3A_45 = vector.broadcast %mul3A_44 : f32 to vector<128x256xf32>
    %mul3A_46 = arith.mulf %mul3A_45, %mul3A_37 : vector<128x256xf32>
    %select_n3A_47 = arith.select %gt3A_40, %mul3A_43, %mul3A_46 : vector<128x256xi1>, vector<128x256xf32>
    %get3A_48 = arith.constant 0 : index
    %get3A_49 = arith.constant 0 : index
    %get3A_50 = vector.load %arg12[%get3A_48, %get3A_49] : memref<256x128xf32, #tpu.memory_space<vmem>>, vector<256x128xf32>
    %dot_general3A_51 = arith.constant dense<0.000000e+00> : vector<128x128xf32>
    %dot_general3A_52 = tpu.matmul %select_n3A_47, %get3A_50, %dot_general3A_51 {dimension_numbers = #tpu.dot_dimension_numbers<[1], [0], [0], [1], [0, 0, 1, 1], [], []>, transpose_lhs_hint = false} : vector<128x256xf32>, vector<256x128xf32>, vector<128x128xf32> -> vector<128x128xf32>
    %get3A_53 = arith.constant 0 : index
    %get3A_54 = arith.constant 0 : index
    %get3A_55 = vector.load %arg13[%get3A_53, %get3A_54] : memref<1x128xf32, #tpu.memory_space<vmem>>, vector<1x128xf32>
    %add3A_56 = vector.broadcast %get3A_55 : vector<1x128xf32> to vector<128x128xf32>
    %add3A_57 = arith.addf %dot_general3A_52, %add3A_56 : vector<128x128xf32>
    %get3A_58 = arith.constant 0 : index
    %get3A_59 = arith.constant 0 : index
    %get3A_60 = vector.load %arg14[%get3A_58, %get3A_59] : memref<128x256xf32, #tpu.memory_space<vmem>>, vector<128x256xf32>
    %dot_general3A_61 = arith.constant dense<0.000000e+00> : vector<128x256xf32>
    %dot_general3A_62 = tpu.matmul %add3A_57, %get3A_60, %dot_general3A_61 {dimension_numbers = #tpu.dot_dimension_numbers<[1], [0], [0], [1], [0, 0, 1, 1], [], []>, transpose_lhs_hint = false} : vector<128x128xf32>, vector<128x256xf32>, vector<128x256xf32> -> vector<128x256xf32>
    %get3A_63 = arith.constant 0 : index
    %get3A_64 = arith.constant 0 : index
    %get3A_65 = vector.load %arg16[%get3A_63, %get3A_64] : memref<1x256xf32, #tpu.memory_space<vmem>>, vector<1x256xf32>
    %add3A_66 = vector.broadcast %get3A_65 : vector<1x256xf32> to vector<128x256xf32>
    %add3A_67 = arith.addf %dot_general3A_62, %add3A_66 : vector<128x256xf32>
    %get3A_68 = arith.constant 0 : index
    %get3A_69 = arith.constant 0 : index
    %get3A_70 = vector.load %arg3[%get3A_68, %get3A_69] : memref<8x128xf32, #tpu.memory_space<vmem>>, vector<8x128xf32>
    %get3A_71 = arith.constant 0 : index
    %get3A_72 = arith.constant 0 : index
    %get3A_73 = vector.load %arg6[%get3A_71, %get3A_72] : memref<8x256xf32, #tpu.memory_space<vmem>>, vector<8x256xf32>
    %dot_general3A_74 = arith.constant dense<0.000000e+00> : vector<128x256xf32>
    %dot_general3A_75 = tpu.matmul %get3A_70, %get3A_73, %dot_general3A_74 {dimension_numbers = #tpu.dot_dimension_numbers<[0], [0], [1], [1], [0, 1, 1, 1], [], []>, transpose_lhs_hint = false} : vector<8x128xf32>, vector<8x256xf32>, vector<128x256xf32> -> vector<128x256xf32>
    %get3A_76 = arith.constant 0 : index
    %get3A_77 = arith.constant 0 : index
    %get3A_78 = vector.load %arg4[%get3A_76, %get3A_77] : memref<8x128xf32, #tpu.memory_space<vmem>>, vector<8x128xf32>
    %get3A_79 = arith.constant 0 : index
    %get3A_80 = arith.constant 0 : index
    %get3A_81 = vector.load %arg7[%get3A_79, %get3A_80] : memref<8x256xf32, #tpu.memory_space<vmem>>, vector<8x256xf32>
    %dot_general3A_82 = arith.constant dense<0.000000e+00> : vector<128x256xf32>
    %dot_general3A_83 = tpu.matmul %get3A_78, %get3A_81, %dot_general3A_82 {dimension_numbers = #tpu.dot_dimension_numbers<[0], [0], [1], [1], [0, 1, 1, 1], [], []>, transpose_lhs_hint = false} : vector<8x128xf32>, vector<8x256xf32>, vector<128x256xf32> -> vector<128x256xf32>
    %add3A_84 = arith.addf %dot_general3A_75, %dot_general3A_83 : vector<128x256xf32>
    %get3A_85 = arith.constant 0 : index
    %get3A_86 = arith.constant 0 : index
    %get3A_87 = vector.load %arg5[%get3A_85, %get3A_86] : memref<8x128xf32, #tpu.memory_space<vmem>>, vector<8x128xf32>
    %get3A_88 = arith.constant 0 : index
    %get3A_89 = arith.constant 0 : index
    %get3A_90 = vector.load %arg8[%get3A_88, %get3A_89] : memref<8x256xf32, #tpu.memory_space<vmem>>, vector<8x256xf32>
    %dot_general3A_91 = arith.constant dense<0.000000e+00> : vector<128x256xf32>
    %dot_general3A_92 = tpu.matmul %get3A_87, %get3A_90, %dot_general3A_91 {dimension_numbers = #tpu.dot_dimension_numbers<[0], [0], [1], [1], [0, 1, 1, 1], [], []>, transpose_lhs_hint = false} : vector<8x128xf32>, vector<8x256xf32>, vector<128x256xf32> -> vector<128x256xf32>
    %add3A_93 = arith.addf %add3A_84, %dot_general3A_92 : vector<128x256xf32>
    %add3A_94 = arith.addf %add3A_93, %add3A_67 : vector<128x256xf32>
    %exp3A_95 = math.exp %add3A_94 : vector<128x256xf32>
    %sub3A_96 = arith.constant 1.000000e+00 : f32
    %sub3A_97 = vector.broadcast %sub3A_96 : f32 to vector<128x256xf32>
    %sub3A_98 = arith.subf %exp3A_95, %sub3A_97 : vector<128x256xf32>
    %mul3A_99 = arith.constant 1.67326319 : f32
    %mul3A_100 = vector.broadcast %mul3A_99 : f32 to vector<128x256xf32>
    %mul3A_101 = arith.mulf %mul3A_100, %sub3A_98 : vector<128x256xf32>
    %gt3A_102 = arith.constant 0.000000e+00 : f32
    %gt3A_103 = vector.broadcast %gt3A_102 : f32 to vector<128x256xf32>
    %gt3A_104 = arith.cmpf ogt, %add3A_94, %gt3A_103 : vector<128x256xf32>
    %mul3A_105 = arith.constant 1.05070102 : f32
    %mul3A_106 = vector.broadcast %mul3A_105 : f32 to vector<128x256xf32>
    %mul3A_107 = arith.mulf %mul3A_106, %add3A_94 : vector<128x256xf32>
    %mul3A_108 = arith.constant 1.05070102 : f32
    %mul3A_109 = vector.broadcast %mul3A_108 : f32 to vector<128x256xf32>
    %mul3A_110 = arith.mulf %mul3A_109, %mul3A_101 : vector<128x256xf32>
    %select_n3A_111 = arith.select %gt3A_104, %mul3A_107, %mul3A_110 : vector<128x256xi1>, vector<128x256xf32>
    %get3A_112 = arith.constant 0 : index
    %get3A_113 = arith.constant 0 : index
    %get3A_114 = vector.load %arg17[%get3A_112, %get3A_113] : memref<256x256xf32, #tpu.memory_space<vmem>>, vector<256x256xf32>
    %dot_general3A_115 = arith.constant dense<0.000000e+00> : vector<128x256xf32>
    %dot_general3A_116 = tpu.matmul %select_n3A_111, %get3A_114, %dot_general3A_115 {dimension_numbers = #tpu.dot_dimension_numbers<[1], [0], [0], [1], [0, 0, 1, 1], [], []>, transpose_lhs_hint = false} : vector<128x256xf32>, vector<256x256xf32>, vector<128x256xf32> -> vector<128x256xf32>
    %get3A_117 = arith.constant 0 : index
    %get3A_118 = arith.constant 0 : index
    %get3A_119 = vector.load %arg18[%get3A_117, %get3A_118] : memref<1x256xf32, #tpu.memory_space<vmem>>, vector<1x256xf32>
    %add3A_120 = vector.broadcast %get3A_119 : vector<1x256xf32> to vector<128x256xf32>
    %add3A_121 = arith.addf %dot_general3A_116, %add3A_120 : vector<128x256xf32>
    %exp3A_122 = math.exp %add3A_121 : vector<128x256xf32>
    %sub3A_123 = arith.constant 1.000000e+00 : f32
    %sub3A_124 = vector.broadcast %sub3A_123 : f32 to vector<128x256xf32>
    %sub3A_125 = arith.subf %exp3A_122, %sub3A_124 : vector<128x256xf32>
    %mul3A_126 = arith.constant 1.67326319 : f32
    %mul3A_127 = vector.broadcast %mul3A_126 : f32 to vector<128x256xf32>
    %mul3A_128 = arith.mulf %mul3A_127, %sub3A_125 : vector<128x256xf32>
    %gt3A_129 = arith.constant 0.000000e+00 : f32
    %gt3A_130 = vector.broadcast %gt3A_129 : f32 to vector<128x256xf32>
    %gt3A_131 = arith.cmpf ogt, %add3A_121, %gt3A_130 : vector<128x256xf32>
    %mul3A_132 = arith.constant 1.05070102 : f32
    %mul3A_133 = vector.broadcast %mul3A_132 : f32 to vector<128x256xf32>
    %mul3A_134 = arith.mulf %mul3A_133, %add3A_121 : vector<128x256xf32>
    %mul3A_135 = arith.constant 1.05070102 : f32
    %mul3A_136 = vector.broadcast %mul3A_135 : f32 to vector<128x256xf32>
    %mul3A_137 = arith.mulf %mul3A_136, %mul3A_128 : vector<128x256xf32>
    %select_n3A_138 = arith.select %gt3A_131, %mul3A_134, %mul3A_137 : vector<128x256xi1>, vector<128x256xf32>
    %get3A_139 = arith.constant 0 : index
    %get3A_140 = arith.constant 0 : index
    %get3A_141 = vector.load %arg19[%get3A_139, %get3A_140] : memref<256x128xf32, #tpu.memory_space<vmem>>, vector<256x128xf32>
    %dot_general3A_142 = arith.constant dense<0.000000e+00> : vector<128x128xf32>
    %dot_general3A_143 = tpu.matmul %select_n3A_138, %get3A_141, %dot_general3A_142 {dimension_numbers = #tpu.dot_dimension_numbers<[1], [0], [0], [1], [0, 0, 1, 1], [], []>, transpose_lhs_hint = false} : vector<128x256xf32>, vector<256x128xf32>, vector<128x128xf32> -> vector<128x128xf32>
    %get3A_144 = arith.constant 0 : index
    %get3A_145 = arith.constant 0 : index
    %get3A_146 = vector.load %arg20[%get3A_144, %get3A_145] : memref<1x128xf32, #tpu.memory_space<vmem>>, vector<1x128xf32>
    %add3A_147 = vector.broadcast %get3A_146 : vector<1x128xf32> to vector<128x128xf32>
    %add3A_148 = arith.addf %dot_general3A_143, %add3A_147 : vector<128x128xf32>
    %get3A_149 = arith.constant 0 : index
    %get3A_150 = arith.constant 0 : index
    %get3A_151 = vector.load %arg15[%get3A_149, %get3A_150] : memref<128x256xf32, #tpu.memory_space<vmem>>, vector<128x256xf32>
    %dot_general3A_152 = arith.constant dense<0.000000e+00> : vector<128x256xf32>
    %dot_general3A_153 = tpu.matmul %add3A_148, %get3A_151, %dot_general3A_152 {dimension_numbers = #tpu.dot_dimension_numbers<[1], [0], [0], [1], [0, 0, 1, 1], [], []>, transpose_lhs_hint = false} : vector<128x128xf32>, vector<128x256xf32>, vector<128x256xf32> -> vector<128x256xf32>
    %add3A_154 = arith.addf %dot_general3A_153, %add3A_67 : vector<128x256xf32>
    %exp3A_155 = math.exp %add3A_154 : vector<128x256xf32>
    %sub3A_156 = arith.constant 1.000000e+00 : f32
    %sub3A_157 = vector.broadcast %sub3A_156 : f32 to vector<128x256xf32>
    %sub3A_158 = arith.subf %exp3A_155, %sub3A_157 : vector<128x256xf32>
    %mul3A_159 = arith.constant 1.67326319 : f32
    %mul3A_160 = vector.broadcast %mul3A_159 : f32 to vector<128x256xf32>
    %mul3A_161 = arith.mulf %mul3A_160, %sub3A_158 : vector<128x256xf32>
    %gt3A_162 = arith.constant 0.000000e+00 : f32
    %gt3A_163 = vector.broadcast %gt3A_162 : f32 to vector<128x256xf32>
    %gt3A_164 = arith.cmpf ogt, %add3A_154, %gt3A_163 : vector<128x256xf32>
    %mul3A_165 = arith.constant 1.05070102 : f32
    %mul3A_166 = vector.broadcast %mul3A_165 : f32 to vector<128x256xf32>
    %mul3A_167 = arith.mulf %mul3A_166, %add3A_154 : vector<128x256xf32>
    %mul3A_168 = arith.constant 1.05070102 : f32
    %mul3A_169 = vector.broadcast %mul3A_168 : f32 to vector<128x256xf32>
    %mul3A_170 = arith.mulf %mul3A_169, %mul3A_161 : vector<128x256xf32>
    %select_n3A_171 = arith.select %gt3A_164, %mul3A_167, %mul3A_170 : vector<128x256xi1>, vector<128x256xf32>
    %get3A_172 = arith.constant 0 : index
    %get3A_173 = arith.constant 0 : index
    %get3A_174 = vector.load %arg17[%get3A_172, %get3A_173] : memref<256x256xf32, #tpu.memory_space<vmem>>, vector<256x256xf32>
    %dot_general3A_175 = arith.constant dense<0.000000e+00> : vector<128x256xf32>
    %dot_general3A_176 = tpu.matmul %select_n3A_171, %get3A_174, %dot_general3A_175 {dimension_numbers = #tpu.dot_dimension_numbers<[1], [0], [0], [1], [0, 0, 1, 1], [], []>, transpose_lhs_hint = false} : vector<128x256xf32>, vector<256x256xf32>, vector<128x256xf32> -> vector<128x256xf32>
    %get3A_177 = arith.constant 0 : index
    %get3A_178 = arith.constant 0 : index
    %get3A_179 = vector.load %arg18[%get3A_177, %get3A_178] : memref<1x256xf32, #tpu.memory_space<vmem>>, vector<1x256xf32>
    %add3A_180 = vector.broadcast %get3A_179 : vector<1x256xf32> to vector<128x256xf32>
    %add3A_181 = arith.addf %dot_general3A_176, %add3A_180 : vector<128x256xf32>
    %exp3A_182 = math.exp %add3A_181 : vector<128x256xf32>
    %sub3A_183 = arith.constant 1.000000e+00 : f32
    %sub3A_184 = vector.broadcast %sub3A_183 : f32 to vector<128x256xf32>
    %sub3A_185 = arith.subf %exp3A_182, %sub3A_184 : vector<128x256xf32>
    %mul3A_186 = arith.constant 1.67326319 : f32
    %mul3A_187 = vector.broadcast %mul3A_186 : f32 to vector<128x256xf32>
    %mul3A_188 = arith.mulf %mul3A_187, %sub3A_185 : vector<128x256xf32>
    %gt3A_189 = arith.constant 0.000000e+00 : f32
    %gt3A_190 = vector.broadcast %gt3A_189 : f32 to vector<128x256xf32>
    %gt3A_191 = arith.cmpf ogt, %add3A_181, %gt3A_190 : vector<128x256xf32>
    %mul3A_192 = arith.constant 1.05070102 : f32
    %mul3A_193 = vector.broadcast %mul3A_192 : f32 to vector<128x256xf32>
    %mul3A_194 = arith.mulf %mul3A_193, %add3A_181 : vector<128x256xf32>
    %mul3A_195 = arith.constant 1.05070102 : f32
    %mul3A_196 = vector.broadcast %mul3A_195 : f32 to vector<128x256xf32>
    %mul3A_197 = arith.mulf %mul3A_196, %mul3A_188 : vector<128x256xf32>
    %select_n3A_198 = arith.select %gt3A_191, %mul3A_194, %mul3A_197 : vector<128x256xi1>, vector<128x256xf32>
    %get3A_199 = arith.constant 0 : index
    %get3A_200 = arith.constant 0 : index
    %get3A_201 = vector.load %arg19[%get3A_199, %get3A_200] : memref<256x128xf32, #tpu.memory_space<vmem>>, vector<256x128xf32>
    %dot_general3A_202 = arith.constant dense<0.000000e+00> : vector<128x128xf32>
    %dot_general3A_203 = tpu.matmul %select_n3A_198, %get3A_201, %dot_general3A_202 {dimension_numbers = #tpu.dot_dimension_numbers<[1], [0], [0], [1], [0, 0, 1, 1], [], []>, transpose_lhs_hint = false} : vector<128x256xf32>, vector<256x128xf32>, vector<128x128xf32> -> vector<128x128xf32>
    %get3A_204 = arith.constant 0 : index
    %get3A_205 = arith.constant 0 : index
    %get3A_206 = vector.load %arg20[%get3A_204, %get3A_205] : memref<1x128xf32, #tpu.memory_space<vmem>>, vector<1x128xf32>
    %add3A_207 = vector.broadcast %get3A_206 : vector<1x128xf32> to vector<128x128xf32>
    %add3A_208 = arith.addf %dot_general3A_203, %add3A_207 : vector<128x128xf32>
    %get3A_209 = arith.constant 0 : index
    %get3A_210 = arith.constant 0 : index
    %get3A_211 = vector.load %arg15[%get3A_209, %get3A_210] : memref<128x256xf32, #tpu.memory_space<vmem>>, vector<128x256xf32>
    %dot_general3A_212 = arith.constant dense<0.000000e+00> : vector<128x256xf32>
    %dot_general3A_213 = tpu.matmul %add3A_208, %get3A_211, %dot_general3A_212 {dimension_numbers = #tpu.dot_dimension_numbers<[1], [0], [0], [1], [0, 0, 1, 1], [], []>, transpose_lhs_hint = false} : vector<128x128xf32>, vector<128x256xf32>, vector<128x256xf32> -> vector<128x256xf32>
    %add3A_214 = arith.addf %dot_general3A_213, %add3A_67 : vector<128x256xf32>
    %exp3A_215 = math.exp %add3A_214 : vector<128x256xf32>
    %sub3A_216 = arith.constant 1.000000e+00 : f32
    %sub3A_217 = vector.broadcast %sub3A_216 : f32 to vector<128x256xf32>
    %sub3A_218 = arith.subf %exp3A_215, %sub3A_217 : vector<128x256xf32>
    %mul3A_219 = arith.constant 1.67326319 : f32
    %mul3A_220 = vector.broadcast %mul3A_219 : f32 to vector<128x256xf32>
    %mul3A_221 = arith.mulf %mul3A_220, %sub3A_218 : vector<128x256xf32>
    %gt3A_222 = arith.constant 0.000000e+00 : f32
    %gt3A_223 = vector.broadcast %gt3A_222 : f32 to vector<128x256xf32>
    %gt3A_224 = arith.cmpf ogt, %add3A_214, %gt3A_223 : vector<128x256xf32>
    %mul3A_225 = arith.constant 1.05070102 : f32
    %mul3A_226 = vector.broadcast %mul3A_225 : f32 to vector<128x256xf32>
    %mul3A_227 = arith.mulf %mul3A_226, %add3A_214 : vector<128x256xf32>
    %mul3A_228 = arith.constant 1.05070102 : f32
    %mul3A_229 = vector.broadcast %mul3A_228 : f32 to vector<128x256xf32>
    %mul3A_230 = arith.mulf %mul3A_229, %mul3A_221 : vector<128x256xf32>
    %select_n3A_231 = arith.select %gt3A_224, %mul3A_227, %mul3A_230 : vector<128x256xi1>, vector<128x256xf32>
    %get3A_232 = arith.constant 0 : index
    %get3A_233 = arith.constant 0 : index
    %get3A_234 = vector.load %arg17[%get3A_232, %get3A_233] : memref<256x256xf32, #tpu.memory_space<vmem>>, vector<256x256xf32>
    %dot_general3A_235 = arith.constant dense<0.000000e+00> : vector<128x256xf32>
    %dot_general3A_236 = tpu.matmul %select_n3A_231, %get3A_234, %dot_general3A_235 {dimension_numbers = #tpu.dot_dimension_numbers<[1], [0], [0], [1], [0, 0, 1, 1], [], []>, transpose_lhs_hint = false} : vector<128x256xf32>, vector<256x256xf32>, vector<128x256xf32> -> vector<128x256xf32>
    %get3A_237 = arith.constant 0 : index
    %get3A_238 = arith.constant 0 : index
    %get3A_239 = vector.load %arg18[%get3A_237, %get3A_238] : memref<1x256xf32, #tpu.memory_space<vmem>>, vector<1x256xf32>
    %add3A_240 = vector.broadcast %get3A_239 : vector<1x256xf32> to vector<128x256xf32>
    %add3A_241 = arith.addf %dot_general3A_236, %add3A_240 : vector<128x256xf32>
    %exp3A_242 = math.exp %add3A_241 : vector<128x256xf32>
    %sub3A_243 = arith.constant 1.000000e+00 : f32
    %sub3A_244 = vector.broadcast %sub3A_243 : f32 to vector<128x256xf32>
    %sub3A_245 = arith.subf %exp3A_242, %sub3A_244 : vector<128x256xf32>
    %mul3A_246 = arith.constant 1.67326319 : f32
    %mul3A_247 = vector.broadcast %mul3A_246 : f32 to vector<128x256xf32>
    %mul3A_248 = arith.mulf %mul3A_247, %sub3A_245 : vector<128x256xf32>
    %gt3A_249 = arith.constant 0.000000e+00 : f32
    %gt3A_250 = vector.broadcast %gt3A_249 : f32 to vector<128x256xf32>
    %gt3A_251 = arith.cmpf ogt, %add3A_241, %gt3A_250 : vector<128x256xf32>
    %mul3A_252 = arith.constant 1.05070102 : f32
    %mul3A_253 = vector.broadcast %mul3A_252 : f32 to vector<128x256xf32>
    %mul3A_254 = arith.mulf %mul3A_253, %add3A_241 : vector<128x256xf32>
    %mul3A_255 = arith.constant 1.05070102 : f32
    %mul3A_256 = vector.broadcast %mul3A_255 : f32 to vector<128x256xf32>
    %mul3A_257 = arith.mulf %mul3A_256, %mul3A_248 : vector<128x256xf32>
    %select_n3A_258 = arith.select %gt3A_251, %mul3A_254, %mul3A_257 : vector<128x256xi1>, vector<128x256xf32>
    %get3A_259 = arith.constant 0 : index
    %get3A_260 = arith.constant 0 : index
    %get3A_261 = vector.load %arg19[%get3A_259, %get3A_260] : memref<256x128xf32, #tpu.memory_space<vmem>>, vector<256x128xf32>
    %dot_general3A_262 = arith.constant dense<0.000000e+00> : vector<128x128xf32>
    %dot_general3A_263 = tpu.matmul %select_n3A_258, %get3A_261, %dot_general3A_262 {dimension_numbers = #tpu.dot_dimension_numbers<[1], [0], [0], [1], [0, 0, 1, 1], [], []>, transpose_lhs_hint = false} : vector<128x256xf32>, vector<256x128xf32>, vector<128x128xf32> -> vector<128x128xf32>
    %get3A_264 = arith.constant 0 : index
    %get3A_265 = arith.constant 0 : index
    %get3A_266 = vector.load %arg20[%get3A_264, %get3A_265] : memref<1x128xf32, #tpu.memory_space<vmem>>, vector<1x128xf32>
    %add3A_267 = vector.broadcast %get3A_266 : vector<1x128xf32> to vector<128x128xf32>
    %add3A_268 = arith.addf %dot_general3A_263, %add3A_267 : vector<128x128xf32>
    %swap3A = arith.constant 0 : index
    %swap3A_269 = arith.constant 0 : index
    %swap3A_270 = vector.load %arg21[%swap3A, %swap3A_269] : memref<128x128xf32, #tpu.memory_space<vmem>>, vector<128x128xf32>
    tpu.vector_store %arg21[%swap3A, %swap3A_269], %add3A_268 {strides = array<i32>} : memref<128x128xf32, #tpu.memory_space<vmem>>, vector<128x128xf32>,
    return
  }
  func.func @transform_0(%arg0: i32) -> (i32, i32) {
    %c0_i32 = arith.constant 0 : i32
    %c0_i32_0 = arith.constant 0 : i32
    return %arg0, %c0_i32 : i32, i32
  }
  func.func @transform_1(%arg0: i32) -> (i32, i32) {
    %c0_i32 = arith.constant 0 : i32
    %c0_i32_0 = arith.constant 0 : i32
    return %arg0, %c0_i32 : i32, i32
  }
  func.func @transform_2(%arg0: i32) -> (i32, i32) {
    %c0_i32 = arith.constant 0 : i32
    %c0_i32_0 = arith.constant 0 : i32
    return %arg0, %c0_i32 : i32, i32
  }
  func.func @transform_3(%arg0: i32) -> (i32, i32) {
    %c0_i32 = arith.constant 0 : i32
    %c0_i32_0 = arith.constant 0 : i32
    return %arg0, %c0_i32 : i32, i32
  }
  func.func @transform_4(%arg0: i32) -> (i32, i32) {
    %c0_i32 = arith.constant 0 : i32
    %c0_i32_0 = arith.constant 0 : i32
    return %arg0, %c0_i32 : i32, i32
  }
  func.func @transform_5(%arg0: i32) -> (i32, i32) {
    %c0_i32 = arith.constant 0 : i32
    %c0_i32_0 = arith.constant 0 : i32
    %c0_i32_1 = arith.constant 0 : i32
    return %c0_i32, %c0_i32_0 : i32, i32
  }
  func.func @transform_6(%arg0: i32) -> (i32, i32) {
    %c0_i32 = arith.constant 0 : i32
    %c0_i32_0 = arith.constant 0 : i32
    %c0_i32_1 = arith.constant 0 : i32
    return %c0_i32, %c0_i32_0 : i32, i32
  }
  func.func @transform_7(%arg0: i32) -> (i32, i32) {
    %c0_i32 = arith.constant 0 : i32
    %c0_i32_0 = arith.constant 0 : i32
    %c0_i32_1 = arith.constant 0 : i32
    return %c0_i32, %c0_i32_0 : i32, i32
  }
  func.func @transform_8(%arg0: i32) -> (i32, i32) {
    %c0_i32 = arith.constant 0 : i32
    %c0_i32_0 = arith.constant 0 : i32
    %c0_i32_1 = arith.constant 0 : i32
    return %c0_i32, %c0_i32_0 : i32, i32
  }
  func.func @transform_9(%arg0: i32) -> (i32, i32) {
    %c0_i32 = arith.constant 0 : i32
    %c0_i32_0 = arith.constant 0 : i32
    %c0_i32_1 = arith.constant 0 : i32
    return %c0_i32, %c0_i32_0 : i32, i32
  }
  func.func @transform_10(%arg0: i32) -> (i32, i32) {
    %c0_i32 = arith.constant 0 : i32
    %c0_i32_0 = arith.constant 0 : i32
    %c0_i32_1 = arith.constant 0 : i32
    return %c0_i32, %c0_i32_0 : i32, i32
  }
  func.func @transform_11(%arg0: i32) -> (i32, i32) {
    %c0_i32 = arith.constant 0 : i32
    %c0_i32_0 = arith.constant 0 : i32
    %c0_i32_1 = arith.constant 0 : i32
    return %c0_i32, %c0_i32_0 : i32, i32
  }
  func.func @transform_12(%arg0: i32) -> (i32, i32) {
    %c0_i32 = arith.constant 0 : i32
    %c0_i32_0 = arith.constant 0 : i32
    %c0_i32_1 = arith.constant 0 : i32
    return %c0_i32, %c0_i32_0 : i32, i32
  }
  func.func @transform_13(%arg0: i32) -> (i32, i32) {
    %c0_i32 = arith.constant 0 : i32
    %c0_i32_0 = arith.constant 0 : i32
    %c0_i32_1 = arith.constant 0 : i32
    return %c0_i32, %c0_i32_0 : i32, i32
  }
  func.func @transform_14(%arg0: i32) -> (i32, i32) {
    %c0_i32 = arith.constant 0 : i32
    %c0_i32_0 = arith.constant 0 : i32
    %c0_i32_1 = arith.constant 0 : i32
    return %c0_i32, %c0_i32_0 : i32, i32
  }
  func.func @transform_15(%arg0: i32) -> (i32, i32) {
    %c0_i32 = arith.constant 0 : i32
    %c0_i32_0 = arith.constant 0 : i32
    %c0_i32_1 = arith.constant 0 : i32
    return %c0_i32, %c0_i32_0 : i32, i32
  }
  func.func @transform_16(%arg0: i32) -> (i32, i32) {
    %c0_i32 = arith.constant 0 : i32
    %c0_i32_0 = arith.constant 0 : i32
    %c0_i32_1 = arith.constant 0 : i32
    return %c0_i32, %c0_i32_0 : i32, i32
  }
  func.func @transform_17(%arg0: i32) -> (i32, i32) {
    %c0_i32 = arith.constant 0 : i32
    %c0_i32_0 = arith.constant 0 : i32
    %c0_i32_1 = arith.constant 0 : i32
    return %c0_i32, %c0_i32_0 : i32, i32
  }
  func.func @transform_18(%arg0: i32) -> (i32, i32) {
    %c0_i32 = arith.constant 0 : i32
    %c0_i32_0 = arith.constant 0 : i32
    %c0_i32_1 = arith.constant 0 : i32
    return %c0_i32, %c0_i32_0 : i32, i32
  }
  func.func @transform_19(%arg0: i32) -> (i32, i32) {
    %c0_i32 = arith.constant 0 : i32
    %c0_i32_0 = arith.constant 0 : i32
    %c0_i32_1 = arith.constant 0 : i32
    return %c0_i32, %c0_i32_0 : i32, i32
  }
  func.func @transform_20(%arg0: i32) -> (i32, i32) {
    %c0_i32 = arith.constant 0 : i32
    %c0_i32_0 = arith.constant 0 : i32
    return %arg0, %c0_i32 : i32, i32
  }
}

module attributes {stable_mosaic.version = 14 : i64} {
  func.func @_node_k(%arg0: i32, %arg1: memref<2048x8xf32, #tpu.memory_space<vmem>>, %arg2: memref<2048x8xf32, #tpu.memory_space<vmem>>, %arg3: memref<2048x8xf32, #tpu.memory_space<vmem>>, %arg4: memref<2048x8xf32, #tpu.memory_space<vmem>>, %arg5: memref<2048x8xf32, #tpu.memory_space<vmem>>, %arg6: memref<8x16xf32, #tpu.memory_space<vmem>>, %arg7: memref<1x16xf32, #tpu.memory_space<vmem>>, %arg8: memref<16x32xf32, #tpu.memory_space<vmem>>, %arg9: memref<1x32xf32, #tpu.memory_space<vmem>>, %arg10: memref<32x16xf32, #tpu.memory_space<vmem>>, %arg11: memref<1x16xf32, #tpu.memory_space<vmem>>, %arg12: memref<8x32xf32, #tpu.memory_space<vmem>>, %arg13: memref<16x32xf32, #tpu.memory_space<vmem>>, %arg14: memref<1x32xf32, #tpu.memory_space<vmem>>, %arg15: memref<32x16xf32, #tpu.memory_space<vmem>>, %arg16: memref<1x16xf32, #tpu.memory_space<vmem>>, %arg17: memref<16x8xf32, #tpu.memory_space<vmem>>, %arg18: memref<1x8xf32, #tpu.memory_space<vmem>>, %arg19: memref<8x24xf32, #tpu.memory_space<vmem>>) attributes {dimension_semantics = [#tpu.dimension_semantics<arbitrary>], iteration_bounds = array<i64: 49>, scalar_prefetch = 0 : i64, scratch_operands = 0 : i64, tpu.core_type = #tpu.core_type<tc>, window_params = [{transform_indices = @transform_0, window_bounds = array<i64: 2048, 8>}, {transform_indices = @transform_1, window_bounds = array<i64: 2048, 8>}, {transform_indices = @transform_2, window_bounds = array<i64: 2048, 8>}, {transform_indices = @transform_3, window_bounds = array<i64: 2048, 8>}, {transform_indices = @transform_4, window_bounds = array<i64: 2048, 8>}, {pipeline_mode = #tpu.pipeline_mode<synchronous>, transform_indices = @transform_5, window_bounds = array<i64: 8, 16>}, {pipeline_mode = #tpu.pipeline_mode<synchronous>, transform_indices = @transform_6, window_bounds = array<i64: 1, 16>}, {pipeline_mode = #tpu.pipeline_mode<synchronous>, transform_indices = @transform_7, window_bounds = array<i64: 16, 32>}, {pipeline_mode = #tpu.pipeline_mode<synchronous>, transform_indices = @transform_8, window_bounds = array<i64: 1, 32>}, {pipeline_mode = #tpu.pipeline_mode<synchronous>, transform_indices = @transform_9, window_bounds = array<i64: 32, 16>}, {pipeline_mode = #tpu.pipeline_mode<synchronous>, transform_indices = @transform_10, window_bounds = array<i64: 1, 16>}, {pipeline_mode = #tpu.pipeline_mode<synchronous>, transform_indices = @transform_11, window_bounds = array<i64: 8, 32>}, {pipeline_mode = #tpu.pipeline_mode<synchronous>, transform_indices = @transform_12, window_bounds = array<i64: 16, 32>}, {pipeline_mode = #tpu.pipeline_mode<synchronous>, transform_indices = @transform_13, window_bounds = array<i64: 1, 32>}, {pipeline_mode = #tpu.pipeline_mode<synchronous>, transform_indices = @transform_14, window_bounds = array<i64: 32, 16>}, {pipeline_mode = #tpu.pipeline_mode<synchronous>, transform_indices = @transform_15, window_bounds = array<i64: 1, 16>}, {pipeline_mode = #tpu.pipeline_mode<synchronous>, transform_indices = @transform_16, window_bounds = array<i64: 16, 8>}, {pipeline_mode = #tpu.pipeline_mode<synchronous>, transform_indices = @transform_17, window_bounds = array<i64: 1, 8>}, {pipeline_mode = #tpu.pipeline_mode<synchronous>, transform_indices = @transform_18, window_bounds = array<i64: 8, 24>}]} {
    %get3A = arith.constant 0 : index
    %get3A_0 = arith.constant 0 : index
    %get3A_1 = vector.load %arg1[%get3A, %get3A_0] : memref<2048x8xf32, #tpu.memory_space<vmem>>, vector<2048x8xf32>
    %get3A_2 = arith.constant 0 : index
    %get3A_3 = arith.constant 0 : index
    %get3A_4 = vector.load %arg2[%get3A_2, %get3A_3] : memref<2048x8xf32, #tpu.memory_space<vmem>>, vector<2048x8xf32>
    %add3A = arith.addf %get3A_1, %get3A_4 : vector<2048x8xf32>
    %get3A_5 = arith.constant 0 : index
    %get3A_6 = arith.constant 0 : index
    %get3A_7 = vector.load %arg3[%get3A_5, %get3A_6] : memref<2048x8xf32, #tpu.memory_space<vmem>>, vector<2048x8xf32>
    %get3A_8 = arith.constant 0 : index
    %get3A_9 = arith.constant 0 : index
    %get3A_10 = vector.load %arg4[%get3A_8, %get3A_9] : memref<2048x8xf32, #tpu.memory_space<vmem>>, vector<2048x8xf32>
    %add3A_11 = arith.addf %get3A_7, %get3A_10 : vector<2048x8xf32>
    %add3A_12 = arith.addf %add3A, %add3A_11 : vector<2048x8xf32>
    %get3A_13 = arith.constant 0 : index
    %get3A_14 = arith.constant 0 : index
    %get3A_15 = vector.load %arg6[%get3A_13, %get3A_14] : memref<8x16xf32, #tpu.memory_space<vmem>>, vector<8x16xf32>
    %dot_general3A = arith.constant dense<0.000000e+00> : vector<2048x16xf32>
    %dot_general3A_16 = tpu.matmul %add3A_12, %get3A_15, %dot_general3A {dimension_numbers = #tpu.dot_dimension_numbers<[1], [0], [0], [1], [0, 0, 1, 1], [], []>, transpose_lhs_hint = false} : vector<2048x8xf32>, vector<8x16xf32>, vector<2048x16xf32> -> vector<2048x16xf32>
    %get3A_17 = arith.constant 0 : index
    %get3A_18 = arith.constant 0 : index
    %get3A_19 = vector.load %arg7[%get3A_17, %get3A_18] : memref<1x16xf32, #tpu.memory_space<vmem>>, vector<1x16xf32>
    %add3A_20 = vector.broadcast %get3A_19 : vector<1x16xf32> to vector<2048x16xf32>
    %add3A_21 = arith.addf %dot_general3A_16, %add3A_20 : vector<2048x16xf32>
    %exp3A = math.exp %add3A_21 : vector<2048x16xf32>
    %sub3A = arith.constant 1.000000e+00 : f32
    %sub3A_22 = vector.broadcast %sub3A : f32 to vector<2048x16xf32>
    %sub3A_23 = arith.subf %exp3A, %sub3A_22 : vector<2048x16xf32>
    %mul3A = arith.constant 1.67326319 : f32
    %mul3A_24 = vector.broadcast %mul3A : f32 to vector<2048x16xf32>
    %mul3A_25 = arith.mulf %mul3A_24, %sub3A_23 : vector<2048x16xf32>
    %gt3A = arith.constant 0.000000e+00 : f32
    %gt3A_26 = vector.broadcast %gt3A : f32 to vector<2048x16xf32>
    %gt3A_27 = arith.cmpf ogt, %add3A_21, %gt3A_26 : vector<2048x16xf32>
    %mul3A_28 = arith.constant 1.05070102 : f32
    %mul3A_29 = vector.broadcast %mul3A_28 : f32 to vector<2048x16xf32>
    %mul3A_30 = arith.mulf %mul3A_29, %add3A_21 : vector<2048x16xf32>
    %mul3A_31 = arith.constant 1.05070102 : f32
    %mul3A_32 = vector.broadcast %mul3A_31 : f32 to vector<2048x16xf32>
    %mul3A_33 = arith.mulf %mul3A_32, %mul3A_25 : vector<2048x16xf32>
    %select_n3A = arith.select %gt3A_27, %mul3A_30, %mul3A_33 : vector<2048x16xi1>, vector<2048x16xf32>
    %get3A_34 = arith.constant 0 : index
    %get3A_35 = arith.constant 0 : index
    %get3A_36 = vector.load %arg8[%get3A_34, %get3A_35] : memref<16x32xf32, #tpu.memory_space<vmem>>, vector<16x32xf32>
    %dot_general3A_37 = arith.constant dense<0.000000e+00> : vector<2048x32xf32>
    %dot_general3A_38 = tpu.matmul %select_n3A, %get3A_36, %dot_general3A_37 {dimension_numbers = #tpu.dot_dimension_numbers<[1], [0], [0], [1], [0, 0, 1, 1], [], []>, transpose_lhs_hint = false} : vector<2048x16xf32>, vector<16x32xf32>, vector<2048x32xf32> -> vector<2048x32xf32>
    %get3A_39 = arith.constant 0 : index
    %get3A_40 = arith.constant 0 : index
    %get3A_41 = vector.load %arg9[%get3A_39, %get3A_40] : memref<1x32xf32, #tpu.memory_space<vmem>>, vector<1x32xf32>
    %add3A_42 = vector.broadcast %get3A_41 : vector<1x32xf32> to vector<2048x32xf32>
    %add3A_43 = arith.addf %dot_general3A_38, %add3A_42 : vector<2048x32xf32>
    %exp3A_44 = math.exp %add3A_43 : vector<2048x32xf32>
    %sub3A_45 = arith.constant 1.000000e+00 : f32
    %sub3A_46 = vector.broadcast %sub3A_45 : f32 to vector<2048x32xf32>
    %sub3A_47 = arith.subf %exp3A_44, %sub3A_46 : vector<2048x32xf32>
    %mul3A_48 = arith.constant 1.67326319 : f32
    %mul3A_49 = vector.broadcast %mul3A_48 : f32 to vector<2048x32xf32>
    %mul3A_50 = arith.mulf %mul3A_49, %sub3A_47 : vector<2048x32xf32>
    %gt3A_51 = arith.constant 0.000000e+00 : f32
    %gt3A_52 = vector.broadcast %gt3A_51 : f32 to vector<2048x32xf32>
    %gt3A_53 = arith.cmpf ogt, %add3A_43, %gt3A_52 : vector<2048x32xf32>
    %mul3A_54 = arith.constant 1.05070102 : f32
    %mul3A_55 = vector.broadcast %mul3A_54 : f32 to vector<2048x32xf32>
    %mul3A_56 = arith.mulf %mul3A_55, %add3A_43 : vector<2048x32xf32>
    %mul3A_57 = arith.constant 1.05070102 : f32
    %mul3A_58 = vector.broadcast %mul3A_57 : f32 to vector<2048x32xf32>
    %mul3A_59 = arith.mulf %mul3A_58, %mul3A_50 : vector<2048x32xf32>
    %select_n3A_60 = arith.select %gt3A_53, %mul3A_56, %mul3A_59 : vector<2048x32xi1>, vector<2048x32xf32>
    %get3A_61 = arith.constant 0 : index
    %get3A_62 = arith.constant 0 : index
    %get3A_63 = vector.load %arg10[%get3A_61, %get3A_62] : memref<32x16xf32, #tpu.memory_space<vmem>>, vector<32x16xf32>
    %dot_general3A_64 = arith.constant dense<0.000000e+00> : vector<2048x16xf32>
    %dot_general3A_65 = tpu.matmul %select_n3A_60, %get3A_63, %dot_general3A_64 {dimension_numbers = #tpu.dot_dimension_numbers<[1], [0], [0], [1], [0, 0, 1, 1], [], []>, transpose_lhs_hint = false} : vector<2048x32xf32>, vector<32x16xf32>, vector<2048x16xf32> -> vector<2048x16xf32>
    %get3A_66 = arith.constant 0 : index
    %get3A_67 = arith.constant 0 : index
    %get3A_68 = vector.load %arg11[%get3A_66, %get3A_67] : memref<1x16xf32, #tpu.memory_space<vmem>>, vector<1x16xf32>
    %add3A_69 = vector.broadcast %get3A_68 : vector<1x16xf32> to vector<2048x16xf32>
    %add3A_70 = arith.addf %dot_general3A_65, %add3A_69 : vector<2048x16xf32>
    %get3A_71 = arith.constant 0 : index
    %get3A_72 = arith.constant 0 : index
    %get3A_73 = vector.load %arg13[%get3A_71, %get3A_72] : memref<16x32xf32, #tpu.memory_space<vmem>>, vector<16x32xf32>
    %dot_general3A_74 = arith.constant dense<0.000000e+00> : vector<2048x32xf32>
    %dot_general3A_75 = tpu.matmul %add3A_70, %get3A_73, %dot_general3A_74 {dimension_numbers = #tpu.dot_dimension_numbers<[1], [0], [0], [1], [0, 0, 1, 1], [], []>, transpose_lhs_hint = false} : vector<2048x16xf32>, vector<16x32xf32>, vector<2048x32xf32> -> vector<2048x32xf32>
    %get3A_76 = arith.constant 0 : index
    %get3A_77 = arith.constant 0 : index
    %get3A_78 = vector.load %arg14[%get3A_76, %get3A_77] : memref<1x32xf32, #tpu.memory_space<vmem>>, vector<1x32xf32>
    %add3A_79 = vector.broadcast %get3A_78 : vector<1x32xf32> to vector<2048x32xf32>
    %add3A_80 = arith.addf %dot_general3A_75, %add3A_79 : vector<2048x32xf32>
    %get3A_81 = arith.constant 0 : index
    %get3A_82 = arith.constant 0 : index
    %get3A_83 = vector.load %arg5[%get3A_81, %get3A_82] : memref<2048x8xf32, #tpu.memory_space<vmem>>, vector<2048x8xf32>
    %get3A_84 = arith.constant 0 : index
    %get3A_85 = arith.constant 0 : index
    %get3A_86 = vector.load %arg12[%get3A_84, %get3A_85] : memref<8x32xf32, #tpu.memory_space<vmem>>, vector<8x32xf32>
    %dot_general3A_87 = arith.constant dense<0.000000e+00> : vector<2048x32xf32>
    %dot_general3A_88 = tpu.matmul %get3A_83, %get3A_86, %dot_general3A_87 {dimension_numbers = #tpu.dot_dimension_numbers<[1], [0], [0], [1], [0, 0, 1, 1], [], []>, transpose_lhs_hint = false} : vector<2048x8xf32>, vector<8x32xf32>, vector<2048x32xf32> -> vector<2048x32xf32>
    %add3A_89 = arith.addf %dot_general3A_88, %add3A_80 : vector<2048x32xf32>
    %exp3A_90 = math.exp %add3A_89 : vector<2048x32xf32>
    %sub3A_91 = arith.constant 1.000000e+00 : f32
    %sub3A_92 = vector.broadcast %sub3A_91 : f32 to vector<2048x32xf32>
    %sub3A_93 = arith.subf %exp3A_90, %sub3A_92 : vector<2048x32xf32>
    %mul3A_94 = arith.constant 1.67326319 : f32
    %mul3A_95 = vector.broadcast %mul3A_94 : f32 to vector<2048x32xf32>
    %mul3A_96 = arith.mulf %mul3A_95, %sub3A_93 : vector<2048x32xf32>
    %gt3A_97 = arith.constant 0.000000e+00 : f32
    %gt3A_98 = vector.broadcast %gt3A_97 : f32 to vector<2048x32xf32>
    %gt3A_99 = arith.cmpf ogt, %add3A_89, %gt3A_98 : vector<2048x32xf32>
    %mul3A_100 = arith.constant 1.05070102 : f32
    %mul3A_101 = vector.broadcast %mul3A_100 : f32 to vector<2048x32xf32>
    %mul3A_102 = arith.mulf %mul3A_101, %add3A_89 : vector<2048x32xf32>
    %mul3A_103 = arith.constant 1.05070102 : f32
    %mul3A_104 = vector.broadcast %mul3A_103 : f32 to vector<2048x32xf32>
    %mul3A_105 = arith.mulf %mul3A_104, %mul3A_96 : vector<2048x32xf32>
    %select_n3A_106 = arith.select %gt3A_99, %mul3A_102, %mul3A_105 : vector<2048x32xi1>, vector<2048x32xf32>
    %get3A_107 = arith.constant 0 : index
    %get3A_108 = arith.constant 0 : index
    %get3A_109 = vector.load %arg15[%get3A_107, %get3A_108] : memref<32x16xf32, #tpu.memory_space<vmem>>, vector<32x16xf32>
    %dot_general3A_110 = arith.constant dense<0.000000e+00> : vector<2048x16xf32>
    %dot_general3A_111 = tpu.matmul %select_n3A_106, %get3A_109, %dot_general3A_110 {dimension_numbers = #tpu.dot_dimension_numbers<[1], [0], [0], [1], [0, 0, 1, 1], [], []>, transpose_lhs_hint = false} : vector<2048x32xf32>, vector<32x16xf32>, vector<2048x16xf32> -> vector<2048x16xf32>
    %get3A_112 = arith.constant 0 : index
    %get3A_113 = arith.constant 0 : index
    %get3A_114 = vector.load %arg16[%get3A_112, %get3A_113] : memref<1x16xf32, #tpu.memory_space<vmem>>, vector<1x16xf32>
    %add3A_115 = vector.broadcast %get3A_114 : vector<1x16xf32> to vector<2048x16xf32>
    %add3A_116 = arith.addf %dot_general3A_111, %add3A_115 : vector<2048x16xf32>
    %exp3A_117 = math.exp %add3A_116 : vector<2048x16xf32>
    %sub3A_118 = arith.constant 1.000000e+00 : f32
    %sub3A_119 = vector.broadcast %sub3A_118 : f32 to vector<2048x16xf32>
    %sub3A_120 = arith.subf %exp3A_117, %sub3A_119 : vector<2048x16xf32>
    %mul3A_121 = arith.constant 1.67326319 : f32
    %mul3A_122 = vector.broadcast %mul3A_121 : f32 to vector<2048x16xf32>
    %mul3A_123 = arith.mulf %mul3A_122, %sub3A_120 : vector<2048x16xf32>
    %gt3A_124 = arith.constant 0.000000e+00 : f32
    %gt3A_125 = vector.broadcast %gt3A_124 : f32 to vector<2048x16xf32>
    %gt3A_126 = arith.cmpf ogt, %add3A_116, %gt3A_125 : vector<2048x16xf32>
    %mul3A_127 = arith.constant 1.05070102 : f32
    %mul3A_128 = vector.broadcast %mul3A_127 : f32 to vector<2048x16xf32>
    %mul3A_129 = arith.mulf %mul3A_128, %add3A_116 : vector<2048x16xf32>
    %mul3A_130 = arith.constant 1.05070102 : f32
    %mul3A_131 = vector.broadcast %mul3A_130 : f32 to vector<2048x16xf32>
    %mul3A_132 = arith.mulf %mul3A_131, %mul3A_123 : vector<2048x16xf32>
    %select_n3A_133 = arith.select %gt3A_126, %mul3A_129, %mul3A_132 : vector<2048x16xi1>, vector<2048x16xf32>
    %get3A_134 = arith.constant 0 : index
    %get3A_135 = arith.constant 0 : index
    %get3A_136 = vector.load %arg17[%get3A_134, %get3A_135] : memref<16x8xf32, #tpu.memory_space<vmem>>, vector<16x8xf32>
    %dot_general3A_137 = arith.constant dense<0.000000e+00> : vector<2048x8xf32>
    %dot_general3A_138 = tpu.matmul %select_n3A_133, %get3A_136, %dot_general3A_137 {dimension_numbers = #tpu.dot_dimension_numbers<[1], [0], [0], [1], [0, 0, 1, 1], [], []>, transpose_lhs_hint = false} : vector<2048x16xf32>, vector<16x8xf32>, vector<2048x8xf32> -> vector<2048x8xf32>
    %get3A_139 = arith.constant 0 : index
    %get3A_140 = arith.constant 0 : index
    %get3A_141 = vector.load %arg18[%get3A_139, %get3A_140] : memref<1x8xf32, #tpu.memory_space<vmem>>, vector<1x8xf32>
    %add3A_142 = vector.broadcast %get3A_141 : vector<1x8xf32> to vector<2048x8xf32>
    %add3A_143 = arith.addf %dot_general3A_138, %add3A_142 : vector<2048x8xf32>
    %get3A_144 = arith.constant 0 : index
    %get3A_145 = arith.constant 0 : index
    %get3A_146 = vector.load %arg12[%get3A_144, %get3A_145] : memref<8x32xf32, #tpu.memory_space<vmem>>, vector<8x32xf32>
    %dot_general3A_147 = arith.constant dense<0.000000e+00> : vector<2048x32xf32>
    %dot_general3A_148 = tpu.matmul %add3A_143, %get3A_146, %dot_general3A_147 {dimension_numbers = #tpu.dot_dimension_numbers<[1], [0], [0], [1], [0, 0, 1, 1], [], []>, transpose_lhs_hint = false} : vector<2048x8xf32>, vector<8x32xf32>, vector<2048x32xf32> -> vector<2048x32xf32>
    %add3A_149 = arith.addf %dot_general3A_148, %add3A_80 : vector<2048x32xf32>
    %exp3A_150 = math.exp %add3A_149 : vector<2048x32xf32>
    %sub3A_151 = arith.constant 1.000000e+00 : f32
    %sub3A_152 = vector.broadcast %sub3A_151 : f32 to vector<2048x32xf32>
    %sub3A_153 = arith.subf %exp3A_150, %sub3A_152 : vector<2048x32xf32>
    %mul3A_154 = arith.constant 1.67326319 : f32
    %mul3A_155 = vector.broadcast %mul3A_154 : f32 to vector<2048x32xf32>
    %mul3A_156 = arith.mulf %mul3A_155, %sub3A_153 : vector<2048x32xf32>
    %gt3A_157 = arith.constant 0.000000e+00 : f32
    %gt3A_158 = vector.broadcast %gt3A_157 : f32 to vector<2048x32xf32>
    %gt3A_159 = arith.cmpf ogt, %add3A_149, %gt3A_158 : vector<2048x32xf32>
    %mul3A_160 = arith.constant 1.05070102 : f32
    %mul3A_161 = vector.broadcast %mul3A_160 : f32 to vector<2048x32xf32>
    %mul3A_162 = arith.mulf %mul3A_161, %add3A_149 : vector<2048x32xf32>
    %mul3A_163 = arith.constant 1.05070102 : f32
    %mul3A_164 = vector.broadcast %mul3A_163 : f32 to vector<2048x32xf32>
    %mul3A_165 = arith.mulf %mul3A_164, %mul3A_156 : vector<2048x32xf32>
    %select_n3A_166 = arith.select %gt3A_159, %mul3A_162, %mul3A_165 : vector<2048x32xi1>, vector<2048x32xf32>
    %get3A_167 = arith.constant 0 : index
    %get3A_168 = arith.constant 0 : index
    %get3A_169 = vector.load %arg15[%get3A_167, %get3A_168] : memref<32x16xf32, #tpu.memory_space<vmem>>, vector<32x16xf32>
    %dot_general3A_170 = arith.constant dense<0.000000e+00> : vector<2048x16xf32>
    %dot_general3A_171 = tpu.matmul %select_n3A_166, %get3A_169, %dot_general3A_170 {dimension_numbers = #tpu.dot_dimension_numbers<[1], [0], [0], [1], [0, 0, 1, 1], [], []>, transpose_lhs_hint = false} : vector<2048x32xf32>, vector<32x16xf32>, vector<2048x16xf32> -> vector<2048x16xf32>
    %get3A_172 = arith.constant 0 : index
    %get3A_173 = arith.constant 0 : index
    %get3A_174 = vector.load %arg16[%get3A_172, %get3A_173] : memref<1x16xf32, #tpu.memory_space<vmem>>, vector<1x16xf32>
    %add3A_175 = vector.broadcast %get3A_174 : vector<1x16xf32> to vector<2048x16xf32>
    %add3A_176 = arith.addf %dot_general3A_171, %add3A_175 : vector<2048x16xf32>
    %exp3A_177 = math.exp %add3A_176 : vector<2048x16xf32>
    %sub3A_178 = arith.constant 1.000000e+00 : f32
    %sub3A_179 = vector.broadcast %sub3A_178 : f32 to vector<2048x16xf32>
    %sub3A_180 = arith.subf %exp3A_177, %sub3A_179 : vector<2048x16xf32>
    %mul3A_181 = arith.constant 1.67326319 : f32
    %mul3A_182 = vector.broadcast %mul3A_181 : f32 to vector<2048x16xf32>
    %mul3A_183 = arith.mulf %mul3A_182, %sub3A_180 : vector<2048x16xf32>
    %gt3A_184 = arith.constant 0.000000e+00 : f32
    %gt3A_185 = vector.broadcast %gt3A_184 : f32 to vector<2048x16xf32>
    %gt3A_186 = arith.cmpf ogt, %add3A_176, %gt3A_185 : vector<2048x16xf32>
    %mul3A_187 = arith.constant 1.05070102 : f32
    %mul3A_188 = vector.broadcast %mul3A_187 : f32 to vector<2048x16xf32>
    %mul3A_189 = arith.mulf %mul3A_188, %add3A_176 : vector<2048x16xf32>
    %mul3A_190 = arith.constant 1.05070102 : f32
    %mul3A_191 = vector.broadcast %mul3A_190 : f32 to vector<2048x16xf32>
    %mul3A_192 = arith.mulf %mul3A_191, %mul3A_183 : vector<2048x16xf32>
    %select_n3A_193 = arith.select %gt3A_186, %mul3A_189, %mul3A_192 : vector<2048x16xi1>, vector<2048x16xf32>
    %get3A_194 = arith.constant 0 : index
    %get3A_195 = arith.constant 0 : index
    %get3A_196 = vector.load %arg17[%get3A_194, %get3A_195] : memref<16x8xf32, #tpu.memory_space<vmem>>, vector<16x8xf32>
    %dot_general3A_197 = arith.constant dense<0.000000e+00> : vector<2048x8xf32>
    %dot_general3A_198 = tpu.matmul %select_n3A_193, %get3A_196, %dot_general3A_197 {dimension_numbers = #tpu.dot_dimension_numbers<[1], [0], [0], [1], [0, 0, 1, 1], [], []>, transpose_lhs_hint = false} : vector<2048x16xf32>, vector<16x8xf32>, vector<2048x8xf32> -> vector<2048x8xf32>
    %get3A_199 = arith.constant 0 : index
    %get3A_200 = arith.constant 0 : index
    %get3A_201 = vector.load %arg18[%get3A_199, %get3A_200] : memref<1x8xf32, #tpu.memory_space<vmem>>, vector<1x8xf32>
    %add3A_202 = vector.broadcast %get3A_201 : vector<1x8xf32> to vector<2048x8xf32>
    %add3A_203 = arith.addf %dot_general3A_198, %add3A_202 : vector<2048x8xf32>
    %get3A_204 = arith.constant 0 : index
    %get3A_205 = arith.constant 0 : index
    %get3A_206 = vector.load %arg12[%get3A_204, %get3A_205] : memref<8x32xf32, #tpu.memory_space<vmem>>, vector<8x32xf32>
    %dot_general3A_207 = arith.constant dense<0.000000e+00> : vector<2048x32xf32>
    %dot_general3A_208 = tpu.matmul %add3A_203, %get3A_206, %dot_general3A_207 {dimension_numbers = #tpu.dot_dimension_numbers<[1], [0], [0], [1], [0, 0, 1, 1], [], []>, transpose_lhs_hint = false} : vector<2048x8xf32>, vector<8x32xf32>, vector<2048x32xf32> -> vector<2048x32xf32>
    %add3A_209 = arith.addf %dot_general3A_208, %add3A_80 : vector<2048x32xf32>
    %exp3A_210 = math.exp %add3A_209 : vector<2048x32xf32>
    %sub3A_211 = arith.constant 1.000000e+00 : f32
    %sub3A_212 = vector.broadcast %sub3A_211 : f32 to vector<2048x32xf32>
    %sub3A_213 = arith.subf %exp3A_210, %sub3A_212 : vector<2048x32xf32>
    %mul3A_214 = arith.constant 1.67326319 : f32
    %mul3A_215 = vector.broadcast %mul3A_214 : f32 to vector<2048x32xf32>
    %mul3A_216 = arith.mulf %mul3A_215, %sub3A_213 : vector<2048x32xf32>
    %gt3A_217 = arith.constant 0.000000e+00 : f32
    %gt3A_218 = vector.broadcast %gt3A_217 : f32 to vector<2048x32xf32>
    %gt3A_219 = arith.cmpf ogt, %add3A_209, %gt3A_218 : vector<2048x32xf32>
    %mul3A_220 = arith.constant 1.05070102 : f32
    %mul3A_221 = vector.broadcast %mul3A_220 : f32 to vector<2048x32xf32>
    %mul3A_222 = arith.mulf %mul3A_221, %add3A_209 : vector<2048x32xf32>
    %mul3A_223 = arith.constant 1.05070102 : f32
    %mul3A_224 = vector.broadcast %mul3A_223 : f32 to vector<2048x32xf32>
    %mul3A_225 = arith.mulf %mul3A_224, %mul3A_216 : vector<2048x32xf32>
    %select_n3A_226 = arith.select %gt3A_219, %mul3A_222, %mul3A_225 : vector<2048x32xi1>, vector<2048x32xf32>
    %get3A_227 = arith.constant 0 : index
    %get3A_228 = arith.constant 0 : index
    %get3A_229 = vector.load %arg15[%get3A_227, %get3A_228] : memref<32x16xf32, #tpu.memory_space<vmem>>, vector<32x16xf32>
    %dot_general3A_230 = arith.constant dense<0.000000e+00> : vector<2048x16xf32>
    %dot_general3A_231 = tpu.matmul %select_n3A_226, %get3A_229, %dot_general3A_230 {dimension_numbers = #tpu.dot_dimension_numbers<[1], [0], [0], [1], [0, 0, 1, 1], [], []>, transpose_lhs_hint = false} : vector<2048x32xf32>, vector<32x16xf32>, vector<2048x16xf32> -> vector<2048x16xf32>
    %get3A_232 = arith.constant 0 : index
    %get3A_233 = arith.constant 0 : index
    %get3A_234 = vector.load %arg16[%get3A_232, %get3A_233] : memref<1x16xf32, #tpu.memory_space<vmem>>, vector<1x16xf32>
    %add3A_235 = vector.broadcast %get3A_234 : vector<1x16xf32> to vector<2048x16xf32>
    %add3A_236 = arith.addf %dot_general3A_231, %add3A_235 : vector<2048x16xf32>
    %exp3A_237 = math.exp %add3A_236 : vector<2048x16xf32>
    %sub3A_238 = arith.constant 1.000000e+00 : f32
    %sub3A_239 = vector.broadcast %sub3A_238 : f32 to vector<2048x16xf32>
    %sub3A_240 = arith.subf %exp3A_237, %sub3A_239 : vector<2048x16xf32>
    %mul3A_241 = arith.constant 1.67326319 : f32
    %mul3A_242 = vector.broadcast %mul3A_241 : f32 to vector<2048x16xf32>
    %mul3A_243 = arith.mulf %mul3A_242, %sub3A_240 : vector<2048x16xf32>
    %gt3A_244 = arith.constant 0.000000e+00 : f32
    %gt3A_245 = vector.broadcast %gt3A_244 : f32 to vector<2048x16xf32>
    %gt3A_246 = arith.cmpf ogt, %add3A_236, %gt3A_245 : vector<2048x16xf32>
    %mul3A_247 = arith.constant 1.05070102 : f32
    %mul3A_248 = vector.broadcast %mul3A_247 : f32 to vector<2048x16xf32>
    %mul3A_249 = arith.mulf %mul3A_248, %add3A_236 : vector<2048x16xf32>
    %mul3A_250 = arith.constant 1.05070102 : f32
    %mul3A_251 = vector.broadcast %mul3A_250 : f32 to vector<2048x16xf32>
    %mul3A_252 = arith.mulf %mul3A_251, %mul3A_243 : vector<2048x16xf32>
    %select_n3A_253 = arith.select %gt3A_246, %mul3A_249, %mul3A_252 : vector<2048x16xi1>, vector<2048x16xf32>
    %get3A_254 = arith.constant 0 : index
    %get3A_255 = arith.constant 0 : index
    %get3A_256 = vector.load %arg17[%get3A_254, %get3A_255] : memref<16x8xf32, #tpu.memory_space<vmem>>, vector<16x8xf32>
    %dot_general3A_257 = arith.constant dense<0.000000e+00> : vector<2048x8xf32>
    %dot_general3A_258 = tpu.matmul %select_n3A_253, %get3A_256, %dot_general3A_257 {dimension_numbers = #tpu.dot_dimension_numbers<[1], [0], [0], [1], [0, 0, 1, 1], [], []>, transpose_lhs_hint = false} : vector<2048x16xf32>, vector<16x8xf32>, vector<2048x8xf32> -> vector<2048x8xf32>
    %get3A_259 = arith.constant 0 : index
    %get3A_260 = arith.constant 0 : index
    %get3A_261 = vector.load %arg18[%get3A_259, %get3A_260] : memref<1x8xf32, #tpu.memory_space<vmem>>, vector<1x8xf32>
    %add3A_262 = vector.broadcast %get3A_261 : vector<1x8xf32> to vector<2048x8xf32>
    %add3A_263 = arith.addf %dot_general3A_258, %add3A_262 : vector<2048x8xf32>
    %slice3A = vector.extract_strided_slice %add3A_263 {offsets = [0, 0], sizes = [2048, 3], strides = [1, 1]} : vector<2048x8xf32> to vector<2048x3xf32>
    %broadcast_in_dim3A = arith.constant 0.000000e+00 : f32
    %broadcast_in_dim3A_264 = vector.broadcast %broadcast_in_dim3A : f32 to vector<2048x5xf32>
    %concatenate3A = tpu.concatenate %slice3A, %add3A_70, %broadcast_in_dim3A_264 in 1 : vector<2048x3xf32>, vector<2048x16xf32>, vector<2048x5xf32> -> vector<2048x24xf32>
    %mul3A_265 = arith.constant 2048 : i32
    %mul3A_266 = arith.muli %arg0, %mul3A_265 : i32
    %iota3A = tpu.iota {dimensions = array<i32: 0>} : vector<2048x1xi32>
    %add3A_267 = vector.broadcast %mul3A_266 : i32 to vector<2048x1xi32>
    %add3A_268 = arith.addi %add3A_267, %iota3A : vector<2048x1xi32>
    %lt3A = arith.constant 100000 : i32
    %lt3A_269 = vector.broadcast %lt3A : i32 to vector<2048x1xi32>
    %lt3A_270 = arith.cmpi slt, %add3A_268, %lt3A_269 : vector<2048x1xi32>
    %jit3A = arith.constant 0.000000e+00 : f32
    %broadcast_in_dim3A_271 = vector.shape_cast %lt3A_270 : vector<2048x1xi1> to vector<2048x1xi1>
    %broadcast_in_dim3A_272 = vector.broadcast %broadcast_in_dim3A_271 : vector<2048x1xi1> to vector<2048x24xi1>
    %broadcast_in_dim3A_273 = vector.broadcast %jit3A : f32 to vector<2048x24xf32>
    %select_n3A_274 = arith.select %broadcast_in_dim3A_272, %concatenate3A, %broadcast_in_dim3A_273 : vector<2048x24xi1>, vector<2048x24xf32>
    %reduce_sum3A = arith.constant dense<0.000000e+00> : vector<24xf32>
    %reduce_sum3A_275 = vector.multi_reduction <add>, %select_n3A_274, %reduce_sum3A [0] : vector<2048x24xf32> to vector<24xf32>
    %broadcast_in_dim3A_276 = vector.shape_cast %reduce_sum3A_275 : vector<24xf32> to vector<1x24xf32>
    %broadcast_in_dim3A_277 = arith.constant 0.000000e+00 : f32
    %broadcast_in_dim3A_278 = vector.broadcast %broadcast_in_dim3A_277 : f32 to vector<7x24xf32>
    %concatenate3A_279 = tpu.concatenate %broadcast_in_dim3A_276, %broadcast_in_dim3A_278 in 0 : vector<1x24xf32>, vector<7x24xf32> -> vector<8x24xf32>
    %eq3A = arith.constant 0 : i32
    %eq3A_280 = arith.cmpi eq, %arg0, %eq3A : i32
    %convert_element_type3A = arith.extui %eq3A_280 : i1 to i32
    %cond3A = arith.constant 0 : i32
    %cond3A_281 = arith.cmpi ne, %convert_element_type3A, %cond3A : i32
    scf.if %cond3A_281 {
      %broadcast_in_dim3A_288 = arith.constant 0.000000e+00 : f32
      %broadcast_in_dim3A_289 = vector.broadcast %broadcast_in_dim3A_288 : f32 to vector<8x24xf32>
      %swap3A_290 = arith.constant 0 : index
      %swap3A_291 = arith.constant 0 : index
      %swap3A_292 = vector.load %arg19[%swap3A_290, %swap3A_291] : memref<8x24xf32, #tpu.memory_space<vmem>>, vector<8x24xf32>
      tpu.vector_store %arg19[%swap3A_290, %swap3A_291], %broadcast_in_dim3A_289 {strides = array<i32>} : memref<8x24xf32, #tpu.memory_space<vmem>>, vector<8x24xf32>,
    } else {
    }
    %get3A_282 = arith.constant 0 : index
    %get3A_283 = arith.constant 0 : index
    %get3A_284 = vector.load %arg19[%get3A_282, %get3A_283] : memref<8x24xf32, #tpu.memory_space<vmem>>, vector<8x24xf32>
    %add3A_285 = arith.addf %get3A_284, %concatenate3A_279 : vector<8x24xf32>
    %swap3A = arith.constant 0 : index
    %swap3A_286 = arith.constant 0 : index
    %swap3A_287 = vector.load %arg19[%swap3A, %swap3A_286] : memref<8x24xf32, #tpu.memory_space<vmem>>, vector<8x24xf32>
    tpu.vector_store %arg19[%swap3A, %swap3A_286], %add3A_285 {strides = array<i32>} : memref<8x24xf32, #tpu.memory_space<vmem>>, vector<8x24xf32>,
    return
  }
  func.func @transform_0(%arg0: i32) -> (i32, i32) {
    %c0_i32 = arith.constant 0 : i32
    %c0_i32_0 = arith.constant 0 : i32
    return %arg0, %c0_i32 : i32, i32
  }
  func.func @transform_1(%arg0: i32) -> (i32, i32) {
    %c0_i32 = arith.constant 0 : i32
    %c0_i32_0 = arith.constant 0 : i32
    return %arg0, %c0_i32 : i32, i32
  }
  func.func @transform_2(%arg0: i32) -> (i32, i32) {
    %c0_i32 = arith.constant 0 : i32
    %c0_i32_0 = arith.constant 0 : i32
    return %arg0, %c0_i32 : i32, i32
  }
  func.func @transform_3(%arg0: i32) -> (i32, i32) {
    %c0_i32 = arith.constant 0 : i32
    %c0_i32_0 = arith.constant 0 : i32
    return %arg0, %c0_i32 : i32, i32
  }
  func.func @transform_4(%arg0: i32) -> (i32, i32) {
    %c0_i32 = arith.constant 0 : i32
    %c0_i32_0 = arith.constant 0 : i32
    return %arg0, %c0_i32 : i32, i32
  }
  func.func @transform_5(%arg0: i32) -> (i32, i32) {
    %c0_i32 = arith.constant 0 : i32
    %c0_i32_0 = arith.constant 0 : i32
    %c0_i32_1 = arith.constant 0 : i32
    return %c0_i32, %c0_i32_0 : i32, i32
  }
  func.func @transform_6(%arg0: i32) -> (i32, i32) {
    %c0_i32 = arith.constant 0 : i32
    %c0_i32_0 = arith.constant 0 : i32
    %c0_i32_1 = arith.constant 0 : i32
    return %c0_i32, %c0_i32_0 : i32, i32
  }
  func.func @transform_7(%arg0: i32) -> (i32, i32) {
    %c0_i32 = arith.constant 0 : i32
    %c0_i32_0 = arith.constant 0 : i32
    %c0_i32_1 = arith.constant 0 : i32
    return %c0_i32, %c0_i32_0 : i32, i32
  }
  func.func @transform_8(%arg0: i32) -> (i32, i32) {
    %c0_i32 = arith.constant 0 : i32
    %c0_i32_0 = arith.constant 0 : i32
    %c0_i32_1 = arith.constant 0 : i32
    return %c0_i32, %c0_i32_0 : i32, i32
  }
  func.func @transform_9(%arg0: i32) -> (i32, i32) {
    %c0_i32 = arith.constant 0 : i32
    %c0_i32_0 = arith.constant 0 : i32
    %c0_i32_1 = arith.constant 0 : i32
    return %c0_i32, %c0_i32_0 : i32, i32
  }
  func.func @transform_10(%arg0: i32) -> (i32, i32) {
    %c0_i32 = arith.constant 0 : i32
    %c0_i32_0 = arith.constant 0 : i32
    %c0_i32_1 = arith.constant 0 : i32
    return %c0_i32, %c0_i32_0 : i32, i32
  }
  func.func @transform_11(%arg0: i32) -> (i32, i32) {
    %c0_i32 = arith.constant 0 : i32
    %c0_i32_0 = arith.constant 0 : i32
    %c0_i32_1 = arith.constant 0 : i32
    return %c0_i32, %c0_i32_0 : i32, i32
  }
  func.func @transform_12(%arg0: i32) -> (i32, i32) {
    %c0_i32 = arith.constant 0 : i32
    %c0_i32_0 = arith.constant 0 : i32
    %c0_i32_1 = arith.constant 0 : i32
    return %c0_i32, %c0_i32_0 : i32, i32
  }
  func.func @transform_13(%arg0: i32) -> (i32, i32) {
    %c0_i32 = arith.constant 0 : i32
    %c0_i32_0 = arith.constant 0 : i32
    %c0_i32_1 = arith.constant 0 : i32
    return %c0_i32, %c0_i32_0 : i32, i32
  }
  func.func @transform_14(%arg0: i32) -> (i32, i32) {
    %c0_i32 = arith.constant 0 : i32
    %c0_i32_0 = arith.constant 0 : i32
    %c0_i32_1 = arith.constant 0 : i32
    return %c0_i32, %c0_i32_0 : i32, i32
  }
  func.func @transform_15(%arg0: i32) -> (i32, i32) {
    %c0_i32 = arith.constant 0 : i32
    %c0_i32_0 = arith.constant 0 : i32
    %c0_i32_1 = arith.constant 0 : i32
    return %c0_i32, %c0_i32_0 : i32, i32
  }
  func.func @transform_16(%arg0: i32) -> (i32, i32) {
    %c0_i32 = arith.constant 0 : i32
    %c0_i32_0 = arith.constant 0 : i32
    %c0_i32_1 = arith.constant 0 : i32
    return %c0_i32, %c0_i32_0 : i32, i32
  }
  func.func @transform_17(%arg0: i32) -> (i32, i32) {
    %c0_i32 = arith.constant 0 : i32
    %c0_i32_0 = arith.constant 0 : i32
    %c0_i32_1 = arith.constant 0 : i32
    return %c0_i32, %c0_i32_0 : i32, i32
  }
  func.func @transform_18(%arg0: i32) -> (i32, i32) {
    %c0_i32 = arith.constant 0 : i32
    %c0_i32_0 = arith.constant 0 : i32
    %c0_i32_1 = arith.constant 0 : i32
    return %c0_i32, %c0_i32_0 : i32, i32
  }
}

module attributes {stable_mosaic.version = 14 : i64} {
  func.func @_pred_k(%arg0: memref<8x24xf32, #tpu.memory_space<vmem>>, %arg1: memref<24x16xf32, #tpu.memory_space<vmem>>, %arg2: memref<1x16xf32, #tpu.memory_space<vmem>>, %arg3: memref<16x16xf32, #tpu.memory_space<vmem>>, %arg4: memref<1x16xf32, #tpu.memory_space<vmem>>, %arg5: memref<16x16xf32, #tpu.memory_space<vmem>>, %arg6: memref<1x16xf32, #tpu.memory_space<vmem>>, %arg7: memref<8x16xf32, #tpu.memory_space<vmem>>) attributes {dimension_semantics = [], scalar_prefetch = 0 : i64, scratch_operands = 0 : i64, tpu.core_type = #tpu.core_type<tc>} {
    %get3A = arith.constant 0 : index
    %get3A_0 = arith.constant 0 : index
    %get3A_1 = vector.load %arg0[%get3A, %get3A_0] : memref<8x24xf32, #tpu.memory_space<vmem>>, vector<8x24xf32>
    %get3A_2 = arith.constant 0 : index
    %get3A_3 = arith.constant 0 : index
    %get3A_4 = vector.load %arg1[%get3A_2, %get3A_3] : memref<24x16xf32, #tpu.memory_space<vmem>>, vector<24x16xf32>
    %dot_general3A = arith.constant dense<0.000000e+00> : vector<8x16xf32>
    %dot_general3A_5 = tpu.matmul %get3A_1, %get3A_4, %dot_general3A {dimension_numbers = #tpu.dot_dimension_numbers<[1], [0], [0], [1], [0, 0, 1, 1], [], []>, transpose_lhs_hint = false} : vector<8x24xf32>, vector<24x16xf32>, vector<8x16xf32> -> vector<8x16xf32>
    %get3A_6 = arith.constant 0 : index
    %get3A_7 = arith.constant 0 : index
    %get3A_8 = vector.load %arg2[%get3A_6, %get3A_7] : memref<1x16xf32, #tpu.memory_space<vmem>>, vector<1x16xf32>
    %add3A = vector.broadcast %get3A_8 : vector<1x16xf32> to vector<8x16xf32>
    %add3A_9 = arith.addf %dot_general3A_5, %add3A : vector<8x16xf32>
    %exp3A = math.exp %add3A_9 : vector<8x16xf32>
    %sub3A = arith.constant 1.000000e+00 : f32
    %sub3A_10 = vector.broadcast %sub3A : f32 to vector<8x16xf32>
    %sub3A_11 = arith.subf %exp3A, %sub3A_10 : vector<8x16xf32>
    %mul3A = arith.constant 1.67326319 : f32
    %mul3A_12 = vector.broadcast %mul3A : f32 to vector<8x16xf32>
    %mul3A_13 = arith.mulf %mul3A_12, %sub3A_11 : vector<8x16xf32>
    %gt3A = arith.constant 0.000000e+00 : f32
    %gt3A_14 = vector.broadcast %gt3A : f32 to vector<8x16xf32>
    %gt3A_15 = arith.cmpf ogt, %add3A_9, %gt3A_14 : vector<8x16xf32>
    %mul3A_16 = arith.constant 1.05070102 : f32
    %mul3A_17 = vector.broadcast %mul3A_16 : f32 to vector<8x16xf32>
    %mul3A_18 = arith.mulf %mul3A_17, %add3A_9 : vector<8x16xf32>
    %mul3A_19 = arith.constant 1.05070102 : f32
    %mul3A_20 = vector.broadcast %mul3A_19 : f32 to vector<8x16xf32>
    %mul3A_21 = arith.mulf %mul3A_20, %mul3A_13 : vector<8x16xf32>
    %select_n3A = arith.select %gt3A_15, %mul3A_18, %mul3A_21 : vector<8x16xi1>, vector<8x16xf32>
    %get3A_22 = arith.constant 0 : index
    %get3A_23 = arith.constant 0 : index
    %get3A_24 = vector.load %arg3[%get3A_22, %get3A_23] : memref<16x16xf32, #tpu.memory_space<vmem>>, vector<16x16xf32>
    %dot_general3A_25 = arith.constant dense<0.000000e+00> : vector<8x16xf32>
    %dot_general3A_26 = tpu.matmul %select_n3A, %get3A_24, %dot_general3A_25 {dimension_numbers = #tpu.dot_dimension_numbers<[1], [0], [0], [1], [0, 0, 1, 1], [], []>, transpose_lhs_hint = false} : vector<8x16xf32>, vector<16x16xf32>, vector<8x16xf32> -> vector<8x16xf32>
    %get3A_27 = arith.constant 0 : index
    %get3A_28 = arith.constant 0 : index
    %get3A_29 = vector.load %arg4[%get3A_27, %get3A_28] : memref<1x16xf32, #tpu.memory_space<vmem>>, vector<1x16xf32>
    %add3A_30 = vector.broadcast %get3A_29 : vector<1x16xf32> to vector<8x16xf32>
    %add3A_31 = arith.addf %dot_general3A_26, %add3A_30 : vector<8x16xf32>
    %exp3A_32 = math.exp %add3A_31 : vector<8x16xf32>
    %sub3A_33 = arith.constant 1.000000e+00 : f32
    %sub3A_34 = vector.broadcast %sub3A_33 : f32 to vector<8x16xf32>
    %sub3A_35 = arith.subf %exp3A_32, %sub3A_34 : vector<8x16xf32>
    %mul3A_36 = arith.constant 1.67326319 : f32
    %mul3A_37 = vector.broadcast %mul3A_36 : f32 to vector<8x16xf32>
    %mul3A_38 = arith.mulf %mul3A_37, %sub3A_35 : vector<8x16xf32>
    %gt3A_39 = arith.constant 0.000000e+00 : f32
    %gt3A_40 = vector.broadcast %gt3A_39 : f32 to vector<8x16xf32>
    %gt3A_41 = arith.cmpf ogt, %add3A_31, %gt3A_40 : vector<8x16xf32>
    %mul3A_42 = arith.constant 1.05070102 : f32
    %mul3A_43 = vector.broadcast %mul3A_42 : f32 to vector<8x16xf32>
    %mul3A_44 = arith.mulf %mul3A_43, %add3A_31 : vector<8x16xf32>
    %mul3A_45 = arith.constant 1.05070102 : f32
    %mul3A_46 = vector.broadcast %mul3A_45 : f32 to vector<8x16xf32>
    %mul3A_47 = arith.mulf %mul3A_46, %mul3A_38 : vector<8x16xf32>
    %select_n3A_48 = arith.select %gt3A_41, %mul3A_44, %mul3A_47 : vector<8x16xi1>, vector<8x16xf32>
    %get3A_49 = arith.constant 0 : index
    %get3A_50 = arith.constant 0 : index
    %get3A_51 = vector.load %arg5[%get3A_49, %get3A_50] : memref<16x16xf32, #tpu.memory_space<vmem>>, vector<16x16xf32>
    %dot_general3A_52 = arith.constant dense<0.000000e+00> : vector<8x16xf32>
    %dot_general3A_53 = tpu.matmul %select_n3A_48, %get3A_51, %dot_general3A_52 {dimension_numbers = #tpu.dot_dimension_numbers<[1], [0], [0], [1], [0, 0, 1, 1], [], []>, transpose_lhs_hint = false} : vector<8x16xf32>, vector<16x16xf32>, vector<8x16xf32> -> vector<8x16xf32>
    %get3A_54 = arith.constant 0 : index
    %get3A_55 = arith.constant 0 : index
    %get3A_56 = vector.load %arg6[%get3A_54, %get3A_55] : memref<1x16xf32, #tpu.memory_space<vmem>>, vector<1x16xf32>
    %add3A_57 = vector.broadcast %get3A_56 : vector<1x16xf32> to vector<8x16xf32>
    %add3A_58 = arith.addf %dot_general3A_53, %add3A_57 : vector<8x16xf32>
    %swap3A = arith.constant 0 : index
    %swap3A_59 = arith.constant 0 : index
    %swap3A_60 = vector.load %arg7[%swap3A, %swap3A_59] : memref<8x16xf32, #tpu.memory_space<vmem>>, vector<8x16xf32>
    tpu.vector_store %arg7[%swap3A, %swap3A_59], %add3A_58 {strides = array<i32>} : memref<8x16xf32, #tpu.memory_space<vmem>>, vector<8x16xf32>,
    return
  }
}

</mosaic_0001>

<sc_bundles>
// kernel: kernel.11.cloned.1.call-start
scs
__scs_entry_jumppad:
0x0: {  	(pc) =	sbr.rel $0x88, $3  }
0x1: {  	(tag) =	ssettag $0x0;
	lr =	simm.s32 $0x1  }
0x2: {  	[smem:$0x3F7F] =	sst lr;
	_ =	strace $0xD0000000  }
0x3: {  	_ = 	snop  }
0x4: {  	_ = 	snop  }
0x5: {  	_ = 	snop  }
0x6: {  	_ = 	snop  }
0x7: {  	_ = 	snop  }
__scs_overlays_trampoline_lowered:
0x8: {  	[smem:$0x3F8E] =	sst s0  }
0x9: {  	[smem:$0x3F8F] =	sst s1  }
0xa: {  	[smem:$0x3F90] =	sst s2  }
0xb: {  	[smem:$0x3F91] =	sst s3  }
0xc: {  	[smem:$0x3F92] =	sst s4  }
0xd: {  	[smem:$0x3F93] =	sst s5  }
0xe: {  	[smem:$0x3F94] =	sst s6  }
0xf: {  	[smem:$0x3F95] =	sst s7  }
0x10: {  	[smem:$0x3F96] =	sst s8  }
0x11: {  	[smem:$0x3F97] =	sst s9;
	s0 =	simm.s32 @!p0 $0x0  }
0x12: {  	s1 =	sld [smem:$0x3F7D];
	s0 =	simm.s32 @p0 $0x1  }
0x13: {  	[smem:$0x3F98] =	sst s0;
	s0 =	simm.s32 @!p1 $0x0  }
0x14: {  	s2 =	sld [smem:$0x3F7C];
	s0 =	simm.s32 @p1 $0x1  }
0x15: {  	[smem:$0x3F99] =	sst s0;
	s0 =	simm.s32 @!p2 $0x0  }
0x16: {  	s3 =	sld [smem:$0x3FDB];
	s0 =	simm.s32 @p2 $0x1  }
0x17: {  	s4 =	simm.s32 $0x1BF5;
	[smem:$0x3F9B] =	sst s0  }
0x18: {  	s0 =	sld [smem:$0x3F7E];
	_ =	swait.ge [sflag:s4], $0x0  }
0x19: {  	s7 =	sld [smem:$0x3F7F]  }
0x1a: {  	s8 =	sadd.s32 $0xFFFFE003, lr  }
0x1b: {  	s9 =	sadd.s32 $0xFFFFFEF7, lr;
	s5 =	simm.s32 $0xFFFFFFFF;
	p2 =	slt.u32 s8, $0xFFFFF086  }
0x1c: {  	p1 =	slt.u32 s9, $0xF7A;
	s5 =	simm.s32 @!p2 $0x0  }
0x1d: {  	s5 =	simm.s32 @p1 $0x1;
	p0 =	seq.s32 s7, s2  }
0x1e: {  	s7 =	smul.u32 @!p0 $0xF7A, s2;
	p2 =	seq.s32 @!p0 s5, $0x0  }
0x1f: {  	s9 =	smul.u32 $0xF7A, s1;
	s8 =	simm.s32 @!p0 $0x1BF5;
	p2 =	por !p2, p0  }
0x20: {  	[sflag:s8] =	ssyncset.s32 @!p0 $0xFFFFF086;
	s6 =	sadd.s32 @!p0 s3, s7;
	s7 =	simm.s32 @!p0 $0x108  }
0x21: {  	s3 =	sadd.s32 s3, s9;
	s6 =	sadd.s32 @!p0 $0x88, s6;
	s7 =	simm.s32 @p2 $0x1082  }
0x22: {  	[simem:s7], [sflag:s8] =	dma.local @!p0 [hbm:s6], $0xF7A  }
0x23: {  	s9 =	sor.u32 $0xD0000000, s2;
	s6 =	simm.s32 $0x108;
	_ =	swait.ge @!p0 [sflag:s8], $0x0  }
0x24: {  	s3 =	sadd.s32 $0x88, s3;
	s6 =	simm.s32 @!p1 $0x1082;
	[sflag:s4] =	ssyncset.s32 $0xFFFFF086  }
0x25: {  	[simem:s6], [sflag:s4] =	dma.local [hbm:s3], $0xF7A  }
0x26: {  	[smem:$0x3F7F] =	sst s1;
	(tag) =	ssettag s2;
	_ =	strace s9  }
0x27: {  	s1 =	sld [smem:$0x3F8F]  }
0x28: {  	s2 =	sld [smem:$0x3F90]  }
0x29: {  	s4 =	sld [smem:$0x3F92]  }
0x2a: {  	p0 =	seq.s32 s5, $0x0;
	s5 =	sld [smem:$0x3F93]  }
0x2b: {  	s6 =	sld [smem:$0x3F94]  }
0x2c: {  	s7 =	sld [smem:$0x3F95]  }
0x2d: {  	s3 =	simm.s32 $0x108;
	s8 =	sld [smem:$0x3F96]  }
0x2e: {  	s3 =	simm.s32 @!p0 $0x1082;
	s9 =	sld [smem:$0x3F97]  }
0x2f: {  	lr =	sadd.s32 s0, s3;
	s0 =	sld [smem:$0x3F8E]  }
0x30: {  	s3 =	sld [smem:$0x3F91]  }
0x31: {  	[smem:$0x3F9A] =	sst s10  }
0x32: {  	s10 =	sld [smem:$0x3F98];
	_ =	sdelay $0x3  }
0x33: {  	p0 =	seq.s32 s10, $0x1;
	s10 =	sld [smem:$0x3F9A];
	_ =	sdelay $0x3  }
0x34: {  	[smem:$0x3F9A] =	sst s10  }
0x35: {  	s10 =	sld [smem:$0x3F99];
	_ =	sdelay $0x3  }
0x36: {  	p1 =	seq.s32 s10, $0x1;
	s10 =	sld [smem:$0x3F9A];
	_ =	sdelay $0x3  }
0x37: {  	[smem:$0x3F9A] =	sst s10  }
0x38: {  	s10 =	sld [smem:$0x3F9B]  }
0x39: {  	_ = 	snop;
	(pc) =	sbr.ind lr, $3  }
0x3a: {  	_ = 	snop  }
0x3b: {  	_ = 	snop  }
0x3c: {  	p2 =	seq.s32 s10, $0x1;
	s10 =	sld [smem:$0x3F9A]  }
0x3d: {  	_ =	shalt  }
0x3e: {  	_ =	shalt  }
0x3f: {  	_ =	shalt  }
0x40: {  	_ =	shalt  }
0x41: {  	_ =	shalt  }
0x42: {  	_ =	shalt  }
0x43: {  	_ =	shalt  }
0x44: {  	_ =	shalt  }
0x45: {  	_ =	shalt  }
0x46: {  	_ =	shalt  }
0x47: {  	_ =	shalt  }
0x48: {  	_ =	shalt  }
0x49: {  	_ =	shalt  }
0x4a: {  	_ =	shalt  }
0x4b: {  	_ =	shalt  }
0x4c: {  	_ =	shalt  }
0x4d: {  	_ =	shalt  }
0x4e: {  	_ =	shalt  }
0x4f: {  	_ =	shalt  }
0x50: {  	_ =	shalt  }
0x51: {  	_ =	shalt  }
0x52: {  	_ =	shalt  }
0x53: {  	_ =	shalt  }
0x54: {  	_ =	shalt  }
0x55: {  	_ =	shalt  }
0x56: {  	_ =	shalt  }
0x57: {  	_ =	shalt  }
0x58: {  	_ =	shalt  }
0x59: {  	_ =	shalt  }
0x5a: {  	_ =	shalt  }
0x5b: {  	_ =	shalt  }
0x5c: {  	_ =	shalt  }
0x5d: {  	_ =	shalt  }
0x5e: {  	_ =	shalt  }
0x5f: {  	_ =	shalt  }
0x60: {  	_ =	shalt  }
0x61: {  	_ =	shalt  }
0x62: {  	_ =	shalt  }
0x63: {  	_ =	shalt  }
0x64: {  	_ =	shalt  }
0x65: {  	_ =	shalt  }
0x66: {  	_ =	shalt  }
0x67: {  	_ =	shalt  }
0x68: {  	_ =	shalt  }
0x69: {  	_ =	shalt  }
0x6a: {  	_ =	shalt  }
0x6b: {  	_ =	shalt  }
0x6c: {  	_ =	shalt  }
0x6d: {  	_ =	shalt  }
0x6e: {  	_ =	shalt  }
0x6f: {  	_ =	shalt  }
0x70: {  	_ =	shalt  }
0x71: {  	_ =	shalt  }
0x72: {  	_ =	shalt  }
0x73: {  	_ =	shalt  }
0x74: {  	_ =	shalt  }
0x75: {  	_ =	shalt  }
0x76: {  	_ =	shalt  }
0x77: {  	_ =	shalt  }
0x78: {  	_ =	shalt  }
0x79: {  	_ =	shalt  }
0x7a: {  	_ =	shalt  }
0x7b: {  	_ =	shalt  }
0x7c: {  	_ =	shalt  }
0x7d: {  	_ =	shalt  }
0x7e: {  	_ =	shalt  }
0x7f: {  	_ =	shalt  }
0x80: {  	_ =	shalt  }
0x81: {  	_ =	shalt  }
0x82: {  	_ =	shalt  }
0x83: {  	_ =	shalt  }
0x84: {  	_ =	shalt  }
0x85: {  	_ =	shalt  }
0x86: {  	_ =	shalt  }
0x87: {  	_ =	shalt  }
.Lfunc_end0:
.L_simem_size_0:
called_computation_lowered:
.L_overlay_start_0:
0x88: {  	s2 =	sld [smem:$0x3FD9]  }
0x89: {  	s3 =	sld [smem:$0x3FFE];
	_ =	sdelay $0x1  }
0x8a: {  	s1 =	srdreg.scid  }
0x8b: {  	s0 =	sand.u32 $0x1, s1  }
0x8c: {  	s17 =	sshll.u32 s0, $0xA;
	s2 =	sadd.s32 s3, s2  }
0x8d: {  	s2 =	sadd.s32 s2, s17  }
0x8e: {  	[smem:$0x3FA6] =	sst s2  }
0x8f: {  	_ = 	snop  }
0x90: {  	(tm) =	ssettm $0x1  }
0x91: {  	s18 =	sld [smem:$0x3FFB];
	_ =	sdelay $0x3  }
0x92: {  	_ =	strace s18  }
0x93: {  	s2 =	sld [smem:$0x3FFC];
	_ =	sdelay $0x3  }
0x94: {  	_ =	strace s2  }
0x95: {  	s2 =	sld [smem:$0x3FFD];
	_ =	sdelay $0x3  }
0x96: {  	_ =	strace s2  }
0x97: {  	_ =	strace $0x8FFFFFFF  }
0x98: {  	s19 =	sld [smem:$0x3FDB];
	_ =	sdelay $0x1  }
0x99: {  	s20 =	simm.s32 $_scs_section_size  }
0x9a: {  	s4 =	simm.s32 $_size__tile_overlayer_lowered;
	s5 =	simm.s32 $_tile_overlayer_lowered  }
0x9b: {  	s6 =	simm.s32 $0x1BFF;
	s21 =	sshll.u32 s5, $0x1;
	s3 =	sadd.s32 s20, s19  }
0x9c: {  	s22 =	simm.s32 $0x0;
	s4 =	sshll.u32 s4, $0x1;
	s5 =	sadd.s32 s21, s3  }
0x9d: {  	[timem:s22], [sflag:s6] =	dma.local [hbm:s5], s4  }
0x9e: {  	_ =	swait.ge [sflag:s6], s4  }
0x9f: {  	s4 =	ssub.s32 $0x0, s4;
	[sflag:s6] =	ssyncset.done $0x0  }
0xa0: {  	[sflag:s6] =	ssyncadd.s32 s4;
	_ =	sdelay $0x1  }
0xa1: {  	s23 =	simm.s32 $0x1B8B  }
0xa2: {  	_ =	swait.ge [sflag:s23], $0x1  }
0xa3: {  	[sflag:s23] =	ssyncset.done $0x0  }
0xa4: {  	[sflag:s23] =	ssyncadd.s32 $0xFFFFFFFF  }
0xa5: {  	s4 =	sld [smem:$0x0]  }
0xa6: {  	s5 =	sand.u32 $0xFFFFFFFE, s1  }
0xa7: {  	p0 =	sne.s32 s1, s5  }
0xa8: {  	s5 =	sshll.u32 @p0 s5, $0xE  }
0xa9: {  	s5 =	sadd.s32 @p0 $0x11B8D, s5;
	s6 =	sshll.u32 @p0 s4, $0x11  }
0xaa: {  	s5 =	sor.u32 @p0 s6, s5  }
0xab: {  	[sflag:s5] =	ssyncadd.remote.s32 @p0 $0x1;
	_ =	sdelay $0x1  }
0xac: {  	s5 =	simm.s32 @p0 $0x1B8D  }
0xad: {  	_ =	swait.eq @p0 [sflag:s5], $0x1  }
0xae: {  	[sflag:s5] =	ssyncadd.s32 @p0 $0xFFFFFFFF  }
0xaf: {  	s6 =	sshll.u32 @!p0 s1, $0xE  }
0xb0: {  	s6 =	sor.u32 @!p0 $0x4000, s6;
	s5 =	simm.s32 @!p0 $0x1B8D  }
0xb1: {  	s4 =	sshll.u32 @!p0 s4, $0x11;
	s6 =	sadd.s32 @!p0 $0x11B8D, s6;
	_ =	swait.eq @!p0 [sflag:s5], $0x1  }
0xb2: {  	s4 =	sor.u32 @!p0 s4, s6;
	[sflag:s5] =	ssyncadd.s32 @!p0 $0xFFFFFFFF  }
0xb3: {  	s25 =	simm.s32 $0x1B8E;
	s24 =	sld [smem:$0x3FFE];
	[sflag:s4] =	ssyncadd.remote.s32 @!p0 $0x1  }
0xb4: {  	s26 =	simm.s32 $execute0_lowered;
	[smem:$0x3FD2] =	sst s25  }
0xb5: {  	s5 =	sshll.u32 s26, $0x1;
	_ =	strace $0x80000049;
	[dreg:$0x1] =	wrdreg $0xFFFFFFFF  }
0xb6: {  	s28 =	simm.s32 $_size_execute0_lowered;
	s3 =	sadd.s32 s3, s5;
	[dreg:$0x0] =	wrdreg $0x0  }
0xb7: {  	s5 =	sshll.u32 s28, $0x1;
	[dreg:$0x2] =	wrdreg s3  }
0xb8: {  	[dreg:$0x3] =	wrdreg s5  }
0xb9: {  	[dreg:$0x4] =	wrdreg $0xC0  }
0xba: {  	_ =	task [dreg:s22], $0x5FFFF  }
0xbb: {  	[dreg:$0x1] =	wrdreg $0xFFFFFFFF  }
0xbc: {  	[dreg:$0x0] =	wrdreg $0x60  }
0xbd: {  	[dreg:$0x2] =	wrdreg s24  }
0xbe: {  	[dreg:$0x3] =	wrdreg $0x9  }
0xbf: {  	_ =	task.clear_ibuf [dreg:s22], $0x4FFFF;
	_ =	strace $0x90000049  }
0xc0: {  	s29 =	simm.s32 $0x9;
	_ =	strace $0x8000004B  }
0xc1: {  	_ =	swait.ge [sflag:s29], $0x1  }
0xc2: {  	[sflag:s29] =	ssyncadd.s32 $0xFFFFFFFF  }
0xc3: {  	_ =	strace $0x9000004B  }
0xc4: {  	_ =	sfence  }
0xc5: {  	s30 =	sld [smem:$0x0];
	_ =	sdelay $0x2  }
0xc6: {  	s31 =	sshll.u32 s1, $0xD;
	s1 =	sshrl.u32 s1, $0x2  }
0xc7: {  	s4 =	sand.u32 $0x4000, s31;
	s1 =	sadd.s32 s1, s30  }
0xc8: {  	s0 =	sor.u32 s4, s0;
	s1 =	sshll.u32 s1, $0x11  }
0xc9: {  	s0 =	sor.u32 s1, s0  }
0xca: {  	s0 =	sadd.s32 $0x8F2B, s0  }
0xcb: {  	[sflag:s0] =	ssyncadd.remote.s32 $0x1  }
0xcc: {  	_ =	sfence.sel $0xFFFF  }
0xcd: {  	[dreg:$0x0] =	wrdreg $0xFFFFFFFF;
	(pc) =	sbr.abs _section_cstart, $3  }
0xce: {  	[dreg:$0x1] =	wrdreg $0xFFFFFFFF  }
0xcf: {  	_ =	task.clear_ibuf [dreg:s22], $0x2FFFF;
	_ =	strace $0x9FFFFFFF  }
0xd0: {  	(tm) =	ssettm $0x7FFFFFFF  }
0xd1: {  	_ =	shalt  }
tec
execute0_lowered:
.L_overlay_start_1:
0x0: {  	(tag) =	ssettag $0x1  }
0x1: {  	s0 =	rddreg [dreg:$0x0];
	s1 =	simm.s32 $0x0  }
0x2: {  	s3 =	srdreg.scid;
	s16 =	stileid.u32;
	s28 =	simm.s32 $0x400  }
0x3: {  	s29 =	simm.s32 $0x800;
	s30 =	simm.s32 $0x3;
	s31 =	simm.s32 $0x2  }
0x4: {  	[smem:$0x7FF] =	sst s1;
	s2 =	sadd.s32 $0x53400, s0;
	s5 =	smul.u32 $0xC800, s16  }
0x5: {  	s4 =	sadd.s32 $0x3A400, s0;
	s6 =	sadd.s32 $0x636E00, s0;
	s10 =	smul.u32 $0xC8000, s16  }
0x6: {  	s3 =	sand.u32 $0x1, s3;
	s7 =	sadd.s32 $0x7C6E00, s0;
	s25 =	smul.u32 $0x19000, s16  }
0x7: {  	_ =	strace $0x8000004A;
	s8 =	ssub.s32 $0x2, s3;
	p0 =	seq.s32 s3, $0x1  }
0x8: {  	s9 =	sshrl.u32 s8, $0x1;
	s5 =	sshrl.u32 s5, $0x3;
	s26 =	sadd.s32 s25, s6  }
0x9: {  	s3 =	sadd.s32 s25, s7;
	s23 =	ssub.s32 s8, s9;
	s14 =	sadd.s32 s2, s5  }
0xa: {  	s15 =	sadd.s32 s4, s5;
	s17 =	sor.u32 $0x80, s5;
	s11 =	sadd.s32 $0x100, s5  }
0xb: {  	s22 =	sadd.s32 $0x1880, s5;
	s25 =	sadd.s32 $0x1000, s3;
	[dreg:$0x2] =	wrdreg s14  }
0xc: {  	s3 =	simm.s32 $0x5;
	[dreg:$0x3] =	wrdreg s15;
	s15 =	sshrl.u32 s10, $0x3  }
0xd: {  	s18 =	sadd.s32 s2, s17;
	s20 =	sadd.s32 s2, s11;
	s9 =	sadd.s32 s4, s17  }
0xe: {  	s11 =	sadd.s32 s4, s11;
	s13 =	sadd.s32 s2, s22;
	s17 =	smul.u32 $0x1900, s16  }
0xf: {  	s23 =	smax.u32 s23, $0x1;
	[dreg:$0x4] =	wrdreg s18;
	s12 =	sor.u32 $0x800, s15  }
0x10: {  	s19 =	sadd.s32 s6, s15;
	[dreg:$0x6] =	wrdreg s20;
	s10 =	sadd.s32 s7, s15  }
0x11: {  	s24 =	sadd.s32 $0x18000, s15;
	s20 =	sadd.s32 $0x18800, s15;
	s15 =	sadd.s32 s4, s22  }
0x12: {  	s22 =	sadd.s32 $0xCF400, s0;
	[dreg:$0x5] =	wrdreg s19;
	s21 =	sadd.s32 s6, s12  }
.Ltmp0:
0x13: {  	s12 =	sadd.s32 s7, s12;
	s14 =	sadd.s32 s6, s24;
	(pc) =	sbr.rel .LBB2_1-.Ltmp0, $4  }
0x14: {  	s16 =	sadd.s32 s17, s2;
	s17 =	sadd.s32 s17, s4;
	s18 =	sadd.s32 s6, s20  }
0x15: {  	s19 =	sadd.s32 s7, s24;
	s20 =	sadd.s32 s7, s20;
	s24 =	sadd.s32 $0x1000, s26  }
0x16: {  	s26 =	simm.s32 $0x1;
	s2 =	simm.s32 $0x4;
	s4 =	simm.s32 $0x0  }
0x17: {  	[dreg:$0x7] =	wrdreg s21;
	s21 =	sadd.s32 $0x9E400, s0;
	s0 =	simm.s32 $0x4800  }
.LBB2_7:
0x18: {  	[hbm4b:s7+s1] =	stream.linear.scatter [tilespmem:s0], [sflag:$0x5], $0x4000, $0x38;
	[tilespmem:$0x8800] =	vst v63  }
0x19: {  	_ =	swait.ge [sflag:s26], $0x400  }
0x1a: {  	[sflag:s26] =	ssyncset.done $0x0  }
0x1b: {  	[sflag:s26] =	ssyncadd.s32 $0xFFFFFC00  }
0x1c: {  	[tilespmem:s28], [sflag:$0x2] =	stream.linear.gather [hbm4b:s15+s1], $0x400, $0x38;
	[tilespmem:$0x8800] =	vst v63  }
0x1d: {  	_ =	swait.ge [sflag:s2], $0x4000  }
0x1e: {  	[sflag:s2] =	ssyncset.done $0x0  }
0x1f: {  	[sflag:s2] =	ssyncadd.s32 $0xFFFFC000  }
0x20: {  	[tilespmem:s29], [sflag:$0x3] =	stream.indirect.gather [hbm4b:s22+s28], $0x10, s1, s28, $0xb8;
	[tilespmem:$0x8800] =	vst v63  }
0x21: {  	_ =	swait.ge [sflag:s30], $0x4000  }
0x22: {  	[sflag:s30] =	ssyncset.done $0x0  }
0x23: {  	[sflag:s30] =	ssyncadd.s32 $0xFFFFC000  }
0x24: {  	[hbm4b:s19+s1] =	stream.linear.scatter [tilespmem:s29], [sflag:$0x4], $0x4000, $0x38;
	[tilespmem:$0x8800] =	vst v63  }
0x25: {  	_ =	swait.ge [sflag:s31], $0x400  }
0x26: {  	[sflag:s31] =	ssyncset.done $0x0  }
0x27: {  	[sflag:s31] =	ssyncadd.s32 $0xFFFFFC00  }
0x28: {  	_ =	swait.ge [sflag:s3], $0x4000  }
0x29: {  	[sflag:s3] =	ssyncset.done $0x0  }
0x2a: {  	[sflag:s3] =	ssyncadd.s32 $0xFFFFC000  }
0x2b: {  	[tilespmem:s0], [sflag:$0x3] =	stream.indirect.gather [hbm4b:s22+s28], $0x10, s28, s28, $0xb8;
	[tilespmem:$0x8800] =	vst v63  }
0x2c: {  	_ =	swait.ge [sflag:s30], $0x4000  }
0x2d: {  	[sflag:s30] =	ssyncset.done $0x0  }
0x2e: {  	[sflag:s30] =	ssyncadd.s32 $0xFFFFC000  }
0x2f: {  	[hbm4b:s20+s1] =	stream.linear.scatter [tilespmem:s0], [sflag:$0x5], $0x4000, $0x38;
	[tilespmem:$0x8800] =	vst v63  }
.LBB2_8:
0x30: {  	s4 =	sadd.s32 $0x1, s4  }
0x31: {  	_ =	swait.ge [sflag:s2], $0x4000;
	p1 =	sne.s32 s4, s23  }
.Ltmp1:
0x32: {  	[sflag:s2] =	ssyncset.done $0x0;
	(pc) =	sbr.rel @!p1 .LBB2_9-.Ltmp1, $4  }
0x33: {  	[sflag:s2] =	ssyncadd.s32 $0xFFFFC000  }
0x34: {  	_ =	swait.ge [sflag:s3], $0x4000  }
0x35: {  	[sflag:s3] =	ssyncset.done $0x0  }
0x36: {  	[sflag:s3] =	ssyncadd.s32 $0xFFFFC000  }
.LBB2_1:
.Ltmp2:
0x37: {  	(pc) =	sbr.rel @!p0 .LBB2_2-.Ltmp2, $2  }
0x38: {  	_ =	sdelay $0x2  }
0x39: {  	s5 =	simm.s32 $0x0  }
0x3a: {  	s6 =	rddreg [dreg:$0x3]  }
0x3b: {  	[tilespmem:s5], [sflag:$0x1] =	stream.linear.gather [hbm4b:s6+s5], $0x400, $0x38;
	[tilespmem:$0x8800] =	vst v63  }
0x3c: {  	_ =	swait.ge [sflag:s26], $0x400  }
0x3d: {  	[sflag:s26] =	ssyncset.done $0x0  }
0x3e: {  	[sflag:s26] =	ssyncadd.s32 $0xFFFFFC00  }
0x3f: {  	[tilespmem:s28], [sflag:$0x2] =	stream.linear.gather [hbm4b:s9+s5], $0x400, $0x38;
	[tilespmem:$0x8800] =	vst v63  }
0x40: {  	_ = 	snop  }
0x41: {  	[tilespmem:s29], [sflag:$0x3] =	stream.indirect.gather [hbm4b:s22+s28], $0x10, s5, s28, $0xb8;
	[tilespmem:$0x8800] =	vst v63  }
0x42: {  	_ =	swait.ge [sflag:s30], $0x4000  }
0x43: {  	[sflag:s30] =	ssyncset.done $0x0  }
0x44: {  	[sflag:s30] =	ssyncadd.s32 $0xFFFFC000  }
0x45: {  	[hbm4b:s10+s5] =	stream.linear.scatter [tilespmem:s29], [sflag:$0x4], $0x4000, $0x38;
	[tilespmem:$0x8800] =	vst v63  }
0x46: {  	_ =	swait.ge [sflag:s31], $0x400  }
0x47: {  	[sflag:s31] =	ssyncset.done $0x0  }
0x48: {  	[sflag:s31] =	ssyncadd.s32 $0xFFFFFC00  }
0x49: {  	[tilespmem:s5], [sflag:$0x1] =	stream.linear.gather [hbm4b:s11+s5], $0x400, $0x38;
	[tilespmem:$0x8800] =	vst v63  }
0x4a: {  	_ = 	snop  }
0x4b: {  	[tilespmem:s0], [sflag:$0x3] =	stream.indirect.gather [hbm4b:s22+s28], $0x10, s28, s28, $0xb8;
	[tilespmem:$0x8800] =	vst v63  }
0x4c: {  	_ =	swait.ge [sflag:s30], $0x4000  }
0x4d: {  	[sflag:s30] =	ssyncset.done $0x0  }
0x4e: {  	[sflag:s30] =	ssyncadd.s32 $0xFFFFC000  }
0x4f: {  	[hbm4b:s12+s5] =	stream.linear.scatter [tilespmem:s0], [sflag:$0x5], $0x4000, $0x38;
	[tilespmem:$0x8800] =	vst v63  }
0x50: {  	_ =	swait.ge [sflag:s26], $0x400  }
0x51: {  	s7 =	sadd.s32 $0x0, s17;
	[sflag:s26] =	ssyncset.done $0x0  }
0x52: {  	s8 =	sadd.s32 $0x180, s7;
	[sflag:s26] =	ssyncadd.s32 $0xFFFFFC00  }
0x53: {  	[tilespmem:s28], [sflag:$0x2] =	stream.linear.gather [hbm4b:s8+s1], $0x400, $0x38;
	[tilespmem:$0x8800] =	vst v63  }
0x54: {  	_ =	swait.ge [sflag:s2], $0x4000  }
0x55: {  	[sflag:s2] =	ssyncset.done $0x0  }
0x56: {  	[sflag:s2] =	ssyncadd.s32 $0xFFFFC000  }
0x57: {  	[tilespmem:s29], [sflag:$0x3] =	stream.indirect.gather [hbm4b:s22+s28], $0x10, s1, s28, $0xb8;
	[tilespmem:$0x8800] =	vst v63  }
0x58: {  	_ =	swait.ge [sflag:s30], $0x4000  }
0x59: {  	[sflag:s30] =	ssyncset.done $0x0  }
0x5a: {  	[sflag:s30] =	ssyncadd.s32 $0xFFFFC000  }
0x5b: {  	[hbm4b:s25+s1] =	stream.linear.scatter [tilespmem:s29], [sflag:$0x4], $0x4000, $0x38;
	[tilespmem:$0x8800] =	vst v63  }
0x5c: {  	_ =	swait.ge [sflag:s31], $0x400  }
0x5d: {  	[sflag:s31] =	ssyncset.done $0x0  }
0x5e: {  	s5 =	sadd.s32 $0x200, s7;
	[sflag:s31] =	ssyncadd.s32 $0xFFFFFC00  }
0x5f: {  	[tilespmem:s1], [sflag:$0x1] =	stream.linear.gather [hbm4b:s5+s1], $0x400, $0x38;
	[tilespmem:$0x8800] =	vst v63  }
0x60: {  	_ =	swait.ge [sflag:s3], $0x4000  }
0x61: {  	[sflag:s3] =	ssyncset.done $0x0  }
0x62: {  	[sflag:s3] =	ssyncadd.s32 $0xFFFFC000  }
0x63: {  	[tilespmem:s0], [sflag:$0x3] =	stream.indirect.gather [hbm4b:s22+s28], $0x10, s28, s28, $0xb8;
	[tilespmem:$0x8800] =	vst v63  }
0x64: {  	_ =	swait.ge [sflag:s30], $0x4000  }
0x65: {  	s6 =	sadd.s32 $0x1000, s25;
	[sflag:s30] =	ssyncset.done $0x0  }
0x66: {  	s7 =	sadd.s32 $0x800, s25;
	s5 =	simm.s32 $0x100;
	[sflag:s30] =	ssyncadd.s32 $0xFFFFC000  }
.LBB2_6:
0x67: {  	[hbm4b:s7+s1] =	stream.linear.scatter [tilespmem:s0], [sflag:$0x5], $0x4000, $0x38;
	[tilespmem:$0x8800] =	vst v63  }
0x68: {  	s7 =	smov.u32 s5  }
0x69: {  	p1 =	sne.s32 s5, $0x1600;
	s5 =	sadd.s32 $0x100, s5;
	_ =	swait.ge [sflag:s26], $0x400  }
0x6a: {  	s7 =	sadd.s32 s7, s17;
	[sflag:s26] =	ssyncset.done $0x0  }
0x6b: {  	s8 =	sadd.s32 $0x180, s7;
	[sflag:s26] =	ssyncadd.s32 $0xFFFFFC00  }
0x6c: {  	[tilespmem:s28], [sflag:$0x2] =	stream.linear.gather [hbm4b:s8+s1], $0x400, $0x38;
	[tilespmem:$0x8800] =	vst v63  }
0x6d: {  	_ =	swait.ge [sflag:s2], $0x4000  }
0x6e: {  	[sflag:s2] =	ssyncset.done $0x0  }
0x6f: {  	[sflag:s2] =	ssyncadd.s32 $0xFFFFC000  }
0x70: {  	[tilespmem:s29], [sflag:$0x3] =	stream.indirect.gather [hbm4b:s22+s28], $0x10, s1, s28, $0xb8;
	[tilespmem:$0x8800] =	vst v63  }
0x71: {  	_ =	swait.ge [sflag:s30], $0x4000  }
0x72: {  	[sflag:s30] =	ssyncset.done $0x0  }
0x73: {  	[sflag:s30] =	ssyncadd.s32 $0xFFFFC000  }
0x74: {  	[hbm4b:s6+s1] =	stream.linear.scatter [tilespmem:s29], [sflag:$0x4], $0x4000, $0x38;
	[tilespmem:$0x8800] =	vst v63  }
0x75: {  	_ =	swait.ge [sflag:s31], $0x400  }
0x76: {  	[sflag:s31] =	ssyncset.done $0x0  }
0x77: {  	s7 =	sadd.s32 $0x200, s7;
	[sflag:s31] =	ssyncadd.s32 $0xFFFFFC00  }
0x78: {  	[tilespmem:s1], [sflag:$0x1] =	stream.linear.gather [hbm4b:s7+s1], $0x400, $0x38;
	[tilespmem:$0x8800] =	vst v63  }
0x79: {  	_ =	swait.ge [sflag:s3], $0x4000  }
0x7a: {  	[sflag:s3] =	ssyncset.done $0x0  }
.Ltmp3:
0x7b: {  	[sflag:s3] =	ssyncadd.s32 $0xFFFFC000;
	(pc) =	sbr.rel @p1 .LBB2_6-.Ltmp3, $4  }
0x7c: {  	[tilespmem:s0], [sflag:$0x3] =	stream.indirect.gather [hbm4b:s22+s28], $0x10, s28, s28, $0xb8;
	[tilespmem:$0x8800] =	vst v63  }
0x7d: {  	_ =	swait.ge [sflag:s30], $0x4000  }
0x7e: {  	[sflag:s30] =	ssyncset.done $0x0  }
0x7f: {  	s7 =	sadd.s32 $0x800, s6;
	s6 =	sadd.s32 $0x1000, s6;
	[sflag:s30] =	ssyncadd.s32 $0xFFFFC000  }
.Ltmp4:
0x80: {  	_ = 	snop;
	(pc) =	sbr.rel .LBB2_7-.Ltmp4, $1  }
0x81: {  	_ =	sdelay $0x3  }
.LBB2_2:
0x82: {  	s6 =	rddreg [dreg:$0x2]  }
0x83: {  	[tilespmem:s5], [sflag:$0x1] =	stream.linear.gather [hbm4b:s6+s5], $0x400, $0x38;
	[tilespmem:$0x8800] =	vst v63  }
0x84: {  	_ =	swait.ge [sflag:s26], $0x400  }
0x85: {  	[sflag:s26] =	ssyncset.done $0x0  }
0x86: {  	s7 =	rddreg [dreg:$0x4];
	[sflag:s26] =	ssyncadd.s32 $0xFFFFFC00  }
0x87: {  	[tilespmem:s28], [sflag:$0x2] =	stream.linear.gather [hbm4b:s7+s5], $0x400, $0x38;
	[tilespmem:$0x8800] =	vst v63  }
0x88: {  	_ = 	snop  }
0x89: {  	[tilespmem:s29], [sflag:$0x3] =	stream.indirect.gather [hbm4b:s21+s28], $0x10, s5, s28, $0xb8;
	[tilespmem:$0x8800] =	vst v63  }
0x8a: {  	_ =	swait.ge [sflag:s30], $0x4000  }
0x8b: {  	[sflag:s30] =	ssyncset.done $0x0  }
0x8c: {  	s8 =	rddreg [dreg:$0x5];
	[sflag:s30] =	ssyncadd.s32 $0xFFFFC000  }
0x8d: {  	[hbm4b:s8+s5] =	stream.linear.scatter [tilespmem:s29], [sflag:$0x4], $0x4000, $0x38;
	[tilespmem:$0x8800] =	vst v63  }
0x8e: {  	_ =	swait.ge [sflag:s31], $0x400  }
0x8f: {  	[sflag:s31] =	ssyncset.done $0x0  }
0x90: {  	s7 =	rddreg [dreg:$0x6];
	[sflag:s31] =	ssyncadd.s32 $0xFFFFFC00  }
0x91: {  	[tilespmem:s5], [sflag:$0x1] =	stream.linear.gather [hbm4b:s7+s5], $0x400, $0x38;
	[tilespmem:$0x8800] =	vst v63  }
0x92: {  	_ = 	snop  }
0x93: {  	[tilespmem:s0], [sflag:$0x3] =	stream.indirect.gather [hbm4b:s21+s28], $0x10, s28, s28, $0xb8;
	[tilespmem:$0x8800] =	vst v63  }
0x94: {  	_ =	swait.ge [sflag:s30], $0x4000  }
0x95: {  	[sflag:s30] =	ssyncset.done $0x0  }
0x96: {  	s8 =	rddreg [dreg:$0x7];
	[sflag:s30] =	ssyncadd.s32 $0xFFFFC000  }
0x97: {  	[hbm4b:s8+s5] =	stream.linear.scatter [tilespmem:s0], [sflag:$0x5], $0x4000, $0x38;
	[tilespmem:$0x8800] =	vst v63  }
0x98: {  	_ =	swait.ge [sflag:s26], $0x400  }
0x99: {  	s7 =	sadd.s32 $0x0, s16;
	[sflag:s26] =	ssyncset.done $0x0  }
0x9a: {  	s8 =	sadd.s32 $0x180, s7;
	[sflag:s26] =	ssyncadd.s32 $0xFFFFFC00  }
0x9b: {  	[tilespmem:s28], [sflag:$0x2] =	stream.linear.gather [hbm4b:s8+s1], $0x400, $0x38;
	[tilespmem:$0x8800] =	vst v63  }
0x9c: {  	_ =	swait.ge [sflag:s2], $0x4000  }
0x9d: {  	[sflag:s2] =	ssyncset.done $0x0  }
0x9e: {  	[sflag:s2] =	ssyncadd.s32 $0xFFFFC000  }
0x9f: {  	[tilespmem:s29], [sflag:$0x3] =	stream.indirect.gather [hbm4b:s21+s28], $0x10, s1, s28, $0xb8;
	[tilespmem:$0x8800] =	vst v63  }
0xa0: {  	_ =	swait.ge [sflag:s30], $0x4000  }
0xa1: {  	[sflag:s30] =	ssyncset.done $0x0  }
0xa2: {  	[sflag:s30] =	ssyncadd.s32 $0xFFFFC000  }
0xa3: {  	[hbm4b:s24+s1] =	stream.linear.scatter [tilespmem:s29], [sflag:$0x4], $0x4000, $0x38;
	[tilespmem:$0x8800] =	vst v63  }
0xa4: {  	_ =	swait.ge [sflag:s31], $0x400  }
0xa5: {  	[sflag:s31] =	ssyncset.done $0x0  }
0xa6: {  	s5 =	sadd.s32 $0x200, s7;
	[sflag:s31] =	ssyncadd.s32 $0xFFFFFC00  }
0xa7: {  	[tilespmem:s1], [sflag:$0x1] =	stream.linear.gather [hbm4b:s5+s1], $0x400, $0x38;
	[tilespmem:$0x8800] =	vst v63  }
0xa8: {  	_ =	swait.ge [sflag:s3], $0x4000  }
0xa9: {  	[sflag:s3] =	ssyncset.done $0x0  }
0xaa: {  	[sflag:s3] =	ssyncadd.s32 $0xFFFFC000  }
0xab: {  	[tilespmem:s0], [sflag:$0x3] =	stream.indirect.gather [hbm4b:s21+s28], $0x10, s28, s28, $0xb8;
	[tilespmem:$0x8800] =	vst v63  }
0xac: {  	_ =	swait.ge [sflag:s30], $0x4000  }
0xad: {  	s6 =	sadd.s32 $0x1000, s24;
	[sflag:s30] =	ssyncset.done $0x0  }
0xae: {  	s7 =	sadd.s32 $0x800, s24;
	s5 =	simm.s32 $0x100;
	[sflag:s30] =	ssyncadd.s32 $0xFFFFC000  }
.LBB2_3:
0xaf: {  	[hbm4b:s7+s1] =	stream.linear.scatter [tilespmem:s0], [sflag:$0x5], $0x4000, $0x38;
	[tilespmem:$0x8800] =	vst v63  }
0xb0: {  	s7 =	smov.u32 s5  }
0xb1: {  	p1 =	seq.s32 s5, $0x1600;
	s5 =	sadd.s32 $0x100, s5;
	_ =	swait.ge [sflag:s26], $0x400  }
0xb2: {  	s7 =	sadd.s32 s7, s16;
	[sflag:s26] =	ssyncset.done $0x0  }
0xb3: {  	s8 =	sadd.s32 $0x180, s7;
	[sflag:s26] =	ssyncadd.s32 $0xFFFFFC00  }
0xb4: {  	[tilespmem:s28], [sflag:$0x2] =	stream.linear.gather [hbm4b:s8+s1], $0x400, $0x38;
	[tilespmem:$0x8800] =	vst v63  }
0xb5: {  	_ =	swait.ge [sflag:s2], $0x4000  }
0xb6: {  	[sflag:s2] =	ssyncset.done $0x0  }
0xb7: {  	[sflag:s2] =	ssyncadd.s32 $0xFFFFC000  }
0xb8: {  	[tilespmem:s29], [sflag:$0x3] =	stream.indirect.gather [hbm4b:s21+s28], $0x10, s1, s28, $0xb8;
	[tilespmem:$0x8800] =	vst v63  }
0xb9: {  	_ =	swait.ge [sflag:s30], $0x4000  }
0xba: {  	[sflag:s30] =	ssyncset.done $0x0  }
0xbb: {  	[sflag:s30] =	ssyncadd.s32 $0xFFFFC000  }
0xbc: {  	[hbm4b:s6+s1] =	stream.linear.scatter [tilespmem:s29], [sflag:$0x4], $0x4000, $0x38;
	[tilespmem:$0x8800] =	vst v63  }
0xbd: {  	_ =	swait.ge [sflag:s31], $0x400  }
0xbe: {  	[sflag:s31] =	ssyncset.done $0x0  }
0xbf: {  	s7 =	sadd.s32 $0x200, s7;
	[sflag:s31] =	ssyncadd.s32 $0xFFFFFC00  }
0xc0: {  	[tilespmem:s1], [sflag:$0x1] =	stream.linear.gather [hbm4b:s7+s1], $0x400, $0x38;
	[tilespmem:$0x8800] =	vst v63  }
0xc1: {  	_ =	swait.ge [sflag:s3], $0x4000  }
0xc2: {  	[sflag:s3] =	ssyncset.done $0x0  }
.Ltmp5:
0xc3: {  	[sflag:s3] =	ssyncadd.s32 $0xFFFFC000;
	(pc) =	sbr.rel @!p1 .LBB2_3-.Ltmp5, $4  }
0xc4: {  	[tilespmem:s0], [sflag:$0x3] =	stream.indirect.gather [hbm4b:s21+s28], $0x10, s28, s28, $0xb8;
	[tilespmem:$0x8800] =	vst v63  }
0xc5: {  	_ =	swait.ge [sflag:s30], $0x4000  }
0xc6: {  	[sflag:s30] =	ssyncset.done $0x0  }
0xc7: {  	s7 =	sadd.s32 $0x800, s6;
	s6 =	sadd.s32 $0x1000, s6;
	[sflag:s30] =	ssyncadd.s32 $0xFFFFC000  }
0xc8: {  	[hbm4b:s7+s1] =	stream.linear.scatter [tilespmem:s0], [sflag:$0x5], $0x4000, $0x38;
	[tilespmem:$0x8800] =	vst v63  }
0xc9: {  	_ =	swait.ge [sflag:s26], $0x400  }
0xca: {  	[sflag:s26] =	ssyncset.done $0x0  }
0xcb: {  	[sflag:s26] =	ssyncadd.s32 $0xFFFFFC00  }
0xcc: {  	[tilespmem:s28], [sflag:$0x2] =	stream.linear.gather [hbm4b:s13+s1], $0x400, $0x38;
	[tilespmem:$0x8800] =	vst v63  }
0xcd: {  	_ =	swait.ge [sflag:s2], $0x4000  }
0xce: {  	[sflag:s2] =	ssyncset.done $0x0  }
0xcf: {  	[sflag:s2] =	ssyncadd.s32 $0xFFFFC000  }
0xd0: {  	[tilespmem:s29], [sflag:$0x3] =	stream.indirect.gather [hbm4b:s21+s28], $0x10, s1, s28, $0xb8;
	[tilespmem:$0x8800] =	vst v63  }
0xd1: {  	_ =	swait.ge [sflag:s30], $0x4000  }
0xd2: {  	[sflag:s30] =	ssyncset.done $0x0  }
0xd3: {  	[sflag:s30] =	ssyncadd.s32 $0xFFFFC000  }
0xd4: {  	[hbm4b:s14+s1] =	stream.linear.scatter [tilespmem:s29], [sflag:$0x4], $0x4000, $0x38;
	[tilespmem:$0x8800] =	vst v63  }
0xd5: {  	_ =	swait.ge [sflag:s31], $0x400  }
0xd6: {  	[sflag:s31] =	ssyncset.done $0x0  }
0xd7: {  	[sflag:s31] =	ssyncadd.s32 $0xFFFFFC00  }
0xd8: {  	_ =	swait.ge [sflag:s3], $0x4000  }
0xd9: {  	[sflag:s3] =	ssyncset.done $0x0  }
0xda: {  	[sflag:s3] =	ssyncadd.s32 $0xFFFFC000  }
0xdb: {  	[tilespmem:s0], [sflag:$0x3] =	stream.indirect.gather [hbm4b:s21+s28], $0x10, s28, s28, $0xb8;
	[tilespmem:$0x8800] =	vst v63  }
.Ltmp6:
0xdc: {  	_ = 	snop;
	(pc) =	sbr.rel .LBB2_8-.Ltmp6, $4  }
0xdd: {  	_ =	swait.ge [sflag:s30], $0x4000  }
0xde: {  	[sflag:s30] =	ssyncset.done $0x0  }
0xdf: {  	[sflag:s30] =	ssyncadd.s32 $0xFFFFC000  }
0xe0: {  	[hbm4b:s18+s1] =	stream.linear.scatter [tilespmem:s0], [sflag:$0x5], $0x4000, $0x38;
	[tilespmem:$0x8800] =	vst v63  }
.LBB2_9:
0xe1: {  	_ =	sfence.sel $0x180000  }
0xe2: {  	[bflag:$0x0] =	sbarrier.arrive $0xFFFF  }
0xe3: {  	_ =	strace $0x9000004A  }
0xe4: {  	s0 =	stileid.u32;
	[bflag:$0x2] =	sbarrier.arrive $0xFFFF  }
0xe5: {  	p0 =	sne.s32 s0, $0x0;
	s0 =	rddreg [dreg:$0x1]  }
0xe6: {  	s0 =	sadd.s32 @!p0 $0x100000, s0  }
0xe7: {  	[sflag:s0] =	ssyncadd.tile.s32 @!p0 $0x1;
	_ =	shalt  }
.Lfunc_end2:
_tile_overlayer_lowered:
.L_overlay_start_2:
0xe8: {  	(tag) =	ssettag $0x2  }
0xe9: {  	s0 =	rddreg [dreg:$0x0];
	s2 =	stileid.u32  }
0xea: {  	s1 =	rddreg [dreg:$0x1];
	p0 =	sne.s32 s2, $0x0  }
0xeb: {  	s3 =	rddreg [dreg:$0x2];
	[bflag:$0x3] =	sbarrier.arrive $0xFFFF;
	s2 =	simm.s32 @!p0 $0x1C06  }
0xec: {  	[timem:s3], [sflag:s2] =	dma.local @!p0 [hbm:s0], s1  }
0xed: {  	s0 =	simm.s32 @!p0 $0x6  }
0xee: {  	_ =	swait.ge @!p0 [sflag:s0], s1  }
0xef: {  	s1 =	ssub.s32 @!p0 $0x0, s1;
	[sflag:s0] =	ssyncset.done @!p0 $0x0  }
0xf0: {  	[sflag:s0] =	ssyncadd.s32 @!p0 s1  }
0xf1: {  	[bflag:$0x3] =	sbarrier.arrive $0xFFFF  }
0xf2: {  	_ =	shalt  }

// kernel: kernel.14.cloned.1.call-start
scs
__scs_entry_jumppad:
0x0: {  	(pc) =	sbr.rel $0x88, $3  }
0x1: {  	(tag) =	ssettag $0x0;
	lr =	simm.s32 $0x1  }
0x2: {  	[smem:$0x3F7F] =	sst lr;
	_ =	strace $0xD0000000  }
0x3: {  	_ = 	snop  }
0x4: {  	_ = 	snop  }
0x5: {  	_ = 	snop  }
0x6: {  	_ = 	snop  }
0x7: {  	_ = 	snop  }
__scs_overlays_trampoline_lowered:
0x8: {  	[smem:$0x3F8E] =	sst s0  }
0x9: {  	[smem:$0x3F8F] =	sst s1  }
0xa: {  	[smem:$0x3F90] =	sst s2  }
0xb: {  	[smem:$0x3F91] =	sst s3  }
0xc: {  	[smem:$0x3F92] =	sst s4  }
0xd: {  	[smem:$0x3F93] =	sst s5  }
0xe: {  	[smem:$0x3F94] =	sst s6  }
0xf: {  	[smem:$0x3F95] =	sst s7  }
0x10: {  	[smem:$0x3F96] =	sst s8  }
0x11: {  	[smem:$0x3F97] =	sst s9;
	s0 =	simm.s32 @!p0 $0x0  }
0x12: {  	s1 =	sld [smem:$0x3F7D];
	s0 =	simm.s32 @p0 $0x1  }
0x13: {  	[smem:$0x3F98] =	sst s0;
	s0 =	simm.s32 @!p1 $0x0  }
0x14: {  	s2 =	sld [smem:$0x3F7C];
	s0 =	simm.s32 @p1 $0x1  }
0x15: {  	[smem:$0x3F99] =	sst s0;
	s0 =	simm.s32 @!p2 $0x0  }
0x16: {  	s3 =	sld [smem:$0x3FDB];
	s0 =	simm.s32 @p2 $0x1  }
0x17: {  	s4 =	simm.s32 $0x1BF5;
	[smem:$0x3F9B] =	sst s0  }
0x18: {  	s0 =	sld [smem:$0x3F7E];
	_ =	swait.ge [sflag:s4], $0x0  }
0x19: {  	s7 =	sld [smem:$0x3F7F]  }
0x1a: {  	s8 =	sadd.s32 $0xFFFFE003, lr  }
0x1b: {  	s9 =	sadd.s32 $0xFFFFFEF7, lr;
	s5 =	simm.s32 $0xFFFFFFFF;
	p2 =	slt.u32 s8, $0xFFFFF086  }
0x1c: {  	p1 =	slt.u32 s9, $0xF7A;
	s5 =	simm.s32 @!p2 $0x0  }
0x1d: {  	s5 =	simm.s32 @p1 $0x1;
	p0 =	seq.s32 s7, s2  }
0x1e: {  	s7 =	smul.u32 @!p0 $0xF7A, s2;
	p2 =	seq.s32 @!p0 s5, $0x0  }
0x1f: {  	s9 =	smul.u32 $0xF7A, s1;
	s8 =	simm.s32 @!p0 $0x1BF5;
	p2 =	por !p2, p0  }
0x20: {  	[sflag:s8] =	ssyncset.s32 @!p0 $0xFFFFF086;
	s6 =	sadd.s32 @!p0 s3, s7;
	s7 =	simm.s32 @!p0 $0x108  }
0x21: {  	s3 =	sadd.s32 s3, s9;
	s6 =	sadd.s32 @!p0 $0x88, s6;
	s7 =	simm.s32 @p2 $0x1082  }
0x22: {  	[simem:s7], [sflag:s8] =	dma.local @!p0 [hbm:s6], $0xF7A  }
0x23: {  	s9 =	sor.u32 $0xD0000000, s2;
	s6 =	simm.s32 $0x108;
	_ =	swait.ge @!p0 [sflag:s8], $0x0  }
0x24: {  	s3 =	sadd.s32 $0x88, s3;
	s6 =	simm.s32 @!p1 $0x1082;
	[sflag:s4] =	ssyncset.s32 $0xFFFFF086  }
0x25: {  	[simem:s6], [sflag:s4] =	dma.local [hbm:s3], $0xF7A  }
0x26: {  	[smem:$0x3F7F] =	sst s1;
	(tag) =	ssettag s2;
	_ =	strace s9  }
0x27: {  	s1 =	sld [smem:$0x3F8F]  }
0x28: {  	s2 =	sld [smem:$0x3F90]  }
0x29: {  	s4 =	sld [smem:$0x3F92]  }
0x2a: {  	p0 =	seq.s32 s5, $0x0;
	s5 =	sld [smem:$0x3F93]  }
0x2b: {  	s6 =	sld [smem:$0x3F94]  }
0x2c: {  	s7 =	sld [smem:$0x3F95]  }
0x2d: {  	s3 =	simm.s32 $0x108;
	s8 =	sld [smem:$0x3F96]  }
0x2e: {  	s3 =	simm.s32 @!p0 $0x1082;
	s9 =	sld [smem:$0x3F97]  }
0x2f: {  	lr =	sadd.s32 s0, s3;
	s0 =	sld [smem:$0x3F8E]  }
0x30: {  	s3 =	sld [smem:$0x3F91]  }
0x31: {  	[smem:$0x3F9A] =	sst s10  }
0x32: {  	s10 =	sld [smem:$0x3F98];
	_ =	sdelay $0x3  }
0x33: {  	p0 =	seq.s32 s10, $0x1;
	s10 =	sld [smem:$0x3F9A];
	_ =	sdelay $0x3  }
0x34: {  	[smem:$0x3F9A] =	sst s10  }
0x35: {  	s10 =	sld [smem:$0x3F99];
	_ =	sdelay $0x3  }
0x36: {  	p1 =	seq.s32 s10, $0x1;
	s10 =	sld [smem:$0x3F9A];
	_ =	sdelay $0x3  }
0x37: {  	[smem:$0x3F9A] =	sst s10  }
0x38: {  	s10 =	sld [smem:$0x3F9B]  }
0x39: {  	_ = 	snop;
	(pc) =	sbr.ind lr, $3  }
0x3a: {  	_ = 	snop  }
0x3b: {  	_ = 	snop  }
0x3c: {  	p2 =	seq.s32 s10, $0x1;
	s10 =	sld [smem:$0x3F9A]  }
0x3d: {  	_ =	shalt  }
0x3e: {  	_ =	shalt  }
0x3f: {  	_ =	shalt  }
0x40: {  	_ =	shalt  }
0x41: {  	_ =	shalt  }
0x42: {  	_ =	shalt  }
0x43: {  	_ =	shalt  }
0x44: {  	_ =	shalt  }
0x45: {  	_ =	shalt  }
0x46: {  	_ =	shalt  }
0x47: {  	_ =	shalt  }
0x48: {  	_ =	shalt  }
0x49: {  	_ =	shalt  }
0x4a: {  	_ =	shalt  }
0x4b: {  	_ =	shalt  }
0x4c: {  	_ =	shalt  }
0x4d: {  	_ =	shalt  }
0x4e: {  	_ =	shalt  }
0x4f: {  	_ =	shalt  }
0x50: {  	_ =	shalt  }
0x51: {  	_ =	shalt  }
0x52: {  	_ =	shalt  }
0x53: {  	_ =	shalt  }
0x54: {  	_ =	shalt  }
0x55: {  	_ =	shalt  }
0x56: {  	_ =	shalt  }
0x57: {  	_ =	shalt  }
0x58: {  	_ =	shalt  }
0x59: {  	_ =	shalt  }
0x5a: {  	_ =	shalt  }
0x5b: {  	_ =	shalt  }
0x5c: {  	_ =	shalt  }
0x5d: {  	_ =	shalt  }
0x5e: {  	_ =	shalt  }
0x5f: {  	_ =	shalt  }
0x60: {  	_ =	shalt  }
0x61: {  	_ =	shalt  }
0x62: {  	_ =	shalt  }
0x63: {  	_ =	shalt  }
0x64: {  	_ =	shalt  }
0x65: {  	_ =	shalt  }
0x66: {  	_ =	shalt  }
0x67: {  	_ =	shalt  }
0x68: {  	_ =	shalt  }
0x69: {  	_ =	shalt  }
0x6a: {  	_ =	shalt  }
0x6b: {  	_ =	shalt  }
0x6c: {  	_ =	shalt  }
0x6d: {  	_ =	shalt  }
0x6e: {  	_ =	shalt  }
0x6f: {  	_ =	shalt  }
0x70: {  	_ =	shalt  }
0x71: {  	_ =	shalt  }
0x72: {  	_ =	shalt  }
0x73: {  	_ =	shalt  }
0x74: {  	_ =	shalt  }
0x75: {  	_ =	shalt  }
0x76: {  	_ =	shalt  }
0x77: {  	_ =	shalt  }
0x78: {  	_ =	shalt  }
0x79: {  	_ =	shalt  }
0x7a: {  	_ =	shalt  }
0x7b: {  	_ =	shalt  }
0x7c: {  	_ =	shalt  }
0x7d: {  	_ =	shalt  }
0x7e: {  	_ =	shalt  }
0x7f: {  	_ =	shalt  }
0x80: {  	_ =	shalt  }
0x81: {  	_ =	shalt  }
0x82: {  	_ =	shalt  }
0x83: {  	_ =	shalt  }
0x84: {  	_ =	shalt  }
0x85: {  	_ =	shalt  }
0x86: {  	_ =	shalt  }
0x87: {  	_ =	shalt  }
.Lfunc_end0:
.L_simem_size_0:
called_computation.1_lowered:
.L_overlay_start_0:
0x88: {  	s2 =	sld [smem:$0x3FD9]  }
0x89: {  	s3 =	sld [smem:$0x3FFE];
	_ =	sdelay $0x1  }
0x8a: {  	s1 =	srdreg.scid  }
0x8b: {  	s0 =	sand.u32 $0x1, s1  }
0x8c: {  	s17 =	sshll.u32 s0, $0xA;
	s2 =	sadd.s32 s3, s2  }
0x8d: {  	s2 =	sadd.s32 s2, s17  }
0x8e: {  	[smem:$0x3FA6] =	sst s2  }
0x8f: {  	_ = 	snop  }
0x90: {  	(tm) =	ssettm $0x1  }
0x91: {  	s18 =	sld [smem:$0x3FFB];
	_ =	sdelay $0x3  }
0x92: {  	_ =	strace s18  }
0x93: {  	s2 =	sld [smem:$0x3FFC];
	_ =	sdelay $0x3  }
0x94: {  	_ =	strace s2  }
0x95: {  	s2 =	sld [smem:$0x3FFD];
	_ =	sdelay $0x3  }
0x96: {  	_ =	strace s2  }
0x97: {  	_ =	strace $0x8FFFFFFF  }
0x98: {  	s19 =	sld [smem:$0x3FDB];
	_ =	sdelay $0x1  }
0x99: {  	s20 =	simm.s32 $_scs_section_size  }
0x9a: {  	s4 =	simm.s32 $_size__tile_overlayer_lowered;
	s5 =	simm.s32 $_tile_overlayer_lowered  }
0x9b: {  	s6 =	simm.s32 $0x1BFF;
	s21 =	sshll.u32 s5, $0x1;
	s3 =	sadd.s32 s20, s19  }
0x9c: {  	s22 =	simm.s32 $0x0;
	s4 =	sshll.u32 s4, $0x1;
	s5 =	sadd.s32 s21, s3  }
0x9d: {  	[timem:s22], [sflag:s6] =	dma.local [hbm:s5], s4  }
0x9e: {  	_ =	swait.ge [sflag:s6], s4  }
0x9f: {  	s4 =	ssub.s32 $0x0, s4;
	[sflag:s6] =	ssyncset.done $0x0  }
0xa0: {  	[sflag:s6] =	ssyncadd.s32 s4;
	_ =	sdelay $0x1  }
0xa1: {  	s23 =	simm.s32 $0x1B8B  }
0xa2: {  	_ =	swait.ge [sflag:s23], $0x1  }
0xa3: {  	[sflag:s23] =	ssyncset.done $0x0  }
0xa4: {  	[sflag:s23] =	ssyncadd.s32 $0xFFFFFFFF  }
0xa5: {  	s4 =	sld [smem:$0x0]  }
0xa6: {  	s5 =	sand.u32 $0xFFFFFFFE, s1  }
0xa7: {  	p0 =	sne.s32 s1, s5  }
0xa8: {  	s5 =	sshll.u32 @p0 s5, $0xE  }
0xa9: {  	s5 =	sadd.s32 @p0 $0x11B8D, s5;
	s6 =	sshll.u32 @p0 s4, $0x11  }
0xaa: {  	s5 =	sor.u32 @p0 s6, s5  }
0xab: {  	[sflag:s5] =	ssyncadd.remote.s32 @p0 $0x1;
	_ =	sdelay $0x1  }
0xac: {  	s5 =	simm.s32 @p0 $0x1B8D  }
0xad: {  	_ =	swait.eq @p0 [sflag:s5], $0x1  }
0xae: {  	[sflag:s5] =	ssyncadd.s32 @p0 $0xFFFFFFFF  }
0xaf: {  	s6 =	sshll.u32 @!p0 s1, $0xE  }
0xb0: {  	s6 =	sor.u32 @!p0 $0x4000, s6;
	s5 =	simm.s32 @!p0 $0x1B8D  }
0xb1: {  	s4 =	sshll.u32 @!p0 s4, $0x11;
	s6 =	sadd.s32 @!p0 $0x11B8D, s6;
	_ =	swait.eq @!p0 [sflag:s5], $0x1  }
0xb2: {  	s4 =	sor.u32 @!p0 s4, s6;
	[sflag:s5] =	ssyncadd.s32 @!p0 $0xFFFFFFFF  }
0xb3: {  	s25 =	simm.s32 $0x1B8E;
	s24 =	sld [smem:$0x3FFE];
	[sflag:s4] =	ssyncadd.remote.s32 @!p0 $0x1  }
0xb4: {  	s26 =	simm.s32 $execute0_lowered;
	[smem:$0x3FD2] =	sst s25  }
0xb5: {  	s5 =	sshll.u32 s26, $0x1;
	_ =	strace $0x8000004F;
	[dreg:$0x1] =	wrdreg $0xFFFFFFFF  }
0xb6: {  	s28 =	simm.s32 $_size_execute0_lowered;
	s3 =	sadd.s32 s3, s5;
	[dreg:$0x0] =	wrdreg $0x0  }
0xb7: {  	s5 =	sshll.u32 s28, $0x1;
	[dreg:$0x2] =	wrdreg s3  }
0xb8: {  	[dreg:$0x3] =	wrdreg s5  }
0xb9: {  	[dreg:$0x4] =	wrdreg $0xC0  }
0xba: {  	_ =	task [dreg:s22], $0x5FFFF  }
0xbb: {  	[dreg:$0x1] =	wrdreg $0xFFFFFFFF  }
0xbc: {  	[dreg:$0x0] =	wrdreg $0x60  }
0xbd: {  	[dreg:$0x2] =	wrdreg s24  }
0xbe: {  	[dreg:$0x3] =	wrdreg $0x24000  }
0xbf: {  	[dreg:$0x4] =	wrdreg $0x9  }
0xc0: {  	_ =	task.clear_ibuf [dreg:s22], $0x5FFFF;
	_ =	strace $0x9000004F  }
0xc1: {  	s29 =	simm.s32 $0x9;
	_ =	strace $0x80000051  }
0xc2: {  	_ =	swait.ge [sflag:s29], $0x1  }
0xc3: {  	[sflag:s29] =	ssyncadd.s32 $0xFFFFFFFF  }
0xc4: {  	_ =	strace $0x90000051  }
0xc5: {  	_ =	sfence  }
0xc6: {  	s30 =	sld [smem:$0x0];
	_ =	sdelay $0x2  }
0xc7: {  	s31 =	sshll.u32 s1, $0xD;
	s1 =	sshrl.u32 s1, $0x2  }
0xc8: {  	s4 =	sand.u32 $0x4000, s31;
	s1 =	sadd.s32 s1, s30  }
0xc9: {  	s0 =	sor.u32 s4, s0;
	s1 =	sshll.u32 s1, $0x11  }
0xca: {  	s0 =	sor.u32 s1, s0  }
0xcb: {  	s0 =	sadd.s32 $0x8F2B, s0  }
0xcc: {  	[sflag:s0] =	ssyncadd.remote.s32 $0x1  }
0xcd: {  	_ =	sfence.sel $0xFFFF  }
0xce: {  	[dreg:$0x0] =	wrdreg $0xFFFFFFFF;
	(pc) =	sbr.abs _section_cstart, $3  }
0xcf: {  	[dreg:$0x1] =	wrdreg $0xFFFFFFFF  }
0xd0: {  	_ =	task.clear_ibuf [dreg:s22], $0x2FFFF;
	_ =	strace $0x9FFFFFFF  }
0xd1: {  	(tm) =	ssettm $0x7FFFFFFF  }
tec
execute0_lowered:
.L_overlay_start_1:
0x0: {  	(tag) =	ssettag $0x1  }
0x1: {  	s0 =	rddreg [dreg:$0x0]  }
0x2: {  	s2 =	rddreg [dreg:$0x1]  }
0x3: {  	s12 =	stileid.u32;
	s4 =	srdreg.scid;
	s3 =	simm.s32 $0x0  }
0x4: {  	s13 =	simm.s32 $0x10;
	s14 =	simm.s32 $0x400;
	s15 =	simm.s32 $0x80  }
0x5: {  	s16 =	simm.s32 $0x800;
	s17 =	simm.s32 $0x100;
	s18 =	simm.s32 $0xC00  }
0x6: {  	s19 =	simm.s32 $0x180;
	s20 =	simm.s32 $0x1000;
	s21 =	simm.s32 $0x200  }
0x7: {  	s22 =	simm.s32 $0x1400;
	s23 =	simm.s32 $0x280;
	s28 =	simm.s32 $0x380  }
0x8: {  	s29 =	simm.s32 $0x2000;
	s30 =	simm.s32 $0x0;
	s1 =	smul.u32 $0x19000, s12  }
0x9: {  	s4 =	sand.u32 $0x1, s4;
	s5 =	smul.u32 $0xC800, s12;
	[smem:$0x7FF] =	sst s3  }
0xa: {  	s7 =	smul.u32 $0xC400, s12;
	s31 =	sshll.u32 s12, $0x6;
	s12 =	simm.s32 $0x8  }
0xb: {  	s6 =	smul.u32 $0x6400, s4;
	_ =	strace $0x80000050;
	s24 =	ssub.s32 $0x2, s4  }
0xc: {  	s26 =	smul.u32 $0xC800, s4;
	p0 =	seq.s32 s4, $0x1;
	s4 =	simm.s32 $0x39800  }
0xd: {  	s1 =	sadd.s32 s1, s0;
	s8 =	sshrl.u32 s7, $0x3;
	s9 =	sshrl.u32 s24, $0x1  }
0xe: {  	s11 =	sadd.s32 s7, s2;
	s4 =	simm.s32 @!p0 $0x52000;
	s5 =	sadd.s32 s6, s5  }
0xf: {  	s6 =	ssub.s32 s24, s9;
	s1 =	sadd.s32 s26, s1;
	s24 =	simm.s32 $0x1800  }
0x10: {  	s26 =	simm.s32 $0x1C00;
	s5 =	sshrl.u32 s5, $0x3;
	s6 =	smax.u32 s6, $0x1  }
0x11: {  	s10 =	sadd.s32 s5, s0;
	s0 =	sadd.s32 s8, s0;
	s5 =	sor.u32 $0x1C01, s31  }
0x12: {  	[dreg:$0x4] =	wrdreg s6;
	s8 =	sadd.s32 $0x316E00, s1;
	s25 =	sadd.s32 $0x21000, s0  }
0x13: {  	s7 =	sadd.s32 s4, s0;
	s9 =	sadd.s32 $0x100400, s10;
	s10 =	sshrl.u32 s11, $0x3  }
0x14: {  	s11 =	simm.s32 $0x1;
	[dreg:$0x3] =	wrdreg s25;
	s25 =	simm.s32 $0x300  }
.LBB2_1:
0x15: {  	s0 =	rddreg [dreg:$0x3]  }
0x16: {  	[spmem:s10], [sflag:s5] =	dma.local [hbm:s0], $0x1880  }
0x17: {  	_ =	swait.ge [sflag:s11], $0x1880  }
0x18: {  	[sflag:s11] =	ssyncset.done $0x0  }
0x19: {  	[sflag:s11] =	ssyncadd.s32 $0xFFFFE780  }
0x1a: {  	s6 =	sadd.s32 $0x0, s9;
	[bflag:$0x0] =	sbarrier.arrive $0xFFFF  }
0x1b: {  	[tilespmem:s3], [sflag:$0x1] =	stream.linear.gather [hbm4b:s6+s3], $0x400, $0x38;
	[tilespmem:$0xE800] =	vst v63  }
0x1c: {  	_ =	swait.ge [sflag:s11], $0x400  }
0x1d: {  	[sflag:s11] =	ssyncset.done $0x0  }
0x1e: {  	[sflag:s11] =	ssyncadd.s32 $0xFFFFFC00  }
0x1f: {  	[tilespmem:s14], [sflag:$0x1] =	stream.strided.gather [hbm4b:s8+s12], $0x2000, s13, s12, $0x38;
	[tilespmem:$0xE800] =	vst v63  }
0x20: {  	_ =	swait.ge [sflag:s11], $0x2000  }
0x21: {  	[sflag:s11] =	ssyncset.done $0x0  }
0x22: {  	[sflag:s11] =	ssyncadd.s32 $0xFFFFE000  }
0x23: {  	[spmem:s2] =	stream.indirect.scatter.add.f32 [tilespmem:s14], [sflag:$0x1], $0x8, s3, s15, $0xb8;
	[tilespmem:$0xE800] =	vst v63  }
0x24: {  	_ =	swait.ge [sflag:s11], $0x400  }
0x25: {  	[sflag:s11] =	ssyncset.done $0x0  }
0x26: {  	[sflag:s11] =	ssyncadd.s32 $0xFFFFFC00  }
0x27: {  	[spmem:s2] =	stream.indirect.scatter.add.f32 [tilespmem:s16], [sflag:$0x1], $0x8, s15, s15, $0xb8;
	[tilespmem:$0xE800] =	vst v63  }
0x28: {  	_ =	swait.ge [sflag:s11], $0x400  }
0x29: {  	[sflag:s11] =	ssyncset.done $0x0  }
0x2a: {  	[sflag:s11] =	ssyncadd.s32 $0xFFFFFC00  }
0x2b: {  	[spmem:s2] =	stream.indirect.scatter.add.f32 [tilespmem:s18], [sflag:$0x1], $0x8, s17, s15, $0xb8;
	[tilespmem:$0xE800] =	vst v63  }
0x2c: {  	_ =	swait.ge [sflag:s11], $0x400  }
0x2d: {  	[sflag:s11] =	ssyncset.done $0x0  }
0x2e: {  	[sflag:s11] =	ssyncadd.s32 $0xFFFFFC00  }
0x2f: {  	[spmem:s2] =	stream.indirect.scatter.add.f32 [tilespmem:s20], [sflag:$0x1], $0x8, s19, s15, $0xb8;
	[tilespmem:$0xE800] =	vst v63  }
0x30: {  	_ =	swait.ge [sflag:s11], $0x400  }
0x31: {  	[sflag:s11] =	ssyncset.done $0x0  }
0x32: {  	[sflag:s11] =	ssyncadd.s32 $0xFFFFFC00  }
0x33: {  	[spmem:s2] =	stream.indirect.scatter.add.f32 [tilespmem:s22], [sflag:$0x1], $0x8, s21, s15, $0xb8;
	[tilespmem:$0xE800] =	vst v63  }
0x34: {  	_ =	swait.ge [sflag:s11], $0x400  }
0x35: {  	[sflag:s11] =	ssyncset.done $0x0  }
0x36: {  	[sflag:s11] =	ssyncadd.s32 $0xFFFFFC00  }
0x37: {  	[spmem:s2] =	stream.indirect.scatter.add.f32 [tilespmem:s24], [sflag:$0x1], $0x8, s23, s15, $0xb8;
	[tilespmem:$0xE800] =	vst v63  }
0x38: {  	_ =	swait.ge [sflag:s11], $0x400  }
0x39: {  	[sflag:s11] =	ssyncset.done $0x0  }
0x3a: {  	[sflag:s11] =	ssyncadd.s32 $0xFFFFFC00  }
0x3b: {  	[spmem:s2] =	stream.indirect.scatter.add.f32 [tilespmem:s26], [sflag:$0x1], $0x8, s25, s15, $0xb8;
	[tilespmem:$0xE800] =	vst v63  }
0x3c: {  	_ =	swait.ge [sflag:s11], $0x400  }
0x3d: {  	[sflag:s11] =	ssyncset.done $0x0  }
0x3e: {  	[sflag:s11] =	ssyncadd.s32 $0xFFFFFC00  }
0x3f: {  	[spmem:s2] =	stream.indirect.scatter.add.f32 [tilespmem:s29], [sflag:$0x1], $0x8, s28, s15, $0xb8;
	[tilespmem:$0xE800] =	vst v63  }
0x40: {  	s1 =	simm.s32 $0x100;
	_ =	swait.ge [sflag:s11], $0x400  }
0x41: {  	s31 =	sadd.s32 $0x800, s8;
	s0 =	simm.s32 $0x80;
	[sflag:s11] =	ssyncset.done $0x0  }
.LBB2_2:
0x42: {  	s6 =	sadd.s32 s0, s9  }
0x43: {  	[sflag:s11] =	ssyncadd.s32 $0xFFFFFC00;
	s0 =	smov.u32 s1;
	s4 =	sadd.s32 $0x80, s1  }
0x44: {  	[tilespmem:s3], [sflag:$0x1] =	stream.linear.gather [hbm4b:s6+s3], $0x400, $0x38;
	[tilespmem:$0xE800] =	vst v63  }
0x45: {  	p0 =	sne.s32 s1, $0xC00;
	_ =	swait.ge [sflag:s11], $0x400  }
0x46: {  	[sflag:s11] =	ssyncset.done $0x0  }
0x47: {  	[sflag:s11] =	ssyncadd.s32 $0xFFFFFC00  }
0x48: {  	[tilespmem:s14], [sflag:$0x1] =	stream.strided.gather [hbm4b:s31+s12], $0x2000, s13, s12, $0x38;
	[tilespmem:$0xE800] =	vst v63  }
0x49: {  	_ =	swait.ge [sflag:s11], $0x2000  }
0x4a: {  	[sflag:s11] =	ssyncset.done $0x0  }
0x4b: {  	[sflag:s11] =	ssyncadd.s32 $0xFFFFE000  }
0x4c: {  	[spmem:s2] =	stream.indirect.scatter.add.f32 [tilespmem:s14], [sflag:$0x1], $0x8, s3, s15, $0xb8;
	[tilespmem:$0xE800] =	vst v63  }
0x4d: {  	_ =	swait.ge [sflag:s11], $0x400  }
0x4e: {  	[sflag:s11] =	ssyncset.done $0x0  }
0x4f: {  	[sflag:s11] =	ssyncadd.s32 $0xFFFFFC00  }
0x50: {  	[spmem:s2] =	stream.indirect.scatter.add.f32 [tilespmem:s16], [sflag:$0x1], $0x8, s15, s15, $0xb8;
	[tilespmem:$0xE800] =	vst v63  }
0x51: {  	_ =	swait.ge [sflag:s11], $0x400  }
0x52: {  	[sflag:s11] =	ssyncset.done $0x0  }
0x53: {  	[sflag:s11] =	ssyncadd.s32 $0xFFFFFC00  }
0x54: {  	[spmem:s2] =	stream.indirect.scatter.add.f32 [tilespmem:s18], [sflag:$0x1], $0x8, s17, s15, $0xb8;
	[tilespmem:$0xE800] =	vst v63  }
0x55: {  	_ =	swait.ge [sflag:s11], $0x400  }
0x56: {  	[sflag:s11] =	ssyncset.done $0x0  }
0x57: {  	[sflag:s11] =	ssyncadd.s32 $0xFFFFFC00  }
0x58: {  	[spmem:s2] =	stream.indirect.scatter.add.f32 [tilespmem:s20], [sflag:$0x1], $0x8, s19, s15, $0xb8;
	[tilespmem:$0xE800] =	vst v63  }
0x59: {  	_ =	swait.ge [sflag:s11], $0x400  }
0x5a: {  	[sflag:s11] =	ssyncset.done $0x0  }
0x5b: {  	[sflag:s11] =	ssyncadd.s32 $0xFFFFFC00  }
0x5c: {  	[spmem:s2] =	stream.indirect.scatter.add.f32 [tilespmem:s22], [sflag:$0x1], $0x8, s21, s15, $0xb8;
	[tilespmem:$0xE800] =	vst v63  }
0x5d: {  	_ =	swait.ge [sflag:s11], $0x400  }
0x5e: {  	[sflag:s11] =	ssyncset.done $0x0  }
0x5f: {  	[sflag:s11] =	ssyncadd.s32 $0xFFFFFC00  }
0x60: {  	[spmem:s2] =	stream.indirect.scatter.add.f32 [tilespmem:s24], [sflag:$0x1], $0x8, s23, s15, $0xb8;
	[tilespmem:$0xE800] =	vst v63  }
0x61: {  	_ =	swait.ge [sflag:s11], $0x400  }
0x62: {  	[sflag:s11] =	ssyncset.done $0x0  }
0x63: {  	[sflag:s11] =	ssyncadd.s32 $0xFFFFFC00  }
0x64: {  	[spmem:s2] =	stream.indirect.scatter.add.f32 [tilespmem:s26], [sflag:$0x1], $0x8, s25, s15, $0xb8;
	[tilespmem:$0xE800] =	vst v63  }
0x65: {  	_ =	swait.ge [sflag:s11], $0x400  }
.Ltmp0:
0x66: {  	[sflag:s11] =	ssyncset.done $0x0;
	(pc) =	sbr.rel @p0 .LBB2_2-.Ltmp0, $4  }
0x67: {  	[sflag:s11] =	ssyncadd.s32 $0xFFFFFC00  }
0x68: {  	[spmem:s2] =	stream.indirect.scatter.add.f32 [tilespmem:s29], [sflag:$0x1], $0x8, s28, s15, $0xb8;
	[tilespmem:$0xE800] =	vst v63  }
0x69: {  	_ =	swait.ge [sflag:s11], $0x400  }
0x6a: {  	s1 =	smov.u32 s4;
	s31 =	sadd.s32 $0x800, s31;
	[sflag:s11] =	ssyncset.done $0x0  }
0x6b: {  	s0 =	sadd.s32 s0, s9;
	[sflag:s11] =	ssyncadd.s32 $0xFFFFFC00  }
0x6c: {  	[tilespmem:s3], [sflag:$0x1] =	stream.linear.gather [hbm4b:s0+s3], $0x400, $0x38;
	[tilespmem:$0xE800] =	vst v63  }
0x6d: {  	_ =	swait.ge [sflag:s11], $0x400  }
0x6e: {  	[sflag:s11] =	ssyncset.done $0x0  }
0x6f: {  	[sflag:s11] =	ssyncadd.s32 $0xFFFFFC00  }
0x70: {  	[tilespmem:s14], [sflag:$0x1] =	stream.strided.gather [hbm4b:s31+s12], $0x2000, s13, s12, $0x38;
	[tilespmem:$0xE800] =	vst v63  }
0x71: {  	_ =	swait.ge [sflag:s11], $0x2000  }
0x72: {  	[sflag:s11] =	ssyncset.done $0x0  }
0x73: {  	[sflag:s11] =	ssyncadd.s32 $0xFFFFE000  }
0x74: {  	[spmem:s2] =	stream.indirect.scatter.add.f32 [tilespmem:s14], [sflag:$0x1], $0x8, s3, s15, $0xb8;
	[tilespmem:$0xE800] =	vst v63  }
0x75: {  	_ =	swait.ge [sflag:s11], $0x400  }
0x76: {  	[sflag:s11] =	ssyncset.done $0x0  }
0x77: {  	[sflag:s11] =	ssyncadd.s32 $0xFFFFFC00  }
0x78: {  	[spmem:s2] =	stream.indirect.scatter.add.f32 [tilespmem:s16], [sflag:$0x1], $0x8, s15, s15, $0xb8;
	[tilespmem:$0xE800] =	vst v63  }
0x79: {  	_ =	swait.ge [sflag:s11], $0x400  }
0x7a: {  	[sflag:s11] =	ssyncset.done $0x0  }
0x7b: {  	[sflag:s11] =	ssyncadd.s32 $0xFFFFFC00  }
0x7c: {  	[spmem:s2] =	stream.indirect.scatter.add.f32 [tilespmem:s18], [sflag:$0x1], $0x8, s17, s15, $0xb8;
	[tilespmem:$0xE800] =	vst v63  }
0x7d: {  	_ =	swait.ge [sflag:s11], $0x400  }
0x7e: {  	[sflag:s11] =	ssyncset.done $0x0  }
0x7f: {  	[sflag:s11] =	ssyncadd.s32 $0xFFFFFC00  }
0x80: {  	[spmem:s2] =	stream.indirect.scatter.add.f32 [tilespmem:s20], [sflag:$0x1], $0x8, s19, s15, $0xb8;
	[tilespmem:$0xE800] =	vst v63  }
0x81: {  	_ =	swait.ge [sflag:s11], $0x400  }
0x82: {  	[sflag:s11] =	ssyncset.done $0x0  }
0x83: {  	[sflag:s11] =	ssyncadd.s32 $0xFFFFFC00  }
0x84: {  	[spmem:s2] =	stream.indirect.scatter.add.f32 [tilespmem:s22], [sflag:$0x1], $0x8, s21, s15, $0xb8;
	[tilespmem:$0xE800] =	vst v63  }
0x85: {  	_ =	swait.ge [sflag:s11], $0x400  }
0x86: {  	[sflag:s11] =	ssyncset.done $0x0  }
0x87: {  	[sflag:s11] =	ssyncadd.s32 $0xFFFFFC00  }
0x88: {  	[spmem:s2] =	stream.indirect.scatter.add.f32 [tilespmem:s24], [sflag:$0x1], $0x8, s23, s15, $0xb8;
	[tilespmem:$0xE800] =	vst v63  }
0x89: {  	_ =	swait.ge [sflag:s11], $0x400  }
0x8a: {  	[sflag:s11] =	ssyncset.done $0x0  }
0x8b: {  	[sflag:s11] =	ssyncadd.s32 $0xFFFFFC00  }
0x8c: {  	[spmem:s2] =	stream.indirect.scatter.add.f32 [tilespmem:s26], [sflag:$0x1], $0x8, s25, s15, $0xb8;
	[tilespmem:$0xE800] =	vst v63  }
0x8d: {  	_ =	swait.ge [sflag:s11], $0x400  }
0x8e: {  	[sflag:s11] =	ssyncset.done $0x0  }
0x8f: {  	[sflag:s11] =	ssyncadd.s32 $0xFFFFFC00  }
0x90: {  	[spmem:s2] =	stream.indirect.scatter.add.f32 [tilespmem:s29], [sflag:$0x1], $0x8, s28, s15, $0xb8;
	[tilespmem:$0xE800] =	vst v63  }
0x91: {  	_ =	swait.ge [sflag:s11], $0x400  }
0x92: {  	[sflag:s11] =	ssyncset.done $0x0  }
0x93: {  	[sflag:s11] =	ssyncadd.s32 $0xFFFFFC00  }
0x94: {  	[bflag:$0x0] =	sbarrier.arrive $0xFFFF  }
0x95: {  	[hbm:s7], [sflag:s5] =	dma.local [spmem:s10], $0x1880  }
0x96: {  	_ =	swait.ge [sflag:s11], $0x1880  }
0x97: {  	s30 =	sadd.s32 $0x1, s30;
	s31 =	rddreg [dreg:$0x4]  }
0x98: {  	p0 =	sne.s32 s30, s31  }
.Ltmp1:
0x99: {  	_ = 	snop;
	(pc) =	sbr.rel @p0 .LBB2_1-.Ltmp1, $3  }
0x9a: {  	_ =	sdelay $0x1  }
0x9b: {  	[sflag:s11] =	ssyncset.done $0x0  }
0x9c: {  	[sflag:s11] =	ssyncadd.s32 $0xFFFFE780  }
0x9d: {  	_ =	sfence.sel $0x180000  }
0x9e: {  	[bflag:$0x0] =	sbarrier.arrive $0xFFFF  }
0x9f: {  	_ =	strace $0x90000050  }
0xa0: {  	s0 =	stileid.u32;
	[bflag:$0x2] =	sbarrier.arrive $0xFFFF  }
0xa1: {  	p0 =	sne.s32 s0, $0x0;
	s0 =	rddreg [dreg:$0x2]  }
0xa2: {  	s0 =	sadd.s32 @!p0 $0x100000, s0  }
0xa3: {  	[sflag:s0] =	ssyncadd.tile.s32 @!p0 $0x1;
	_ =	shalt  }
.Lfunc_end2:
_tile_overlayer_lowered:
.L_overlay_start_2:
0xa4: {  	(tag) =	ssettag $0x2  }
0xa5: {  	s0 =	rddreg [dreg:$0x0];
	s2 =	stileid.u32  }
0xa6: {  	s1 =	rddreg [dreg:$0x1];
	p0 =	sne.s32 s2, $0x0  }
0xa7: {  	s3 =	rddreg [dreg:$0x2];
	[bflag:$0x3] =	sbarrier.arrive $0xFFFF;
	s2 =	simm.s32 @!p0 $0x1C01  }
0xa8: {  	[timem:s3], [sflag:s2] =	dma.local @!p0 [hbm:s0], s1  }
0xa9: {  	s0 =	simm.s32 @!p0 $0x1  }
0xaa: {  	_ =	swait.ge @!p0 [sflag:s0], s1  }
0xab: {  	s1 =	ssub.s32 @!p0 $0x0, s1;
	[sflag:s0] =	ssyncset.done @!p0 $0x0  }
0xac: {  	[sflag:s0] =	ssyncadd.s32 @!p0 s1  }
0xad: {  	[bflag:$0x3] =	sbarrier.arrive $0xFFFF  }
0xae: {  	_ =	shalt  }

// kernel: kernel.17.cloned.1.call-start
scs
__scs_entry_jumppad:
0x0: {  	(pc) =	sbr.rel $0x88, $3  }
0x1: {  	(tag) =	ssettag $0x0;
	lr =	simm.s32 $0x1  }
0x2: {  	[smem:$0x3F7F] =	sst lr;
	_ =	strace $0xD0000000  }
0x3: {  	_ = 	snop  }
0x4: {  	_ = 	snop  }
0x5: {  	_ = 	snop  }
0x6: {  	_ = 	snop  }
0x7: {  	_ = 	snop  }
__scs_overlays_trampoline_lowered:
0x8: {  	[smem:$0x3F8E] =	sst s0  }
0x9: {  	[smem:$0x3F8F] =	sst s1  }
0xa: {  	[smem:$0x3F90] =	sst s2  }
0xb: {  	[smem:$0x3F91] =	sst s3  }
0xc: {  	[smem:$0x3F92] =	sst s4  }
0xd: {  	[smem:$0x3F93] =	sst s5  }
0xe: {  	[smem:$0x3F94] =	sst s6  }
0xf: {  	[smem:$0x3F95] =	sst s7  }
0x10: {  	[smem:$0x3F96] =	sst s8  }
0x11: {  	[smem:$0x3F97] =	sst s9;
	s0 =	simm.s32 @!p0 $0x0  }
0x12: {  	s1 =	sld [smem:$0x3F7D];
	s0 =	simm.s32 @p0 $0x1  }
0x13: {  	[smem:$0x3F98] =	sst s0;
	s0 =	simm.s32 @!p1 $0x0  }
0x14: {  	s2 =	sld [smem:$0x3F7C];
	s0 =	simm.s32 @p1 $0x1  }
0x15: {  	[smem:$0x3F99] =	sst s0;
	s0 =	simm.s32 @!p2 $0x0  }
0x16: {  	s3 =	sld [smem:$0x3FDB];
	s0 =	simm.s32 @p2 $0x1  }
0x17: {  	s4 =	simm.s32 $0x1BF5;
	[smem:$0x3F9B] =	sst s0  }
0x18: {  	s0 =	sld [smem:$0x3F7E];
	_ =	swait.ge [sflag:s4], $0x0  }
0x19: {  	s7 =	sld [smem:$0x3F7F]  }
0x1a: {  	s8 =	sadd.s32 $0xFFFFE003, lr  }
0x1b: {  	s9 =	sadd.s32 $0xFFFFFEF7, lr;
	s5 =	simm.s32 $0xFFFFFFFF;
	p2 =	slt.u32 s8, $0xFFFFF086  }
0x1c: {  	p1 =	slt.u32 s9, $0xF7A;
	s5 =	simm.s32 @!p2 $0x0  }
0x1d: {  	s5 =	simm.s32 @p1 $0x1;
	p0 =	seq.s32 s7, s2  }
0x1e: {  	s7 =	smul.u32 @!p0 $0xF7A, s2;
	p2 =	seq.s32 @!p0 s5, $0x0  }
0x1f: {  	s9 =	smul.u32 $0xF7A, s1;
	s8 =	simm.s32 @!p0 $0x1BF5;
	p2 =	por !p2, p0  }
0x20: {  	[sflag:s8] =	ssyncset.s32 @!p0 $0xFFFFF086;
	s6 =	sadd.s32 @!p0 s3, s7;
	s7 =	simm.s32 @!p0 $0x108  }
0x21: {  	s3 =	sadd.s32 s3, s9;
	s6 =	sadd.s32 @!p0 $0x88, s6;
	s7 =	simm.s32 @p2 $0x1082  }
0x22: {  	[simem:s7], [sflag:s8] =	dma.local @!p0 [hbm:s6], $0xF7A  }
0x23: {  	s9 =	sor.u32 $0xD0000000, s2;
	s6 =	simm.s32 $0x108;
	_ =	swait.ge @!p0 [sflag:s8], $0x0  }
0x24: {  	s3 =	sadd.s32 $0x88, s3;
	s6 =	simm.s32 @!p1 $0x1082;
	[sflag:s4] =	ssyncset.s32 $0xFFFFF086  }
0x25: {  	[simem:s6], [sflag:s4] =	dma.local [hbm:s3], $0xF7A  }
0x26: {  	[smem:$0x3F7F] =	sst s1;
	(tag) =	ssettag s2;
	_ =	strace s9  }
0x27: {  	s1 =	sld [smem:$0x3F8F]  }
0x28: {  	s2 =	sld [smem:$0x3F90]  }
0x29: {  	s4 =	sld [smem:$0x3F92]  }
0x2a: {  	p0 =	seq.s32 s5, $0x0;
	s5 =	sld [smem:$0x3F93]  }
0x2b: {  	s6 =	sld [smem:$0x3F94]  }
0x2c: {  	s7 =	sld [smem:$0x3F95]  }
0x2d: {  	s3 =	simm.s32 $0x108;
	s8 =	sld [smem:$0x3F96]  }
0x2e: {  	s3 =	simm.s32 @!p0 $0x1082;
	s9 =	sld [smem:$0x3F97]  }
0x2f: {  	lr =	sadd.s32 s0, s3;
	s0 =	sld [smem:$0x3F8E]  }
0x30: {  	s3 =	sld [smem:$0x3F91]  }
0x31: {  	[smem:$0x3F9A] =	sst s10  }
0x32: {  	s10 =	sld [smem:$0x3F98];
	_ =	sdelay $0x3  }
0x33: {  	p0 =	seq.s32 s10, $0x1;
	s10 =	sld [smem:$0x3F9A];
	_ =	sdelay $0x3  }
0x34: {  	[smem:$0x3F9A] =	sst s10  }
0x35: {  	s10 =	sld [smem:$0x3F99];
	_ =	sdelay $0x3  }
0x36: {  	p1 =	seq.s32 s10, $0x1;
	s10 =	sld [smem:$0x3F9A];
	_ =	sdelay $0x3  }
0x37: {  	[smem:$0x3F9A] =	sst s10  }
0x38: {  	s10 =	sld [smem:$0x3F9B]  }
0x39: {  	_ = 	snop;
	(pc) =	sbr.ind lr, $3  }
0x3a: {  	_ = 	snop  }
0x3b: {  	_ = 	snop  }
0x3c: {  	p2 =	seq.s32 s10, $0x1;
	s10 =	sld [smem:$0x3F9A]  }
0x3d: {  	_ =	shalt  }
0x3e: {  	_ =	shalt  }
0x3f: {  	_ =	shalt  }
0x40: {  	_ =	shalt  }
0x41: {  	_ =	shalt  }
0x42: {  	_ =	shalt  }
0x43: {  	_ =	shalt  }
0x44: {  	_ =	shalt  }
0x45: {  	_ =	shalt  }
0x46: {  	_ =	shalt  }
0x47: {  	_ =	shalt  }
0x48: {  	_ =	shalt  }
0x49: {  	_ =	shalt  }
0x4a: {  	_ =	shalt  }
0x4b: {  	_ =	shalt  }
0x4c: {  	_ =	shalt  }
0x4d: {  	_ =	shalt  }
0x4e: {  	_ =	shalt  }
0x4f: {  	_ =	shalt  }
0x50: {  	_ =	shalt  }
0x51: {  	_ =	shalt  }
0x52: {  	_ =	shalt  }
0x53: {  	_ =	shalt  }
0x54: {  	_ =	shalt  }
0x55: {  	_ =	shalt  }
0x56: {  	_ =	shalt  }
0x57: {  	_ =	shalt  }
0x58: {  	_ =	shalt  }
0x59: {  	_ =	shalt  }
0x5a: {  	_ =	shalt  }
0x5b: {  	_ =	shalt  }
0x5c: {  	_ =	shalt  }
0x5d: {  	_ =	shalt  }
0x5e: {  	_ =	shalt  }
0x5f: {  	_ =	shalt  }
0x60: {  	_ =	shalt  }
0x61: {  	_ =	shalt  }
0x62: {  	_ =	shalt  }
0x63: {  	_ =	shalt  }
0x64: {  	_ =	shalt  }
0x65: {  	_ =	shalt  }
0x66: {  	_ =	shalt  }
0x67: {  	_ =	shalt  }
0x68: {  	_ =	shalt  }
0x69: {  	_ =	shalt  }
0x6a: {  	_ =	shalt  }
0x6b: {  	_ =	shalt  }
0x6c: {  	_ =	shalt  }
0x6d: {  	_ =	shalt  }
0x6e: {  	_ =	shalt  }
0x6f: {  	_ =	shalt  }
0x70: {  	_ =	shalt  }
0x71: {  	_ =	shalt  }
0x72: {  	_ =	shalt  }
0x73: {  	_ =	shalt  }
0x74: {  	_ =	shalt  }
0x75: {  	_ =	shalt  }
0x76: {  	_ =	shalt  }
0x77: {  	_ =	shalt  }
0x78: {  	_ =	shalt  }
0x79: {  	_ =	shalt  }
0x7a: {  	_ =	shalt  }
0x7b: {  	_ =	shalt  }
0x7c: {  	_ =	shalt  }
0x7d: {  	_ =	shalt  }
0x7e: {  	_ =	shalt  }
0x7f: {  	_ =	shalt  }
0x80: {  	_ =	shalt  }
0x81: {  	_ =	shalt  }
0x82: {  	_ =	shalt  }
0x83: {  	_ =	shalt  }
0x84: {  	_ =	shalt  }
0x85: {  	_ =	shalt  }
0x86: {  	_ =	shalt  }
0x87: {  	_ =	shalt  }
.Lfunc_end0:
.L_simem_size_0:
called_computation.2_lowered:
.L_overlay_start_0:
0x88: {  	s2 =	sld [smem:$0x3FD9]  }
0x89: {  	s3 =	sld [smem:$0x3FFE];
	_ =	sdelay $0x1  }
0x8a: {  	s1 =	srdreg.scid  }
0x8b: {  	s0 =	sand.u32 $0x1, s1  }
0x8c: {  	s16 =	sshll.u32 s0, $0xA;
	s2 =	sadd.s32 s3, s2  }
0x8d: {  	s2 =	sadd.s32 s2, s16  }
0x8e: {  	[smem:$0x3FA6] =	sst s2  }
0x8f: {  	_ = 	snop  }
0x90: {  	(tm) =	ssettm $0x1  }
0x91: {  	s17 =	sld [smem:$0x3FFB];
	_ =	sdelay $0x3  }
0x92: {  	_ =	strace s17  }
0x93: {  	s2 =	sld [smem:$0x3FFC];
	_ =	sdelay $0x3  }
0x94: {  	_ =	strace s2  }
0x95: {  	s2 =	sld [smem:$0x3FFD];
	_ =	sdelay $0x3  }
0x96: {  	_ =	strace s2  }
0x97: {  	_ =	strace $0x8FFFFFFF  }
0x98: {  	s18 =	sld [smem:$0x3FDB];
	_ =	sdelay $0x1  }
0x99: {  	s19 =	simm.s32 $_scs_section_size  }
0x9a: {  	s4 =	simm.s32 $_size__tile_overlayer_lowered;
	s5 =	simm.s32 $_tile_overlayer_lowered  }
0x9b: {  	s22 =	simm.s32 $0x1BFF;
	s21 =	sshll.u32 s5, $0x1;
	s2 =	sadd.s32 s19, s18  }
0x9c: {  	s6 =	simm.s32 $0x0;
	s20 =	sshll.u32 s4, $0x1;
	s4 =	sadd.s32 s21, s2  }
0x9d: {  	[timem:s6], [sflag:s22] =	dma.local [hbm:s4], s20  }
0x9e: {  	_ =	swait.ge [sflag:s22], s20  }
0x9f: {  	s3 =	ssub.s32 $0x0, s20;
	[sflag:s22] =	ssyncset.done $0x0  }
0xa0: {  	[sflag:s22] =	ssyncadd.s32 s3;
	_ =	sdelay $0x1  }
0xa1: {  	s23 =	simm.s32 $0x1B8B  }
0xa2: {  	_ =	swait.ge [sflag:s23], $0x1  }
0xa3: {  	[sflag:s23] =	ssyncset.done $0x0  }
0xa4: {  	s25 =	simm.s32 $0x1B8E;
	s24 =	sld [smem:$0x3FFE];
	[sflag:s23] =	ssyncadd.s32 $0xFFFFFFFF  }
0xa5: {  	s26 =	simm.s32 $execute0_lowered;
	[smem:$0x3FD2] =	sst s25  }
0xa6: {  	s4 =	sshll.u32 s26, $0x1;
	_ =	strace $0x80000046;
	[dreg:$0x1] =	wrdreg $0xFFFFFFFF  }
0xa7: {  	s28 =	simm.s32 $_size_execute0_lowered;
	s2 =	sadd.s32 s2, s4;
	[dreg:$0x0] =	wrdreg $0x0  }
0xa8: {  	s4 =	sshll.u32 s28, $0x1;
	[dreg:$0x2] =	wrdreg s2  }
0xa9: {  	[dreg:$0x3] =	wrdreg s4  }
0xaa: {  	[dreg:$0x4] =	wrdreg $0xC0  }
0xab: {  	_ =	task [dreg:s6], $0x5FFFF  }
0xac: {  	[dreg:$0x1] =	wrdreg $0xFFFFFFFF  }
0xad: {  	[dreg:$0x0] =	wrdreg $0x60  }
0xae: {  	[dreg:$0x2] =	wrdreg s24  }
0xaf: {  	[dreg:$0x3] =	wrdreg $0xA  }
0xb0: {  	_ =	task.clear_ibuf [dreg:s6], $0x4FFFF;
	_ =	strace $0x90000046  }
0xb1: {  	s29 =	simm.s32 $0xA;
	_ =	strace $0x80000048  }
0xb2: {  	_ =	swait.ge [sflag:s29], $0x1  }
0xb3: {  	[sflag:s29] =	ssyncadd.s32 $0xFFFFFFFF  }
0xb4: {  	_ =	strace $0x90000048  }
0xb5: {  	_ =	sfence  }
0xb6: {  	s30 =	sld [smem:$0x0];
	_ =	sdelay $0x2  }
0xb7: {  	s31 =	sshll.u32 s1, $0xD;
	s1 =	sshrl.u32 s1, $0x2  }
0xb8: {  	s3 =	sand.u32 $0x4000, s31;
	s1 =	sadd.s32 s1, s30  }
0xb9: {  	s0 =	sor.u32 s3, s0;
	s1 =	sshll.u32 s1, $0x11  }
0xba: {  	s0 =	sor.u32 s1, s0  }
0xbb: {  	s0 =	sadd.s32 $0x8F2B, s0  }
0xbc: {  	[sflag:s0] =	ssyncadd.remote.s32 $0x1  }
0xbd: {  	_ =	sfence.sel $0xFFFF  }
0xbe: {  	[dreg:$0x0] =	wrdreg $0xFFFFFFFF;
	(pc) =	sbr.abs _section_cstart, $3  }
0xbf: {  	[dreg:$0x1] =	wrdreg $0xFFFFFFFF  }
0xc0: {  	_ =	task.clear_ibuf [dreg:s6], $0x2FFFF;
	_ =	strace $0x9FFFFFFF  }
0xc1: {  	(tm) =	ssettm $0x7FFFFFFF  }
tec
execute0_lowered:
.L_overlay_start_1:
0x0: {  	(tag) =	ssettag $0x1  }
0x1: {  	s0 =	rddreg [dreg:$0x0];
	s1 =	simm.s32 $0x0  }
0x2: {  	s3 =	srdreg.scid;
	s16 =	stileid.u32;
	s28 =	simm.s32 $0x400  }
0x3: {  	s29 =	simm.s32 $0x800;
	s30 =	simm.s32 $0x3;
	s31 =	simm.s32 $0x2  }
0x4: {  	[smem:$0x7FF] =	sst s1;
	s2 =	sadd.s32 $0x85400, s0;
	s5 =	smul.u32 $0xC800, s16  }
0x5: {  	s4 =	sadd.s32 $0x6C400, s0;
	s6 =	sadd.s32 $0x316E00, s0;
	s10 =	smul.u32 $0xC8000, s16  }
0x6: {  	s3 =	sand.u32 $0x1, s3;
	s7 =	sadd.s32 $0x4A6E00, s0;
	s25 =	smul.u32 $0x19000, s16  }
0x7: {  	_ =	strace $0x80000047;
	s8 =	ssub.s32 $0x2, s3;
	p0 =	seq.s32 s3, $0x1  }
0x8: {  	s9 =	sshrl.u32 s8, $0x1;
	s5 =	sshrl.u32 s5, $0x3;
	s26 =	sadd.s32 s25, s6  }
0x9: {  	s3 =	sadd.s32 s25, s7;
	s23 =	ssub.s32 s8, s9;
	s14 =	sadd.s32 s2, s5  }
0xa: {  	s15 =	sadd.s32 s4, s5;
	s17 =	sor.u32 $0x80, s5;
	s11 =	sadd.s32 $0x100, s5  }
0xb: {  	s22 =	sadd.s32 $0x1880, s5;
	s25 =	sadd.s32 $0x1000, s3;
	[dreg:$0x2] =	wrdreg s14  }
0xc: {  	s3 =	simm.s32 $0x5;
	[dreg:$0x3] =	wrdreg s15;
	s15 =	sshrl.u32 s10, $0x3  }
0xd: {  	s18 =	sadd.s32 s2, s17;
	s20 =	sadd.s32 s2, s11;
	s9 =	sadd.s32 s4, s17  }
0xe: {  	s11 =	sadd.s32 s4, s11;
	s13 =	sadd.s32 s2, s22;
	s17 =	smul.u32 $0x1900, s16  }
0xf: {  	s23 =	smax.u32 s23, $0x1;
	[dreg:$0x4] =	wrdreg s18;
	s12 =	sor.u32 $0x800, s15  }
0x10: {  	s19 =	sadd.s32 s6, s15;
	[dreg:$0x6] =	wrdreg s20;
	s10 =	sadd.s32 s7, s15  }
0x11: {  	s24 =	sadd.s32 $0x18000, s15;
	s20 =	sadd.s32 $0x18800, s15;
	s15 =	sadd.s32 s4, s22  }
0x12: {  	s22 =	sadd.s32 $0xCF400, s0;
	[dreg:$0x5] =	wrdreg s19;
	s21 =	sadd.s32 s6, s12  }
.Ltmp0:
0x13: {  	s12 =	sadd.s32 s7, s12;
	s14 =	sadd.s32 s6, s24;
	(pc) =	sbr.rel .LBB2_1-.Ltmp0, $4  }
0x14: {  	s16 =	sadd.s32 s17, s2;
	s17 =	sadd.s32 s17, s4;
	s18 =	sadd.s32 s6, s20  }
0x15: {  	s19 =	sadd.s32 s7, s24;
	s20 =	sadd.s32 s7, s20;
	s24 =	sadd.s32 $0x1000, s26  }
0x16: {  	s26 =	simm.s32 $0x1;
	s2 =	simm.s32 $0x4;
	s4 =	simm.s32 $0x0  }
0x17: {  	[dreg:$0x7] =	wrdreg s21;
	s21 =	sadd.s32 $0x9E400, s0;
	s0 =	simm.s32 $0x4800  }
.LBB2_7:
0x18: {  	[hbm4b:s7+s1] =	stream.linear.scatter [tilespmem:s0], [sflag:$0x5], $0x4000, $0x38;
	[tilespmem:$0x8800] =	vst v63  }
0x19: {  	_ =	swait.ge [sflag:s26], $0x400  }
0x1a: {  	[sflag:s26] =	ssyncset.done $0x0  }
0x1b: {  	[sflag:s26] =	ssyncadd.s32 $0xFFFFFC00  }
0x1c: {  	[tilespmem:s28], [sflag:$0x2] =	stream.linear.gather [hbm4b:s15+s1], $0x400, $0x38;
	[tilespmem:$0x8800] =	vst v63  }
0x1d: {  	_ =	swait.ge [sflag:s2], $0x4000  }
0x1e: {  	[sflag:s2] =	ssyncset.done $0x0  }
0x1f: {  	[sflag:s2] =	ssyncadd.s32 $0xFFFFC000  }
0x20: {  	[tilespmem:s29], [sflag:$0x3] =	stream.indirect.gather [hbm4b:s22+s28], $0x10, s1, s28, $0xb8;
	[tilespmem:$0x8800] =	vst v63  }
0x21: {  	_ =	swait.ge [sflag:s30], $0x4000  }
0x22: {  	[sflag:s30] =	ssyncset.done $0x0  }
0x23: {  	[sflag:s30] =	ssyncadd.s32 $0xFFFFC000  }
0x24: {  	[hbm4b:s19+s1] =	stream.linear.scatter [tilespmem:s29], [sflag:$0x4], $0x4000, $0x38;
	[tilespmem:$0x8800] =	vst v63  }
0x25: {  	_ =	swait.ge [sflag:s31], $0x400  }
0x26: {  	[sflag:s31] =	ssyncset.done $0x0  }
0x27: {  	[sflag:s31] =	ssyncadd.s32 $0xFFFFFC00  }
0x28: {  	_ =	swait.ge [sflag:s3], $0x4000  }
0x29: {  	[sflag:s3] =	ssyncset.done $0x0  }
0x2a: {  	[sflag:s3] =	ssyncadd.s32 $0xFFFFC000  }
0x2b: {  	[tilespmem:s0], [sflag:$0x3] =	stream.indirect.gather [hbm4b:s22+s28], $0x10, s28, s28, $0xb8;
	[tilespmem:$0x8800] =	vst v63  }
0x2c: {  	_ =	swait.ge [sflag:s30], $0x4000  }
0x2d: {  	[sflag:s30] =	ssyncset.done $0x0  }
0x2e: {  	[sflag:s30] =	ssyncadd.s32 $0xFFFFC000  }
0x2f: {  	[hbm4b:s20+s1] =	stream.linear.scatter [tilespmem:s0], [sflag:$0x5], $0x4000, $0x38;
	[tilespmem:$0x8800] =	vst v63  }
.LBB2_8:
0x30: {  	s4 =	sadd.s32 $0x1, s4  }
0x31: {  	_ =	swait.ge [sflag:s2], $0x4000;
	p1 =	sne.s32 s4, s23  }
.Ltmp1:
0x32: {  	[sflag:s2] =	ssyncset.done $0x0;
	(pc) =	sbr.rel @!p1 .LBB2_9-.Ltmp1, $4  }
0x33: {  	[sflag:s2] =	ssyncadd.s32 $0xFFFFC000  }
0x34: {  	_ =	swait.ge [sflag:s3], $0x4000  }
0x35: {  	[sflag:s3] =	ssyncset.done $0x0  }
0x36: {  	[sflag:s3] =	ssyncadd.s32 $0xFFFFC000  }
.LBB2_1:
.Ltmp2:
0x37: {  	(pc) =	sbr.rel @!p0 .LBB2_2-.Ltmp2, $2  }
0x38: {  	_ =	sdelay $0x2  }
0x39: {  	s5 =	simm.s32 $0x0  }
0x3a: {  	s6 =	rddreg [dreg:$0x3]  }
0x3b: {  	[tilespmem:s5], [sflag:$0x1] =	stream.linear.gather [hbm4b:s6+s5], $0x400, $0x38;
	[tilespmem:$0x8800] =	vst v63  }
0x3c: {  	_ =	swait.ge [sflag:s26], $0x400  }
0x3d: {  	[sflag:s26] =	ssyncset.done $0x0  }
0x3e: {  	[sflag:s26] =	ssyncadd.s32 $0xFFFFFC00  }
0x3f: {  	[tilespmem:s28], [sflag:$0x2] =	stream.linear.gather [hbm4b:s9+s5], $0x400, $0x38;
	[tilespmem:$0x8800] =	vst v63  }
0x40: {  	_ = 	snop  }
0x41: {  	[tilespmem:s29], [sflag:$0x3] =	stream.indirect.gather [hbm4b:s22+s28], $0x10, s5, s28, $0xb8;
	[tilespmem:$0x8800] =	vst v63  }
0x42: {  	_ =	swait.ge [sflag:s30], $0x4000  }
0x43: {  	[sflag:s30] =	ssyncset.done $0x0  }
0x44: {  	[sflag:s30] =	ssyncadd.s32 $0xFFFFC000  }
0x45: {  	[hbm4b:s10+s5] =	stream.linear.scatter [tilespmem:s29], [sflag:$0x4], $0x4000, $0x38;
	[tilespmem:$0x8800] =	vst v63  }
0x46: {  	_ =	swait.ge [sflag:s31], $0x400  }
0x47: {  	[sflag:s31] =	ssyncset.done $0x0  }
0x48: {  	[sflag:s31] =	ssyncadd.s32 $0xFFFFFC00  }
0x49: {  	[tilespmem:s5], [sflag:$0x1] =	stream.linear.gather [hbm4b:s11+s5], $0x400, $0x38;
	[tilespmem:$0x8800] =	vst v63  }
0x4a: {  	_ = 	snop  }
0x4b: {  	[tilespmem:s0], [sflag:$0x3] =	stream.indirect.gather [hbm4b:s22+s28], $0x10, s28, s28, $0xb8;
	[tilespmem:$0x8800] =	vst v63  }
0x4c: {  	_ =	swait.ge [sflag:s30], $0x4000  }
0x4d: {  	[sflag:s30] =	ssyncset.done $0x0  }
0x4e: {  	[sflag:s30] =	ssyncadd.s32 $0xFFFFC000  }
0x4f: {  	[hbm4b:s12+s5] =	stream.linear.scatter [tilespmem:s0], [sflag:$0x5], $0x4000, $0x38;
	[tilespmem:$0x8800] =	vst v63  }
0x50: {  	_ =	swait.ge [sflag:s26], $0x400  }
0x51: {  	s7 =	sadd.s32 $0x0, s17;
	[sflag:s26] =	ssyncset.done $0x0  }
0x52: {  	s8 =	sadd.s32 $0x180, s7;
	[sflag:s26] =	ssyncadd.s32 $0xFFFFFC00  }
0x53: {  	[tilespmem:s28], [sflag:$0x2] =	stream.linear.gather [hbm4b:s8+s1], $0x400, $0x38;
	[tilespmem:$0x8800] =	vst v63  }
0x54: {  	_ =	swait.ge [sflag:s2], $0x4000  }
0x55: {  	[sflag:s2] =	ssyncset.done $0x0  }
0x56: {  	[sflag:s2] =	ssyncadd.s32 $0xFFFFC000  }
0x57: {  	[tilespmem:s29], [sflag:$0x3] =	stream.indirect.gather [hbm4b:s22+s28], $0x10, s1, s28, $0xb8;
	[tilespmem:$0x8800] =	vst v63  }
0x58: {  	_ =	swait.ge [sflag:s30], $0x4000  }
0x59: {  	[sflag:s30] =	ssyncset.done $0x0  }
0x5a: {  	[sflag:s30] =	ssyncadd.s32 $0xFFFFC000  }
0x5b: {  	[hbm4b:s25+s1] =	stream.linear.scatter [tilespmem:s29], [sflag:$0x4], $0x4000, $0x38;
	[tilespmem:$0x8800] =	vst v63  }
0x5c: {  	_ =	swait.ge [sflag:s31], $0x400  }
0x5d: {  	[sflag:s31] =	ssyncset.done $0x0  }
0x5e: {  	s5 =	sadd.s32 $0x200, s7;
	[sflag:s31] =	ssyncadd.s32 $0xFFFFFC00  }
0x5f: {  	[tilespmem:s1], [sflag:$0x1] =	stream.linear.gather [hbm4b:s5+s1], $0x400, $0x38;
	[tilespmem:$0x8800] =	vst v63  }
0x60: {  	_ =	swait.ge [sflag:s3], $0x4000  }
0x61: {  	[sflag:s3] =	ssyncset.done $0x0  }
0x62: {  	[sflag:s3] =	ssyncadd.s32 $0xFFFFC000  }
0x63: {  	[tilespmem:s0], [sflag:$0x3] =	stream.indirect.gather [hbm4b:s22+s28], $0x10, s28, s28, $0xb8;
	[tilespmem:$0x8800] =	vst v63  }
0x64: {  	_ =	swait.ge [sflag:s30], $0x4000  }
0x65: {  	s6 =	sadd.s32 $0x1000, s25;
	[sflag:s30] =	ssyncset.done $0x0  }
0x66: {  	s7 =	sadd.s32 $0x800, s25;
	s5 =	simm.s32 $0x100;
	[sflag:s30] =	ssyncadd.s32 $0xFFFFC000  }
.LBB2_6:
0x67: {  	[hbm4b:s7+s1] =	stream.linear.scatter [tilespmem:s0], [sflag:$0x5], $0x4000, $0x38;
	[tilespmem:$0x8800] =	vst v63  }
0x68: {  	s7 =	smov.u32 s5  }
0x69: {  	p1 =	sne.s32 s5, $0x1600;
	s5 =	sadd.s32 $0x100, s5;
	_ =	swait.ge [sflag:s26], $0x400  }
0x6a: {  	s7 =	sadd.s32 s7, s17;
	[sflag:s26] =	ssyncset.done $0x0  }
0x6b: {  	s8 =	sadd.s32 $0x180, s7;
	[sflag:s26] =	ssyncadd.s32 $0xFFFFFC00  }
0x6c: {  	[tilespmem:s28], [sflag:$0x2] =	stream.linear.gather [hbm4b:s8+s1], $0x400, $0x38;
	[tilespmem:$0x8800] =	vst v63  }
0x6d: {  	_ =	swait.ge [sflag:s2], $0x4000  }
0x6e: {  	[sflag:s2] =	ssyncset.done $0x0  }
0x6f: {  	[sflag:s2] =	ssyncadd.s32 $0xFFFFC000  }
0x70: {  	[tilespmem:s29], [sflag:$0x3] =	stream.indirect.gather [hbm4b:s22+s28], $0x10, s1, s28, $0xb8;
	[tilespmem:$0x8800] =	vst v63  }
0x71: {  	_ =	swait.ge [sflag:s30], $0x4000  }
0x72: {  	[sflag:s30] =	ssyncset.done $0x0  }
0x73: {  	[sflag:s30] =	ssyncadd.s32 $0xFFFFC000  }
0x74: {  	[hbm4b:s6+s1] =	stream.linear.scatter [tilespmem:s29], [sflag:$0x4], $0x4000, $0x38;
	[tilespmem:$0x8800] =	vst v63  }
0x75: {  	_ =	swait.ge [sflag:s31], $0x400  }
0x76: {  	[sflag:s31] =	ssyncset.done $0x0  }
0x77: {  	s7 =	sadd.s32 $0x200, s7;
	[sflag:s31] =	ssyncadd.s32 $0xFFFFFC00  }
0x78: {  	[tilespmem:s1], [sflag:$0x1] =	stream.linear.gather [hbm4b:s7+s1], $0x400, $0x38;
	[tilespmem:$0x8800] =	vst v63  }
0x79: {  	_ =	swait.ge [sflag:s3], $0x4000  }
0x7a: {  	[sflag:s3] =	ssyncset.done $0x0  }
.Ltmp3:
0x7b: {  	[sflag:s3] =	ssyncadd.s32 $0xFFFFC000;
	(pc) =	sbr.rel @p1 .LBB2_6-.Ltmp3, $4  }
0x7c: {  	[tilespmem:s0], [sflag:$0x3] =	stream.indirect.gather [hbm4b:s22+s28], $0x10, s28, s28, $0xb8;
	[tilespmem:$0x8800] =	vst v63  }
0x7d: {  	_ =	swait.ge [sflag:s30], $0x4000  }
0x7e: {  	[sflag:s30] =	ssyncset.done $0x0  }
0x7f: {  	s7 =	sadd.s32 $0x800, s6;
	s6 =	sadd.s32 $0x1000, s6;
	[sflag:s30] =	ssyncadd.s32 $0xFFFFC000  }
.Ltmp4:
0x80: {  	_ = 	snop;
	(pc) =	sbr.rel .LBB2_7-.Ltmp4, $1  }
0x81: {  	_ =	sdelay $0x3  }
.LBB2_2:
0x82: {  	s6 =	rddreg [dreg:$0x2]  }
0x83: {  	[tilespmem:s5], [sflag:$0x1] =	stream.linear.gather [hbm4b:s6+s5], $0x400, $0x38;
	[tilespmem:$0x8800] =	vst v63  }
0x84: {  	_ =	swait.ge [sflag:s26], $0x400  }
0x85: {  	[sflag:s26] =	ssyncset.done $0x0  }
0x86: {  	s7 =	rddreg [dreg:$0x4];
	[sflag:s26] =	ssyncadd.s32 $0xFFFFFC00  }
0x87: {  	[tilespmem:s28], [sflag:$0x2] =	stream.linear.gather [hbm4b:s7+s5], $0x400, $0x38;
	[tilespmem:$0x8800] =	vst v63  }
0x88: {  	_ = 	snop  }
0x89: {  	[tilespmem:s29], [sflag:$0x3] =	stream.indirect.gather [hbm4b:s21+s28], $0x10, s5, s28, $0xb8;
	[tilespmem:$0x8800] =	vst v63  }
0x8a: {  	_ =	swait.ge [sflag:s30], $0x4000  }
0x8b: {  	[sflag:s30] =	ssyncset.done $0x0  }
0x8c: {  	s8 =	rddreg [dreg:$0x5];
	[sflag:s30] =	ssyncadd.s32 $0xFFFFC000  }
0x8d: {  	[hbm4b:s8+s5] =	stream.linear.scatter [tilespmem:s29], [sflag:$0x4], $0x4000, $0x38;
	[tilespmem:$0x8800] =	vst v63  }
0x8e: {  	_ =	swait.ge [sflag:s31], $0x400  }
0x8f: {  	[sflag:s31] =	ssyncset.done $0x0  }
0x90: {  	s7 =	rddreg [dreg:$0x6];
	[sflag:s31] =	ssyncadd.s32 $0xFFFFFC00  }
0x91: {  	[tilespmem:s5], [sflag:$0x1] =	stream.linear.gather [hbm4b:s7+s5], $0x400, $0x38;
	[tilespmem:$0x8800] =	vst v63  }
0x92: {  	_ = 	snop  }
0x93: {  	[tilespmem:s0], [sflag:$0x3] =	stream.indirect.gather [hbm4b:s21+s28], $0x10, s28, s28, $0xb8;
	[tilespmem:$0x8800] =	vst v63  }
0x94: {  	_ =	swait.ge [sflag:s30], $0x4000  }
0x95: {  	[sflag:s30] =	ssyncset.done $0x0  }
0x96: {  	s8 =	rddreg [dreg:$0x7];
	[sflag:s30] =	ssyncadd.s32 $0xFFFFC000  }
0x97: {  	[hbm4b:s8+s5] =	stream.linear.scatter [tilespmem:s0], [sflag:$0x5], $0x4000, $0x38;
	[tilespmem:$0x8800] =	vst v63  }
0x98: {  	_ =	swait.ge [sflag:s26], $0x400  }
0x99: {  	s7 =	sadd.s32 $0x0, s16;
	[sflag:s26] =	ssyncset.done $0x0  }
0x9a: {  	s8 =	sadd.s32 $0x180, s7;
	[sflag:s26] =	ssyncadd.s32 $0xFFFFFC00  }
0x9b: {  	[tilespmem:s28], [sflag:$0x2] =	stream.linear.gather [hbm4b:s8+s1], $0x400, $0x38;
	[tilespmem:$0x8800] =	vst v63  }
0x9c: {  	_ =	swait.ge [sflag:s2], $0x4000  }
0x9d: {  	[sflag:s2] =	ssyncset.done $0x0  }
0x9e: {  	[sflag:s2] =	ssyncadd.s32 $0xFFFFC000  }
0x9f: {  	[tilespmem:s29], [sflag:$0x3] =	stream.indirect.gather [hbm4b:s21+s28], $0x10, s1, s28, $0xb8;
	[tilespmem:$0x8800] =	vst v63  }
0xa0: {  	_ =	swait.ge [sflag:s30], $0x4000  }
0xa1: {  	[sflag:s30] =	ssyncset.done $0x0  }
0xa2: {  	[sflag:s30] =	ssyncadd.s32 $0xFFFFC000  }
0xa3: {  	[hbm4b:s24+s1] =	stream.linear.scatter [tilespmem:s29], [sflag:$0x4], $0x4000, $0x38;
	[tilespmem:$0x8800] =	vst v63  }
0xa4: {  	_ =	swait.ge [sflag:s31], $0x400  }
0xa5: {  	[sflag:s31] =	ssyncset.done $0x0  }
0xa6: {  	s5 =	sadd.s32 $0x200, s7;
	[sflag:s31] =	ssyncadd.s32 $0xFFFFFC00  }
0xa7: {  	[tilespmem:s1], [sflag:$0x1] =	stream.linear.gather [hbm4b:s5+s1], $0x400, $0x38;
	[tilespmem:$0x8800] =	vst v63  }
0xa8: {  	_ =	swait.ge [sflag:s3], $0x4000  }
0xa9: {  	[sflag:s3] =	ssyncset.done $0x0  }
0xaa: {  	[sflag:s3] =	ssyncadd.s32 $0xFFFFC000  }
0xab: {  	[tilespmem:s0], [sflag:$0x3] =	stream.indirect.gather [hbm4b:s21+s28], $0x10, s28, s28, $0xb8;
	[tilespmem:$0x8800] =	vst v63  }
0xac: {  	_ =	swait.ge [sflag:s30], $0x4000  }
0xad: {  	s6 =	sadd.s32 $0x1000, s24;
	[sflag:s30] =	ssyncset.done $0x0  }
0xae: {  	s7 =	sadd.s32 $0x800, s24;
	s5 =	simm.s32 $0x100;
	[sflag:s30] =	ssyncadd.s32 $0xFFFFC000  }
.LBB2_3:
0xaf: {  	[hbm4b:s7+s1] =	stream.linear.scatter [tilespmem:s0], [sflag:$0x5], $0x4000, $0x38;
	[tilespmem:$0x8800] =	vst v63  }
0xb0: {  	s7 =	smov.u32 s5  }
0xb1: {  	p1 =	seq.s32 s5, $0x1600;
	s5 =	sadd.s32 $0x100, s5;
	_ =	swait.ge [sflag:s26], $0x400  }
0xb2: {  	s7 =	sadd.s32 s7, s16;
	[sflag:s26] =	ssyncset.done $0x0  }
0xb3: {  	s8 =	sadd.s32 $0x180, s7;
	[sflag:s26] =	ssyncadd.s32 $0xFFFFFC00  }
0xb4: {  	[tilespmem:s28], [sflag:$0x2] =	stream.linear.gather [hbm4b:s8+s1], $0x400, $0x38;
	[tilespmem:$0x8800] =	vst v63  }
0xb5: {  	_ =	swait.ge [sflag:s2], $0x4000  }
0xb6: {  	[sflag:s2] =	ssyncset.done $0x0  }
0xb7: {  	[sflag:s2] =	ssyncadd.s32 $0xFFFFC000  }
0xb8: {  	[tilespmem:s29], [sflag:$0x3] =	stream.indirect.gather [hbm4b:s21+s28], $0x10, s1, s28, $0xb8;
	[tilespmem:$0x8800] =	vst v63  }
0xb9: {  	_ =	swait.ge [sflag:s30], $0x4000  }
0xba: {  	[sflag:s30] =	ssyncset.done $0x0  }
0xbb: {  	[sflag:s30] =	ssyncadd.s32 $0xFFFFC000  }
0xbc: {  	[hbm4b:s6+s1] =	stream.linear.scatter [tilespmem:s29], [sflag:$0x4], $0x4000, $0x38;
	[tilespmem:$0x8800] =	vst v63  }
0xbd: {  	_ =	swait.ge [sflag:s31], $0x400  }
0xbe: {  	[sflag:s31] =	ssyncset.done $0x0  }
0xbf: {  	s7 =	sadd.s32 $0x200, s7;
	[sflag:s31] =	ssyncadd.s32 $0xFFFFFC00  }
0xc0: {  	[tilespmem:s1], [sflag:$0x1] =	stream.linear.gather [hbm4b:s7+s1], $0x400, $0x38;
	[tilespmem:$0x8800] =	vst v63  }
0xc1: {  	_ =	swait.ge [sflag:s3], $0x4000  }
0xc2: {  	[sflag:s3] =	ssyncset.done $0x0  }
.Ltmp5:
0xc3: {  	[sflag:s3] =	ssyncadd.s32 $0xFFFFC000;
	(pc) =	sbr.rel @!p1 .LBB2_3-.Ltmp5, $4  }
0xc4: {  	[tilespmem:s0], [sflag:$0x3] =	stream.indirect.gather [hbm4b:s21+s28], $0x10, s28, s28, $0xb8;
	[tilespmem:$0x8800] =	vst v63  }
0xc5: {  	_ =	swait.ge [sflag:s30], $0x4000  }
0xc6: {  	[sflag:s30] =	ssyncset.done $0x0  }
0xc7: {  	s7 =	sadd.s32 $0x800, s6;
	s6 =	sadd.s32 $0x1000, s6;
	[sflag:s30] =	ssyncadd.s32 $0xFFFFC000  }
0xc8: {  	[hbm4b:s7+s1] =	stream.linear.scatter [tilespmem:s0], [sflag:$0x5], $0x4000, $0x38;
	[tilespmem:$0x8800] =	vst v63  }
0xc9: {  	_ =	swait.ge [sflag:s26], $0x400  }
0xca: {  	[sflag:s26] =	ssyncset.done $0x0  }
0xcb: {  	[sflag:s26] =	ssyncadd.s32 $0xFFFFFC00  }
0xcc: {  	[tilespmem:s28], [sflag:$0x2] =	stream.linear.gather [hbm4b:s13+s1], $0x400, $0x38;
	[tilespmem:$0x8800] =	vst v63  }
0xcd: {  	_ =	swait.ge [sflag:s2], $0x4000  }
0xce: {  	[sflag:s2] =	ssyncset.done $0x0  }
0xcf: {  	[sflag:s2] =	ssyncadd.s32 $0xFFFFC000  }
0xd0: {  	[tilespmem:s29], [sflag:$0x3] =	stream.indirect.gather [hbm4b:s21+s28], $0x10, s1, s28, $0xb8;
	[tilespmem:$0x8800] =	vst v63  }
0xd1: {  	_ =	swait.ge [sflag:s30], $0x4000  }
0xd2: {  	[sflag:s30] =	ssyncset.done $0x0  }
0xd3: {  	[sflag:s30] =	ssyncadd.s32 $0xFFFFC000  }
0xd4: {  	[hbm4b:s14+s1] =	stream.linear.scatter [tilespmem:s29], [sflag:$0x4], $0x4000, $0x38;
	[tilespmem:$0x8800] =	vst v63  }
0xd5: {  	_ =	swait.ge [sflag:s31], $0x400  }
0xd6: {  	[sflag:s31] =	ssyncset.done $0x0  }
0xd7: {  	[sflag:s31] =	ssyncadd.s32 $0xFFFFFC00  }
0xd8: {  	_ =	swait.ge [sflag:s3], $0x4000  }
0xd9: {  	[sflag:s3] =	ssyncset.done $0x0  }
0xda: {  	[sflag:s3] =	ssyncadd.s32 $0xFFFFC000  }
0xdb: {  	[tilespmem:s0], [sflag:$0x3] =	stream.indirect.gather [hbm4b:s21+s28], $0x10, s28, s28, $0xb8;
	[tilespmem:$0x8800] =	vst v63  }
.Ltmp6:
0xdc: {  	_ = 	snop;
	(pc) =	sbr.rel .LBB2_8-.Ltmp6, $4  }
0xdd: {  	_ =	swait.ge [sflag:s30], $0x4000  }
0xde: {  	[sflag:s30] =	ssyncset.done $0x0  }
0xdf: {  	[sflag:s30] =	ssyncadd.s32 $0xFFFFC000  }
0xe0: {  	[hbm4b:s18+s1] =	stream.linear.scatter [tilespmem:s0], [sflag:$0x5], $0x4000, $0x38;
	[tilespmem:$0x8800] =	vst v63  }
.LBB2_9:
0xe1: {  	_ =	sfence.sel $0x180000  }
0xe2: {  	[bflag:$0x0] =	sbarrier.arrive $0xFFFF  }
0xe3: {  	_ =	strace $0x90000047  }
0xe4: {  	s0 =	stileid.u32;
	[bflag:$0x2] =	sbarrier.arrive $0xFFFF  }
0xe5: {  	p0 =	sne.s32 s0, $0x0;
	s0 =	rddreg [dreg:$0x1]  }
0xe6: {  	s0 =	sadd.s32 @!p0 $0x100000, s0  }
0xe7: {  	[sflag:s0] =	ssyncadd.tile.s32 @!p0 $0x1;
	_ =	shalt  }
.Lfunc_end2:
_tile_overlayer_lowered:
.L_overlay_start_2:
0xe8: {  	(tag) =	ssettag $0x2  }
0xe9: {  	s0 =	rddreg [dreg:$0x0];
	s2 =	stileid.u32  }
0xea: {  	s1 =	rddreg [dreg:$0x1];
	p0 =	sne.s32 s2, $0x0  }
0xeb: {  	s3 =	rddreg [dreg:$0x2];
	[bflag:$0x3] =	sbarrier.arrive $0xFFFF;
	s2 =	simm.s32 @!p0 $0x1C06  }
0xec: {  	[timem:s3], [sflag:s2] =	dma.local @!p0 [hbm:s0], s1  }
0xed: {  	s0 =	simm.s32 @!p0 $0x6  }
0xee: {  	_ =	swait.ge @!p0 [sflag:s0], s1  }
0xef: {  	s1 =	ssub.s32 @!p0 $0x0, s1;
	[sflag:s0] =	ssyncset.done @!p0 $0x0  }
0xf0: {  	[sflag:s0] =	ssyncadd.s32 @!p0 s1  }
0xf1: {  	[bflag:$0x3] =	sbarrier.arrive $0xFFFF  }
0xf2: {  	_ =	shalt  }

// kernel: kernel.20.cloned.1.call-start
scs
__scs_entry_jumppad:
0x0: {  	(pc) =	sbr.rel $0x88, $3  }
0x1: {  	(tag) =	ssettag $0x0;
	lr =	simm.s32 $0x1  }
0x2: {  	[smem:$0x3F7F] =	sst lr;
	_ =	strace $0xD0000000  }
0x3: {  	_ = 	snop  }
0x4: {  	_ = 	snop  }
0x5: {  	_ = 	snop  }
0x6: {  	_ = 	snop  }
0x7: {  	_ = 	snop  }
__scs_overlays_trampoline_lowered:
0x8: {  	[smem:$0x3F8E] =	sst s0  }
0x9: {  	[smem:$0x3F8F] =	sst s1  }
0xa: {  	[smem:$0x3F90] =	sst s2  }
0xb: {  	[smem:$0x3F91] =	sst s3  }
0xc: {  	[smem:$0x3F92] =	sst s4  }
0xd: {  	[smem:$0x3F93] =	sst s5  }
0xe: {  	[smem:$0x3F94] =	sst s6  }
0xf: {  	[smem:$0x3F95] =	sst s7  }
0x10: {  	[smem:$0x3F96] =	sst s8  }
0x11: {  	[smem:$0x3F97] =	sst s9;
	s0 =	simm.s32 @!p0 $0x0  }
0x12: {  	s1 =	sld [smem:$0x3F7D];
	s0 =	simm.s32 @p0 $0x1  }
0x13: {  	[smem:$0x3F98] =	sst s0;
	s0 =	simm.s32 @!p1 $0x0  }
0x14: {  	s2 =	sld [smem:$0x3F7C];
	s0 =	simm.s32 @p1 $0x1  }
0x15: {  	[smem:$0x3F99] =	sst s0;
	s0 =	simm.s32 @!p2 $0x0  }
0x16: {  	s3 =	sld [smem:$0x3FDB];
	s0 =	simm.s32 @p2 $0x1  }
0x17: {  	s4 =	simm.s32 $0x1BF5;
	[smem:$0x3F9B] =	sst s0  }
0x18: {  	s0 =	sld [smem:$0x3F7E];
	_ =	swait.ge [sflag:s4], $0x0  }
0x19: {  	s7 =	sld [smem:$0x3F7F]  }
0x1a: {  	s8 =	sadd.s32 $0xFFFFE003, lr  }
0x1b: {  	s9 =	sadd.s32 $0xFFFFFEF7, lr;
	s5 =	simm.s32 $0xFFFFFFFF;
	p2 =	slt.u32 s8, $0xFFFFF086  }
0x1c: {  	p1 =	slt.u32 s9, $0xF7A;
	s5 =	simm.s32 @!p2 $0x0  }
0x1d: {  	s5 =	simm.s32 @p1 $0x1;
	p0 =	seq.s32 s7, s2  }
0x1e: {  	s7 =	smul.u32 @!p0 $0xF7A, s2;
	p2 =	seq.s32 @!p0 s5, $0x0  }
0x1f: {  	s9 =	smul.u32 $0xF7A, s1;
	s8 =	simm.s32 @!p0 $0x1BF5;
	p2 =	por !p2, p0  }
0x20: {  	[sflag:s8] =	ssyncset.s32 @!p0 $0xFFFFF086;
	s6 =	sadd.s32 @!p0 s3, s7;
	s7 =	simm.s32 @!p0 $0x108  }
0x21: {  	s3 =	sadd.s32 s3, s9;
	s6 =	sadd.s32 @!p0 $0x88, s6;
	s7 =	simm.s32 @p2 $0x1082  }
0x22: {  	[simem:s7], [sflag:s8] =	dma.local @!p0 [hbm:s6], $0xF7A  }
0x23: {  	s9 =	sor.u32 $0xD0000000, s2;
	s6 =	simm.s32 $0x108;
	_ =	swait.ge @!p0 [sflag:s8], $0x0  }
0x24: {  	s3 =	sadd.s32 $0x88, s3;
	s6 =	simm.s32 @!p1 $0x1082;
	[sflag:s4] =	ssyncset.s32 $0xFFFFF086  }
0x25: {  	[simem:s6], [sflag:s4] =	dma.local [hbm:s3], $0xF7A  }
0x26: {  	[smem:$0x3F7F] =	sst s1;
	(tag) =	ssettag s2;
	_ =	strace s9  }
0x27: {  	s1 =	sld [smem:$0x3F8F]  }
0x28: {  	s2 =	sld [smem:$0x3F90]  }
0x29: {  	s4 =	sld [smem:$0x3F92]  }
0x2a: {  	p0 =	seq.s32 s5, $0x0;
	s5 =	sld [smem:$0x3F93]  }
0x2b: {  	s6 =	sld [smem:$0x3F94]  }
0x2c: {  	s7 =	sld [smem:$0x3F95]  }
0x2d: {  	s3 =	simm.s32 $0x108;
	s8 =	sld [smem:$0x3F96]  }
0x2e: {  	s3 =	simm.s32 @!p0 $0x1082;
	s9 =	sld [smem:$0x3F97]  }
0x2f: {  	lr =	sadd.s32 s0, s3;
	s0 =	sld [smem:$0x3F8E]  }
0x30: {  	s3 =	sld [smem:$0x3F91]  }
0x31: {  	[smem:$0x3F9A] =	sst s10  }
0x32: {  	s10 =	sld [smem:$0x3F98];
	_ =	sdelay $0x3  }
0x33: {  	p0 =	seq.s32 s10, $0x1;
	s10 =	sld [smem:$0x3F9A];
	_ =	sdelay $0x3  }
0x34: {  	[smem:$0x3F9A] =	sst s10  }
0x35: {  	s10 =	sld [smem:$0x3F99];
	_ =	sdelay $0x3  }
0x36: {  	p1 =	seq.s32 s10, $0x1;
	s10 =	sld [smem:$0x3F9A];
	_ =	sdelay $0x3  }
0x37: {  	[smem:$0x3F9A] =	sst s10  }
0x38: {  	s10 =	sld [smem:$0x3F9B]  }
0x39: {  	_ = 	snop;
	(pc) =	sbr.ind lr, $3  }
0x3a: {  	_ = 	snop  }
0x3b: {  	_ = 	snop  }
0x3c: {  	p2 =	seq.s32 s10, $0x1;
	s10 =	sld [smem:$0x3F9A]  }
0x3d: {  	_ =	shalt  }
0x3e: {  	_ =	shalt  }
0x3f: {  	_ =	shalt  }
0x40: {  	_ =	shalt  }
0x41: {  	_ =	shalt  }
0x42: {  	_ =	shalt  }
0x43: {  	_ =	shalt  }
0x44: {  	_ =	shalt  }
0x45: {  	_ =	shalt  }
0x46: {  	_ =	shalt  }
0x47: {  	_ =	shalt  }
0x48: {  	_ =	shalt  }
0x49: {  	_ =	shalt  }
0x4a: {  	_ =	shalt  }
0x4b: {  	_ =	shalt  }
0x4c: {  	_ =	shalt  }
0x4d: {  	_ =	shalt  }
0x4e: {  	_ =	shalt  }
0x4f: {  	_ =	shalt  }
0x50: {  	_ =	shalt  }
0x51: {  	_ =	shalt  }
0x52: {  	_ =	shalt  }
0x53: {  	_ =	shalt  }
0x54: {  	_ =	shalt  }
0x55: {  	_ =	shalt  }
0x56: {  	_ =	shalt  }
0x57: {  	_ =	shalt  }
0x58: {  	_ =	shalt  }
0x59: {  	_ =	shalt  }
0x5a: {  	_ =	shalt  }
0x5b: {  	_ =	shalt  }
0x5c: {  	_ =	shalt  }
0x5d: {  	_ =	shalt  }
0x5e: {  	_ =	shalt  }
0x5f: {  	_ =	shalt  }
0x60: {  	_ =	shalt  }
0x61: {  	_ =	shalt  }
0x62: {  	_ =	shalt  }
0x63: {  	_ =	shalt  }
0x64: {  	_ =	shalt  }
0x65: {  	_ =	shalt  }
0x66: {  	_ =	shalt  }
0x67: {  	_ =	shalt  }
0x68: {  	_ =	shalt  }
0x69: {  	_ =	shalt  }
0x6a: {  	_ =	shalt  }
0x6b: {  	_ =	shalt  }
0x6c: {  	_ =	shalt  }
0x6d: {  	_ =	shalt  }
0x6e: {  	_ =	shalt  }
0x6f: {  	_ =	shalt  }
0x70: {  	_ =	shalt  }
0x71: {  	_ =	shalt  }
0x72: {  	_ =	shalt  }
0x73: {  	_ =	shalt  }
0x74: {  	_ =	shalt  }
0x75: {  	_ =	shalt  }
0x76: {  	_ =	shalt  }
0x77: {  	_ =	shalt  }
0x78: {  	_ =	shalt  }
0x79: {  	_ =	shalt  }
0x7a: {  	_ =	shalt  }
0x7b: {  	_ =	shalt  }
0x7c: {  	_ =	shalt  }
0x7d: {  	_ =	shalt  }
0x7e: {  	_ =	shalt  }
0x7f: {  	_ =	shalt  }
0x80: {  	_ =	shalt  }
0x81: {  	_ =	shalt  }
0x82: {  	_ =	shalt  }
0x83: {  	_ =	shalt  }
0x84: {  	_ =	shalt  }
0x85: {  	_ =	shalt  }
0x86: {  	_ =	shalt  }
0x87: {  	_ =	shalt  }
.Lfunc_end0:
.L_simem_size_0:
called_computation.3_lowered:
.L_overlay_start_0:
0x88: {  	s2 =	sld [smem:$0x3FD9]  }
0x89: {  	s3 =	sld [smem:$0x3FFE];
	_ =	sdelay $0x1  }
0x8a: {  	s1 =	srdreg.scid  }
0x8b: {  	s0 =	sand.u32 $0x1, s1  }
0x8c: {  	s17 =	sshll.u32 s0, $0xA;
	s2 =	sadd.s32 s3, s2  }
0x8d: {  	s2 =	sadd.s32 s2, s17  }
0x8e: {  	[smem:$0x3FA6] =	sst s2  }
0x8f: {  	_ = 	snop  }
0x90: {  	(tm) =	ssettm $0x1  }
0x91: {  	s18 =	sld [smem:$0x3FFB];
	_ =	sdelay $0x3  }
0x92: {  	_ =	strace s18  }
0x93: {  	s2 =	sld [smem:$0x3FFC];
	_ =	sdelay $0x3  }
0x94: {  	_ =	strace s2  }
0x95: {  	s2 =	sld [smem:$0x3FFD];
	_ =	sdelay $0x3  }
0x96: {  	_ =	strace s2  }
0x97: {  	_ =	strace $0x8FFFFFFF  }
0x98: {  	s19 =	sld [smem:$0x3FDB];
	_ =	sdelay $0x1  }
0x99: {  	s20 =	simm.s32 $_scs_section_size  }
0x9a: {  	s4 =	simm.s32 $_size__tile_overlayer_lowered;
	s5 =	simm.s32 $_tile_overlayer_lowered  }
0x9b: {  	s6 =	simm.s32 $0x1BFF;
	s21 =	sshll.u32 s5, $0x1;
	s3 =	sadd.s32 s20, s19  }
0x9c: {  	s22 =	simm.s32 $0x0;
	s4 =	sshll.u32 s4, $0x1;
	s5 =	sadd.s32 s21, s3  }
0x9d: {  	[timem:s22], [sflag:s6] =	dma.local [hbm:s5], s4  }
0x9e: {  	_ =	swait.ge [sflag:s6], s4  }
0x9f: {  	s4 =	ssub.s32 $0x0, s4;
	[sflag:s6] =	ssyncset.done $0x0  }
0xa0: {  	[sflag:s6] =	ssyncadd.s32 s4;
	_ =	sdelay $0x1  }
0xa1: {  	s23 =	simm.s32 $0x1B8B  }
0xa2: {  	_ =	swait.ge [sflag:s23], $0x1  }
0xa3: {  	[sflag:s23] =	ssyncset.done $0x0  }
0xa4: {  	[sflag:s23] =	ssyncadd.s32 $0xFFFFFFFF  }
0xa5: {  	s4 =	sld [smem:$0x0]  }
0xa6: {  	s5 =	sand.u32 $0xFFFFFFFE, s1  }
0xa7: {  	p0 =	sne.s32 s1, s5  }
0xa8: {  	s5 =	sshll.u32 @p0 s5, $0xE  }
0xa9: {  	s5 =	sadd.s32 @p0 $0x11B8D, s5;
	s6 =	sshll.u32 @p0 s4, $0x11  }
0xaa: {  	s5 =	sor.u32 @p0 s6, s5  }
0xab: {  	[sflag:s5] =	ssyncadd.remote.s32 @p0 $0x1;
	_ =	sdelay $0x1  }
0xac: {  	s5 =	simm.s32 @p0 $0x1B8D  }
0xad: {  	_ =	swait.eq @p0 [sflag:s5], $0x1  }
0xae: {  	[sflag:s5] =	ssyncadd.s32 @p0 $0xFFFFFFFF  }
0xaf: {  	s6 =	sshll.u32 @!p0 s1, $0xE  }
0xb0: {  	s6 =	sor.u32 @!p0 $0x4000, s6;
	s5 =	simm.s32 @!p0 $0x1B8D  }
0xb1: {  	s4 =	sshll.u32 @!p0 s4, $0x11;
	s6 =	sadd.s32 @!p0 $0x11B8D, s6;
	_ =	swait.eq @!p0 [sflag:s5], $0x1  }
0xb2: {  	s4 =	sor.u32 @!p0 s4, s6;
	[sflag:s5] =	ssyncadd.s32 @!p0 $0xFFFFFFFF  }
0xb3: {  	s25 =	simm.s32 $0x1B8E;
	s24 =	sld [smem:$0x3FFE];
	[sflag:s4] =	ssyncadd.remote.s32 @!p0 $0x1  }
0xb4: {  	s26 =	simm.s32 $execute0_lowered;
	[smem:$0x3FD2] =	sst s25  }
0xb5: {  	s5 =	sshll.u32 s26, $0x1;
	_ =	strace $0x8000004C;
	[dreg:$0x1] =	wrdreg $0xFFFFFFFF  }
0xb6: {  	s28 =	simm.s32 $_size_execute0_lowered;
	s3 =	sadd.s32 s3, s5;
	[dreg:$0x0] =	wrdreg $0x0  }
0xb7: {  	s5 =	sshll.u32 s28, $0x1;
	[dreg:$0x2] =	wrdreg s3  }
0xb8: {  	[dreg:$0x3] =	wrdreg s5  }
0xb9: {  	[dreg:$0x4] =	wrdreg $0xC0  }
0xba: {  	_ =	task [dreg:s22], $0x5FFFF  }
0xbb: {  	[dreg:$0x1] =	wrdreg $0xFFFFFFFF  }
0xbc: {  	[dreg:$0x0] =	wrdreg $0x60  }
0xbd: {  	[dreg:$0x2] =	wrdreg s24  }
0xbe: {  	[dreg:$0x3] =	wrdreg $0x24000  }
0xbf: {  	[dreg:$0x4] =	wrdreg $0xA  }
0xc0: {  	_ =	task.clear_ibuf [dreg:s22], $0x5FFFF;
	_ =	strace $0x9000004C  }
0xc1: {  	s29 =	simm.s32 $0xA;
	_ =	strace $0x8000004E  }
0xc2: {  	_ =	swait.ge [sflag:s29], $0x1  }
0xc3: {  	[sflag:s29] =	ssyncadd.s32 $0xFFFFFFFF  }
0xc4: {  	_ =	strace $0x9000004E  }
0xc5: {  	_ =	sfence  }
0xc6: {  	s30 =	sld [smem:$0x0];
	_ =	sdelay $0x2  }
0xc7: {  	s31 =	sshll.u32 s1, $0xD;
	s1 =	sshrl.u32 s1, $0x2  }
0xc8: {  	s4 =	sand.u32 $0x4000, s31;
	s1 =	sadd.s32 s1, s30  }
0xc9: {  	s0 =	sor.u32 s4, s0;
	s1 =	sshll.u32 s1, $0x11  }
0xca: {  	s0 =	sor.u32 s1, s0  }
0xcb: {  	s0 =	sadd.s32 $0x8F2B, s0  }
0xcc: {  	[sflag:s0] =	ssyncadd.remote.s32 $0x1  }
0xcd: {  	_ =	sfence.sel $0xFFFF  }
0xce: {  	[dreg:$0x0] =	wrdreg $0xFFFFFFFF;
	(pc) =	sbr.abs _section_cstart, $3  }
0xcf: {  	[dreg:$0x1] =	wrdreg $0xFFFFFFFF  }
0xd0: {  	_ =	task.clear_ibuf [dreg:s22], $0x2FFFF;
	_ =	strace $0x9FFFFFFF  }
0xd1: {  	(tm) =	ssettm $0x7FFFFFFF  }
tec
execute0_lowered:
.L_overlay_start_1:
0x0: {  	(tag) =	ssettag $0x1  }
0x1: {  	s0 =	rddreg [dreg:$0x0]  }
0x2: {  	s2 =	rddreg [dreg:$0x1]  }
0x3: {  	s12 =	stileid.u32;
	s4 =	srdreg.scid;
	s3 =	simm.s32 $0x0  }
0x4: {  	s13 =	simm.s32 $0x10;
	s14 =	simm.s32 $0x400;
	s15 =	simm.s32 $0x80  }
0x5: {  	s16 =	simm.s32 $0x800;
	s17 =	simm.s32 $0x100;
	s18 =	simm.s32 $0xC00  }
0x6: {  	s19 =	simm.s32 $0x180;
	s20 =	simm.s32 $0x1000;
	s21 =	simm.s32 $0x200  }
0x7: {  	s22 =	simm.s32 $0x1400;
	s23 =	simm.s32 $0x280;
	s28 =	simm.s32 $0x380  }
0x8: {  	s29 =	simm.s32 $0x2000;
	s30 =	simm.s32 $0x0;
	s1 =	smul.u32 $0x19000, s12  }
0x9: {  	s4 =	sand.u32 $0x1, s4;
	s5 =	smul.u32 $0xC800, s12;
	[smem:$0x7FF] =	sst s3  }
0xa: {  	s7 =	smul.u32 $0xC400, s12;
	s31 =	sshll.u32 s12, $0x6;
	s12 =	simm.s32 $0x8  }
0xb: {  	s6 =	smul.u32 $0x6400, s4;
	_ =	strace $0x8000004D;
	s24 =	ssub.s32 $0x2, s4  }
0xc: {  	s26 =	smul.u32 $0xC800, s4;
	p0 =	seq.s32 s4, $0x1;
	s4 =	simm.s32 $0x6C400  }
0xd: {  	s1 =	sadd.s32 s1, s0;
	s8 =	sshrl.u32 s7, $0x3;
	s9 =	sshrl.u32 s24, $0x1  }
0xe: {  	s11 =	sadd.s32 s7, s2;
	s4 =	simm.s32 @!p0 $0x84C00;
	s5 =	sadd.s32 s6, s5  }
0xf: {  	s6 =	ssub.s32 s24, s9;
	s1 =	sadd.s32 s26, s1;
	s24 =	simm.s32 $0x1800  }
0x10: {  	s26 =	simm.s32 $0x1C00;
	s5 =	sshrl.u32 s5, $0x3;
	s6 =	smax.u32 s6, $0x1  }
0x11: {  	s10 =	sadd.s32 s5, s0;
	s0 =	sadd.s32 s8, s0;
	s5 =	sor.u32 $0x1C01, s31  }
0x12: {  	[dreg:$0x4] =	wrdreg s6;
	s8 =	sadd.s32 $0x956E00, s1;
	s25 =	sadd.s32 $0x21000, s0  }
0x13: {  	s7 =	sadd.s32 s4, s0;
	s9 =	sadd.s32 $0x8000, s10;
	s10 =	sshrl.u32 s11, $0x3  }
0x14: {  	s11 =	simm.s32 $0x1;
	[dreg:$0x3] =	wrdreg s25;
	s25 =	simm.s32 $0x300  }
.LBB2_1:
0x15: {  	s0 =	rddreg [dreg:$0x3]  }
0x16: {  	[spmem:s10], [sflag:s5] =	dma.local [hbm:s0], $0x1880  }
0x17: {  	_ =	swait.ge [sflag:s11], $0x1880  }
0x18: {  	[sflag:s11] =	ssyncset.done $0x0  }
0x19: {  	[sflag:s11] =	ssyncadd.s32 $0xFFFFE780  }
0x1a: {  	s6 =	sadd.s32 $0x0, s9;
	[bflag:$0x0] =	sbarrier.arrive $0xFFFF  }
0x1b: {  	[tilespmem:s3], [sflag:$0x1] =	stream.linear.gather [hbm4b:s6+s3], $0x400, $0x38;
	[tilespmem:$0xE800] =	vst v63  }
0x1c: {  	_ =	swait.ge [sflag:s11], $0x400  }
0x1d: {  	[sflag:s11] =	ssyncset.done $0x0  }
0x1e: {  	[sflag:s11] =	ssyncadd.s32 $0xFFFFFC00  }
0x1f: {  	[tilespmem:s14], [sflag:$0x1] =	stream.strided.gather [hbm4b:s8+s12], $0x2000, s13, s12, $0x38;
	[tilespmem:$0xE800] =	vst v63  }
0x20: {  	_ =	swait.ge [sflag:s11], $0x2000  }
0x21: {  	[sflag:s11] =	ssyncset.done $0x0  }
0x22: {  	[sflag:s11] =	ssyncadd.s32 $0xFFFFE000  }
0x23: {  	[spmem:s2] =	stream.indirect.scatter.add.f32 [tilespmem:s14], [sflag:$0x1], $0x8, s3, s15, $0xb8;
	[tilespmem:$0xE800] =	vst v63  }
0x24: {  	_ =	swait.ge [sflag:s11], $0x400  }
0x25: {  	[sflag:s11] =	ssyncset.done $0x0  }
0x26: {  	[sflag:s11] =	ssyncadd.s32 $0xFFFFFC00  }
0x27: {  	[spmem:s2] =	stream.indirect.scatter.add.f32 [tilespmem:s16], [sflag:$0x1], $0x8, s15, s15, $0xb8;
	[tilespmem:$0xE800] =	vst v63  }
0x28: {  	_ =	swait.ge [sflag:s11], $0x400  }
0x29: {  	[sflag:s11] =	ssyncset.done $0x0  }
0x2a: {  	[sflag:s11] =	ssyncadd.s32 $0xFFFFFC00  }
0x2b: {  	[spmem:s2] =	stream.indirect.scatter.add.f32 [tilespmem:s18], [sflag:$0x1], $0x8, s17, s15, $0xb8;
	[tilespmem:$0xE800] =	vst v63  }
0x2c: {  	_ =	swait.ge [sflag:s11], $0x400  }
0x2d: {  	[sflag:s11] =	ssyncset.done $0x0  }
0x2e: {  	[sflag:s11] =	ssyncadd.s32 $0xFFFFFC00  }
0x2f: {  	[spmem:s2] =	stream.indirect.scatter.add.f32 [tilespmem:s20], [sflag:$0x1], $0x8, s19, s15, $0xb8;
	[tilespmem:$0xE800] =	vst v63  }
0x30: {  	_ =	swait.ge [sflag:s11], $0x400  }
0x31: {  	[sflag:s11] =	ssyncset.done $0x0  }
0x32: {  	[sflag:s11] =	ssyncadd.s32 $0xFFFFFC00  }
0x33: {  	[spmem:s2] =	stream.indirect.scatter.add.f32 [tilespmem:s22], [sflag:$0x1], $0x8, s21, s15, $0xb8;
	[tilespmem:$0xE800] =	vst v63  }
0x34: {  	_ =	swait.ge [sflag:s11], $0x400  }
0x35: {  	[sflag:s11] =	ssyncset.done $0x0  }
0x36: {  	[sflag:s11] =	ssyncadd.s32 $0xFFFFFC00  }
0x37: {  	[spmem:s2] =	stream.indirect.scatter.add.f32 [tilespmem:s24], [sflag:$0x1], $0x8, s23, s15, $0xb8;
	[tilespmem:$0xE800] =	vst v63  }
0x38: {  	_ =	swait.ge [sflag:s11], $0x400  }
0x39: {  	[sflag:s11] =	ssyncset.done $0x0  }
0x3a: {  	[sflag:s11] =	ssyncadd.s32 $0xFFFFFC00  }
0x3b: {  	[spmem:s2] =	stream.indirect.scatter.add.f32 [tilespmem:s26], [sflag:$0x1], $0x8, s25, s15, $0xb8;
	[tilespmem:$0xE800] =	vst v63  }
0x3c: {  	_ =	swait.ge [sflag:s11], $0x400  }
0x3d: {  	[sflag:s11] =	ssyncset.done $0x0  }
0x3e: {  	[sflag:s11] =	ssyncadd.s32 $0xFFFFFC00  }
0x3f: {  	[spmem:s2] =	stream.indirect.scatter.add.f32 [tilespmem:s29], [sflag:$0x1], $0x8, s28, s15, $0xb8;
	[tilespmem:$0xE800] =	vst v63  }
0x40: {  	s1 =	simm.s32 $0x100;
	_ =	swait.ge [sflag:s11], $0x400  }
0x41: {  	s31 =	sadd.s32 $0x800, s8;
	s0 =	simm.s32 $0x80;
	[sflag:s11] =	ssyncset.done $0x0  }
.LBB2_2:
0x42: {  	s6 =	sadd.s32 s0, s9  }
0x43: {  	[sflag:s11] =	ssyncadd.s32 $0xFFFFFC00;
	s0 =	smov.u32 s1;
	s4 =	sadd.s32 $0x80, s1  }
0x44: {  	[tilespmem:s3], [sflag:$0x1] =	stream.linear.gather [hbm4b:s6+s3], $0x400, $0x38;
	[tilespmem:$0xE800] =	vst v63  }
0x45: {  	p0 =	sne.s32 s1, $0xC00;
	_ =	swait.ge [sflag:s11], $0x400  }
0x46: {  	[sflag:s11] =	ssyncset.done $0x0  }
0x47: {  	[sflag:s11] =	ssyncadd.s32 $0xFFFFFC00  }
0x48: {  	[tilespmem:s14], [sflag:$0x1] =	stream.strided.gather [hbm4b:s31+s12], $0x2000, s13, s12, $0x38;
	[tilespmem:$0xE800] =	vst v63  }
0x49: {  	_ =	swait.ge [sflag:s11], $0x2000  }
0x4a: {  	[sflag:s11] =	ssyncset.done $0x0  }
0x4b: {  	[sflag:s11] =	ssyncadd.s32 $0xFFFFE000  }
0x4c: {  	[spmem:s2] =	stream.indirect.scatter.add.f32 [tilespmem:s14], [sflag:$0x1], $0x8, s3, s15, $0xb8;
	[tilespmem:$0xE800] =	vst v63  }
0x4d: {  	_ =	swait.ge [sflag:s11], $0x400  }
0x4e: {  	[sflag:s11] =	ssyncset.done $0x0  }
0x4f: {  	[sflag:s11] =	ssyncadd.s32 $0xFFFFFC00  }
0x50: {  	[spmem:s2] =	stream.indirect.scatter.add.f32 [tilespmem:s16], [sflag:$0x1], $0x8, s15, s15, $0xb8;
	[tilespmem:$0xE800] =	vst v63  }
0x51: {  	_ =	swait.ge [sflag:s11], $0x400  }
0x52: {  	[sflag:s11] =	ssyncset.done $0x0  }
0x53: {  	[sflag:s11] =	ssyncadd.s32 $0xFFFFFC00  }
0x54: {  	[spmem:s2] =	stream.indirect.scatter.add.f32 [tilespmem:s18], [sflag:$0x1], $0x8, s17, s15, $0xb8;
	[tilespmem:$0xE800] =	vst v63  }
0x55: {  	_ =	swait.ge [sflag:s11], $0x400  }
0x56: {  	[sflag:s11] =	ssyncset.done $0x0  }
0x57: {  	[sflag:s11] =	ssyncadd.s32 $0xFFFFFC00  }
0x58: {  	[spmem:s2] =	stream.indirect.scatter.add.f32 [tilespmem:s20], [sflag:$0x1], $0x8, s19, s15, $0xb8;
	[tilespmem:$0xE800] =	vst v63  }
0x59: {  	_ =	swait.ge [sflag:s11], $0x400  }
0x5a: {  	[sflag:s11] =	ssyncset.done $0x0  }
0x5b: {  	[sflag:s11] =	ssyncadd.s32 $0xFFFFFC00  }
0x5c: {  	[spmem:s2] =	stream.indirect.scatter.add.f32 [tilespmem:s22], [sflag:$0x1], $0x8, s21, s15, $0xb8;
	[tilespmem:$0xE800] =	vst v63  }
0x5d: {  	_ =	swait.ge [sflag:s11], $0x400  }
0x5e: {  	[sflag:s11] =	ssyncset.done $0x0  }
0x5f: {  	[sflag:s11] =	ssyncadd.s32 $0xFFFFFC00  }
0x60: {  	[spmem:s2] =	stream.indirect.scatter.add.f32 [tilespmem:s24], [sflag:$0x1], $0x8, s23, s15, $0xb8;
	[tilespmem:$0xE800] =	vst v63  }
0x61: {  	_ =	swait.ge [sflag:s11], $0x400  }
0x62: {  	[sflag:s11] =	ssyncset.done $0x0  }
0x63: {  	[sflag:s11] =	ssyncadd.s32 $0xFFFFFC00  }
0x64: {  	[spmem:s2] =	stream.indirect.scatter.add.f32 [tilespmem:s26], [sflag:$0x1], $0x8, s25, s15, $0xb8;
	[tilespmem:$0xE800] =	vst v63  }
0x65: {  	_ =	swait.ge [sflag:s11], $0x400  }
.Ltmp0:
0x66: {  	[sflag:s11] =	ssyncset.done $0x0;
	(pc) =	sbr.rel @p0 .LBB2_2-.Ltmp0, $4  }
0x67: {  	[sflag:s11] =	ssyncadd.s32 $0xFFFFFC00  }
0x68: {  	[spmem:s2] =	stream.indirect.scatter.add.f32 [tilespmem:s29], [sflag:$0x1], $0x8, s28, s15, $0xb8;
	[tilespmem:$0xE800] =	vst v63  }
0x69: {  	_ =	swait.ge [sflag:s11], $0x400  }
0x6a: {  	s1 =	smov.u32 s4;
	s31 =	sadd.s32 $0x800, s31;
	[sflag:s11] =	ssyncset.done $0x0  }
0x6b: {  	s0 =	sadd.s32 s0, s9;
	[sflag:s11] =	ssyncadd.s32 $0xFFFFFC00  }
0x6c: {  	[tilespmem:s3], [sflag:$0x1] =	stream.linear.gather [hbm4b:s0+s3], $0x400, $0x38;
	[tilespmem:$0xE800] =	vst v63  }
0x6d: {  	_ =	swait.ge [sflag:s11], $0x400  }
0x6e: {  	[sflag:s11] =	ssyncset.done $0x0  }
0x6f: {  	[sflag:s11] =	ssyncadd.s32 $0xFFFFFC00  }
0x70: {  	[tilespmem:s14], [sflag:$0x1] =	stream.strided.gather [hbm4b:s31+s12], $0x2000, s13, s12, $0x38;
	[tilespmem:$0xE800] =	vst v63  }
0x71: {  	_ =	swait.ge [sflag:s11], $0x2000  }
0x72: {  	[sflag:s11] =	ssyncset.done $0x0  }
0x73: {  	[sflag:s11] =	ssyncadd.s32 $0xFFFFE000  }
0x74: {  	[spmem:s2] =	stream.indirect.scatter.add.f32 [tilespmem:s14], [sflag:$0x1], $0x8, s3, s15, $0xb8;
	[tilespmem:$0xE800] =	vst v63  }
0x75: {  	_ =	swait.ge [sflag:s11], $0x400  }
0x76: {  	[sflag:s11] =	ssyncset.done $0x0  }
0x77: {  	[sflag:s11] =	ssyncadd.s32 $0xFFFFFC00  }
0x78: {  	[spmem:s2] =	stream.indirect.scatter.add.f32 [tilespmem:s16], [sflag:$0x1], $0x8, s15, s15, $0xb8;
	[tilespmem:$0xE800] =	vst v63  }
0x79: {  	_ =	swait.ge [sflag:s11], $0x400  }
0x7a: {  	[sflag:s11] =	ssyncset.done $0x0  }
0x7b: {  	[sflag:s11] =	ssyncadd.s32 $0xFFFFFC00  }
0x7c: {  	[spmem:s2] =	stream.indirect.scatter.add.f32 [tilespmem:s18], [sflag:$0x1], $0x8, s17, s15, $0xb8;
	[tilespmem:$0xE800] =	vst v63  }
0x7d: {  	_ =	swait.ge [sflag:s11], $0x400  }
0x7e: {  	[sflag:s11] =	ssyncset.done $0x0  }
0x7f: {  	[sflag:s11] =	ssyncadd.s32 $0xFFFFFC00  }
0x80: {  	[spmem:s2] =	stream.indirect.scatter.add.f32 [tilespmem:s20], [sflag:$0x1], $0x8, s19, s15, $0xb8;
	[tilespmem:$0xE800] =	vst v63  }
0x81: {  	_ =	swait.ge [sflag:s11], $0x400  }
0x82: {  	[sflag:s11] =	ssyncset.done $0x0  }
0x83: {  	[sflag:s11] =	ssyncadd.s32 $0xFFFFFC00  }
0x84: {  	[spmem:s2] =	stream.indirect.scatter.add.f32 [tilespmem:s22], [sflag:$0x1], $0x8, s21, s15, $0xb8;
	[tilespmem:$0xE800] =	vst v63  }
0x85: {  	_ =	swait.ge [sflag:s11], $0x400  }
0x86: {  	[sflag:s11] =	ssyncset.done $0x0  }
0x87: {  	[sflag:s11] =	ssyncadd.s32 $0xFFFFFC00  }
0x88: {  	[spmem:s2] =	stream.indirect.scatter.add.f32 [tilespmem:s24], [sflag:$0x1], $0x8, s23, s15, $0xb8;
	[tilespmem:$0xE800] =	vst v63  }
0x89: {  	_ =	swait.ge [sflag:s11], $0x400  }
0x8a: {  	[sflag:s11] =	ssyncset.done $0x0  }
0x8b: {  	[sflag:s11] =	ssyncadd.s32 $0xFFFFFC00  }
0x8c: {  	[spmem:s2] =	stream.indirect.scatter.add.f32 [tilespmem:s26], [sflag:$0x1], $0x8, s25, s15, $0xb8;
	[tilespmem:$0xE800] =	vst v63  }
0x8d: {  	_ =	swait.ge [sflag:s11], $0x400  }
0x8e: {  	[sflag:s11] =	ssyncset.done $0x0  }
0x8f: {  	[sflag:s11] =	ssyncadd.s32 $0xFFFFFC00  }
0x90: {  	[spmem:s2] =	stream.indirect.scatter.add.f32 [tilespmem:s29], [sflag:$0x1], $0x8, s28, s15, $0xb8;
	[tilespmem:$0xE800] =	vst v63  }
0x91: {  	_ =	swait.ge [sflag:s11], $0x400  }
0x92: {  	[sflag:s11] =	ssyncset.done $0x0  }
0x93: {  	[sflag:s11] =	ssyncadd.s32 $0xFFFFFC00  }
0x94: {  	[bflag:$0x0] =	sbarrier.arrive $0xFFFF  }
0x95: {  	[hbm:s7], [sflag:s5] =	dma.local [spmem:s10], $0x1880  }
0x96: {  	_ =	swait.ge [sflag:s11], $0x1880  }
0x97: {  	s30 =	sadd.s32 $0x1, s30;
	s31 =	rddreg [dreg:$0x4]  }
0x98: {  	p0 =	sne.s32 s30, s31  }
.Ltmp1:
0x99: {  	_ = 	snop;
	(pc) =	sbr.rel @p0 .LBB2_1-.Ltmp1, $3  }
0x9a: {  	_ =	sdelay $0x1  }
0x9b: {  	[sflag:s11] =	ssyncset.done $0x0  }
0x9c: {  	[sflag:s11] =	ssyncadd.s32 $0xFFFFE780  }
0x9d: {  	_ =	sfence.sel $0x180000  }
0x9e: {  	[bflag:$0x0] =	sbarrier.arrive $0xFFFF  }
0x9f: {  	_ =	strace $0x9000004D  }
0xa0: {  	s0 =	stileid.u32;
	[bflag:$0x2] =	sbarrier.arrive $0xFFFF  }
0xa1: {  	p0 =	sne.s32 s0, $0x0;
	s0 =	rddreg [dreg:$0x2]  }
0xa2: {  	s0 =	sadd.s32 @!p0 $0x100000, s0  }
0xa3: {  	[sflag:s0] =	ssyncadd.tile.s32 @!p0 $0x1;
	_ =	shalt  }
.Lfunc_end2:
_tile_overlayer_lowered:
.L_overlay_start_2:
0xa4: {  	(tag) =	ssettag $0x2  }
0xa5: {  	s0 =	rddreg [dreg:$0x0];
	s2 =	stileid.u32  }
0xa6: {  	s1 =	rddreg [dreg:$0x1];
	p0 =	sne.s32 s2, $0x0  }
0xa7: {  	s3 =	rddreg [dreg:$0x2];
	[bflag:$0x3] =	sbarrier.arrive $0xFFFF;
	s2 =	simm.s32 @!p0 $0x1C01  }
0xa8: {  	[timem:s3], [sflag:s2] =	dma.local @!p0 [hbm:s0], s1  }
0xa9: {  	s0 =	simm.s32 @!p0 $0x1  }
0xaa: {  	_ =	swait.ge @!p0 [sflag:s0], s1  }
0xab: {  	s1 =	ssub.s32 @!p0 $0x0, s1;
	[sflag:s0] =	ssyncset.done @!p0 $0x0  }
0xac: {  	[sflag:s0] =	ssyncadd.s32 @!p0 s1  }
0xad: {  	[bflag:$0x3] =	sbarrier.arrive $0xFFFF  }
0xae: {  	_ =	shalt  }

</sc_bundles>
